<compile_context>
chip_gen: v7x
topology: tpu7x:2x2x1
jax: 0.10.2.dev20260603
libtpu: 0.0.44.dev20260713+nightly
codegen_flags: <defaults>
</compile_context>

<pallas_src>
import functools

import jax
import jax.numpy as jnp
from jax import lax
from jax.experimental import pallas as pl
from jax.experimental.pallas import tpu as pltpu
from jax.experimental.pallas import tpu_sc as plsc

N = 10000
F = 16
NC = 2
NS = 16
NW = NC * NS
CHUNK = 512
NPAD = 10240
ROWS_PT = NPAD // NS
NBUF = 8
PK = NPAD // 8
PKN = N // 8

_mesh = plsc.VectorSubcoreMesh(core_axis_name="c", subcore_axis_name="s")


def _worker_span(c, s, n_chunks):
  wid = (NC - 1 - c) * NS + s
  per, extra = n_chunks // NW, n_chunks % NW
  base = wid * per + jnp.minimum(wid, extra)
  cnt = jnp.where(wid < extra, per + 1, per)
  return base, cnt


@functools.lru_cache(maxsize=None)
def _make_deg(n_chunks):
  cpt = n_chunks // NW + (1 if n_chunks % NW else 0)

  @functools.partial(
      pl.kernel,
      out_type=jax.ShapeDtypeStruct((NC, NPAD, F), jnp.float32),
      mesh=_mesh,
      compiler_params=pltpu.CompilerParams(use_tc_tiling_on_sc=False),
      scratch_types=[
          pltpu.VMEM((cpt, CHUNK), jnp.int32),
          pltpu.VMEM((CHUNK, F), jnp.float32),
          pltpu.VMEM_SHARED((NPAD, F), jnp.float32),
          pltpu.SemaphoreType.DMA,
          pltpu.SemaphoreType.DMA,
      ],
  )
  def deg(ei_hbm, zrows_hbm, ones_hbm, out_hbm, di_v, ones_v, acc_sh,
          sem, isem):
    c = lax.axis_index("c")
    s = lax.axis_index("s")
    base, cnt = _worker_span(c, s, n_chunks)
    per = n_chunks // NW
    cp = pltpu.async_copy(ei_hbm.at[1, pl.ds(base, per)],
                          di_v.at[pl.ds(0, per)], isem)
    pltpu.sync_copy(ones_hbm, ones_v)
    pltpu.sync_copy(zrows_hbm, acc_sh.at[pl.ds(s * ROWS_PT, ROWS_PT)])
    cp.wait()

    @pl.when(cnt > per)
    def _():
      pltpu.sync_copy(ei_hbm.at[1, pl.ds(base + per, 1)],
                      di_v.at[pl.ds(per, 1)])

    plsc.subcore_barrier()

    GRP = 40
    for lo in range(0, cpt, GRP):
      hi = min(lo + GRP, cpt)
      for j in range(lo, hi):
        @pl.when(j < cnt)
        def _():
          pltpu.async_copy(ones_v, acc_sh.at[di_v.at[j]], sem, add=True)
      for j in range(lo, hi):
        @pl.when(j < cnt)
        def _():
          pltpu.make_async_copy(ones_v, acc_sh.at[di_v.at[j]], sem).wait()

    plsc.subcore_barrier()
    pltpu.sync_copy(acc_sh.at[pl.ds(s * ROWS_PT, ROWS_PT)],
                    out_hbm.at[c, pl.ds(s * ROWS_PT, ROWS_PT)])

  return deg


@functools.lru_cache(maxsize=None)
def _make_agg(n_chunks):
  cpt = n_chunks // NW + (1 if n_chunks % NW else 0)
  ng = -(-cpt // NBUF)

  @functools.partial(
      pl.kernel,
      out_type=jax.ShapeDtypeStruct((NC, NPAD, F), jnp.float32),
      mesh=_mesh,
      compiler_params=pltpu.CompilerParams(use_tc_tiling_on_sc=False),
      scratch_types=[
          pltpu.VMEM((cpt, CHUNK), jnp.int32),
          pltpu.VMEM((cpt, CHUNK), jnp.int32),
          pltpu.VMEM((NBUF, CHUNK, F), jnp.float32),
          pltpu.VMEM_SHARED((NPAD, F), jnp.float32),
          pltpu.VMEM_SHARED((NPAD, F), jnp.float32),
          pltpu.SemaphoreType.DMA,
          pltpu.SemaphoreType.DMA,
          pltpu.SemaphoreType.DMA((NBUF,)),
          pltpu.SemaphoreType.DMA((NBUF,)),
      ],
  )
  def agg(g_hbm, ei_hbm, zrows_hbm, out_hbm,
          si_v, di_v, rows_v, acc_sh, g_sh, sem1, sem2, gsem, ssem):
    c = lax.axis_index("c")
    s = lax.axis_index("s")
    base, cnt = _worker_span(c, s, n_chunks)
    per = n_chunks // NW
    cp1 = pltpu.async_copy(ei_hbm.at[0, pl.ds(base, per)],
                           si_v.at[pl.ds(0, per)], sem1)
    cp2 = pltpu.async_copy(ei_hbm.at[1, pl.ds(base, per)],
                           di_v.at[pl.ds(0, per)], sem2)
    pltpu.sync_copy(g_hbm.at[pl.ds(s * ROWS_PT, ROWS_PT)],
                    g_sh.at[pl.ds(s * ROWS_PT, ROWS_PT)])
    pltpu.sync_copy(zrows_hbm, acc_sh.at[pl.ds(s * ROWS_PT, ROWS_PT)])
    cp1.wait()
    cp2.wait()

    @pl.when(cnt > per)
    def _():
      pltpu.sync_copy(ei_hbm.at[0, pl.ds(base + per, 1)],
                      si_v.at[pl.ds(per, 1)])
      pltpu.sync_copy(ei_hbm.at[1, pl.ds(base + per, 1)],
                      di_v.at[pl.ds(per, 1)])

    plsc.subcore_barrier()

    def g_start(j, b):
      pltpu.async_copy(g_sh.at[si_v.at[j]], rows_v.at[b], gsem.at[b])

    def g_wait(j, b):
      pltpu.make_async_copy(g_sh.at[si_v.at[j]], rows_v.at[b],
                            gsem.at[b]).wait()

    def s_start(j, b):
      pltpu.async_copy(rows_v.at[b], acc_sh.at[di_v.at[j]], ssem.at[b],
                       add=True)

    def s_wait(j, b):
      pltpu.make_async_copy(rows_v.at[b], acc_sh.at[di_v.at[j]],
                            ssem.at[b]).wait()

    for b in range(NBUF):
      g_start(b, b)

    def outer(g, carry):
      gbase = g * NBUF
      for b in range(NBUF):
        j = gbase + b

        @pl.when(j < cnt)
        def _():
          g_wait(j, b)
          s_start(j, b)

      for b in range(NBUF):
        j = gbase + b
        j2 = j + NBUF

        @pl.when(j < cnt)
        def _():
          s_wait(j, b)

        @pl.when(j2 < cnt)
        def _():
          g_start(j2, b)

      return carry

    lax.fori_loop(0, ng, outer, 0)
    plsc.subcore_barrier()
    pltpu.sync_copy(acc_sh.at[pl.ds(s * ROWS_PT, ROWS_PT)],
                    out_hbm.at[c, pl.ds(s * ROWS_PT, ROWS_PT)])

  return agg


def _tc1a(x3, W1):

  def body(x_ref, w1_ref, h1_ref):
    for a in range(8):
      h1_ref[:PKN, 16 * a:16 * (a + 1)] = jnp.dot(
          x_ref[:, a, :], w1_ref[...], preferred_element_type=jnp.float32)
    h1_ref[PKN:, :] = jnp.zeros((PK - PKN, 128), jnp.float32)

  return pl.pallas_call(
      body,
      out_shape=jax.ShapeDtypeStruct((PK, 128), jnp.float32),
  )(x3, W1)


def _tc1b(degp, h1):

  def body(degp_ref, h1_ref, g1_ref, dinv_ref):
    dinv = lax.rsqrt(degp_ref[0] + degp_ref[1] + 1.0)
    dinv_ref[...] = dinv
    g1_ref[...] = h1_ref[...] * dinv

  return pl.pallas_call(
      body,
      out_shape=(jax.ShapeDtypeStruct((PK, 128), jnp.float32),
                 jax.ShapeDtypeStruct((PK, 128), jnp.float32)),
  )(degp, h1)


def _tc2(accp, g1, dinv, b1t, W2):

  def body(accp_ref, g1_ref, dinv_ref, b1t_ref, w2_ref, g2_ref):
    acc = accp_ref[0] + accp_ref[1] + g1_ref[...]
    h = jnp.maximum(dinv_ref[...] * acc + b1t_ref[...], 0.0)
    for a in range(8):
      ha = h[:, 16 * a:16 * (a + 1)]
      g2a = jnp.dot(ha, w2_ref[...], preferred_element_type=jnp.float32)
      g2_ref[:, 16 * a:16 * (a + 1)] = g2a * dinv_ref[:, 16 * a:16 * (a + 1)]

  return pl.pallas_call(
      body,
      out_shape=jax.ShapeDtypeStruct((PK, 128), jnp.float32),
  )(accp, g1, dinv, b1t, W2)


def _tc3(accp, g2, dinv, b2t, Wf1, bf1, Wf2, bf2):

  def body(accp_ref, g2_ref, dinv_ref, b2t_ref, wf1_ref, bf1_ref,
           wf2_ref, bf2_ref, out_ref):
    acc = accp_ref[0] + accp_ref[1] + g2_ref[...]
    h = jnp.maximum(dinv_ref[...] * acc + b2t_ref[...], 0.0)
    cols = []
    for a in range(8):
      ha = h[:, 16 * a:16 * (a + 1)]
      m = jnp.maximum(
          jnp.dot(ha, wf1_ref[...], preferred_element_type=jnp.float32)
          + bf1_ref[...], 0.0)
      cols.append(jnp.dot(m, wf2_ref[...], preferred_element_type=jnp.float32)
                  + bf2_ref[...])
    out_ref[...] = jnp.concatenate(cols, axis=1)

  return pl.pallas_call(
      body,
      out_shape=jax.ShapeDtypeStruct((PK, 8), jnp.float32),
  )(accp, g2, dinv, b2t, Wf1, bf1, Wf2, bf2)


def kernel(x, edge_index, W1, b1, W2, b2, Wf1, bf1, Wf2, bf2):
  E = edge_index.shape[1]
  n_chunks = E // CHUNK
  ei3 = edge_index.astype(jnp.int32).reshape(2, n_chunks, CHUNK)
  x3 = x.reshape(PKN, 8, 128)
  zrows = jnp.zeros((ROWS_PT, F), jnp.float32)
  ones = jnp.ones((CHUNK, F), jnp.float32)
  b1t = jnp.tile(b1, 8).reshape(1, 128)
  b2t = jnp.tile(b2, 8).reshape(1, 128)

  degp = _make_deg(n_chunks)(ei3, zrows, ones)
  h1 = _tc1a(x3, W1)
  degp_pk = degp.reshape(NC, PK, 128)
  g1, dinv = _tc1b(degp_pk, h1)
  acc1 = _make_agg(n_chunks)(g1.reshape(NPAD, F), ei3, zrows)
  g2 = _tc2(acc1.reshape(NC, PK, 128), g1, dinv, b1t, W2)
  acc2 = _make_agg(n_chunks)(g2.reshape(NPAD, F), ei3, zrows)
  out_pk = _tc3(acc2.reshape(NC, PK, 128), g2, dinv, b2t, Wf1,
                bf1.reshape(1, 8), Wf2, bf2.reshape(1, 1))
  return out_pk.reshape(NPAD, 1)[:N]

# --- scband reference (transcript-rebuilt; emitter-appended) ---
"""Pipeline reference for scband-race-placement-gnn-57105885167762 (READ-ONLY COPY).

The authoritative reference and input builder live on the scoring server;
editing this copy changes nothing except your own understanding.
"""

import jax, jax.numpy as jnp
import numpy as np

N = 10000
E = 320000
D_FEAT = 128


def gcn_conv(x, edge_index, W, b):
    num_nodes = x.shape[0]
    src = edge_index[0]
    dst = edge_index[1]
    loop = jnp.arange(num_nodes, dtype=edge_index.dtype)
    src = jnp.concatenate([src, loop])
    dst = jnp.concatenate([dst, loop])
    h = x @ W
    deg = jnp.zeros((num_nodes,), dtype=h.dtype).at[dst].add(1.0)
    dinv = jnp.where(deg > 0, deg ** -0.5, 0.0)
    norm = dinv[src] * dinv[dst]
    msg = h[src] * norm[:, None]
    out = jnp.zeros((num_nodes, h.shape[1]), dtype=h.dtype).at[dst].add(msg)
    return out + b


def setup_inputs(seed: int = 0) -> dict:
    key = jax.random.key(seed)
    ks = jax.random.split(key, 10)
    x = jax.random.normal(ks[0], (N, D_FEAT), dtype=jnp.float32)
    edge_index = jax.random.randint(ks[1], (2, E), 0, N, dtype=jnp.int64 if jax.config.jax_enable_x64 else jnp.int32).astype(jnp.int32)
    W1 = jax.random.normal(ks[2], (D_FEAT, 16), dtype=jnp.float32) * (1.0 / np.sqrt(D_FEAT))
    b1 = jnp.zeros((16,), dtype=jnp.float32)
    W2 = jax.random.normal(ks[3], (16, 16), dtype=jnp.float32) * (1.0 / np.sqrt(16))
    b2 = jnp.zeros((16,), dtype=jnp.float32)
    Wf1 = jax.random.normal(ks[4], (16, 8), dtype=jnp.float32) * (1.0 / np.sqrt(16))
    bf1 = jnp.zeros((8,), dtype=jnp.float32)
    Wf2 = jax.random.normal(ks[5], (8, 1), dtype=jnp.float32) * (1.0 / np.sqrt(8))
    bf2 = jnp.zeros((1,), dtype=jnp.float32)
    return {"x": x, "edge_index": edge_index, "W1": W1, "b1": b1, "W2": W2, "b2": b2, "Wf1": Wf1, "bf1": bf1, "Wf2": Wf2, "bf2": bf2}


def reference(x, edge_index, W1, b1, W2, b2, Wf1, bf1, Wf2, bf2):
    h = gcn_conv(x, edge_index, W1, b1)
    h = jax.nn.relu(h)
    h = gcn_conv(h, edge_index, W2, b2)
    h = jax.nn.relu(h)
    # dropout is identity in eval mode (training=False)
    h = h @ Wf1 + bf1
    h = jax.nn.relu(h)
    out = h @ Wf2 + bf2
    return out

if __name__ == "__main__":
    import jax
    _d = setup_inputs()
    print(jax.jit(kernel)(*tuple(_d.values())))

</pallas_src>

<mosaic_0001>
#map = affine_map<(d0, d1) -> (0, 0, 0)>
#map1 = affine_map<(d0, d1) -> (0, 0)>
module attributes {stable_mosaic.version = 14 : i64} {
  func.func @deg(%arg0: i32, %arg1: i32, %arg2: memref<2x625x512xi32, #tpu.memory_space<hbm>>, %arg3: memref<640x16xf32, #tpu.memory_space<hbm>>, %arg4: memref<512x16xf32, #tpu.memory_space<hbm>>, %arg5: memref<2x10240x16xf32, #tpu.memory_space<hbm>>, %arg6: memref<20x512xi32, #tpu.memory_space<vmem>>, %arg7: memref<512x16xf32, #tpu.memory_space<vmem>>, %arg8: memref<10240x16xf32, #tpu.memory_space<vmem_shared>>, %arg9: memref<!tpu.dma_semaphore, #tpu.memory_space<semaphore_mem>>, %arg10: memref<!tpu.dma_semaphore, #tpu.memory_space<semaphore_mem>>) attributes {dimension_semantics = [#tpu.dimension_semantics<core_parallel>, #tpu.dimension_semantics<subcore_parallel>], iteration_bounds = array<i64: 2, 16>, scalar_prefetch = 0 : i64, scratch_operands = 5 : i64, tpu.core_type = #tpu.core_type<sc_vector_subcore>, window_params = [{transform_indices = #map}, {transform_indices = #map1}, {transform_indices = #map1}, {transform_indices = #map}]} {
    %sub3A = arith.constant 1 : i32
    %sub3A_0 = arith.subi %sub3A, %arg0 : i32
    %mul3A = arith.constant 16 : i32
    %mul3A_1 = arith.muli %sub3A_0, %mul3A : i32
    %add3A = arith.addi %mul3A_1, %arg1 : i32
    %mul3A_2 = arith.constant 19 : i32
    %mul3A_3 = arith.muli %add3A, %mul3A_2 : i32
    %min3A = arith.constant 17 : i32
    %min3A_4 = arith.minsi %add3A, %min3A : i32
    %add3A_5 = arith.addi %mul3A_3, %min3A_4 : i32
    %lt3A = arith.constant 17 : i32
    %lt3A_6 = arith.cmpi slt, %add3A, %lt3A : i32
    %jit3A = arith.constant 20 : i32
    %jit3A_7 = arith.constant 19 : i32
    %select_n3A = arith.select %lt3A_6, %jit3A, %jit3A_7 : i32
    %dma_start3A = arith.constant 1 : i32
    %dma_start3A_8 = arith.constant 0 : i32
    %dma_start3A_9 = arith.constant 0 : i32
    %dma_start3A_10 = tpu.memref_slice %arg6[%dma_start3A_8, %dma_start3A_9] : memref<20x512xi32, #tpu.memory_space<vmem>> -> memref<19x512xi32, #tpu.memory_space<vmem>>
    %dma_start3A_11 = arith.constant 0 : i32
    %dma_start3A_12 = tpu.memref_slice %arg2[%dma_start3A, %add3A_5, %dma_start3A_11] : memref<2x625x512xi32, #tpu.memory_space<hbm>> -> memref<1x19x512xi32, #tpu.memory_space<hbm>>
    %dma_start3A_13 = tpu.memref_squeeze %dma_start3A_12 : memref<1x19x512xi32, #tpu.memory_space<hbm>> -> memref<19x512xi32, #tpu.memory_space<hbm>>
    %dma_start3A_14 = arith.constant 0 : i32
    %dma_start3A_15 = arith.constant 0 : i32
    %dma_start3A_16 = tpu.memref_slice %arg6[%dma_start3A_14, %dma_start3A_15] : memref<20x512xi32, #tpu.memory_space<vmem>> -> memref<19x512xi32, #tpu.memory_space<vmem>>
    %dma_start3A_17 = arith.constant 0 : i32
    %dma_start3A_18 = tpu.memref_slice %arg2[%dma_start3A, %add3A_5, %dma_start3A_17] : memref<2x625x512xi32, #tpu.memory_space<hbm>> -> memref<1x19x512xi32, #tpu.memory_space<hbm>>
    %dma_start3A_19 = tpu.memref_squeeze %dma_start3A_18 : memref<1x19x512xi32, #tpu.memory_space<hbm>> -> memref<19x512xi32, #tpu.memory_space<hbm>>
    tpu.enqueue_dma source(%dma_start3A_19 : memref<19x512xi32, #tpu.memory_space<hbm>>) target(%dma_start3A_16 : memref<19x512xi32, #tpu.memory_space<vmem>>) target_semaphore(%arg10 : memref<!tpu.dma_semaphore, #tpu.memory_space<semaphore_mem>>)
    "tpu.region"() ({
      %run_scoped3A = tpu.sem_alloc : memref<!tpu.dma_semaphore, #tpu.memory_space<semaphore_mem>>
      tpu.enqueue_dma source(%arg4 : memref<512x16xf32, #tpu.memory_space<hbm>>) target(%arg7 : memref<512x16xf32, #tpu.memory_space<vmem>>) target_semaphore(%run_scoped3A : memref<!tpu.dma_semaphore, #tpu.memory_space<semaphore_mem>>)
      tpu.wait_dma2 semaphore(%run_scoped3A : memref<!tpu.dma_semaphore, #tpu.memory_space<semaphore_mem>>) src(%arg4 : memref<512x16xf32, #tpu.memory_space<hbm>>) dst(%arg7 : memref<512x16xf32, #tpu.memory_space<vmem>>)
      tpu.yield
    }) : () -> ()
    %mul3A_20 = arith.constant 640 : i32
    %mul3A_21 = arith.muli %arg1, %mul3A_20 : i32
    "tpu.region"() ({
      %run_scoped3A = tpu.sem_alloc : memref<!tpu.dma_semaphore, #tpu.memory_space<semaphore_mem>>
      %dma_start3A_241 = arith.constant 0 : i32
      %dma_start3A_242 = tpu.memref_slice %arg8[%mul3A_21, %dma_start3A_241] : memref<10240x16xf32, #tpu.memory_space<vmem_shared>> -> memref<640x16xf32, #tpu.memory_space<vmem_shared>>
      tpu.enqueue_dma source(%arg3 : memref<640x16xf32, #tpu.memory_space<hbm>>) target(%dma_start3A_242 : memref<640x16xf32, #tpu.memory_space<vmem_shared>>) target_semaphore(%run_scoped3A : memref<!tpu.dma_semaphore, #tpu.memory_space<semaphore_mem>>)
      %dma_wait3A_243 = arith.constant 0 : i32
      %dma_wait3A_244 = tpu.memref_slice %arg8[%mul3A_21, %dma_wait3A_243] : memref<10240x16xf32, #tpu.memory_space<vmem_shared>> -> memref<640x16xf32, #tpu.memory_space<vmem_shared>>
      tpu.wait_dma2 semaphore(%run_scoped3A : memref<!tpu.dma_semaphore, #tpu.memory_space<semaphore_mem>>) src(%arg3 : memref<640x16xf32, #tpu.memory_space<hbm>>) dst(%dma_wait3A_244 : memref<640x16xf32, #tpu.memory_space<vmem_shared>>)
      tpu.yield
    }) : () -> ()
    %dma_wait3A = arith.constant 1 : i32
    %dma_wait3A_22 = arith.constant 0 : i32
    %dma_wait3A_23 = arith.constant 0 : i32
    %dma_wait3A_24 = tpu.memref_slice %arg6[%dma_wait3A_22, %dma_wait3A_23] : memref<20x512xi32, #tpu.memory_space<vmem>> -> memref<19x512xi32, #tpu.memory_space<vmem>>
    %dma_wait3A_25 = arith.constant 0 : i32
    %dma_wait3A_26 = tpu.memref_slice %arg2[%dma_wait3A, %add3A_5, %dma_wait3A_25] : memref<2x625x512xi32, #tpu.memory_space<hbm>> -> memref<1x19x512xi32, #tpu.memory_space<hbm>>
    %dma_wait3A_27 = tpu.memref_squeeze %dma_wait3A_26 : memref<1x19x512xi32, #tpu.memory_space<hbm>> -> memref<19x512xi32, #tpu.memory_space<hbm>>
    %dma_wait3A_28 = arith.constant 0 : i32
    %dma_wait3A_29 = arith.constant 0 : i32
    %dma_wait3A_30 = tpu.memref_slice %arg6[%dma_wait3A_28, %dma_wait3A_29] : memref<20x512xi32, #tpu.memory_space<vmem>> -> memref<19x512xi32, #tpu.memory_space<vmem>>
    %dma_wait3A_31 = arith.constant 0 : i32
    %dma_wait3A_32 = tpu.memref_slice %arg2[%dma_wait3A, %add3A_5, %dma_wait3A_31] : memref<2x625x512xi32, #tpu.memory_space<hbm>> -> memref<1x19x512xi32, #tpu.memory_space<hbm>>
    %dma_wait3A_33 = tpu.memref_squeeze %dma_wait3A_32 : memref<1x19x512xi32, #tpu.memory_space<hbm>> -> memref<19x512xi32, #tpu.memory_space<hbm>>
    tpu.wait_dma2 semaphore(%arg10 : memref<!tpu.dma_semaphore, #tpu.memory_space<semaphore_mem>>) src(%dma_wait3A_33 : memref<19x512xi32, #tpu.memory_space<hbm>>) dst(%dma_wait3A_30 : memref<19x512xi32, #tpu.memory_space<vmem>>)
    %gt3A = arith.constant 19 : i32
    %gt3A_34 = arith.cmpi sgt, %select_n3A, %gt3A : i32
    %convert_element_type3A = arith.extui %gt3A_34 : i1 to i32
    %cond3A = arith.constant 0 : i32
    %cond3A_35 = arith.cmpi ne, %convert_element_type3A, %cond3A : i32
    scf.if %cond3A_35 {
      %add3A_241 = arith.constant 19 : i32
      %add3A_242 = arith.addi %add3A_5, %add3A_241 : i32
      %run_scoped3A = arith.constant 1 : i32
      "tpu.region"() ({
        %run_scoped3A_243 = tpu.sem_alloc : memref<!tpu.dma_semaphore, #tpu.memory_space<semaphore_mem>>
        %dma_start3A_244 = arith.constant 19 : i32
        %dma_start3A_245 = arith.constant 0 : i32
        %dma_start3A_246 = tpu.memref_slice %arg6[%dma_start3A_244, %dma_start3A_245] : memref<20x512xi32, #tpu.memory_space<vmem>> -> memref<1x512xi32, #tpu.memory_space<vmem>>
        %dma_start3A_247 = arith.constant 0 : i32
        %dma_start3A_248 = tpu.memref_slice %arg2[%run_scoped3A, %add3A_242, %dma_start3A_247] : memref<2x625x512xi32, #tpu.memory_space<hbm>> -> memref<1x1x512xi32, #tpu.memory_space<hbm>>
        %dma_start3A_249 = tpu.memref_squeeze %dma_start3A_248 : memref<1x1x512xi32, #tpu.memory_space<hbm>> -> memref<1x512xi32, #tpu.memory_space<hbm>>
        %dma_start3A_250 = arith.constant 19 : i32
        %dma_start3A_251 = arith.constant 0 : i32
        %dma_start3A_252 = tpu.memref_slice %arg6[%dma_start3A_250, %dma_start3A_251] : memref<20x512xi32, #tpu.memory_space<vmem>> -> memref<1x512xi32, #tpu.memory_space<vmem>>
        %dma_start3A_253 = arith.constant 0 : i32
        %dma_start3A_254 = tpu.memref_slice %arg2[%run_scoped3A, %add3A_242, %dma_start3A_253] : memref<2x625x512xi32, #tpu.memory_space<hbm>> -> memref<1x1x512xi32, #tpu.memory_space<hbm>>
        %dma_start3A_255 = tpu.memref_squeeze %dma_start3A_254 : memref<1x1x512xi32, #tpu.memory_space<hbm>> -> memref<1x512xi32, #tpu.memory_space<hbm>>
        tpu.enqueue_dma source(%dma_start3A_255 : memref<1x512xi32, #tpu.memory_space<hbm>>) target(%dma_start3A_252 : memref<1x512xi32, #tpu.memory_space<vmem>>) target_semaphore(%run_scoped3A_243 : memref<!tpu.dma_semaphore, #tpu.memory_space<semaphore_mem>>)
        %dma_wait3A_256 = arith.constant 19 : i32
        %dma_wait3A_257 = arith.constant 0 : i32
        %dma_wait3A_258 = tpu.memref_slice %arg6[%dma_wait3A_256, %dma_wait3A_257] : memref<20x512xi32, #tpu.memory_space<vmem>> -> memref<1x512xi32, #tpu.memory_space<vmem>>
        %dma_wait3A_259 = arith.constant 0 : i32
        %dma_wait3A_260 = tpu.memref_slice %arg2[%run_scoped3A, %add3A_242, %dma_wait3A_259] : memref<2x625x512xi32, #tpu.memory_space<hbm>> -> memref<1x1x512xi32, #tpu.memory_space<hbm>>
        %dma_wait3A_261 = tpu.memref_squeeze %dma_wait3A_260 : memref<1x1x512xi32, #tpu.memory_space<hbm>> -> memref<1x512xi32, #tpu.memory_space<hbm>>
        %dma_wait3A_262 = arith.constant 19 : i32
        %dma_wait3A_263 = arith.constant 0 : i32
        %dma_wait3A_264 = tpu.memref_slice %arg6[%dma_wait3A_262, %dma_wait3A_263] : memref<20x512xi32, #tpu.memory_space<vmem>> -> memref<1x512xi32, #tpu.memory_space<vmem>>
        %dma_wait3A_265 = arith.constant 0 : i32
        %dma_wait3A_266 = tpu.memref_slice %arg2[%run_scoped3A, %add3A_242, %dma_wait3A_265] : memref<2x625x512xi32, #tpu.memory_space<hbm>> -> memref<1x1x512xi32, #tpu.memory_space<hbm>>
        %dma_wait3A_267 = tpu.memref_squeeze %dma_wait3A_266 : memref<1x1x512xi32, #tpu.memory_space<hbm>> -> memref<1x512xi32, #tpu.memory_space<hbm>>
        tpu.wait_dma2 semaphore(%run_scoped3A_243 : memref<!tpu.dma_semaphore, #tpu.memory_space<semaphore_mem>>) src(%dma_wait3A_267 : memref<1x512xi32, #tpu.memory_space<hbm>>) dst(%dma_wait3A_264 : memref<1x512xi32, #tpu.memory_space<vmem>>)
        tpu.yield
      }) : () -> ()
    } else {
    }
    %barrier3A = arith.constant 0 : index
    tpu.barrier barrier_id(%barrier3A)
    %gt3A_36 = arith.constant 0 : i32
    %gt3A_37 = arith.cmpi sgt, %select_n3A, %gt3A_36 : i32
    %convert_element_type3A_38 = arith.extui %gt3A_37 : i1 to i32
    %cond3A_39 = arith.constant 0 : i32
    %cond3A_40 = arith.cmpi ne, %convert_element_type3A_38, %cond3A_39 : i32
    scf.if %cond3A_40 {
      %dma_start3A_241 = arith.constant 0 : i32
      %dma_start3A_242 = arith.constant 0 : i32
      %dma_start3A_243 = tpu.memref_slice %arg6[%dma_start3A_241, %dma_start3A_242] : memref<20x512xi32, #tpu.memory_space<vmem>> -> memref<1x512xi32, #tpu.memory_space<vmem>>
      %dma_start3A_244 = tpu.memref_squeeze %dma_start3A_243 : memref<1x512xi32, #tpu.memory_space<vmem>> -> memref<512xi32, #tpu.memory_space<vmem>>
      %dma_start3A_245 = arith.constant 0 : i32
      %dma_start3A_246 = arith.constant 0 : i32
      %dma_start3A_247 = tpu.memref_slice %arg8[%dma_start3A_245, %dma_start3A_246] : memref<10240x16xf32, #tpu.memory_space<vmem_shared>> -> memref<10240x16xf32, #tpu.memory_space<vmem_shared>>
      tpu.enqueue_indirect_dma source(%arg7 : memref<512x16xf32, #tpu.memory_space<vmem>>) target(%dma_start3A_247 : memref<10240x16xf32, #tpu.memory_space<vmem_shared>>) offsets(%dma_start3A_244 : memref<512xi32, #tpu.memory_space<vmem>>) semaphore(%arg9 : memref<!tpu.dma_semaphore, #tpu.memory_space<semaphore_mem>>) {add = true}
    } else {
    }
    %gt3A_41 = arith.constant 1 : i32
    %gt3A_42 = arith.cmpi sgt, %select_n3A, %gt3A_41 : i32
    %convert_element_type3A_43 = arith.extui %gt3A_42 : i1 to i32
    %cond3A_44 = arith.constant 0 : i32
    %cond3A_45 = arith.cmpi ne, %convert_element_type3A_43, %cond3A_44 : i32
    scf.if %cond3A_45 {
      %dma_start3A_241 = arith.constant 1 : i32
      %dma_start3A_242 = arith.constant 0 : i32
      %dma_start3A_243 = tpu.memref_slice %arg6[%dma_start3A_241, %dma_start3A_242] : memref<20x512xi32, #tpu.memory_space<vmem>> -> memref<1x512xi32, #tpu.memory_space<vmem>>
      %dma_start3A_244 = tpu.memref_squeeze %dma_start3A_243 : memref<1x512xi32, #tpu.memory_space<vmem>> -> memref<512xi32, #tpu.memory_space<vmem>>
      %dma_start3A_245 = arith.constant 0 : i32
      %dma_start3A_246 = arith.constant 0 : i32
      %dma_start3A_247 = tpu.memref_slice %arg8[%dma_start3A_245, %dma_start3A_246] : memref<10240x16xf32, #tpu.memory_space<vmem_shared>> -> memref<10240x16xf32, #tpu.memory_space<vmem_shared>>
      tpu.enqueue_indirect_dma source(%arg7 : memref<512x16xf32, #tpu.memory_space<vmem>>) target(%dma_start3A_247 : memref<10240x16xf32, #tpu.memory_space<vmem_shared>>) offsets(%dma_start3A_244 : memref<512xi32, #tpu.memory_space<vmem>>) semaphore(%arg9 : memref<!tpu.dma_semaphore, #tpu.memory_space<semaphore_mem>>) {add = true}
    } else {
    }
    %gt3A_46 = arith.constant 2 : i32
    %gt3A_47 = arith.cmpi sgt, %select_n3A, %gt3A_46 : i32
    %convert_element_type3A_48 = arith.extui %gt3A_47 : i1 to i32
    %cond3A_49 = arith.constant 0 : i32
    %cond3A_50 = arith.cmpi ne, %convert_element_type3A_48, %cond3A_49 : i32
    scf.if %cond3A_50 {
      %dma_start3A_241 = arith.constant 2 : i32
      %dma_start3A_242 = arith.constant 0 : i32
      %dma_start3A_243 = tpu.memref_slice %arg6[%dma_start3A_241, %dma_start3A_242] : memref<20x512xi32, #tpu.memory_space<vmem>> -> memref<1x512xi32, #tpu.memory_space<vmem>>
      %dma_start3A_244 = tpu.memref_squeeze %dma_start3A_243 : memref<1x512xi32, #tpu.memory_space<vmem>> -> memref<512xi32, #tpu.memory_space<vmem>>
      %dma_start3A_245 = arith.constant 0 : i32
      %dma_start3A_246 = arith.constant 0 : i32
      %dma_start3A_247 = tpu.memref_slice %arg8[%dma_start3A_245, %dma_start3A_246] : memref<10240x16xf32, #tpu.memory_space<vmem_shared>> -> memref<10240x16xf32, #tpu.memory_space<vmem_shared>>
      tpu.enqueue_indirect_dma source(%arg7 : memref<512x16xf32, #tpu.memory_space<vmem>>) target(%dma_start3A_247 : memref<10240x16xf32, #tpu.memory_space<vmem_shared>>) offsets(%dma_start3A_244 : memref<512xi32, #tpu.memory_space<vmem>>) semaphore(%arg9 : memref<!tpu.dma_semaphore, #tpu.memory_space<semaphore_mem>>) {add = true}
    } else {
    }
    %gt3A_51 = arith.constant 3 : i32
    %gt3A_52 = arith.cmpi sgt, %select_n3A, %gt3A_51 : i32
    %convert_element_type3A_53 = arith.extui %gt3A_52 : i1 to i32
    %cond3A_54 = arith.constant 0 : i32
    %cond3A_55 = arith.cmpi ne, %convert_element_type3A_53, %cond3A_54 : i32
    scf.if %cond3A_55 {
      %dma_start3A_241 = arith.constant 3 : i32
      %dma_start3A_242 = arith.constant 0 : i32
      %dma_start3A_243 = tpu.memref_slice %arg6[%dma_start3A_241, %dma_start3A_242] : memref<20x512xi32, #tpu.memory_space<vmem>> -> memref<1x512xi32, #tpu.memory_space<vmem>>
      %dma_start3A_244 = tpu.memref_squeeze %dma_start3A_243 : memref<1x512xi32, #tpu.memory_space<vmem>> -> memref<512xi32, #tpu.memory_space<vmem>>
      %dma_start3A_245 = arith.constant 0 : i32
      %dma_start3A_246 = arith.constant 0 : i32
      %dma_start3A_247 = tpu.memref_slice %arg8[%dma_start3A_245, %dma_start3A_246] : memref<10240x16xf32, #tpu.memory_space<vmem_shared>> -> memref<10240x16xf32, #tpu.memory_space<vmem_shared>>
      tpu.enqueue_indirect_dma source(%arg7 : memref<512x16xf32, #tpu.memory_space<vmem>>) target(%dma_start3A_247 : memref<10240x16xf32, #tpu.memory_space<vmem_shared>>) offsets(%dma_start3A_244 : memref<512xi32, #tpu.memory_space<vmem>>) semaphore(%arg9 : memref<!tpu.dma_semaphore, #tpu.memory_space<semaphore_mem>>) {add = true}
    } else {
    }
    %gt3A_56 = arith.constant 4 : i32
    %gt3A_57 = arith.cmpi sgt, %select_n3A, %gt3A_56 : i32
    %convert_element_type3A_58 = arith.extui %gt3A_57 : i1 to i32
    %cond3A_59 = arith.constant 0 : i32
    %cond3A_60 = arith.cmpi ne, %convert_element_type3A_58, %cond3A_59 : i32
    scf.if %cond3A_60 {
      %dma_start3A_241 = arith.constant 4 : i32
      %dma_start3A_242 = arith.constant 0 : i32
      %dma_start3A_243 = tpu.memref_slice %arg6[%dma_start3A_241, %dma_start3A_242] : memref<20x512xi32, #tpu.memory_space<vmem>> -> memref<1x512xi32, #tpu.memory_space<vmem>>
      %dma_start3A_244 = tpu.memref_squeeze %dma_start3A_243 : memref<1x512xi32, #tpu.memory_space<vmem>> -> memref<512xi32, #tpu.memory_space<vmem>>
      %dma_start3A_245 = arith.constant 0 : i32
      %dma_start3A_246 = arith.constant 0 : i32
      %dma_start3A_247 = tpu.memref_slice %arg8[%dma_start3A_245, %dma_start3A_246] : memref<10240x16xf32, #tpu.memory_space<vmem_shared>> -> memref<10240x16xf32, #tpu.memory_space<vmem_shared>>
      tpu.enqueue_indirect_dma source(%arg7 : memref<512x16xf32, #tpu.memory_space<vmem>>) target(%dma_start3A_247 : memref<10240x16xf32, #tpu.memory_space<vmem_shared>>) offsets(%dma_start3A_244 : memref<512xi32, #tpu.memory_space<vmem>>) semaphore(%arg9 : memref<!tpu.dma_semaphore, #tpu.memory_space<semaphore_mem>>) {add = true}
    } else {
    }
    %gt3A_61 = arith.constant 5 : i32
    %gt3A_62 = arith.cmpi sgt, %select_n3A, %gt3A_61 : i32
    %convert_element_type3A_63 = arith.extui %gt3A_62 : i1 to i32
    %cond3A_64 = arith.constant 0 : i32
    %cond3A_65 = arith.cmpi ne, %convert_element_type3A_63, %cond3A_64 : i32
    scf.if %cond3A_65 {
      %dma_start3A_241 = arith.constant 5 : i32
      %dma_start3A_242 = arith.constant 0 : i32
      %dma_start3A_243 = tpu.memref_slice %arg6[%dma_start3A_241, %dma_start3A_242] : memref<20x512xi32, #tpu.memory_space<vmem>> -> memref<1x512xi32, #tpu.memory_space<vmem>>
      %dma_start3A_244 = tpu.memref_squeeze %dma_start3A_243 : memref<1x512xi32, #tpu.memory_space<vmem>> -> memref<512xi32, #tpu.memory_space<vmem>>
      %dma_start3A_245 = arith.constant 0 : i32
      %dma_start3A_246 = arith.constant 0 : i32
      %dma_start3A_247 = tpu.memref_slice %arg8[%dma_start3A_245, %dma_start3A_246] : memref<10240x16xf32, #tpu.memory_space<vmem_shared>> -> memref<10240x16xf32, #tpu.memory_space<vmem_shared>>
      tpu.enqueue_indirect_dma source(%arg7 : memref<512x16xf32, #tpu.memory_space<vmem>>) target(%dma_start3A_247 : memref<10240x16xf32, #tpu.memory_space<vmem_shared>>) offsets(%dma_start3A_244 : memref<512xi32, #tpu.memory_space<vmem>>) semaphore(%arg9 : memref<!tpu.dma_semaphore, #tpu.memory_space<semaphore_mem>>) {add = true}
    } else {
    }
    %gt3A_66 = arith.constant 6 : i32
    %gt3A_67 = arith.cmpi sgt, %select_n3A, %gt3A_66 : i32
    %convert_element_type3A_68 = arith.extui %gt3A_67 : i1 to i32
    %cond3A_69 = arith.constant 0 : i32
    %cond3A_70 = arith.cmpi ne, %convert_element_type3A_68, %cond3A_69 : i32
    scf.if %cond3A_70 {
      %dma_start3A_241 = arith.constant 6 : i32
      %dma_start3A_242 = arith.constant 0 : i32
      %dma_start3A_243 = tpu.memref_slice %arg6[%dma_start3A_241, %dma_start3A_242] : memref<20x512xi32, #tpu.memory_space<vmem>> -> memref<1x512xi32, #tpu.memory_space<vmem>>
      %dma_start3A_244 = tpu.memref_squeeze %dma_start3A_243 : memref<1x512xi32, #tpu.memory_space<vmem>> -> memref<512xi32, #tpu.memory_space<vmem>>
      %dma_start3A_245 = arith.constant 0 : i32
      %dma_start3A_246 = arith.constant 0 : i32
      %dma_start3A_247 = tpu.memref_slice %arg8[%dma_start3A_245, %dma_start3A_246] : memref<10240x16xf32, #tpu.memory_space<vmem_shared>> -> memref<10240x16xf32, #tpu.memory_space<vmem_shared>>
      tpu.enqueue_indirect_dma source(%arg7 : memref<512x16xf32, #tpu.memory_space<vmem>>) target(%dma_start3A_247 : memref<10240x16xf32, #tpu.memory_space<vmem_shared>>) offsets(%dma_start3A_244 : memref<512xi32, #tpu.memory_space<vmem>>) semaphore(%arg9 : memref<!tpu.dma_semaphore, #tpu.memory_space<semaphore_mem>>) {add = true}
    } else {
    }
    %gt3A_71 = arith.constant 7 : i32
    %gt3A_72 = arith.cmpi sgt, %select_n3A, %gt3A_71 : i32
    %convert_element_type3A_73 = arith.extui %gt3A_72 : i1 to i32
    %cond3A_74 = arith.constant 0 : i32
    %cond3A_75 = arith.cmpi ne, %convert_element_type3A_73, %cond3A_74 : i32
    scf.if %cond3A_75 {
      %dma_start3A_241 = arith.constant 7 : i32
      %dma_start3A_242 = arith.constant 0 : i32
      %dma_start3A_243 = tpu.memref_slice %arg6[%dma_start3A_241, %dma_start3A_242] : memref<20x512xi32, #tpu.memory_space<vmem>> -> memref<1x512xi32, #tpu.memory_space<vmem>>
      %dma_start3A_244 = tpu.memref_squeeze %dma_start3A_243 : memref<1x512xi32, #tpu.memory_space<vmem>> -> memref<512xi32, #tpu.memory_space<vmem>>
      %dma_start3A_245 = arith.constant 0 : i32
      %dma_start3A_246 = arith.constant 0 : i32
      %dma_start3A_247 = tpu.memref_slice %arg8[%dma_start3A_245, %dma_start3A_246] : memref<10240x16xf32, #tpu.memory_space<vmem_shared>> -> memref<10240x16xf32, #tpu.memory_space<vmem_shared>>
      tpu.enqueue_indirect_dma source(%arg7 : memref<512x16xf32, #tpu.memory_space<vmem>>) target(%dma_start3A_247 : memref<10240x16xf32, #tpu.memory_space<vmem_shared>>) offsets(%dma_start3A_244 : memref<512xi32, #tpu.memory_space<vmem>>) semaphore(%arg9 : memref<!tpu.dma_semaphore, #tpu.memory_space<semaphore_mem>>) {add = true}
    } else {
    }
    %gt3A_76 = arith.constant 8 : i32
    %gt3A_77 = arith.cmpi sgt, %select_n3A, %gt3A_76 : i32
    %convert_element_type3A_78 = arith.extui %gt3A_77 : i1 to i32
    %cond3A_79 = arith.constant 0 : i32
    %cond3A_80 = arith.cmpi ne, %convert_element_type3A_78, %cond3A_79 : i32
    scf.if %cond3A_80 {
      %dma_start3A_241 = arith.constant 8 : i32
      %dma_start3A_242 = arith.constant 0 : i32
      %dma_start3A_243 = tpu.memref_slice %arg6[%dma_start3A_241, %dma_start3A_242] : memref<20x512xi32, #tpu.memory_space<vmem>> -> memref<1x512xi32, #tpu.memory_space<vmem>>
      %dma_start3A_244 = tpu.memref_squeeze %dma_start3A_243 : memref<1x512xi32, #tpu.memory_space<vmem>> -> memref<512xi32, #tpu.memory_space<vmem>>
      %dma_start3A_245 = arith.constant 0 : i32
      %dma_start3A_246 = arith.constant 0 : i32
      %dma_start3A_247 = tpu.memref_slice %arg8[%dma_start3A_245, %dma_start3A_246] : memref<10240x16xf32, #tpu.memory_space<vmem_shared>> -> memref<10240x16xf32, #tpu.memory_space<vmem_shared>>
      tpu.enqueue_indirect_dma source(%arg7 : memref<512x16xf32, #tpu.memory_space<vmem>>) target(%dma_start3A_247 : memref<10240x16xf32, #tpu.memory_space<vmem_shared>>) offsets(%dma_start3A_244 : memref<512xi32, #tpu.memory_space<vmem>>) semaphore(%arg9 : memref<!tpu.dma_semaphore, #tpu.memory_space<semaphore_mem>>) {add = true}
    } else {
    }
    %gt3A_81 = arith.constant 9 : i32
    %gt3A_82 = arith.cmpi sgt, %select_n3A, %gt3A_81 : i32
    %convert_element_type3A_83 = arith.extui %gt3A_82 : i1 to i32
    %cond3A_84 = arith.constant 0 : i32
    %cond3A_85 = arith.cmpi ne, %convert_element_type3A_83, %cond3A_84 : i32
    scf.if %cond3A_85 {
      %dma_start3A_241 = arith.constant 9 : i32
      %dma_start3A_242 = arith.constant 0 : i32
      %dma_start3A_243 = tpu.memref_slice %arg6[%dma_start3A_241, %dma_start3A_242] : memref<20x512xi32, #tpu.memory_space<vmem>> -> memref<1x512xi32, #tpu.memory_space<vmem>>
      %dma_start3A_244 = tpu.memref_squeeze %dma_start3A_243 : memref<1x512xi32, #tpu.memory_space<vmem>> -> memref<512xi32, #tpu.memory_space<vmem>>
      %dma_start3A_245 = arith.constant 0 : i32
      %dma_start3A_246 = arith.constant 0 : i32
      %dma_start3A_247 = tpu.memref_slice %arg8[%dma_start3A_245, %dma_start3A_246] : memref<10240x16xf32, #tpu.memory_space<vmem_shared>> -> memref<10240x16xf32, #tpu.memory_space<vmem_shared>>
      tpu.enqueue_indirect_dma source(%arg7 : memref<512x16xf32, #tpu.memory_space<vmem>>) target(%dma_start3A_247 : memref<10240x16xf32, #tpu.memory_space<vmem_shared>>) offsets(%dma_start3A_244 : memref<512xi32, #tpu.memory_space<vmem>>) semaphore(%arg9 : memref<!tpu.dma_semaphore, #tpu.memory_space<semaphore_mem>>) {add = true}
    } else {
    }
    %gt3A_86 = arith.constant 10 : i32
    %gt3A_87 = arith.cmpi sgt, %select_n3A, %gt3A_86 : i32
    %convert_element_type3A_88 = arith.extui %gt3A_87 : i1 to i32
    %cond3A_89 = arith.constant 0 : i32
    %cond3A_90 = arith.cmpi ne, %convert_element_type3A_88, %cond3A_89 : i32
    scf.if %cond3A_90 {
      %dma_start3A_241 = arith.constant 10 : i32
      %dma_start3A_242 = arith.constant 0 : i32
      %dma_start3A_243 = tpu.memref_slice %arg6[%dma_start3A_241, %dma_start3A_242] : memref<20x512xi32, #tpu.memory_space<vmem>> -> memref<1x512xi32, #tpu.memory_space<vmem>>
      %dma_start3A_244 = tpu.memref_squeeze %dma_start3A_243 : memref<1x512xi32, #tpu.memory_space<vmem>> -> memref<512xi32, #tpu.memory_space<vmem>>
      %dma_start3A_245 = arith.constant 0 : i32
      %dma_start3A_246 = arith.constant 0 : i32
      %dma_start3A_247 = tpu.memref_slice %arg8[%dma_start3A_245, %dma_start3A_246] : memref<10240x16xf32, #tpu.memory_space<vmem_shared>> -> memref<10240x16xf32, #tpu.memory_space<vmem_shared>>
      tpu.enqueue_indirect_dma source(%arg7 : memref<512x16xf32, #tpu.memory_space<vmem>>) target(%dma_start3A_247 : memref<10240x16xf32, #tpu.memory_space<vmem_shared>>) offsets(%dma_start3A_244 : memref<512xi32, #tpu.memory_space<vmem>>) semaphore(%arg9 : memref<!tpu.dma_semaphore, #tpu.memory_space<semaphore_mem>>) {add = true}
    } else {
    }
    %gt3A_91 = arith.constant 11 : i32
    %gt3A_92 = arith.cmpi sgt, %select_n3A, %gt3A_91 : i32
    %convert_element_type3A_93 = arith.extui %gt3A_92 : i1 to i32
    %cond3A_94 = arith.constant 0 : i32
    %cond3A_95 = arith.cmpi ne, %convert_element_type3A_93, %cond3A_94 : i32
    scf.if %cond3A_95 {
      %dma_start3A_241 = arith.constant 11 : i32
      %dma_start3A_242 = arith.constant 0 : i32
      %dma_start3A_243 = tpu.memref_slice %arg6[%dma_start3A_241, %dma_start3A_242] : memref<20x512xi32, #tpu.memory_space<vmem>> -> memref<1x512xi32, #tpu.memory_space<vmem>>
      %dma_start3A_244 = tpu.memref_squeeze %dma_start3A_243 : memref<1x512xi32, #tpu.memory_space<vmem>> -> memref<512xi32, #tpu.memory_space<vmem>>
      %dma_start3A_245 = arith.constant 0 : i32
      %dma_start3A_246 = arith.constant 0 : i32
      %dma_start3A_247 = tpu.memref_slice %arg8[%dma_start3A_245, %dma_start3A_246] : memref<10240x16xf32, #tpu.memory_space<vmem_shared>> -> memref<10240x16xf32, #tpu.memory_space<vmem_shared>>
      tpu.enqueue_indirect_dma source(%arg7 : memref<512x16xf32, #tpu.memory_space<vmem>>) target(%dma_start3A_247 : memref<10240x16xf32, #tpu.memory_space<vmem_shared>>) offsets(%dma_start3A_244 : memref<512xi32, #tpu.memory_space<vmem>>) semaphore(%arg9 : memref<!tpu.dma_semaphore, #tpu.memory_space<semaphore_mem>>) {add = true}
    } else {
    }
    %gt3A_96 = arith.constant 12 : i32
    %gt3A_97 = arith.cmpi sgt, %select_n3A, %gt3A_96 : i32
    %convert_element_type3A_98 = arith.extui %gt3A_97 : i1 to i32
    %cond3A_99 = arith.constant 0 : i32
    %cond3A_100 = arith.cmpi ne, %convert_element_type3A_98, %cond3A_99 : i32
    scf.if %cond3A_100 {
      %dma_start3A_241 = arith.constant 12 : i32
      %dma_start3A_242 = arith.constant 0 : i32
      %dma_start3A_243 = tpu.memref_slice %arg6[%dma_start3A_241, %dma_start3A_242] : memref<20x512xi32, #tpu.memory_space<vmem>> -> memref<1x512xi32, #tpu.memory_space<vmem>>
      %dma_start3A_244 = tpu.memref_squeeze %dma_start3A_243 : memref<1x512xi32, #tpu.memory_space<vmem>> -> memref<512xi32, #tpu.memory_space<vmem>>
      %dma_start3A_245 = arith.constant 0 : i32
      %dma_start3A_246 = arith.constant 0 : i32
      %dma_start3A_247 = tpu.memref_slice %arg8[%dma_start3A_245, %dma_start3A_246] : memref<10240x16xf32, #tpu.memory_space<vmem_shared>> -> memref<10240x16xf32, #tpu.memory_space<vmem_shared>>
      tpu.enqueue_indirect_dma source(%arg7 : memref<512x16xf32, #tpu.memory_space<vmem>>) target(%dma_start3A_247 : memref<10240x16xf32, #tpu.memory_space<vmem_shared>>) offsets(%dma_start3A_244 : memref<512xi32, #tpu.memory_space<vmem>>) semaphore(%arg9 : memref<!tpu.dma_semaphore, #tpu.memory_space<semaphore_mem>>) {add = true}
    } else {
    }
    %gt3A_101 = arith.constant 13 : i32
    %gt3A_102 = arith.cmpi sgt, %select_n3A, %gt3A_101 : i32
    %convert_element_type3A_103 = arith.extui %gt3A_102 : i1 to i32
    %cond3A_104 = arith.constant 0 : i32
    %cond3A_105 = arith.cmpi ne, %convert_element_type3A_103, %cond3A_104 : i32
    scf.if %cond3A_105 {
      %dma_start3A_241 = arith.constant 13 : i32
      %dma_start3A_242 = arith.constant 0 : i32
      %dma_start3A_243 = tpu.memref_slice %arg6[%dma_start3A_241, %dma_start3A_242] : memref<20x512xi32, #tpu.memory_space<vmem>> -> memref<1x512xi32, #tpu.memory_space<vmem>>
      %dma_start3A_244 = tpu.memref_squeeze %dma_start3A_243 : memref<1x512xi32, #tpu.memory_space<vmem>> -> memref<512xi32, #tpu.memory_space<vmem>>
      %dma_start3A_245 = arith.constant 0 : i32
      %dma_start3A_246 = arith.constant 0 : i32
      %dma_start3A_247 = tpu.memref_slice %arg8[%dma_start3A_245, %dma_start3A_246] : memref<10240x16xf32, #tpu.memory_space<vmem_shared>> -> memref<10240x16xf32, #tpu.memory_space<vmem_shared>>
      tpu.enqueue_indirect_dma source(%arg7 : memref<512x16xf32, #tpu.memory_space<vmem>>) target(%dma_start3A_247 : memref<10240x16xf32, #tpu.memory_space<vmem_shared>>) offsets(%dma_start3A_244 : memref<512xi32, #tpu.memory_space<vmem>>) semaphore(%arg9 : memref<!tpu.dma_semaphore, #tpu.memory_space<semaphore_mem>>) {add = true}
    } else {
    }
    %gt3A_106 = arith.constant 14 : i32
    %gt3A_107 = arith.cmpi sgt, %select_n3A, %gt3A_106 : i32
    %convert_element_type3A_108 = arith.extui %gt3A_107 : i1 to i32
    %cond3A_109 = arith.constant 0 : i32
    %cond3A_110 = arith.cmpi ne, %convert_element_type3A_108, %cond3A_109 : i32
    scf.if %cond3A_110 {
      %dma_start3A_241 = arith.constant 14 : i32
      %dma_start3A_242 = arith.constant 0 : i32
      %dma_start3A_243 = tpu.memref_slice %arg6[%dma_start3A_241, %dma_start3A_242] : memref<20x512xi32, #tpu.memory_space<vmem>> -> memref<1x512xi32, #tpu.memory_space<vmem>>
      %dma_start3A_244 = tpu.memref_squeeze %dma_start3A_243 : memref<1x512xi32, #tpu.memory_space<vmem>> -> memref<512xi32, #tpu.memory_space<vmem>>
      %dma_start3A_245 = arith.constant 0 : i32
      %dma_start3A_246 = arith.constant 0 : i32
      %dma_start3A_247 = tpu.memref_slice %arg8[%dma_start3A_245, %dma_start3A_246] : memref<10240x16xf32, #tpu.memory_space<vmem_shared>> -> memref<10240x16xf32, #tpu.memory_space<vmem_shared>>
      tpu.enqueue_indirect_dma source(%arg7 : memref<512x16xf32, #tpu.memory_space<vmem>>) target(%dma_start3A_247 : memref<10240x16xf32, #tpu.memory_space<vmem_shared>>) offsets(%dma_start3A_244 : memref<512xi32, #tpu.memory_space<vmem>>) semaphore(%arg9 : memref<!tpu.dma_semaphore, #tpu.memory_space<semaphore_mem>>) {add = true}
    } else {
    }
    %gt3A_111 = arith.constant 15 : i32
    %gt3A_112 = arith.cmpi sgt, %select_n3A, %gt3A_111 : i32
    %convert_element_type3A_113 = arith.extui %gt3A_112 : i1 to i32
    %cond3A_114 = arith.constant 0 : i32
    %cond3A_115 = arith.cmpi ne, %convert_element_type3A_113, %cond3A_114 : i32
    scf.if %cond3A_115 {
      %dma_start3A_241 = arith.constant 15 : i32
      %dma_start3A_242 = arith.constant 0 : i32
      %dma_start3A_243 = tpu.memref_slice %arg6[%dma_start3A_241, %dma_start3A_242] : memref<20x512xi32, #tpu.memory_space<vmem>> -> memref<1x512xi32, #tpu.memory_space<vmem>>
      %dma_start3A_244 = tpu.memref_squeeze %dma_start3A_243 : memref<1x512xi32, #tpu.memory_space<vmem>> -> memref<512xi32, #tpu.memory_space<vmem>>
      %dma_start3A_245 = arith.constant 0 : i32
      %dma_start3A_246 = arith.constant 0 : i32
      %dma_start3A_247 = tpu.memref_slice %arg8[%dma_start3A_245, %dma_start3A_246] : memref<10240x16xf32, #tpu.memory_space<vmem_shared>> -> memref<10240x16xf32, #tpu.memory_space<vmem_shared>>
      tpu.enqueue_indirect_dma source(%arg7 : memref<512x16xf32, #tpu.memory_space<vmem>>) target(%dma_start3A_247 : memref<10240x16xf32, #tpu.memory_space<vmem_shared>>) offsets(%dma_start3A_244 : memref<512xi32, #tpu.memory_space<vmem>>) semaphore(%arg9 : memref<!tpu.dma_semaphore, #tpu.memory_space<semaphore_mem>>) {add = true}
    } else {
    }
    %gt3A_116 = arith.constant 16 : i32
    %gt3A_117 = arith.cmpi sgt, %select_n3A, %gt3A_116 : i32
    %convert_element_type3A_118 = arith.extui %gt3A_117 : i1 to i32
    %cond3A_119 = arith.constant 0 : i32
    %cond3A_120 = arith.cmpi ne, %convert_element_type3A_118, %cond3A_119 : i32
    scf.if %cond3A_120 {
      %dma_start3A_241 = arith.constant 16 : i32
      %dma_start3A_242 = arith.constant 0 : i32
      %dma_start3A_243 = tpu.memref_slice %arg6[%dma_start3A_241, %dma_start3A_242] : memref<20x512xi32, #tpu.memory_space<vmem>> -> memref<1x512xi32, #tpu.memory_space<vmem>>
      %dma_start3A_244 = tpu.memref_squeeze %dma_start3A_243 : memref<1x512xi32, #tpu.memory_space<vmem>> -> memref<512xi32, #tpu.memory_space<vmem>>
      %dma_start3A_245 = arith.constant 0 : i32
      %dma_start3A_246 = arith.constant 0 : i32
      %dma_start3A_247 = tpu.memref_slice %arg8[%dma_start3A_245, %dma_start3A_246] : memref<10240x16xf32, #tpu.memory_space<vmem_shared>> -> memref<10240x16xf32, #tpu.memory_space<vmem_shared>>
      tpu.enqueue_indirect_dma source(%arg7 : memref<512x16xf32, #tpu.memory_space<vmem>>) target(%dma_start3A_247 : memref<10240x16xf32, #tpu.memory_space<vmem_shared>>) offsets(%dma_start3A_244 : memref<512xi32, #tpu.memory_space<vmem>>) semaphore(%arg9 : memref<!tpu.dma_semaphore, #tpu.memory_space<semaphore_mem>>) {add = true}
    } else {
    }
    %gt3A_121 = arith.constant 17 : i32
    %gt3A_122 = arith.cmpi sgt, %select_n3A, %gt3A_121 : i32
    %convert_element_type3A_123 = arith.extui %gt3A_122 : i1 to i32
    %cond3A_124 = arith.constant 0 : i32
    %cond3A_125 = arith.cmpi ne, %convert_element_type3A_123, %cond3A_124 : i32
    scf.if %cond3A_125 {
      %dma_start3A_241 = arith.constant 17 : i32
      %dma_start3A_242 = arith.constant 0 : i32
      %dma_start3A_243 = tpu.memref_slice %arg6[%dma_start3A_241, %dma_start3A_242] : memref<20x512xi32, #tpu.memory_space<vmem>> -> memref<1x512xi32, #tpu.memory_space<vmem>>
      %dma_start3A_244 = tpu.memref_squeeze %dma_start3A_243 : memref<1x512xi32, #tpu.memory_space<vmem>> -> memref<512xi32, #tpu.memory_space<vmem>>
      %dma_start3A_245 = arith.constant 0 : i32
      %dma_start3A_246 = arith.constant 0 : i32
      %dma_start3A_247 = tpu.memref_slice %arg8[%dma_start3A_245, %dma_start3A_246] : memref<10240x16xf32, #tpu.memory_space<vmem_shared>> -> memref<10240x16xf32, #tpu.memory_space<vmem_shared>>
      tpu.enqueue_indirect_dma source(%arg7 : memref<512x16xf32, #tpu.memory_space<vmem>>) target(%dma_start3A_247 : memref<10240x16xf32, #tpu.memory_space<vmem_shared>>) offsets(%dma_start3A_244 : memref<512xi32, #tpu.memory_space<vmem>>) semaphore(%arg9 : memref<!tpu.dma_semaphore, #tpu.memory_space<semaphore_mem>>) {add = true}
    } else {
    }
    %gt3A_126 = arith.constant 18 : i32
    %gt3A_127 = arith.cmpi sgt, %select_n3A, %gt3A_126 : i32
    %convert_element_type3A_128 = arith.extui %gt3A_127 : i1 to i32
    %cond3A_129 = arith.constant 0 : i32
    %cond3A_130 = arith.cmpi ne, %convert_element_type3A_128, %cond3A_129 : i32
    scf.if %cond3A_130 {
      %dma_start3A_241 = arith.constant 18 : i32
      %dma_start3A_242 = arith.constant 0 : i32
      %dma_start3A_243 = tpu.memref_slice %arg6[%dma_start3A_241, %dma_start3A_242] : memref<20x512xi32, #tpu.memory_space<vmem>> -> memref<1x512xi32, #tpu.memory_space<vmem>>
      %dma_start3A_244 = tpu.memref_squeeze %dma_start3A_243 : memref<1x512xi32, #tpu.memory_space<vmem>> -> memref<512xi32, #tpu.memory_space<vmem>>
      %dma_start3A_245 = arith.constant 0 : i32
      %dma_start3A_246 = arith.constant 0 : i32
      %dma_start3A_247 = tpu.memref_slice %arg8[%dma_start3A_245, %dma_start3A_246] : memref<10240x16xf32, #tpu.memory_space<vmem_shared>> -> memref<10240x16xf32, #tpu.memory_space<vmem_shared>>
      tpu.enqueue_indirect_dma source(%arg7 : memref<512x16xf32, #tpu.memory_space<vmem>>) target(%dma_start3A_247 : memref<10240x16xf32, #tpu.memory_space<vmem_shared>>) offsets(%dma_start3A_244 : memref<512xi32, #tpu.memory_space<vmem>>) semaphore(%arg9 : memref<!tpu.dma_semaphore, #tpu.memory_space<semaphore_mem>>) {add = true}
    } else {
    }
    %gt3A_131 = arith.constant 19 : i32
    %gt3A_132 = arith.cmpi sgt, %select_n3A, %gt3A_131 : i32
    %convert_element_type3A_133 = arith.extui %gt3A_132 : i1 to i32
    %cond3A_134 = arith.constant 0 : i32
    %cond3A_135 = arith.cmpi ne, %convert_element_type3A_133, %cond3A_134 : i32
    scf.if %cond3A_135 {
      %dma_start3A_241 = arith.constant 19 : i32
      %dma_start3A_242 = arith.constant 0 : i32
      %dma_start3A_243 = tpu.memref_slice %arg6[%dma_start3A_241, %dma_start3A_242] : memref<20x512xi32, #tpu.memory_space<vmem>> -> memref<1x512xi32, #tpu.memory_space<vmem>>
      %dma_start3A_244 = tpu.memref_squeeze %dma_start3A_243 : memref<1x512xi32, #tpu.memory_space<vmem>> -> memref<512xi32, #tpu.memory_space<vmem>>
      %dma_start3A_245 = arith.constant 0 : i32
      %dma_start3A_246 = arith.constant 0 : i32
      %dma_start3A_247 = tpu.memref_slice %arg8[%dma_start3A_245, %dma_start3A_246] : memref<10240x16xf32, #tpu.memory_space<vmem_shared>> -> memref<10240x16xf32, #tpu.memory_space<vmem_shared>>
      tpu.enqueue_indirect_dma source(%arg7 : memref<512x16xf32, #tpu.memory_space<vmem>>) target(%dma_start3A_247 : memref<10240x16xf32, #tpu.memory_space<vmem_shared>>) offsets(%dma_start3A_244 : memref<512xi32, #tpu.memory_space<vmem>>) semaphore(%arg9 : memref<!tpu.dma_semaphore, #tpu.memory_space<semaphore_mem>>) {add = true}
    } else {
    }
    %gt3A_136 = arith.constant 0 : i32
    %gt3A_137 = arith.cmpi sgt, %select_n3A, %gt3A_136 : i32
    %convert_element_type3A_138 = arith.extui %gt3A_137 : i1 to i32
    %cond3A_139 = arith.constant 0 : i32
    %cond3A_140 = arith.cmpi ne, %convert_element_type3A_138, %cond3A_139 : i32
    scf.if %cond3A_140 {
      %dma_wait3A_241 = arith.constant 0 : i32
      %dma_wait3A_242 = arith.constant 0 : i32
      %dma_wait3A_243 = tpu.memref_slice %arg6[%dma_wait3A_241, %dma_wait3A_242] : memref<20x512xi32, #tpu.memory_space<vmem>> -> memref<1x512xi32, #tpu.memory_space<vmem>>
      %dma_wait3A_244 = tpu.memref_squeeze %dma_wait3A_243 : memref<1x512xi32, #tpu.memory_space<vmem>> -> memref<512xi32, #tpu.memory_space<vmem>>
      %dma_wait3A_245 = arith.constant 0 : i32
      %dma_wait3A_246 = arith.constant 0 : i32
      %dma_wait3A_247 = tpu.memref_slice %arg8[%dma_wait3A_245, %dma_wait3A_246] : memref<10240x16xf32, #tpu.memory_space<vmem_shared>> -> memref<10240x16xf32, #tpu.memory_space<vmem_shared>>
      tpu.wait_indirect_dma semaphore(%arg9 : memref<!tpu.dma_semaphore, #tpu.memory_space<semaphore_mem>>) src(%arg7 : memref<512x16xf32, #tpu.memory_space<vmem>>) dst(%dma_wait3A_247 : memref<10240x16xf32, #tpu.memory_space<vmem_shared>>)
    } else {
    }
    %gt3A_141 = arith.constant 1 : i32
    %gt3A_142 = arith.cmpi sgt, %select_n3A, %gt3A_141 : i32
    %convert_element_type3A_143 = arith.extui %gt3A_142 : i1 to i32
    %cond3A_144 = arith.constant 0 : i32
    %cond3A_145 = arith.cmpi ne, %convert_element_type3A_143, %cond3A_144 : i32
    scf.if %cond3A_145 {
      %dma_wait3A_241 = arith.constant 1 : i32
      %dma_wait3A_242 = arith.constant 0 : i32
      %dma_wait3A_243 = tpu.memref_slice %arg6[%dma_wait3A_241, %dma_wait3A_242] : memref<20x512xi32, #tpu.memory_space<vmem>> -> memref<1x512xi32, #tpu.memory_space<vmem>>
      %dma_wait3A_244 = tpu.memref_squeeze %dma_wait3A_243 : memref<1x512xi32, #tpu.memory_space<vmem>> -> memref<512xi32, #tpu.memory_space<vmem>>
      %dma_wait3A_245 = arith.constant 0 : i32
      %dma_wait3A_246 = arith.constant 0 : i32
      %dma_wait3A_247 = tpu.memref_slice %arg8[%dma_wait3A_245, %dma_wait3A_246] : memref<10240x16xf32, #tpu.memory_space<vmem_shared>> -> memref<10240x16xf32, #tpu.memory_space<vmem_shared>>
      tpu.wait_indirect_dma semaphore(%arg9 : memref<!tpu.dma_semaphore, #tpu.memory_space<semaphore_mem>>) src(%arg7 : memref<512x16xf32, #tpu.memory_space<vmem>>) dst(%dma_wait3A_247 : memref<10240x16xf32, #tpu.memory_space<vmem_shared>>)
    } else {
    }
    %gt3A_146 = arith.constant 2 : i32
    %gt3A_147 = arith.cmpi sgt, %select_n3A, %gt3A_146 : i32
    %convert_element_type3A_148 = arith.extui %gt3A_147 : i1 to i32
    %cond3A_149 = arith.constant 0 : i32
    %cond3A_150 = arith.cmpi ne, %convert_element_type3A_148, %cond3A_149 : i32
    scf.if %cond3A_150 {
      %dma_wait3A_241 = arith.constant 2 : i32
      %dma_wait3A_242 = arith.constant 0 : i32
      %dma_wait3A_243 = tpu.memref_slice %arg6[%dma_wait3A_241, %dma_wait3A_242] : memref<20x512xi32, #tpu.memory_space<vmem>> -> memref<1x512xi32, #tpu.memory_space<vmem>>
      %dma_wait3A_244 = tpu.memref_squeeze %dma_wait3A_243 : memref<1x512xi32, #tpu.memory_space<vmem>> -> memref<512xi32, #tpu.memory_space<vmem>>
      %dma_wait3A_245 = arith.constant 0 : i32
      %dma_wait3A_246 = arith.constant 0 : i32
      %dma_wait3A_247 = tpu.memref_slice %arg8[%dma_wait3A_245, %dma_wait3A_246] : memref<10240x16xf32, #tpu.memory_space<vmem_shared>> -> memref<10240x16xf32, #tpu.memory_space<vmem_shared>>
      tpu.wait_indirect_dma semaphore(%arg9 : memref<!tpu.dma_semaphore, #tpu.memory_space<semaphore_mem>>) src(%arg7 : memref<512x16xf32, #tpu.memory_space<vmem>>) dst(%dma_wait3A_247 : memref<10240x16xf32, #tpu.memory_space<vmem_shared>>)
    } else {
    }
    %gt3A_151 = arith.constant 3 : i32
    %gt3A_152 = arith.cmpi sgt, %select_n3A, %gt3A_151 : i32
    %convert_element_type3A_153 = arith.extui %gt3A_152 : i1 to i32
    %cond3A_154 = arith.constant 0 : i32
    %cond3A_155 = arith.cmpi ne, %convert_element_type3A_153, %cond3A_154 : i32
    scf.if %cond3A_155 {
      %dma_wait3A_241 = arith.constant 3 : i32
      %dma_wait3A_242 = arith.constant 0 : i32
      %dma_wait3A_243 = tpu.memref_slice %arg6[%dma_wait3A_241, %dma_wait3A_242] : memref<20x512xi32, #tpu.memory_space<vmem>> -> memref<1x512xi32, #tpu.memory_space<vmem>>
      %dma_wait3A_244 = tpu.memref_squeeze %dma_wait3A_243 : memref<1x512xi32, #tpu.memory_space<vmem>> -> memref<512xi32, #tpu.memory_space<vmem>>
      %dma_wait3A_245 = arith.constant 0 : i32
      %dma_wait3A_246 = arith.constant 0 : i32
      %dma_wait3A_247 = tpu.memref_slice %arg8[%dma_wait3A_245, %dma_wait3A_246] : memref<10240x16xf32, #tpu.memory_space<vmem_shared>> -> memref<10240x16xf32, #tpu.memory_space<vmem_shared>>
      tpu.wait_indirect_dma semaphore(%arg9 : memref<!tpu.dma_semaphore, #tpu.memory_space<semaphore_mem>>) src(%arg7 : memref<512x16xf32, #tpu.memory_space<vmem>>) dst(%dma_wait3A_247 : memref<10240x16xf32, #tpu.memory_space<vmem_shared>>)
    } else {
    }
    %gt3A_156 = arith.constant 4 : i32
    %gt3A_157 = arith.cmpi sgt, %select_n3A, %gt3A_156 : i32
    %convert_element_type3A_158 = arith.extui %gt3A_157 : i1 to i32
    %cond3A_159 = arith.constant 0 : i32
    %cond3A_160 = arith.cmpi ne, %convert_element_type3A_158, %cond3A_159 : i32
    scf.if %cond3A_160 {
      %dma_wait3A_241 = arith.constant 4 : i32
      %dma_wait3A_242 = arith.constant 0 : i32
      %dma_wait3A_243 = tpu.memref_slice %arg6[%dma_wait3A_241, %dma_wait3A_242] : memref<20x512xi32, #tpu.memory_space<vmem>> -> memref<1x512xi32, #tpu.memory_space<vmem>>
      %dma_wait3A_244 = tpu.memref_squeeze %dma_wait3A_243 : memref<1x512xi32, #tpu.memory_space<vmem>> -> memref<512xi32, #tpu.memory_space<vmem>>
      %dma_wait3A_245 = arith.constant 0 : i32
      %dma_wait3A_246 = arith.constant 0 : i32
      %dma_wait3A_247 = tpu.memref_slice %arg8[%dma_wait3A_245, %dma_wait3A_246] : memref<10240x16xf32, #tpu.memory_space<vmem_shared>> -> memref<10240x16xf32, #tpu.memory_space<vmem_shared>>
      tpu.wait_indirect_dma semaphore(%arg9 : memref<!tpu.dma_semaphore, #tpu.memory_space<semaphore_mem>>) src(%arg7 : memref<512x16xf32, #tpu.memory_space<vmem>>) dst(%dma_wait3A_247 : memref<10240x16xf32, #tpu.memory_space<vmem_shared>>)
    } else {
    }
    %gt3A_161 = arith.constant 5 : i32
    %gt3A_162 = arith.cmpi sgt, %select_n3A, %gt3A_161 : i32
    %convert_element_type3A_163 = arith.extui %gt3A_162 : i1 to i32
    %cond3A_164 = arith.constant 0 : i32
    %cond3A_165 = arith.cmpi ne, %convert_element_type3A_163, %cond3A_164 : i32
    scf.if %cond3A_165 {
      %dma_wait3A_241 = arith.constant 5 : i32
      %dma_wait3A_242 = arith.constant 0 : i32
      %dma_wait3A_243 = tpu.memref_slice %arg6[%dma_wait3A_241, %dma_wait3A_242] : memref<20x512xi32, #tpu.memory_space<vmem>> -> memref<1x512xi32, #tpu.memory_space<vmem>>
      %dma_wait3A_244 = tpu.memref_squeeze %dma_wait3A_243 : memref<1x512xi32, #tpu.memory_space<vmem>> -> memref<512xi32, #tpu.memory_space<vmem>>
      %dma_wait3A_245 = arith.constant 0 : i32
      %dma_wait3A_246 = arith.constant 0 : i32
      %dma_wait3A_247 = tpu.memref_slice %arg8[%dma_wait3A_245, %dma_wait3A_246] : memref<10240x16xf32, #tpu.memory_space<vmem_shared>> -> memref<10240x16xf32, #tpu.memory_space<vmem_shared>>
      tpu.wait_indirect_dma semaphore(%arg9 : memref<!tpu.dma_semaphore, #tpu.memory_space<semaphore_mem>>) src(%arg7 : memref<512x16xf32, #tpu.memory_space<vmem>>) dst(%dma_wait3A_247 : memref<10240x16xf32, #tpu.memory_space<vmem_shared>>)
    } else {
    }
    %gt3A_166 = arith.constant 6 : i32
    %gt3A_167 = arith.cmpi sgt, %select_n3A, %gt3A_166 : i32
    %convert_element_type3A_168 = arith.extui %gt3A_167 : i1 to i32
    %cond3A_169 = arith.constant 0 : i32
    %cond3A_170 = arith.cmpi ne, %convert_element_type3A_168, %cond3A_169 : i32
    scf.if %cond3A_170 {
      %dma_wait3A_241 = arith.constant 6 : i32
      %dma_wait3A_242 = arith.constant 0 : i32
      %dma_wait3A_243 = tpu.memref_slice %arg6[%dma_wait3A_241, %dma_wait3A_242] : memref<20x512xi32, #tpu.memory_space<vmem>> -> memref<1x512xi32, #tpu.memory_space<vmem>>
      %dma_wait3A_244 = tpu.memref_squeeze %dma_wait3A_243 : memref<1x512xi32, #tpu.memory_space<vmem>> -> memref<512xi32, #tpu.memory_space<vmem>>
      %dma_wait3A_245 = arith.constant 0 : i32
      %dma_wait3A_246 = arith.constant 0 : i32
      %dma_wait3A_247 = tpu.memref_slice %arg8[%dma_wait3A_245, %dma_wait3A_246] : memref<10240x16xf32, #tpu.memory_space<vmem_shared>> -> memref<10240x16xf32, #tpu.memory_space<vmem_shared>>
      tpu.wait_indirect_dma semaphore(%arg9 : memref<!tpu.dma_semaphore, #tpu.memory_space<semaphore_mem>>) src(%arg7 : memref<512x16xf32, #tpu.memory_space<vmem>>) dst(%dma_wait3A_247 : memref<10240x16xf32, #tpu.memory_space<vmem_shared>>)
    } else {
    }
    %gt3A_171 = arith.constant 7 : i32
    %gt3A_172 = arith.cmpi sgt, %select_n3A, %gt3A_171 : i32
    %convert_element_type3A_173 = arith.extui %gt3A_172 : i1 to i32
    %cond3A_174 = arith.constant 0 : i32
    %cond3A_175 = arith.cmpi ne, %convert_element_type3A_173, %cond3A_174 : i32
    scf.if %cond3A_175 {
      %dma_wait3A_241 = arith.constant 7 : i32
      %dma_wait3A_242 = arith.constant 0 : i32
      %dma_wait3A_243 = tpu.memref_slice %arg6[%dma_wait3A_241, %dma_wait3A_242] : memref<20x512xi32, #tpu.memory_space<vmem>> -> memref<1x512xi32, #tpu.memory_space<vmem>>
      %dma_wait3A_244 = tpu.memref_squeeze %dma_wait3A_243 : memref<1x512xi32, #tpu.memory_space<vmem>> -> memref<512xi32, #tpu.memory_space<vmem>>
      %dma_wait3A_245 = arith.constant 0 : i32
      %dma_wait3A_246 = arith.constant 0 : i32
      %dma_wait3A_247 = tpu.memref_slice %arg8[%dma_wait3A_245, %dma_wait3A_246] : memref<10240x16xf32, #tpu.memory_space<vmem_shared>> -> memref<10240x16xf32, #tpu.memory_space<vmem_shared>>
      tpu.wait_indirect_dma semaphore(%arg9 : memref<!tpu.dma_semaphore, #tpu.memory_space<semaphore_mem>>) src(%arg7 : memref<512x16xf32, #tpu.memory_space<vmem>>) dst(%dma_wait3A_247 : memref<10240x16xf32, #tpu.memory_space<vmem_shared>>)
    } else {
    }
    %gt3A_176 = arith.constant 8 : i32
    %gt3A_177 = arith.cmpi sgt, %select_n3A, %gt3A_176 : i32
    %convert_element_type3A_178 = arith.extui %gt3A_177 : i1 to i32
    %cond3A_179 = arith.constant 0 : i32
    %cond3A_180 = arith.cmpi ne, %convert_element_type3A_178, %cond3A_179 : i32
    scf.if %cond3A_180 {
      %dma_wait3A_241 = arith.constant 8 : i32
      %dma_wait3A_242 = arith.constant 0 : i32
      %dma_wait3A_243 = tpu.memref_slice %arg6[%dma_wait3A_241, %dma_wait3A_242] : memref<20x512xi32, #tpu.memory_space<vmem>> -> memref<1x512xi32, #tpu.memory_space<vmem>>
      %dma_wait3A_244 = tpu.memref_squeeze %dma_wait3A_243 : memref<1x512xi32, #tpu.memory_space<vmem>> -> memref<512xi32, #tpu.memory_space<vmem>>
      %dma_wait3A_245 = arith.constant 0 : i32
      %dma_wait3A_246 = arith.constant 0 : i32
      %dma_wait3A_247 = tpu.memref_slice %arg8[%dma_wait3A_245, %dma_wait3A_246] : memref<10240x16xf32, #tpu.memory_space<vmem_shared>> -> memref<10240x16xf32, #tpu.memory_space<vmem_shared>>
      tpu.wait_indirect_dma semaphore(%arg9 : memref<!tpu.dma_semaphore, #tpu.memory_space<semaphore_mem>>) src(%arg7 : memref<512x16xf32, #tpu.memory_space<vmem>>) dst(%dma_wait3A_247 : memref<10240x16xf32, #tpu.memory_space<vmem_shared>>)
    } else {
    }
    %gt3A_181 = arith.constant 9 : i32
    %gt3A_182 = arith.cmpi sgt, %select_n3A, %gt3A_181 : i32
    %convert_element_type3A_183 = arith.extui %gt3A_182 : i1 to i32
    %cond3A_184 = arith.constant 0 : i32
    %cond3A_185 = arith.cmpi ne, %convert_element_type3A_183, %cond3A_184 : i32
    scf.if %cond3A_185 {
      %dma_wait3A_241 = arith.constant 9 : i32
      %dma_wait3A_242 = arith.constant 0 : i32
      %dma_wait3A_243 = tpu.memref_slice %arg6[%dma_wait3A_241, %dma_wait3A_242] : memref<20x512xi32, #tpu.memory_space<vmem>> -> memref<1x512xi32, #tpu.memory_space<vmem>>
      %dma_wait3A_244 = tpu.memref_squeeze %dma_wait3A_243 : memref<1x512xi32, #tpu.memory_space<vmem>> -> memref<512xi32, #tpu.memory_space<vmem>>
      %dma_wait3A_245 = arith.constant 0 : i32
      %dma_wait3A_246 = arith.constant 0 : i32
      %dma_wait3A_247 = tpu.memref_slice %arg8[%dma_wait3A_245, %dma_wait3A_246] : memref<10240x16xf32, #tpu.memory_space<vmem_shared>> -> memref<10240x16xf32, #tpu.memory_space<vmem_shared>>
      tpu.wait_indirect_dma semaphore(%arg9 : memref<!tpu.dma_semaphore, #tpu.memory_space<semaphore_mem>>) src(%arg7 : memref<512x16xf32, #tpu.memory_space<vmem>>) dst(%dma_wait3A_247 : memref<10240x16xf32, #tpu.memory_space<vmem_shared>>)
    } else {
    }
    %gt3A_186 = arith.constant 10 : i32
    %gt3A_187 = arith.cmpi sgt, %select_n3A, %gt3A_186 : i32
    %convert_element_type3A_188 = arith.extui %gt3A_187 : i1 to i32
    %cond3A_189 = arith.constant 0 : i32
    %cond3A_190 = arith.cmpi ne, %convert_element_type3A_188, %cond3A_189 : i32
    scf.if %cond3A_190 {
      %dma_wait3A_241 = arith.constant 10 : i32
      %dma_wait3A_242 = arith.constant 0 : i32
      %dma_wait3A_243 = tpu.memref_slice %arg6[%dma_wait3A_241, %dma_wait3A_242] : memref<20x512xi32, #tpu.memory_space<vmem>> -> memref<1x512xi32, #tpu.memory_space<vmem>>
      %dma_wait3A_244 = tpu.memref_squeeze %dma_wait3A_243 : memref<1x512xi32, #tpu.memory_space<vmem>> -> memref<512xi32, #tpu.memory_space<vmem>>
      %dma_wait3A_245 = arith.constant 0 : i32
      %dma_wait3A_246 = arith.constant 0 : i32
      %dma_wait3A_247 = tpu.memref_slice %arg8[%dma_wait3A_245, %dma_wait3A_246] : memref<10240x16xf32, #tpu.memory_space<vmem_shared>> -> memref<10240x16xf32, #tpu.memory_space<vmem_shared>>
      tpu.wait_indirect_dma semaphore(%arg9 : memref<!tpu.dma_semaphore, #tpu.memory_space<semaphore_mem>>) src(%arg7 : memref<512x16xf32, #tpu.memory_space<vmem>>) dst(%dma_wait3A_247 : memref<10240x16xf32, #tpu.memory_space<vmem_shared>>)
    } else {
    }
    %gt3A_191 = arith.constant 11 : i32
    %gt3A_192 = arith.cmpi sgt, %select_n3A, %gt3A_191 : i32
    %convert_element_type3A_193 = arith.extui %gt3A_192 : i1 to i32
    %cond3A_194 = arith.constant 0 : i32
    %cond3A_195 = arith.cmpi ne, %convert_element_type3A_193, %cond3A_194 : i32
    scf.if %cond3A_195 {
      %dma_wait3A_241 = arith.constant 11 : i32
      %dma_wait3A_242 = arith.constant 0 : i32
      %dma_wait3A_243 = tpu.memref_slice %arg6[%dma_wait3A_241, %dma_wait3A_242] : memref<20x512xi32, #tpu.memory_space<vmem>> -> memref<1x512xi32, #tpu.memory_space<vmem>>
      %dma_wait3A_244 = tpu.memref_squeeze %dma_wait3A_243 : memref<1x512xi32, #tpu.memory_space<vmem>> -> memref<512xi32, #tpu.memory_space<vmem>>
      %dma_wait3A_245 = arith.constant 0 : i32
      %dma_wait3A_246 = arith.constant 0 : i32
      %dma_wait3A_247 = tpu.memref_slice %arg8[%dma_wait3A_245, %dma_wait3A_246] : memref<10240x16xf32, #tpu.memory_space<vmem_shared>> -> memref<10240x16xf32, #tpu.memory_space<vmem_shared>>
      tpu.wait_indirect_dma semaphore(%arg9 : memref<!tpu.dma_semaphore, #tpu.memory_space<semaphore_mem>>) src(%arg7 : memref<512x16xf32, #tpu.memory_space<vmem>>) dst(%dma_wait3A_247 : memref<10240x16xf32, #tpu.memory_space<vmem_shared>>)
    } else {
    }
    %gt3A_196 = arith.constant 12 : i32
    %gt3A_197 = arith.cmpi sgt, %select_n3A, %gt3A_196 : i32
    %convert_element_type3A_198 = arith.extui %gt3A_197 : i1 to i32
    %cond3A_199 = arith.constant 0 : i32
    %cond3A_200 = arith.cmpi ne, %convert_element_type3A_198, %cond3A_199 : i32
    scf.if %cond3A_200 {
      %dma_wait3A_241 = arith.constant 12 : i32
      %dma_wait3A_242 = arith.constant 0 : i32
      %dma_wait3A_243 = tpu.memref_slice %arg6[%dma_wait3A_241, %dma_wait3A_242] : memref<20x512xi32, #tpu.memory_space<vmem>> -> memref<1x512xi32, #tpu.memory_space<vmem>>
      %dma_wait3A_244 = tpu.memref_squeeze %dma_wait3A_243 : memref<1x512xi32, #tpu.memory_space<vmem>> -> memref<512xi32, #tpu.memory_space<vmem>>
      %dma_wait3A_245 = arith.constant 0 : i32
      %dma_wait3A_246 = arith.constant 0 : i32
      %dma_wait3A_247 = tpu.memref_slice %arg8[%dma_wait3A_245, %dma_wait3A_246] : memref<10240x16xf32, #tpu.memory_space<vmem_shared>> -> memref<10240x16xf32, #tpu.memory_space<vmem_shared>>
      tpu.wait_indirect_dma semaphore(%arg9 : memref<!tpu.dma_semaphore, #tpu.memory_space<semaphore_mem>>) src(%arg7 : memref<512x16xf32, #tpu.memory_space<vmem>>) dst(%dma_wait3A_247 : memref<10240x16xf32, #tpu.memory_space<vmem_shared>>)
    } else {
    }
    %gt3A_201 = arith.constant 13 : i32
    %gt3A_202 = arith.cmpi sgt, %select_n3A, %gt3A_201 : i32
    %convert_element_type3A_203 = arith.extui %gt3A_202 : i1 to i32
    %cond3A_204 = arith.constant 0 : i32
    %cond3A_205 = arith.cmpi ne, %convert_element_type3A_203, %cond3A_204 : i32
    scf.if %cond3A_205 {
      %dma_wait3A_241 = arith.constant 13 : i32
      %dma_wait3A_242 = arith.constant 0 : i32
      %dma_wait3A_243 = tpu.memref_slice %arg6[%dma_wait3A_241, %dma_wait3A_242] : memref<20x512xi32, #tpu.memory_space<vmem>> -> memref<1x512xi32, #tpu.memory_space<vmem>>
      %dma_wait3A_244 = tpu.memref_squeeze %dma_wait3A_243 : memref<1x512xi32, #tpu.memory_space<vmem>> -> memref<512xi32, #tpu.memory_space<vmem>>
      %dma_wait3A_245 = arith.constant 0 : i32
      %dma_wait3A_246 = arith.constant 0 : i32
      %dma_wait3A_247 = tpu.memref_slice %arg8[%dma_wait3A_245, %dma_wait3A_246] : memref<10240x16xf32, #tpu.memory_space<vmem_shared>> -> memref<10240x16xf32, #tpu.memory_space<vmem_shared>>
      tpu.wait_indirect_dma semaphore(%arg9 : memref<!tpu.dma_semaphore, #tpu.memory_space<semaphore_mem>>) src(%arg7 : memref<512x16xf32, #tpu.memory_space<vmem>>) dst(%dma_wait3A_247 : memref<10240x16xf32, #tpu.memory_space<vmem_shared>>)
    } else {
    }
    %gt3A_206 = arith.constant 14 : i32
    %gt3A_207 = arith.cmpi sgt, %select_n3A, %gt3A_206 : i32
    %convert_element_type3A_208 = arith.extui %gt3A_207 : i1 to i32
    %cond3A_209 = arith.constant 0 : i32
    %cond3A_210 = arith.cmpi ne, %convert_element_type3A_208, %cond3A_209 : i32
    scf.if %cond3A_210 {
      %dma_wait3A_241 = arith.constant 14 : i32
      %dma_wait3A_242 = arith.constant 0 : i32
      %dma_wait3A_243 = tpu.memref_slice %arg6[%dma_wait3A_241, %dma_wait3A_242] : memref<20x512xi32, #tpu.memory_space<vmem>> -> memref<1x512xi32, #tpu.memory_space<vmem>>
      %dma_wait3A_244 = tpu.memref_squeeze %dma_wait3A_243 : memref<1x512xi32, #tpu.memory_space<vmem>> -> memref<512xi32, #tpu.memory_space<vmem>>
      %dma_wait3A_245 = arith.constant 0 : i32
      %dma_wait3A_246 = arith.constant 0 : i32
      %dma_wait3A_247 = tpu.memref_slice %arg8[%dma_wait3A_245, %dma_wait3A_246] : memref<10240x16xf32, #tpu.memory_space<vmem_shared>> -> memref<10240x16xf32, #tpu.memory_space<vmem_shared>>
      tpu.wait_indirect_dma semaphore(%arg9 : memref<!tpu.dma_semaphore, #tpu.memory_space<semaphore_mem>>) src(%arg7 : memref<512x16xf32, #tpu.memory_space<vmem>>) dst(%dma_wait3A_247 : memref<10240x16xf32, #tpu.memory_space<vmem_shared>>)
    } else {
    }
    %gt3A_211 = arith.constant 15 : i32
    %gt3A_212 = arith.cmpi sgt, %select_n3A, %gt3A_211 : i32
    %convert_element_type3A_213 = arith.extui %gt3A_212 : i1 to i32
    %cond3A_214 = arith.constant 0 : i32
    %cond3A_215 = arith.cmpi ne, %convert_element_type3A_213, %cond3A_214 : i32
    scf.if %cond3A_215 {
      %dma_wait3A_241 = arith.constant 15 : i32
      %dma_wait3A_242 = arith.constant 0 : i32
      %dma_wait3A_243 = tpu.memref_slice %arg6[%dma_wait3A_241, %dma_wait3A_242] : memref<20x512xi32, #tpu.memory_space<vmem>> -> memref<1x512xi32, #tpu.memory_space<vmem>>
      %dma_wait3A_244 = tpu.memref_squeeze %dma_wait3A_243 : memref<1x512xi32, #tpu.memory_space<vmem>> -> memref<512xi32, #tpu.memory_space<vmem>>
      %dma_wait3A_245 = arith.constant 0 : i32
      %dma_wait3A_246 = arith.constant 0 : i32
      %dma_wait3A_247 = tpu.memref_slice %arg8[%dma_wait3A_245, %dma_wait3A_246] : memref<10240x16xf32, #tpu.memory_space<vmem_shared>> -> memref<10240x16xf32, #tpu.memory_space<vmem_shared>>
      tpu.wait_indirect_dma semaphore(%arg9 : memref<!tpu.dma_semaphore, #tpu.memory_space<semaphore_mem>>) src(%arg7 : memref<512x16xf32, #tpu.memory_space<vmem>>) dst(%dma_wait3A_247 : memref<10240x16xf32, #tpu.memory_space<vmem_shared>>)
    } else {
    }
    %gt3A_216 = arith.constant 16 : i32
    %gt3A_217 = arith.cmpi sgt, %select_n3A, %gt3A_216 : i32
    %convert_element_type3A_218 = arith.extui %gt3A_217 : i1 to i32
    %cond3A_219 = arith.constant 0 : i32
    %cond3A_220 = arith.cmpi ne, %convert_element_type3A_218, %cond3A_219 : i32
    scf.if %cond3A_220 {
      %dma_wait3A_241 = arith.constant 16 : i32
      %dma_wait3A_242 = arith.constant 0 : i32
      %dma_wait3A_243 = tpu.memref_slice %arg6[%dma_wait3A_241, %dma_wait3A_242] : memref<20x512xi32, #tpu.memory_space<vmem>> -> memref<1x512xi32, #tpu.memory_space<vmem>>
      %dma_wait3A_244 = tpu.memref_squeeze %dma_wait3A_243 : memref<1x512xi32, #tpu.memory_space<vmem>> -> memref<512xi32, #tpu.memory_space<vmem>>
      %dma_wait3A_245 = arith.constant 0 : i32
      %dma_wait3A_246 = arith.constant 0 : i32
      %dma_wait3A_247 = tpu.memref_slice %arg8[%dma_wait3A_245, %dma_wait3A_246] : memref<10240x16xf32, #tpu.memory_space<vmem_shared>> -> memref<10240x16xf32, #tpu.memory_space<vmem_shared>>
      tpu.wait_indirect_dma semaphore(%arg9 : memref<!tpu.dma_semaphore, #tpu.memory_space<semaphore_mem>>) src(%arg7 : memref<512x16xf32, #tpu.memory_space<vmem>>) dst(%dma_wait3A_247 : memref<10240x16xf32, #tpu.memory_space<vmem_shared>>)
    } else {
    }
    %gt3A_221 = arith.constant 17 : i32
    %gt3A_222 = arith.cmpi sgt, %select_n3A, %gt3A_221 : i32
    %convert_element_type3A_223 = arith.extui %gt3A_222 : i1 to i32
    %cond3A_224 = arith.constant 0 : i32
    %cond3A_225 = arith.cmpi ne, %convert_element_type3A_223, %cond3A_224 : i32
    scf.if %cond3A_225 {
      %dma_wait3A_241 = arith.constant 17 : i32
      %dma_wait3A_242 = arith.constant 0 : i32
      %dma_wait3A_243 = tpu.memref_slice %arg6[%dma_wait3A_241, %dma_wait3A_242] : memref<20x512xi32, #tpu.memory_space<vmem>> -> memref<1x512xi32, #tpu.memory_space<vmem>>
      %dma_wait3A_244 = tpu.memref_squeeze %dma_wait3A_243 : memref<1x512xi32, #tpu.memory_space<vmem>> -> memref<512xi32, #tpu.memory_space<vmem>>
      %dma_wait3A_245 = arith.constant 0 : i32
      %dma_wait3A_246 = arith.constant 0 : i32
      %dma_wait3A_247 = tpu.memref_slice %arg8[%dma_wait3A_245, %dma_wait3A_246] : memref<10240x16xf32, #tpu.memory_space<vmem_shared>> -> memref<10240x16xf32, #tpu.memory_space<vmem_shared>>
      tpu.wait_indirect_dma semaphore(%arg9 : memref<!tpu.dma_semaphore, #tpu.memory_space<semaphore_mem>>) src(%arg7 : memref<512x16xf32, #tpu.memory_space<vmem>>) dst(%dma_wait3A_247 : memref<10240x16xf32, #tpu.memory_space<vmem_shared>>)
    } else {
    }
    %gt3A_226 = arith.constant 18 : i32
    %gt3A_227 = arith.cmpi sgt, %select_n3A, %gt3A_226 : i32
    %convert_element_type3A_228 = arith.extui %gt3A_227 : i1 to i32
    %cond3A_229 = arith.constant 0 : i32
    %cond3A_230 = arith.cmpi ne, %convert_element_type3A_228, %cond3A_229 : i32
    scf.if %cond3A_230 {
      %dma_wait3A_241 = arith.constant 18 : i32
      %dma_wait3A_242 = arith.constant 0 : i32
      %dma_wait3A_243 = tpu.memref_slice %arg6[%dma_wait3A_241, %dma_wait3A_242] : memref<20x512xi32, #tpu.memory_space<vmem>> -> memref<1x512xi32, #tpu.memory_space<vmem>>
      %dma_wait3A_244 = tpu.memref_squeeze %dma_wait3A_243 : memref<1x512xi32, #tpu.memory_space<vmem>> -> memref<512xi32, #tpu.memory_space<vmem>>
      %dma_wait3A_245 = arith.constant 0 : i32
      %dma_wait3A_246 = arith.constant 0 : i32
      %dma_wait3A_247 = tpu.memref_slice %arg8[%dma_wait3A_245, %dma_wait3A_246] : memref<10240x16xf32, #tpu.memory_space<vmem_shared>> -> memref<10240x16xf32, #tpu.memory_space<vmem_shared>>
      tpu.wait_indirect_dma semaphore(%arg9 : memref<!tpu.dma_semaphore, #tpu.memory_space<semaphore_mem>>) src(%arg7 : memref<512x16xf32, #tpu.memory_space<vmem>>) dst(%dma_wait3A_247 : memref<10240x16xf32, #tpu.memory_space<vmem_shared>>)
    } else {
    }
    %gt3A_231 = arith.constant 19 : i32
    %gt3A_232 = arith.cmpi sgt, %select_n3A, %gt3A_231 : i32
    %convert_element_type3A_233 = arith.extui %gt3A_232 : i1 to i32
    %cond3A_234 = arith.constant 0 : i32
    %cond3A_235 = arith.cmpi ne, %convert_element_type3A_233, %cond3A_234 : i32
    scf.if %cond3A_235 {
      %dma_wait3A_241 = arith.constant 19 : i32
      %dma_wait3A_242 = arith.constant 0 : i32
      %dma_wait3A_243 = tpu.memref_slice %arg6[%dma_wait3A_241, %dma_wait3A_242] : memref<20x512xi32, #tpu.memory_space<vmem>> -> memref<1x512xi32, #tpu.memory_space<vmem>>
      %dma_wait3A_244 = tpu.memref_squeeze %dma_wait3A_243 : memref<1x512xi32, #tpu.memory_space<vmem>> -> memref<512xi32, #tpu.memory_space<vmem>>
      %dma_wait3A_245 = arith.constant 0 : i32
      %dma_wait3A_246 = arith.constant 0 : i32
      %dma_wait3A_247 = tpu.memref_slice %arg8[%dma_wait3A_245, %dma_wait3A_246] : memref<10240x16xf32, #tpu.memory_space<vmem_shared>> -> memref<10240x16xf32, #tpu.memory_space<vmem_shared>>
      tpu.wait_indirect_dma semaphore(%arg9 : memref<!tpu.dma_semaphore, #tpu.memory_space<semaphore_mem>>) src(%arg7 : memref<512x16xf32, #tpu.memory_space<vmem>>) dst(%dma_wait3A_247 : memref<10240x16xf32, #tpu.memory_space<vmem_shared>>)
    } else {
    }
    %barrier3A_236 = arith.constant 0 : index
    tpu.barrier barrier_id(%barrier3A_236)
    %mul3A_237 = arith.constant 640 : i32
    %mul3A_238 = arith.muli %arg1, %mul3A_237 : i32
    %mul3A_239 = arith.constant 640 : i32
    %mul3A_240 = arith.muli %arg1, %mul3A_239 : i32
    "tpu.region"() ({
      %run_scoped3A = tpu.sem_alloc : memref<!tpu.dma_semaphore, #tpu.memory_space<semaphore_mem>>
      %dma_start3A_241 = arith.constant 0 : i32
      %dma_start3A_242 = tpu.memref_slice %arg5[%arg0, %mul3A_240, %dma_start3A_241] : memref<2x10240x16xf32, #tpu.memory_space<hbm>> -> memref<1x640x16xf32, #tpu.memory_space<hbm>>
      %dma_start3A_243 = tpu.memref_squeeze %dma_start3A_242 : memref<1x640x16xf32, #tpu.memory_space<hbm>> -> memref<640x16xf32, #tpu.memory_space<hbm>>
      %dma_start3A_244 = arith.constant 0 : i32
      %dma_start3A_245 = tpu.memref_slice %arg8[%mul3A_238, %dma_start3A_244] : memref<10240x16xf32, #tpu.memory_space<vmem_shared>> -> memref<640x16xf32, #tpu.memory_space<vmem_shared>>
      tpu.enqueue_dma source(%dma_start3A_245 : memref<640x16xf32, #tpu.memory_space<vmem_shared>>) target(%dma_start3A_243 : memref<640x16xf32, #tpu.memory_space<hbm>>) target_semaphore(%run_scoped3A : memref<!tpu.dma_semaphore, #tpu.memory_space<semaphore_mem>>)
      %dma_wait3A_246 = arith.constant 0 : i32
      %dma_wait3A_247 = tpu.memref_slice %arg5[%arg0, %mul3A_240, %dma_wait3A_246] : memref<2x10240x16xf32, #tpu.memory_space<hbm>> -> memref<1x640x16xf32, #tpu.memory_space<hbm>>
      %dma_wait3A_248 = tpu.memref_squeeze %dma_wait3A_247 : memref<1x640x16xf32, #tpu.memory_space<hbm>> -> memref<640x16xf32, #tpu.memory_space<hbm>>
      %dma_wait3A_249 = arith.constant 0 : i32
      %dma_wait3A_250 = tpu.memref_slice %arg8[%mul3A_238, %dma_wait3A_249] : memref<10240x16xf32, #tpu.memory_space<vmem_shared>> -> memref<640x16xf32, #tpu.memory_space<vmem_shared>>
      tpu.wait_dma2 semaphore(%run_scoped3A : memref<!tpu.dma_semaphore, #tpu.memory_space<semaphore_mem>>) src(%dma_wait3A_250 : memref<640x16xf32, #tpu.memory_space<vmem_shared>>) dst(%dma_wait3A_248 : memref<640x16xf32, #tpu.memory_space<hbm>>)
      tpu.yield
    }) : () -> ()
    return
  }
}

#map = affine_map<(d0, d1) -> (0, 0)>
#map1 = affine_map<(d0, d1) -> (0, 0, 0)>
module attributes {stable_mosaic.version = 14 : i64} {
  func.func @agg(%arg0: i32, %arg1: i32, %arg2: memref<10240x16xf32, #tpu.memory_space<hbm>>, %arg3: memref<2x625x512xi32, #tpu.memory_space<hbm>>, %arg4: memref<640x16xf32, #tpu.memory_space<hbm>>, %arg5: memref<2x10240x16xf32, #tpu.memory_space<hbm>>, %arg6: memref<20x512xi32, #tpu.memory_space<vmem>>, %arg7: memref<20x512xi32, #tpu.memory_space<vmem>>, %arg8: memref<8x512x16xf32, #tpu.memory_space<vmem>>, %arg9: memref<10240x16xf32, #tpu.memory_space<vmem_shared>>, %arg10: memref<10240x16xf32, #tpu.memory_space<vmem_shared>>, %arg11: memref<!tpu.dma_semaphore, #tpu.memory_space<semaphore_mem>>, %arg12: memref<!tpu.dma_semaphore, #tpu.memory_space<semaphore_mem>>, %arg13: memref<8x!tpu.dma_semaphore, #tpu.memory_space<semaphore_mem>>, %arg14: memref<8x!tpu.dma_semaphore, #tpu.memory_space<semaphore_mem>>) attributes {dimension_semantics = [#tpu.dimension_semantics<core_parallel>, #tpu.dimension_semantics<subcore_parallel>], iteration_bounds = array<i64: 2, 16>, scalar_prefetch = 0 : i64, scratch_operands = 9 : i64, tpu.core_type = #tpu.core_type<sc_vector_subcore>, window_params = [{transform_indices = #map}, {transform_indices = #map1}, {transform_indices = #map}, {transform_indices = #map1}]} {
    %sub3A = arith.constant 1 : i32
    %sub3A_0 = arith.subi %sub3A, %arg0 : i32
    %mul3A = arith.constant 16 : i32
    %mul3A_1 = arith.muli %sub3A_0, %mul3A : i32
    %add3A = arith.addi %mul3A_1, %arg1 : i32
    %mul3A_2 = arith.constant 19 : i32
    %mul3A_3 = arith.muli %add3A, %mul3A_2 : i32
    %min3A = arith.constant 17 : i32
    %min3A_4 = arith.minsi %add3A, %min3A : i32
    %add3A_5 = arith.addi %mul3A_3, %min3A_4 : i32
    %lt3A = arith.constant 17 : i32
    %lt3A_6 = arith.cmpi slt, %add3A, %lt3A : i32
    %jit3A = arith.constant 20 : i32
    %jit3A_7 = arith.constant 19 : i32
    %select_n3A = arith.select %lt3A_6, %jit3A, %jit3A_7 : i32
    %dma_start3A = arith.constant 0 : i32
    %dma_start3A_8 = arith.constant 0 : i32
    %dma_start3A_9 = arith.constant 0 : i32
    %dma_start3A_10 = tpu.memref_slice %arg6[%dma_start3A_8, %dma_start3A_9] : memref<20x512xi32, #tpu.memory_space<vmem>> -> memref<19x512xi32, #tpu.memory_space<vmem>>
    %dma_start3A_11 = arith.constant 0 : i32
    %dma_start3A_12 = tpu.memref_slice %arg3[%dma_start3A, %add3A_5, %dma_start3A_11] : memref<2x625x512xi32, #tpu.memory_space<hbm>> -> memref<1x19x512xi32, #tpu.memory_space<hbm>>
    %dma_start3A_13 = tpu.memref_squeeze %dma_start3A_12 : memref<1x19x512xi32, #tpu.memory_space<hbm>> -> memref<19x512xi32, #tpu.memory_space<hbm>>
    %dma_start3A_14 = arith.constant 0 : i32
    %dma_start3A_15 = arith.constant 0 : i32
    %dma_start3A_16 = tpu.memref_slice %arg6[%dma_start3A_14, %dma_start3A_15] : memref<20x512xi32, #tpu.memory_space<vmem>> -> memref<19x512xi32, #tpu.memory_space<vmem>>
    %dma_start3A_17 = arith.constant 0 : i32
    %dma_start3A_18 = tpu.memref_slice %arg3[%dma_start3A, %add3A_5, %dma_start3A_17] : memref<2x625x512xi32, #tpu.memory_space<hbm>> -> memref<1x19x512xi32, #tpu.memory_space<hbm>>
    %dma_start3A_19 = tpu.memref_squeeze %dma_start3A_18 : memref<1x19x512xi32, #tpu.memory_space<hbm>> -> memref<19x512xi32, #tpu.memory_space<hbm>>
    tpu.enqueue_dma source(%dma_start3A_19 : memref<19x512xi32, #tpu.memory_space<hbm>>) target(%dma_start3A_16 : memref<19x512xi32, #tpu.memory_space<vmem>>) target_semaphore(%arg11 : memref<!tpu.dma_semaphore, #tpu.memory_space<semaphore_mem>>)
    %dma_start3A_20 = arith.constant 1 : i32
    %dma_start3A_21 = arith.constant 0 : i32
    %dma_start3A_22 = arith.constant 0 : i32
    %dma_start3A_23 = tpu.memref_slice %arg7[%dma_start3A_21, %dma_start3A_22] : memref<20x512xi32, #tpu.memory_space<vmem>> -> memref<19x512xi32, #tpu.memory_space<vmem>>
    %dma_start3A_24 = arith.constant 0 : i32
    %dma_start3A_25 = tpu.memref_slice %arg3[%dma_start3A_20, %add3A_5, %dma_start3A_24] : memref<2x625x512xi32, #tpu.memory_space<hbm>> -> memref<1x19x512xi32, #tpu.memory_space<hbm>>
    %dma_start3A_26 = tpu.memref_squeeze %dma_start3A_25 : memref<1x19x512xi32, #tpu.memory_space<hbm>> -> memref<19x512xi32, #tpu.memory_space<hbm>>
    %dma_start3A_27 = arith.constant 0 : i32
    %dma_start3A_28 = arith.constant 0 : i32
    %dma_start3A_29 = tpu.memref_slice %arg7[%dma_start3A_27, %dma_start3A_28] : memref<20x512xi32, #tpu.memory_space<vmem>> -> memref<19x512xi32, #tpu.memory_space<vmem>>
    %dma_start3A_30 = arith.constant 0 : i32
    %dma_start3A_31 = tpu.memref_slice %arg3[%dma_start3A_20, %add3A_5, %dma_start3A_30] : memref<2x625x512xi32, #tpu.memory_space<hbm>> -> memref<1x19x512xi32, #tpu.memory_space<hbm>>
    %dma_start3A_32 = tpu.memref_squeeze %dma_start3A_31 : memref<1x19x512xi32, #tpu.memory_space<hbm>> -> memref<19x512xi32, #tpu.memory_space<hbm>>
    tpu.enqueue_dma source(%dma_start3A_32 : memref<19x512xi32, #tpu.memory_space<hbm>>) target(%dma_start3A_29 : memref<19x512xi32, #tpu.memory_space<vmem>>) target_semaphore(%arg12 : memref<!tpu.dma_semaphore, #tpu.memory_space<semaphore_mem>>)
    %mul3A_33 = arith.constant 640 : i32
    %mul3A_34 = arith.muli %arg1, %mul3A_33 : i32
    %mul3A_35 = arith.constant 640 : i32
    %mul3A_36 = arith.muli %arg1, %mul3A_35 : i32
    "tpu.region"() ({
      %run_scoped3A = tpu.sem_alloc : memref<!tpu.dma_semaphore, #tpu.memory_space<semaphore_mem>>
      %dma_start3A_196 = arith.constant 0 : i32
      %dma_start3A_197 = tpu.memref_slice %arg10[%mul3A_36, %dma_start3A_196] : memref<10240x16xf32, #tpu.memory_space<vmem_shared>> -> memref<640x16xf32, #tpu.memory_space<vmem_shared>>
      %dma_start3A_198 = arith.constant 0 : i32
      %dma_start3A_199 = tpu.memref_slice %arg2[%mul3A_34, %dma_start3A_198] : memref<10240x16xf32, #tpu.memory_space<hbm>> -> memref<640x16xf32, #tpu.memory_space<hbm>>
      tpu.enqueue_dma source(%dma_start3A_199 : memref<640x16xf32, #tpu.memory_space<hbm>>) target(%dma_start3A_197 : memref<640x16xf32, #tpu.memory_space<vmem_shared>>) target_semaphore(%run_scoped3A : memref<!tpu.dma_semaphore, #tpu.memory_space<semaphore_mem>>)
      %dma_wait3A_200 = arith.constant 0 : i32
      %dma_wait3A_201 = tpu.memref_slice %arg10[%mul3A_36, %dma_wait3A_200] : memref<10240x16xf32, #tpu.memory_space<vmem_shared>> -> memref<640x16xf32, #tpu.memory_space<vmem_shared>>
      %dma_wait3A_202 = arith.constant 0 : i32
      %dma_wait3A_203 = tpu.memref_slice %arg2[%mul3A_34, %dma_wait3A_202] : memref<10240x16xf32, #tpu.memory_space<hbm>> -> memref<640x16xf32, #tpu.memory_space<hbm>>
      tpu.wait_dma2 semaphore(%run_scoped3A : memref<!tpu.dma_semaphore, #tpu.memory_space<semaphore_mem>>) src(%dma_wait3A_203 : memref<640x16xf32, #tpu.memory_space<hbm>>) dst(%dma_wait3A_201 : memref<640x16xf32, #tpu.memory_space<vmem_shared>>)
      tpu.yield
    }) : () -> ()
    %mul3A_37 = arith.constant 640 : i32
    %mul3A_38 = arith.muli %arg1, %mul3A_37 : i32
    "tpu.region"() ({
      %run_scoped3A = tpu.sem_alloc : memref<!tpu.dma_semaphore, #tpu.memory_space<semaphore_mem>>
      %dma_start3A_196 = arith.constant 0 : i32
      %dma_start3A_197 = tpu.memref_slice %arg9[%mul3A_38, %dma_start3A_196] : memref<10240x16xf32, #tpu.memory_space<vmem_shared>> -> memref<640x16xf32, #tpu.memory_space<vmem_shared>>
      tpu.enqueue_dma source(%arg4 : memref<640x16xf32, #tpu.memory_space<hbm>>) target(%dma_start3A_197 : memref<640x16xf32, #tpu.memory_space<vmem_shared>>) target_semaphore(%run_scoped3A : memref<!tpu.dma_semaphore, #tpu.memory_space<semaphore_mem>>)
      %dma_wait3A_198 = arith.constant 0 : i32
      %dma_wait3A_199 = tpu.memref_slice %arg9[%mul3A_38, %dma_wait3A_198] : memref<10240x16xf32, #tpu.memory_space<vmem_shared>> -> memref<640x16xf32, #tpu.memory_space<vmem_shared>>
      tpu.wait_dma2 semaphore(%run_scoped3A : memref<!tpu.dma_semaphore, #tpu.memory_space<semaphore_mem>>) src(%arg4 : memref<640x16xf32, #tpu.memory_space<hbm>>) dst(%dma_wait3A_199 : memref<640x16xf32, #tpu.memory_space<vmem_shared>>)
      tpu.yield
    }) : () -> ()
    %dma_wait3A = arith.constant 0 : i32
    %dma_wait3A_39 = arith.constant 0 : i32
    %dma_wait3A_40 = arith.constant 0 : i32
    %dma_wait3A_41 = tpu.memref_slice %arg6[%dma_wait3A_39, %dma_wait3A_40] : memref<20x512xi32, #tpu.memory_space<vmem>> -> memref<19x512xi32, #tpu.memory_space<vmem>>
    %dma_wait3A_42 = arith.constant 0 : i32
    %dma_wait3A_43 = tpu.memref_slice %arg3[%dma_wait3A, %add3A_5, %dma_wait3A_42] : memref<2x625x512xi32, #tpu.memory_space<hbm>> -> memref<1x19x512xi32, #tpu.memory_space<hbm>>
    %dma_wait3A_44 = tpu.memref_squeeze %dma_wait3A_43 : memref<1x19x512xi32, #tpu.memory_space<hbm>> -> memref<19x512xi32, #tpu.memory_space<hbm>>
    %dma_wait3A_45 = arith.constant 0 : i32
    %dma_wait3A_46 = arith.constant 0 : i32
    %dma_wait3A_47 = tpu.memref_slice %arg6[%dma_wait3A_45, %dma_wait3A_46] : memref<20x512xi32, #tpu.memory_space<vmem>> -> memref<19x512xi32, #tpu.memory_space<vmem>>
    %dma_wait3A_48 = arith.constant 0 : i32
    %dma_wait3A_49 = tpu.memref_slice %arg3[%dma_wait3A, %add3A_5, %dma_wait3A_48] : memref<2x625x512xi32, #tpu.memory_space<hbm>> -> memref<1x19x512xi32, #tpu.memory_space<hbm>>
    %dma_wait3A_50 = tpu.memref_squeeze %dma_wait3A_49 : memref<1x19x512xi32, #tpu.memory_space<hbm>> -> memref<19x512xi32, #tpu.memory_space<hbm>>
    tpu.wait_dma2 semaphore(%arg11 : memref<!tpu.dma_semaphore, #tpu.memory_space<semaphore_mem>>) src(%dma_wait3A_50 : memref<19x512xi32, #tpu.memory_space<hbm>>) dst(%dma_wait3A_47 : memref<19x512xi32, #tpu.memory_space<vmem>>)
    %dma_wait3A_51 = arith.constant 1 : i32
    %dma_wait3A_52 = arith.constant 0 : i32
    %dma_wait3A_53 = arith.constant 0 : i32
    %dma_wait3A_54 = tpu.memref_slice %arg7[%dma_wait3A_52, %dma_wait3A_53] : memref<20x512xi32, #tpu.memory_space<vmem>> -> memref<19x512xi32, #tpu.memory_space<vmem>>
    %dma_wait3A_55 = arith.constant 0 : i32
    %dma_wait3A_56 = tpu.memref_slice %arg3[%dma_wait3A_51, %add3A_5, %dma_wait3A_55] : memref<2x625x512xi32, #tpu.memory_space<hbm>> -> memref<1x19x512xi32, #tpu.memory_space<hbm>>
    %dma_wait3A_57 = tpu.memref_squeeze %dma_wait3A_56 : memref<1x19x512xi32, #tpu.memory_space<hbm>> -> memref<19x512xi32, #tpu.memory_space<hbm>>
    %dma_wait3A_58 = arith.constant 0 : i32
    %dma_wait3A_59 = arith.constant 0 : i32
    %dma_wait3A_60 = tpu.memref_slice %arg7[%dma_wait3A_58, %dma_wait3A_59] : memref<20x512xi32, #tpu.memory_space<vmem>> -> memref<19x512xi32, #tpu.memory_space<vmem>>
    %dma_wait3A_61 = arith.constant 0 : i32
    %dma_wait3A_62 = tpu.memref_slice %arg3[%dma_wait3A_51, %add3A_5, %dma_wait3A_61] : memref<2x625x512xi32, #tpu.memory_space<hbm>> -> memref<1x19x512xi32, #tpu.memory_space<hbm>>
    %dma_wait3A_63 = tpu.memref_squeeze %dma_wait3A_62 : memref<1x19x512xi32, #tpu.memory_space<hbm>> -> memref<19x512xi32, #tpu.memory_space<hbm>>
    tpu.wait_dma2 semaphore(%arg12 : memref<!tpu.dma_semaphore, #tpu.memory_space<semaphore_mem>>) src(%dma_wait3A_63 : memref<19x512xi32, #tpu.memory_space<hbm>>) dst(%dma_wait3A_60 : memref<19x512xi32, #tpu.memory_space<vmem>>)
    %gt3A = arith.constant 19 : i32
    %gt3A_64 = arith.cmpi sgt, %select_n3A, %gt3A : i32
    %convert_element_type3A = arith.extui %gt3A_64 : i1 to i32
    %cond3A = arith.constant 0 : i32
    %cond3A_65 = arith.cmpi ne, %convert_element_type3A, %cond3A : i32
    scf.if %cond3A_65 {
      %add3A_196 = arith.constant 19 : i32
      %add3A_197 = arith.addi %add3A_5, %add3A_196 : i32
      %run_scoped3A = arith.constant 0 : i32
      "tpu.region"() ({
        %run_scoped3A_201 = tpu.sem_alloc : memref<!tpu.dma_semaphore, #tpu.memory_space<semaphore_mem>>
        %dma_start3A_202 = arith.constant 19 : i32
        %dma_start3A_203 = arith.constant 0 : i32
        %dma_start3A_204 = tpu.memref_slice %arg6[%dma_start3A_202, %dma_start3A_203] : memref<20x512xi32, #tpu.memory_space<vmem>> -> memref<1x512xi32, #tpu.memory_space<vmem>>
        %dma_start3A_205 = arith.constant 0 : i32
        %dma_start3A_206 = tpu.memref_slice %arg3[%run_scoped3A, %add3A_197, %dma_start3A_205] : memref<2x625x512xi32, #tpu.memory_space<hbm>> -> memref<1x1x512xi32, #tpu.memory_space<hbm>>
        %dma_start3A_207 = tpu.memref_squeeze %dma_start3A_206 : memref<1x1x512xi32, #tpu.memory_space<hbm>> -> memref<1x512xi32, #tpu.memory_space<hbm>>
        %dma_start3A_208 = arith.constant 19 : i32
        %dma_start3A_209 = arith.constant 0 : i32
        %dma_start3A_210 = tpu.memref_slice %arg6[%dma_start3A_208, %dma_start3A_209] : memref<20x512xi32, #tpu.memory_space<vmem>> -> memref<1x512xi32, #tpu.memory_space<vmem>>
        %dma_start3A_211 = arith.constant 0 : i32
        %dma_start3A_212 = tpu.memref_slice %arg3[%run_scoped3A, %add3A_197, %dma_start3A_211] : memref<2x625x512xi32, #tpu.memory_space<hbm>> -> memref<1x1x512xi32, #tpu.memory_space<hbm>>
        %dma_start3A_213 = tpu.memref_squeeze %dma_start3A_212 : memref<1x1x512xi32, #tpu.memory_space<hbm>> -> memref<1x512xi32, #tpu.memory_space<hbm>>
        tpu.enqueue_dma source(%dma_start3A_213 : memref<1x512xi32, #tpu.memory_space<hbm>>) target(%dma_start3A_210 : memref<1x512xi32, #tpu.memory_space<vmem>>) target_semaphore(%run_scoped3A_201 : memref<!tpu.dma_semaphore, #tpu.memory_space<semaphore_mem>>)
        %dma_wait3A_214 = arith.constant 19 : i32
        %dma_wait3A_215 = arith.constant 0 : i32
        %dma_wait3A_216 = tpu.memref_slice %arg6[%dma_wait3A_214, %dma_wait3A_215] : memref<20x512xi32, #tpu.memory_space<vmem>> -> memref<1x512xi32, #tpu.memory_space<vmem>>
        %dma_wait3A_217 = arith.constant 0 : i32
        %dma_wait3A_218 = tpu.memref_slice %arg3[%run_scoped3A, %add3A_197, %dma_wait3A_217] : memref<2x625x512xi32, #tpu.memory_space<hbm>> -> memref<1x1x512xi32, #tpu.memory_space<hbm>>
        %dma_wait3A_219 = tpu.memref_squeeze %dma_wait3A_218 : memref<1x1x512xi32, #tpu.memory_space<hbm>> -> memref<1x512xi32, #tpu.memory_space<hbm>>
        %dma_wait3A_220 = arith.constant 19 : i32
        %dma_wait3A_221 = arith.constant 0 : i32
        %dma_wait3A_222 = tpu.memref_slice %arg6[%dma_wait3A_220, %dma_wait3A_221] : memref<20x512xi32, #tpu.memory_space<vmem>> -> memref<1x512xi32, #tpu.memory_space<vmem>>
        %dma_wait3A_223 = arith.constant 0 : i32
        %dma_wait3A_224 = tpu.memref_slice %arg3[%run_scoped3A, %add3A_197, %dma_wait3A_223] : memref<2x625x512xi32, #tpu.memory_space<hbm>> -> memref<1x1x512xi32, #tpu.memory_space<hbm>>
        %dma_wait3A_225 = tpu.memref_squeeze %dma_wait3A_224 : memref<1x1x512xi32, #tpu.memory_space<hbm>> -> memref<1x512xi32, #tpu.memory_space<hbm>>
        tpu.wait_dma2 semaphore(%run_scoped3A_201 : memref<!tpu.dma_semaphore, #tpu.memory_space<semaphore_mem>>) src(%dma_wait3A_225 : memref<1x512xi32, #tpu.memory_space<hbm>>) dst(%dma_wait3A_222 : memref<1x512xi32, #tpu.memory_space<vmem>>)
        tpu.yield
      }) : () -> ()
      %add3A_198 = arith.constant 19 : i32
      %add3A_199 = arith.addi %add3A_5, %add3A_198 : i32
      %run_scoped3A_200 = arith.constant 1 : i32
      "tpu.region"() ({
        %run_scoped3A_201 = tpu.sem_alloc : memref<!tpu.dma_semaphore, #tpu.memory_space<semaphore_mem>>
        %dma_start3A_202 = arith.constant 19 : i32
        %dma_start3A_203 = arith.constant 0 : i32
        %dma_start3A_204 = tpu.memref_slice %arg7[%dma_start3A_202, %dma_start3A_203] : memref<20x512xi32, #tpu.memory_space<vmem>> -> memref<1x512xi32, #tpu.memory_space<vmem>>
        %dma_start3A_205 = arith.constant 0 : i32
        %dma_start3A_206 = tpu.memref_slice %arg3[%run_scoped3A_200, %add3A_199, %dma_start3A_205] : memref<2x625x512xi32, #tpu.memory_space<hbm>> -> memref<1x1x512xi32, #tpu.memory_space<hbm>>
        %dma_start3A_207 = tpu.memref_squeeze %dma_start3A_206 : memref<1x1x512xi32, #tpu.memory_space<hbm>> -> memref<1x512xi32, #tpu.memory_space<hbm>>
        %dma_start3A_208 = arith.constant 19 : i32
        %dma_start3A_209 = arith.constant 0 : i32
        %dma_start3A_210 = tpu.memref_slice %arg7[%dma_start3A_208, %dma_start3A_209] : memref<20x512xi32, #tpu.memory_space<vmem>> -> memref<1x512xi32, #tpu.memory_space<vmem>>
        %dma_start3A_211 = arith.constant 0 : i32
        %dma_start3A_212 = tpu.memref_slice %arg3[%run_scoped3A_200, %add3A_199, %dma_start3A_211] : memref<2x625x512xi32, #tpu.memory_space<hbm>> -> memref<1x1x512xi32, #tpu.memory_space<hbm>>
        %dma_start3A_213 = tpu.memref_squeeze %dma_start3A_212 : memref<1x1x512xi32, #tpu.memory_space<hbm>> -> memref<1x512xi32, #tpu.memory_space<hbm>>
        tpu.enqueue_dma source(%dma_start3A_213 : memref<1x512xi32, #tpu.memory_space<hbm>>) target(%dma_start3A_210 : memref<1x512xi32, #tpu.memory_space<vmem>>) target_semaphore(%run_scoped3A_201 : memref<!tpu.dma_semaphore, #tpu.memory_space<semaphore_mem>>)
        %dma_wait3A_214 = arith.constant 19 : i32
        %dma_wait3A_215 = arith.constant 0 : i32
        %dma_wait3A_216 = tpu.memref_slice %arg7[%dma_wait3A_214, %dma_wait3A_215] : memref<20x512xi32, #tpu.memory_space<vmem>> -> memref<1x512xi32, #tpu.memory_space<vmem>>
        %dma_wait3A_217 = arith.constant 0 : i32
        %dma_wait3A_218 = tpu.memref_slice %arg3[%run_scoped3A_200, %add3A_199, %dma_wait3A_217] : memref<2x625x512xi32, #tpu.memory_space<hbm>> -> memref<1x1x512xi32, #tpu.memory_space<hbm>>
        %dma_wait3A_219 = tpu.memref_squeeze %dma_wait3A_218 : memref<1x1x512xi32, #tpu.memory_space<hbm>> -> memref<1x512xi32, #tpu.memory_space<hbm>>
        %dma_wait3A_220 = arith.constant 19 : i32
        %dma_wait3A_221 = arith.constant 0 : i32
        %dma_wait3A_222 = tpu.memref_slice %arg7[%dma_wait3A_220, %dma_wait3A_221] : memref<20x512xi32, #tpu.memory_space<vmem>> -> memref<1x512xi32, #tpu.memory_space<vmem>>
        %dma_wait3A_223 = arith.constant 0 : i32
        %dma_wait3A_224 = tpu.memref_slice %arg3[%run_scoped3A_200, %add3A_199, %dma_wait3A_223] : memref<2x625x512xi32, #tpu.memory_space<hbm>> -> memref<1x1x512xi32, #tpu.memory_space<hbm>>
        %dma_wait3A_225 = tpu.memref_squeeze %dma_wait3A_224 : memref<1x1x512xi32, #tpu.memory_space<hbm>> -> memref<1x512xi32, #tpu.memory_space<hbm>>
        tpu.wait_dma2 semaphore(%run_scoped3A_201 : memref<!tpu.dma_semaphore, #tpu.memory_space<semaphore_mem>>) src(%dma_wait3A_225 : memref<1x512xi32, #tpu.memory_space<hbm>>) dst(%dma_wait3A_222 : memref<1x512xi32, #tpu.memory_space<vmem>>)
        tpu.yield
      }) : () -> ()
    } else {
    }
    %barrier3A = arith.constant 0 : index
    tpu.barrier barrier_id(%barrier3A)
    %dma_start3A_66 = arith.constant 0 : i32
    %dma_start3A_67 = arith.constant 0 : i32
    %dma_start3A_68 = arith.constant 0 : i32
    %dma_start3A_69 = arith.constant 0 : i32
    %dma_start3A_70 = arith.constant 0 : i32
    %dma_start3A_71 = tpu.memref_slice %arg8[%dma_start3A_67, %dma_start3A_69, %dma_start3A_70] : memref<8x512x16xf32, #tpu.memory_space<vmem>> -> memref<1x512x16xf32, #tpu.memory_space<vmem>>
    %dma_start3A_72 = tpu.memref_squeeze %dma_start3A_71 : memref<1x512x16xf32, #tpu.memory_space<vmem>> -> memref<512x16xf32, #tpu.memory_space<vmem>>
    %dma_start3A_73 = arith.constant 0 : i32
    %dma_start3A_74 = tpu.memref_slice %arg6[%dma_start3A_66, %dma_start3A_73] : memref<20x512xi32, #tpu.memory_space<vmem>> -> memref<1x512xi32, #tpu.memory_space<vmem>>
    %dma_start3A_75 = tpu.memref_squeeze %dma_start3A_74 : memref<1x512xi32, #tpu.memory_space<vmem>> -> memref<512xi32, #tpu.memory_space<vmem>>
    %dma_start3A_76 = arith.constant 0 : i32
    %dma_start3A_77 = arith.constant 0 : i32
    %dma_start3A_78 = tpu.memref_slice %arg10[%dma_start3A_76, %dma_start3A_77] : memref<10240x16xf32, #tpu.memory_space<vmem_shared>> -> memref<10240x16xf32, #tpu.memory_space<vmem_shared>>
    %dma_start3A_79 = tpu.memref_slice %arg13[%dma_start3A_68] : memref<8x!tpu.dma_semaphore, #tpu.memory_space<semaphore_mem>> -> memref<1x!tpu.dma_semaphore, #tpu.memory_space<semaphore_mem>>
    %dma_start3A_80 = tpu.memref_squeeze %dma_start3A_79 : memref<1x!tpu.dma_semaphore, #tpu.memory_space<semaphore_mem>> -> memref<!tpu.dma_semaphore, #tpu.memory_space<semaphore_mem>>
    tpu.enqueue_indirect_dma source(%dma_start3A_78 : memref<10240x16xf32, #tpu.memory_space<vmem_shared>>) target(%dma_start3A_72 : memref<512x16xf32, #tpu.memory_space<vmem>>) offsets(%dma_start3A_75 : memref<512xi32, #tpu.memory_space<vmem>>) semaphore(%dma_start3A_80 : memref<!tpu.dma_semaphore, #tpu.memory_space<semaphore_mem>>)
    %dma_start3A_81 = arith.constant 1 : i32
    %dma_start3A_82 = arith.constant 1 : i32
    %dma_start3A_83 = arith.constant 1 : i32
    %dma_start3A_84 = arith.constant 0 : i32
    %dma_start3A_85 = arith.constant 0 : i32
    %dma_start3A_86 = tpu.memref_slice %arg8[%dma_start3A_82, %dma_start3A_84, %dma_start3A_85] : memref<8x512x16xf32, #tpu.memory_space<vmem>> -> memref<1x512x16xf32, #tpu.memory_space<vmem>>
    %dma_start3A_87 = tpu.memref_squeeze %dma_start3A_86 : memref<1x512x16xf32, #tpu.memory_space<vmem>> -> memref<512x16xf32, #tpu.memory_space<vmem>>
    %dma_start3A_88 = arith.constant 0 : i32
    %dma_start3A_89 = tpu.memref_slice %arg6[%dma_start3A_81, %dma_start3A_88] : memref<20x512xi32, #tpu.memory_space<vmem>> -> memref<1x512xi32, #tpu.memory_space<vmem>>
    %dma_start3A_90 = tpu.memref_squeeze %dma_start3A_89 : memref<1x512xi32, #tpu.memory_space<vmem>> -> memref<512xi32, #tpu.memory_space<vmem>>
    %dma_start3A_91 = arith.constant 0 : i32
    %dma_start3A_92 = arith.constant 0 : i32
    %dma_start3A_93 = tpu.memref_slice %arg10[%dma_start3A_91, %dma_start3A_92] : memref<10240x16xf32, #tpu.memory_space<vmem_shared>> -> memref<10240x16xf32, #tpu.memory_space<vmem_shared>>
    %dma_start3A_94 = tpu.memref_slice %arg13[%dma_start3A_83] : memref<8x!tpu.dma_semaphore, #tpu.memory_space<semaphore_mem>> -> memref<1x!tpu.dma_semaphore, #tpu.memory_space<semaphore_mem>>
    %dma_start3A_95 = tpu.memref_squeeze %dma_start3A_94 : memref<1x!tpu.dma_semaphore, #tpu.memory_space<semaphore_mem>> -> memref<!tpu.dma_semaphore, #tpu.memory_space<semaphore_mem>>
    tpu.enqueue_indirect_dma source(%dma_start3A_93 : memref<10240x16xf32, #tpu.memory_space<vmem_shared>>) target(%dma_start3A_87 : memref<512x16xf32, #tpu.memory_space<vmem>>) offsets(%dma_start3A_90 : memref<512xi32, #tpu.memory_space<vmem>>) semaphore(%dma_start3A_95 : memref<!tpu.dma_semaphore, #tpu.memory_space<semaphore_mem>>)
    %dma_start3A_96 = arith.constant 2 : i32
    %dma_start3A_97 = arith.constant 2 : i32
    %dma_start3A_98 = arith.constant 2 : i32
    %dma_start3A_99 = arith.constant 0 : i32
    %dma_start3A_100 = arith.constant 0 : i32
    %dma_start3A_101 = tpu.memref_slice %arg8[%dma_start3A_97, %dma_start3A_99, %dma_start3A_100] : memref<8x512x16xf32, #tpu.memory_space<vmem>> -> memref<1x512x16xf32, #tpu.memory_space<vmem>>
    %dma_start3A_102 = tpu.memref_squeeze %dma_start3A_101 : memref<1x512x16xf32, #tpu.memory_space<vmem>> -> memref<512x16xf32, #tpu.memory_space<vmem>>
    %dma_start3A_103 = arith.constant 0 : i32
    %dma_start3A_104 = tpu.memref_slice %arg6[%dma_start3A_96, %dma_start3A_103] : memref<20x512xi32, #tpu.memory_space<vmem>> -> memref<1x512xi32, #tpu.memory_space<vmem>>
    %dma_start3A_105 = tpu.memref_squeeze %dma_start3A_104 : memref<1x512xi32, #tpu.memory_space<vmem>> -> memref<512xi32, #tpu.memory_space<vmem>>
    %dma_start3A_106 = arith.constant 0 : i32
    %dma_start3A_107 = arith.constant 0 : i32
    %dma_start3A_108 = tpu.memref_slice %arg10[%dma_start3A_106, %dma_start3A_107] : memref<10240x16xf32, #tpu.memory_space<vmem_shared>> -> memref<10240x16xf32, #tpu.memory_space<vmem_shared>>
    %dma_start3A_109 = tpu.memref_slice %arg13[%dma_start3A_98] : memref<8x!tpu.dma_semaphore, #tpu.memory_space<semaphore_mem>> -> memref<1x!tpu.dma_semaphore, #tpu.memory_space<semaphore_mem>>
    %dma_start3A_110 = tpu.memref_squeeze %dma_start3A_109 : memref<1x!tpu.dma_semaphore, #tpu.memory_space<semaphore_mem>> -> memref<!tpu.dma_semaphore, #tpu.memory_space<semaphore_mem>>
    tpu.enqueue_indirect_dma source(%dma_start3A_108 : memref<10240x16xf32, #tpu.memory_space<vmem_shared>>) target(%dma_start3A_102 : memref<512x16xf32, #tpu.memory_space<vmem>>) offsets(%dma_start3A_105 : memref<512xi32, #tpu.memory_space<vmem>>) semaphore(%dma_start3A_110 : memref<!tpu.dma_semaphore, #tpu.memory_space<semaphore_mem>>)
    %dma_start3A_111 = arith.constant 3 : i32
    %dma_start3A_112 = arith.constant 3 : i32
    %dma_start3A_113 = arith.constant 3 : i32
    %dma_start3A_114 = arith.constant 0 : i32
    %dma_start3A_115 = arith.constant 0 : i32
    %dma_start3A_116 = tpu.memref_slice %arg8[%dma_start3A_112, %dma_start3A_114, %dma_start3A_115] : memref<8x512x16xf32, #tpu.memory_space<vmem>> -> memref<1x512x16xf32, #tpu.memory_space<vmem>>
    %dma_start3A_117 = tpu.memref_squeeze %dma_start3A_116 : memref<1x512x16xf32, #tpu.memory_space<vmem>> -> memref<512x16xf32, #tpu.memory_space<vmem>>
    %dma_start3A_118 = arith.constant 0 : i32
    %dma_start3A_119 = tpu.memref_slice %arg6[%dma_start3A_111, %dma_start3A_118] : memref<20x512xi32, #tpu.memory_space<vmem>> -> memref<1x512xi32, #tpu.memory_space<vmem>>
    %dma_start3A_120 = tpu.memref_squeeze %dma_start3A_119 : memref<1x512xi32, #tpu.memory_space<vmem>> -> memref<512xi32, #tpu.memory_space<vmem>>
    %dma_start3A_121 = arith.constant 0 : i32
    %dma_start3A_122 = arith.constant 0 : i32
    %dma_start3A_123 = tpu.memref_slice %arg10[%dma_start3A_121, %dma_start3A_122] : memref<10240x16xf32, #tpu.memory_space<vmem_shared>> -> memref<10240x16xf32, #tpu.memory_space<vmem_shared>>
    %dma_start3A_124 = tpu.memref_slice %arg13[%dma_start3A_113] : memref<8x!tpu.dma_semaphore, #tpu.memory_space<semaphore_mem>> -> memref<1x!tpu.dma_semaphore, #tpu.memory_space<semaphore_mem>>
    %dma_start3A_125 = tpu.memref_squeeze %dma_start3A_124 : memref<1x!tpu.dma_semaphore, #tpu.memory_space<semaphore_mem>> -> memref<!tpu.dma_semaphore, #tpu.memory_space<semaphore_mem>>
    tpu.enqueue_indirect_dma source(%dma_start3A_123 : memref<10240x16xf32, #tpu.memory_space<vmem_shared>>) target(%dma_start3A_117 : memref<512x16xf32, #tpu.memory_space<vmem>>) offsets(%dma_start3A_120 : memref<512xi32, #tpu.memory_space<vmem>>) semaphore(%dma_start3A_125 : memref<!tpu.dma_semaphore, #tpu.memory_space<semaphore_mem>>)
    %dma_start3A_126 = arith.constant 4 : i32
    %dma_start3A_127 = arith.constant 4 : i32
    %dma_start3A_128 = arith.constant 4 : i32
    %dma_start3A_129 = arith.constant 0 : i32
    %dma_start3A_130 = arith.constant 0 : i32
    %dma_start3A_131 = tpu.memref_slice %arg8[%dma_start3A_127, %dma_start3A_129, %dma_start3A_130] : memref<8x512x16xf32, #tpu.memory_space<vmem>> -> memref<1x512x16xf32, #tpu.memory_space<vmem>>
    %dma_start3A_132 = tpu.memref_squeeze %dma_start3A_131 : memref<1x512x16xf32, #tpu.memory_space<vmem>> -> memref<512x16xf32, #tpu.memory_space<vmem>>
    %dma_start3A_133 = arith.constant 0 : i32
    %dma_start3A_134 = tpu.memref_slice %arg6[%dma_start3A_126, %dma_start3A_133] : memref<20x512xi32, #tpu.memory_space<vmem>> -> memref<1x512xi32, #tpu.memory_space<vmem>>
    %dma_start3A_135 = tpu.memref_squeeze %dma_start3A_134 : memref<1x512xi32, #tpu.memory_space<vmem>> -> memref<512xi32, #tpu.memory_space<vmem>>
    %dma_start3A_136 = arith.constant 0 : i32
    %dma_start3A_137 = arith.constant 0 : i32
    %dma_start3A_138 = tpu.memref_slice %arg10[%dma_start3A_136, %dma_start3A_137] : memref<10240x16xf32, #tpu.memory_space<vmem_shared>> -> memref<10240x16xf32, #tpu.memory_space<vmem_shared>>
    %dma_start3A_139 = tpu.memref_slice %arg13[%dma_start3A_128] : memref<8x!tpu.dma_semaphore, #tpu.memory_space<semaphore_mem>> -> memref<1x!tpu.dma_semaphore, #tpu.memory_space<semaphore_mem>>
    %dma_start3A_140 = tpu.memref_squeeze %dma_start3A_139 : memref<1x!tpu.dma_semaphore, #tpu.memory_space<semaphore_mem>> -> memref<!tpu.dma_semaphore, #tpu.memory_space<semaphore_mem>>
    tpu.enqueue_indirect_dma source(%dma_start3A_138 : memref<10240x16xf32, #tpu.memory_space<vmem_shared>>) target(%dma_start3A_132 : memref<512x16xf32, #tpu.memory_space<vmem>>) offsets(%dma_start3A_135 : memref<512xi32, #tpu.memory_space<vmem>>) semaphore(%dma_start3A_140 : memref<!tpu.dma_semaphore, #tpu.memory_space<semaphore_mem>>)
    %dma_start3A_141 = arith.constant 5 : i32
    %dma_start3A_142 = arith.constant 5 : i32
    %dma_start3A_143 = arith.constant 5 : i32
    %dma_start3A_144 = arith.constant 0 : i32
    %dma_start3A_145 = arith.constant 0 : i32
    %dma_start3A_146 = tpu.memref_slice %arg8[%dma_start3A_142, %dma_start3A_144, %dma_start3A_145] : memref<8x512x16xf32, #tpu.memory_space<vmem>> -> memref<1x512x16xf32, #tpu.memory_space<vmem>>
    %dma_start3A_147 = tpu.memref_squeeze %dma_start3A_146 : memref<1x512x16xf32, #tpu.memory_space<vmem>> -> memref<512x16xf32, #tpu.memory_space<vmem>>
    %dma_start3A_148 = arith.constant 0 : i32
    %dma_start3A_149 = tpu.memref_slice %arg6[%dma_start3A_141, %dma_start3A_148] : memref<20x512xi32, #tpu.memory_space<vmem>> -> memref<1x512xi32, #tpu.memory_space<vmem>>
    %dma_start3A_150 = tpu.memref_squeeze %dma_start3A_149 : memref<1x512xi32, #tpu.memory_space<vmem>> -> memref<512xi32, #tpu.memory_space<vmem>>
    %dma_start3A_151 = arith.constant 0 : i32
    %dma_start3A_152 = arith.constant 0 : i32
    %dma_start3A_153 = tpu.memref_slice %arg10[%dma_start3A_151, %dma_start3A_152] : memref<10240x16xf32, #tpu.memory_space<vmem_shared>> -> memref<10240x16xf32, #tpu.memory_space<vmem_shared>>
    %dma_start3A_154 = tpu.memref_slice %arg13[%dma_start3A_143] : memref<8x!tpu.dma_semaphore, #tpu.memory_space<semaphore_mem>> -> memref<1x!tpu.dma_semaphore, #tpu.memory_space<semaphore_mem>>
    %dma_start3A_155 = tpu.memref_squeeze %dma_start3A_154 : memref<1x!tpu.dma_semaphore, #tpu.memory_space<semaphore_mem>> -> memref<!tpu.dma_semaphore, #tpu.memory_space<semaphore_mem>>
    tpu.enqueue_indirect_dma source(%dma_start3A_153 : memref<10240x16xf32, #tpu.memory_space<vmem_shared>>) target(%dma_start3A_147 : memref<512x16xf32, #tpu.memory_space<vmem>>) offsets(%dma_start3A_150 : memref<512xi32, #tpu.memory_space<vmem>>) semaphore(%dma_start3A_155 : memref<!tpu.dma_semaphore, #tpu.memory_space<semaphore_mem>>)
    %dma_start3A_156 = arith.constant 6 : i32
    %dma_start3A_157 = arith.constant 6 : i32
    %dma_start3A_158 = arith.constant 6 : i32
    %dma_start3A_159 = arith.constant 0 : i32
    %dma_start3A_160 = arith.constant 0 : i32
    %dma_start3A_161 = tpu.memref_slice %arg8[%dma_start3A_157, %dma_start3A_159, %dma_start3A_160] : memref<8x512x16xf32, #tpu.memory_space<vmem>> -> memref<1x512x16xf32, #tpu.memory_space<vmem>>
    %dma_start3A_162 = tpu.memref_squeeze %dma_start3A_161 : memref<1x512x16xf32, #tpu.memory_space<vmem>> -> memref<512x16xf32, #tpu.memory_space<vmem>>
    %dma_start3A_163 = arith.constant 0 : i32
    %dma_start3A_164 = tpu.memref_slice %arg6[%dma_start3A_156, %dma_start3A_163] : memref<20x512xi32, #tpu.memory_space<vmem>> -> memref<1x512xi32, #tpu.memory_space<vmem>>
    %dma_start3A_165 = tpu.memref_squeeze %dma_start3A_164 : memref<1x512xi32, #tpu.memory_space<vmem>> -> memref<512xi32, #tpu.memory_space<vmem>>
    %dma_start3A_166 = arith.constant 0 : i32
    %dma_start3A_167 = arith.constant 0 : i32
    %dma_start3A_168 = tpu.memref_slice %arg10[%dma_start3A_166, %dma_start3A_167] : memref<10240x16xf32, #tpu.memory_space<vmem_shared>> -> memref<10240x16xf32, #tpu.memory_space<vmem_shared>>
    %dma_start3A_169 = tpu.memref_slice %arg13[%dma_start3A_158] : memref<8x!tpu.dma_semaphore, #tpu.memory_space<semaphore_mem>> -> memref<1x!tpu.dma_semaphore, #tpu.memory_space<semaphore_mem>>
    %dma_start3A_170 = tpu.memref_squeeze %dma_start3A_169 : memref<1x!tpu.dma_semaphore, #tpu.memory_space<semaphore_mem>> -> memref<!tpu.dma_semaphore, #tpu.memory_space<semaphore_mem>>
    tpu.enqueue_indirect_dma source(%dma_start3A_168 : memref<10240x16xf32, #tpu.memory_space<vmem_shared>>) target(%dma_start3A_162 : memref<512x16xf32, #tpu.memory_space<vmem>>) offsets(%dma_start3A_165 : memref<512xi32, #tpu.memory_space<vmem>>) semaphore(%dma_start3A_170 : memref<!tpu.dma_semaphore, #tpu.memory_space<semaphore_mem>>)
    %dma_start3A_171 = arith.constant 7 : i32
    %dma_start3A_172 = arith.constant 7 : i32
    %dma_start3A_173 = arith.constant 7 : i32
    %dma_start3A_174 = arith.constant 0 : i32
    %dma_start3A_175 = arith.constant 0 : i32
    %dma_start3A_176 = tpu.memref_slice %arg8[%dma_start3A_172, %dma_start3A_174, %dma_start3A_175] : memref<8x512x16xf32, #tpu.memory_space<vmem>> -> memref<1x512x16xf32, #tpu.memory_space<vmem>>
    %dma_start3A_177 = tpu.memref_squeeze %dma_start3A_176 : memref<1x512x16xf32, #tpu.memory_space<vmem>> -> memref<512x16xf32, #tpu.memory_space<vmem>>
    %dma_start3A_178 = arith.constant 0 : i32
    %dma_start3A_179 = tpu.memref_slice %arg6[%dma_start3A_171, %dma_start3A_178] : memref<20x512xi32, #tpu.memory_space<vmem>> -> memref<1x512xi32, #tpu.memory_space<vmem>>
    %dma_start3A_180 = tpu.memref_squeeze %dma_start3A_179 : memref<1x512xi32, #tpu.memory_space<vmem>> -> memref<512xi32, #tpu.memory_space<vmem>>
    %dma_start3A_181 = arith.constant 0 : i32
    %dma_start3A_182 = arith.constant 0 : i32
    %dma_start3A_183 = tpu.memref_slice %arg10[%dma_start3A_181, %dma_start3A_182] : memref<10240x16xf32, #tpu.memory_space<vmem_shared>> -> memref<10240x16xf32, #tpu.memory_space<vmem_shared>>
    %dma_start3A_184 = tpu.memref_slice %arg13[%dma_start3A_173] : memref<8x!tpu.dma_semaphore, #tpu.memory_space<semaphore_mem>> -> memref<1x!tpu.dma_semaphore, #tpu.memory_space<semaphore_mem>>
    %dma_start3A_185 = tpu.memref_squeeze %dma_start3A_184 : memref<1x!tpu.dma_semaphore, #tpu.memory_space<semaphore_mem>> -> memref<!tpu.dma_semaphore, #tpu.memory_space<semaphore_mem>>
    tpu.enqueue_indirect_dma source(%dma_start3A_183 : memref<10240x16xf32, #tpu.memory_space<vmem_shared>>) target(%dma_start3A_177 : memref<512x16xf32, #tpu.memory_space<vmem>>) offsets(%dma_start3A_180 : memref<512xi32, #tpu.memory_space<vmem>>) semaphore(%dma_start3A_185 : memref<!tpu.dma_semaphore, #tpu.memory_space<semaphore_mem>>)
    %scan3A = arith.constant 0 : i32
    %scan3A_186 = arith.constant 0 : i32
    %scan3A_187 = arith.constant 3 : i32
    %scan3A_188 = arith.addi %scan3A_186, %scan3A_187 : i32
    %scan3A_189 = arith.constant 1 : i32
    scf.for %scan3A_196 = %scan3A_186 to %scan3A_188 step %scan3A_189  : i32 {
      %mul3A_197 = arith.constant 8 : i32
      %mul3A_198 = arith.muli %scan3A_196, %mul3A_197 : i32
      %add3A_199 = arith.constant 0 : i32
      %add3A_200 = arith.addi %mul3A_198, %add3A_199 : i32
      %lt3A_201 = arith.cmpi slt, %add3A_200, %select_n3A : i32
      %convert_element_type3A_202 = arith.extui %lt3A_201 : i1 to i32
      %cond3A_203 = arith.constant 0 : i32
      %cond3A_204 = arith.cmpi ne, %convert_element_type3A_202, %cond3A_203 : i32
      scf.if %cond3A_204 {
        %dma_wait3A_343 = arith.constant 0 : i32
        %dma_wait3A_344 = arith.constant 0 : i32
        %dma_wait3A_345 = arith.constant 0 : i32
        %dma_wait3A_346 = arith.constant 0 : i32
        %dma_wait3A_347 = tpu.memref_slice %arg8[%dma_wait3A_343, %dma_wait3A_345, %dma_wait3A_346] : memref<8x512x16xf32, #tpu.memory_space<vmem>> -> memref<1x512x16xf32, #tpu.memory_space<vmem>>
        %dma_wait3A_348 = tpu.memref_squeeze %dma_wait3A_347 : memref<1x512x16xf32, #tpu.memory_space<vmem>> -> memref<512x16xf32, #tpu.memory_space<vmem>>
        %dma_wait3A_349 = arith.constant 0 : i32
        %dma_wait3A_350 = tpu.memref_slice %arg6[%add3A_200, %dma_wait3A_349] : memref<20x512xi32, #tpu.memory_space<vmem>> -> memref<1x512xi32, #tpu.memory_space<vmem>>
        %dma_wait3A_351 = tpu.memref_squeeze %dma_wait3A_350 : memref<1x512xi32, #tpu.memory_space<vmem>> -> memref<512xi32, #tpu.memory_space<vmem>>
        %dma_wait3A_352 = arith.constant 0 : i32
        %dma_wait3A_353 = arith.constant 0 : i32
        %dma_wait3A_354 = tpu.memref_slice %arg10[%dma_wait3A_352, %dma_wait3A_353] : memref<10240x16xf32, #tpu.memory_space<vmem_shared>> -> memref<10240x16xf32, #tpu.memory_space<vmem_shared>>
        %dma_wait3A_355 = tpu.memref_slice %arg13[%dma_wait3A_344] : memref<8x!tpu.dma_semaphore, #tpu.memory_space<semaphore_mem>> -> memref<1x!tpu.dma_semaphore, #tpu.memory_space<semaphore_mem>>
        %dma_wait3A_356 = tpu.memref_squeeze %dma_wait3A_355 : memref<1x!tpu.dma_semaphore, #tpu.memory_space<semaphore_mem>> -> memref<!tpu.dma_semaphore, #tpu.memory_space<semaphore_mem>>
        tpu.wait_indirect_dma semaphore(%dma_wait3A_356 : memref<!tpu.dma_semaphore, #tpu.memory_space<semaphore_mem>>) src(%dma_wait3A_354 : memref<10240x16xf32, #tpu.memory_space<vmem_shared>>) dst(%dma_wait3A_348 : memref<512x16xf32, #tpu.memory_space<vmem>>)
        %dma_start3A_357 = arith.constant 0 : i32
        %dma_start3A_358 = arith.constant 0 : i32
        %dma_start3A_359 = arith.constant 0 : i32
        %dma_start3A_360 = arith.constant 0 : i32
        %dma_start3A_361 = tpu.memref_slice %arg8[%dma_start3A_357, %dma_start3A_359, %dma_start3A_360] : memref<8x512x16xf32, #tpu.memory_space<vmem>> -> memref<1x512x16xf32, #tpu.memory_space<vmem>>
        %dma_start3A_362 = tpu.memref_squeeze %dma_start3A_361 : memref<1x512x16xf32, #tpu.memory_space<vmem>> -> memref<512x16xf32, #tpu.memory_space<vmem>>
        %dma_start3A_363 = arith.constant 0 : i32
        %dma_start3A_364 = tpu.memref_slice %arg7[%add3A_200, %dma_start3A_363] : memref<20x512xi32, #tpu.memory_space<vmem>> -> memref<1x512xi32, #tpu.memory_space<vmem>>
        %dma_start3A_365 = tpu.memref_squeeze %dma_start3A_364 : memref<1x512xi32, #tpu.memory_space<vmem>> -> memref<512xi32, #tpu.memory_space<vmem>>
        %dma_start3A_366 = arith.constant 0 : i32
        %dma_start3A_367 = arith.constant 0 : i32
        %dma_start3A_368 = tpu.memref_slice %arg9[%dma_start3A_366, %dma_start3A_367] : memref<10240x16xf32, #tpu.memory_space<vmem_shared>> -> memref<10240x16xf32, #tpu.memory_space<vmem_shared>>
        %dma_start3A_369 = tpu.memref_slice %arg14[%dma_start3A_358] : memref<8x!tpu.dma_semaphore, #tpu.memory_space<semaphore_mem>> -> memref<1x!tpu.dma_semaphore, #tpu.memory_space<semaphore_mem>>
        %dma_start3A_370 = tpu.memref_squeeze %dma_start3A_369 : memref<1x!tpu.dma_semaphore, #tpu.memory_space<semaphore_mem>> -> memref<!tpu.dma_semaphore, #tpu.memory_space<semaphore_mem>>
        tpu.enqueue_indirect_dma source(%dma_start3A_362 : memref<512x16xf32, #tpu.memory_space<vmem>>) target(%dma_start3A_368 : memref<10240x16xf32, #tpu.memory_space<vmem_shared>>) offsets(%dma_start3A_365 : memref<512xi32, #tpu.memory_space<vmem>>) semaphore(%dma_start3A_370 : memref<!tpu.dma_semaphore, #tpu.memory_space<semaphore_mem>>) {add = true}
      } else {
      }
      %add3A_205 = arith.constant 1 : i32
      %add3A_206 = arith.addi %mul3A_198, %add3A_205 : i32
      %lt3A_207 = arith.cmpi slt, %add3A_206, %select_n3A : i32
      %convert_element_type3A_208 = arith.extui %lt3A_207 : i1 to i32
      %cond3A_209 = arith.constant 0 : i32
      %cond3A_210 = arith.cmpi ne, %convert_element_type3A_208, %cond3A_209 : i32
      scf.if %cond3A_210 {
        %dma_wait3A_343 = arith.constant 1 : i32
        %dma_wait3A_344 = arith.constant 1 : i32
        %dma_wait3A_345 = arith.constant 0 : i32
        %dma_wait3A_346 = arith.constant 0 : i32
        %dma_wait3A_347 = tpu.memref_slice %arg8[%dma_wait3A_343, %dma_wait3A_345, %dma_wait3A_346] : memref<8x512x16xf32, #tpu.memory_space<vmem>> -> memref<1x512x16xf32, #tpu.memory_space<vmem>>
        %dma_wait3A_348 = tpu.memref_squeeze %dma_wait3A_347 : memref<1x512x16xf32, #tpu.memory_space<vmem>> -> memref<512x16xf32, #tpu.memory_space<vmem>>
        %dma_wait3A_349 = arith.constant 0 : i32
        %dma_wait3A_350 = tpu.memref_slice %arg6[%add3A_206, %dma_wait3A_349] : memref<20x512xi32, #tpu.memory_space<vmem>> -> memref<1x512xi32, #tpu.memory_space<vmem>>
        %dma_wait3A_351 = tpu.memref_squeeze %dma_wait3A_350 : memref<1x512xi32, #tpu.memory_space<vmem>> -> memref<512xi32, #tpu.memory_space<vmem>>
        %dma_wait3A_352 = arith.constant 0 : i32
        %dma_wait3A_353 = arith.constant 0 : i32
        %dma_wait3A_354 = tpu.memref_slice %arg10[%dma_wait3A_352, %dma_wait3A_353] : memref<10240x16xf32, #tpu.memory_space<vmem_shared>> -> memref<10240x16xf32, #tpu.memory_space<vmem_shared>>
        %dma_wait3A_355 = tpu.memref_slice %arg13[%dma_wait3A_344] : memref<8x!tpu.dma_semaphore, #tpu.memory_space<semaphore_mem>> -> memref<1x!tpu.dma_semaphore, #tpu.memory_space<semaphore_mem>>
        %dma_wait3A_356 = tpu.memref_squeeze %dma_wait3A_355 : memref<1x!tpu.dma_semaphore, #tpu.memory_space<semaphore_mem>> -> memref<!tpu.dma_semaphore, #tpu.memory_space<semaphore_mem>>
        tpu.wait_indirect_dma semaphore(%dma_wait3A_356 : memref<!tpu.dma_semaphore, #tpu.memory_space<semaphore_mem>>) src(%dma_wait3A_354 : memref<10240x16xf32, #tpu.memory_space<vmem_shared>>) dst(%dma_wait3A_348 : memref<512x16xf32, #tpu.memory_space<vmem>>)
        %dma_start3A_357 = arith.constant 1 : i32
        %dma_start3A_358 = arith.constant 1 : i32
        %dma_start3A_359 = arith.constant 0 : i32
        %dma_start3A_360 = arith.constant 0 : i32
        %dma_start3A_361 = tpu.memref_slice %arg8[%dma_start3A_357, %dma_start3A_359, %dma_start3A_360] : memref<8x512x16xf32, #tpu.memory_space<vmem>> -> memref<1x512x16xf32, #tpu.memory_space<vmem>>
        %dma_start3A_362 = tpu.memref_squeeze %dma_start3A_361 : memref<1x512x16xf32, #tpu.memory_space<vmem>> -> memref<512x16xf32, #tpu.memory_space<vmem>>
        %dma_start3A_363 = arith.constant 0 : i32
        %dma_start3A_364 = tpu.memref_slice %arg7[%add3A_206, %dma_start3A_363] : memref<20x512xi32, #tpu.memory_space<vmem>> -> memref<1x512xi32, #tpu.memory_space<vmem>>
        %dma_start3A_365 = tpu.memref_squeeze %dma_start3A_364 : memref<1x512xi32, #tpu.memory_space<vmem>> -> memref<512xi32, #tpu.memory_space<vmem>>
        %dma_start3A_366 = arith.constant 0 : i32
        %dma_start3A_367 = arith.constant 0 : i32
        %dma_start3A_368 = tpu.memref_slice %arg9[%dma_start3A_366, %dma_start3A_367] : memref<10240x16xf32, #tpu.memory_space<vmem_shared>> -> memref<10240x16xf32, #tpu.memory_space<vmem_shared>>
        %dma_start3A_369 = tpu.memref_slice %arg14[%dma_start3A_358] : memref<8x!tpu.dma_semaphore, #tpu.memory_space<semaphore_mem>> -> memref<1x!tpu.dma_semaphore, #tpu.memory_space<semaphore_mem>>
        %dma_start3A_370 = tpu.memref_squeeze %dma_start3A_369 : memref<1x!tpu.dma_semaphore, #tpu.memory_space<semaphore_mem>> -> memref<!tpu.dma_semaphore, #tpu.memory_space<semaphore_mem>>
        tpu.enqueue_indirect_dma source(%dma_start3A_362 : memref<512x16xf32, #tpu.memory_space<vmem>>) target(%dma_start3A_368 : memref<10240x16xf32, #tpu.memory_space<vmem_shared>>) offsets(%dma_start3A_365 : memref<512xi32, #tpu.memory_space<vmem>>) semaphore(%dma_start3A_370 : memref<!tpu.dma_semaphore, #tpu.memory_space<semaphore_mem>>) {add = true}
      } else {
      }
      %add3A_211 = arith.constant 2 : i32
      %add3A_212 = arith.addi %mul3A_198, %add3A_211 : i32
      %lt3A_213 = arith.cmpi slt, %add3A_212, %select_n3A : i32
      %convert_element_type3A_214 = arith.extui %lt3A_213 : i1 to i32
      %cond3A_215 = arith.constant 0 : i32
      %cond3A_216 = arith.cmpi ne, %convert_element_type3A_214, %cond3A_215 : i32
      scf.if %cond3A_216 {
        %dma_wait3A_343 = arith.constant 2 : i32
        %dma_wait3A_344 = arith.constant 2 : i32
        %dma_wait3A_345 = arith.constant 0 : i32
        %dma_wait3A_346 = arith.constant 0 : i32
        %dma_wait3A_347 = tpu.memref_slice %arg8[%dma_wait3A_343, %dma_wait3A_345, %dma_wait3A_346] : memref<8x512x16xf32, #tpu.memory_space<vmem>> -> memref<1x512x16xf32, #tpu.memory_space<vmem>>
        %dma_wait3A_348 = tpu.memref_squeeze %dma_wait3A_347 : memref<1x512x16xf32, #tpu.memory_space<vmem>> -> memref<512x16xf32, #tpu.memory_space<vmem>>
        %dma_wait3A_349 = arith.constant 0 : i32
        %dma_wait3A_350 = tpu.memref_slice %arg6[%add3A_212, %dma_wait3A_349] : memref<20x512xi32, #tpu.memory_space<vmem>> -> memref<1x512xi32, #tpu.memory_space<vmem>>
        %dma_wait3A_351 = tpu.memref_squeeze %dma_wait3A_350 : memref<1x512xi32, #tpu.memory_space<vmem>> -> memref<512xi32, #tpu.memory_space<vmem>>
        %dma_wait3A_352 = arith.constant 0 : i32
        %dma_wait3A_353 = arith.constant 0 : i32
        %dma_wait3A_354 = tpu.memref_slice %arg10[%dma_wait3A_352, %dma_wait3A_353] : memref<10240x16xf32, #tpu.memory_space<vmem_shared>> -> memref<10240x16xf32, #tpu.memory_space<vmem_shared>>
        %dma_wait3A_355 = tpu.memref_slice %arg13[%dma_wait3A_344] : memref<8x!tpu.dma_semaphore, #tpu.memory_space<semaphore_mem>> -> memref<1x!tpu.dma_semaphore, #tpu.memory_space<semaphore_mem>>
        %dma_wait3A_356 = tpu.memref_squeeze %dma_wait3A_355 : memref<1x!tpu.dma_semaphore, #tpu.memory_space<semaphore_mem>> -> memref<!tpu.dma_semaphore, #tpu.memory_space<semaphore_mem>>
        tpu.wait_indirect_dma semaphore(%dma_wait3A_356 : memref<!tpu.dma_semaphore, #tpu.memory_space<semaphore_mem>>) src(%dma_wait3A_354 : memref<10240x16xf32, #tpu.memory_space<vmem_shared>>) dst(%dma_wait3A_348 : memref<512x16xf32, #tpu.memory_space<vmem>>)
        %dma_start3A_357 = arith.constant 2 : i32
        %dma_start3A_358 = arith.constant 2 : i32
        %dma_start3A_359 = arith.constant 0 : i32
        %dma_start3A_360 = arith.constant 0 : i32
        %dma_start3A_361 = tpu.memref_slice %arg8[%dma_start3A_357, %dma_start3A_359, %dma_start3A_360] : memref<8x512x16xf32, #tpu.memory_space<vmem>> -> memref<1x512x16xf32, #tpu.memory_space<vmem>>
        %dma_start3A_362 = tpu.memref_squeeze %dma_start3A_361 : memref<1x512x16xf32, #tpu.memory_space<vmem>> -> memref<512x16xf32, #tpu.memory_space<vmem>>
        %dma_start3A_363 = arith.constant 0 : i32
        %dma_start3A_364 = tpu.memref_slice %arg7[%add3A_212, %dma_start3A_363] : memref<20x512xi32, #tpu.memory_space<vmem>> -> memref<1x512xi32, #tpu.memory_space<vmem>>
        %dma_start3A_365 = tpu.memref_squeeze %dma_start3A_364 : memref<1x512xi32, #tpu.memory_space<vmem>> -> memref<512xi32, #tpu.memory_space<vmem>>
        %dma_start3A_366 = arith.constant 0 : i32
        %dma_start3A_367 = arith.constant 0 : i32
        %dma_start3A_368 = tpu.memref_slice %arg9[%dma_start3A_366, %dma_start3A_367] : memref<10240x16xf32, #tpu.memory_space<vmem_shared>> -> memref<10240x16xf32, #tpu.memory_space<vmem_shared>>
        %dma_start3A_369 = tpu.memref_slice %arg14[%dma_start3A_358] : memref<8x!tpu.dma_semaphore, #tpu.memory_space<semaphore_mem>> -> memref<1x!tpu.dma_semaphore, #tpu.memory_space<semaphore_mem>>
        %dma_start3A_370 = tpu.memref_squeeze %dma_start3A_369 : memref<1x!tpu.dma_semaphore, #tpu.memory_space<semaphore_mem>> -> memref<!tpu.dma_semaphore, #tpu.memory_space<semaphore_mem>>
        tpu.enqueue_indirect_dma source(%dma_start3A_362 : memref<512x16xf32, #tpu.memory_space<vmem>>) target(%dma_start3A_368 : memref<10240x16xf32, #tpu.memory_space<vmem_shared>>) offsets(%dma_start3A_365 : memref<512xi32, #tpu.memory_space<vmem>>) semaphore(%dma_start3A_370 : memref<!tpu.dma_semaphore, #tpu.memory_space<semaphore_mem>>) {add = true}
      } else {
      }
      %add3A_217 = arith.constant 3 : i32
      %add3A_218 = arith.addi %mul3A_198, %add3A_217 : i32
      %lt3A_219 = arith.cmpi slt, %add3A_218, %select_n3A : i32
      %convert_element_type3A_220 = arith.extui %lt3A_219 : i1 to i32
      %cond3A_221 = arith.constant 0 : i32
      %cond3A_222 = arith.cmpi ne, %convert_element_type3A_220, %cond3A_221 : i32
      scf.if %cond3A_222 {
        %dma_wait3A_343 = arith.constant 3 : i32
        %dma_wait3A_344 = arith.constant 3 : i32
        %dma_wait3A_345 = arith.constant 0 : i32
        %dma_wait3A_346 = arith.constant 0 : i32
        %dma_wait3A_347 = tpu.memref_slice %arg8[%dma_wait3A_343, %dma_wait3A_345, %dma_wait3A_346] : memref<8x512x16xf32, #tpu.memory_space<vmem>> -> memref<1x512x16xf32, #tpu.memory_space<vmem>>
        %dma_wait3A_348 = tpu.memref_squeeze %dma_wait3A_347 : memref<1x512x16xf32, #tpu.memory_space<vmem>> -> memref<512x16xf32, #tpu.memory_space<vmem>>
        %dma_wait3A_349 = arith.constant 0 : i32
        %dma_wait3A_350 = tpu.memref_slice %arg6[%add3A_218, %dma_wait3A_349] : memref<20x512xi32, #tpu.memory_space<vmem>> -> memref<1x512xi32, #tpu.memory_space<vmem>>
        %dma_wait3A_351 = tpu.memref_squeeze %dma_wait3A_350 : memref<1x512xi32, #tpu.memory_space<vmem>> -> memref<512xi32, #tpu.memory_space<vmem>>
        %dma_wait3A_352 = arith.constant 0 : i32
        %dma_wait3A_353 = arith.constant 0 : i32
        %dma_wait3A_354 = tpu.memref_slice %arg10[%dma_wait3A_352, %dma_wait3A_353] : memref<10240x16xf32, #tpu.memory_space<vmem_shared>> -> memref<10240x16xf32, #tpu.memory_space<vmem_shared>>
        %dma_wait3A_355 = tpu.memref_slice %arg13[%dma_wait3A_344] : memref<8x!tpu.dma_semaphore, #tpu.memory_space<semaphore_mem>> -> memref<1x!tpu.dma_semaphore, #tpu.memory_space<semaphore_mem>>
        %dma_wait3A_356 = tpu.memref_squeeze %dma_wait3A_355 : memref<1x!tpu.dma_semaphore, #tpu.memory_space<semaphore_mem>> -> memref<!tpu.dma_semaphore, #tpu.memory_space<semaphore_mem>>
        tpu.wait_indirect_dma semaphore(%dma_wait3A_356 : memref<!tpu.dma_semaphore, #tpu.memory_space<semaphore_mem>>) src(%dma_wait3A_354 : memref<10240x16xf32, #tpu.memory_space<vmem_shared>>) dst(%dma_wait3A_348 : memref<512x16xf32, #tpu.memory_space<vmem>>)
        %dma_start3A_357 = arith.constant 3 : i32
        %dma_start3A_358 = arith.constant 3 : i32
        %dma_start3A_359 = arith.constant 0 : i32
        %dma_start3A_360 = arith.constant 0 : i32
        %dma_start3A_361 = tpu.memref_slice %arg8[%dma_start3A_357, %dma_start3A_359, %dma_start3A_360] : memref<8x512x16xf32, #tpu.memory_space<vmem>> -> memref<1x512x16xf32, #tpu.memory_space<vmem>>
        %dma_start3A_362 = tpu.memref_squeeze %dma_start3A_361 : memref<1x512x16xf32, #tpu.memory_space<vmem>> -> memref<512x16xf32, #tpu.memory_space<vmem>>
        %dma_start3A_363 = arith.constant 0 : i32
        %dma_start3A_364 = tpu.memref_slice %arg7[%add3A_218, %dma_start3A_363] : memref<20x512xi32, #tpu.memory_space<vmem>> -> memref<1x512xi32, #tpu.memory_space<vmem>>
        %dma_start3A_365 = tpu.memref_squeeze %dma_start3A_364 : memref<1x512xi32, #tpu.memory_space<vmem>> -> memref<512xi32, #tpu.memory_space<vmem>>
        %dma_start3A_366 = arith.constant 0 : i32
        %dma_start3A_367 = arith.constant 0 : i32
        %dma_start3A_368 = tpu.memref_slice %arg9[%dma_start3A_366, %dma_start3A_367] : memref<10240x16xf32, #tpu.memory_space<vmem_shared>> -> memref<10240x16xf32, #tpu.memory_space<vmem_shared>>
        %dma_start3A_369 = tpu.memref_slice %arg14[%dma_start3A_358] : memref<8x!tpu.dma_semaphore, #tpu.memory_space<semaphore_mem>> -> memref<1x!tpu.dma_semaphore, #tpu.memory_space<semaphore_mem>>
        %dma_start3A_370 = tpu.memref_squeeze %dma_start3A_369 : memref<1x!tpu.dma_semaphore, #tpu.memory_space<semaphore_mem>> -> memref<!tpu.dma_semaphore, #tpu.memory_space<semaphore_mem>>
        tpu.enqueue_indirect_dma source(%dma_start3A_362 : memref<512x16xf32, #tpu.memory_space<vmem>>) target(%dma_start3A_368 : memref<10240x16xf32, #tpu.memory_space<vmem_shared>>) offsets(%dma_start3A_365 : memref<512xi32, #tpu.memory_space<vmem>>) semaphore(%dma_start3A_370 : memref<!tpu.dma_semaphore, #tpu.memory_space<semaphore_mem>>) {add = true}
      } else {
      }
      %add3A_223 = arith.constant 4 : i32
      %add3A_224 = arith.addi %mul3A_198, %add3A_223 : i32
      %lt3A_225 = arith.cmpi slt, %add3A_224, %select_n3A : i32
      %convert_element_type3A_226 = arith.extui %lt3A_225 : i1 to i32
      %cond3A_227 = arith.constant 0 : i32
      %cond3A_228 = arith.cmpi ne, %convert_element_type3A_226, %cond3A_227 : i32
      scf.if %cond3A_228 {
        %dma_wait3A_343 = arith.constant 4 : i32
        %dma_wait3A_344 = arith.constant 4 : i32
        %dma_wait3A_345 = arith.constant 0 : i32
        %dma_wait3A_346 = arith.constant 0 : i32
        %dma_wait3A_347 = tpu.memref_slice %arg8[%dma_wait3A_343, %dma_wait3A_345, %dma_wait3A_346] : memref<8x512x16xf32, #tpu.memory_space<vmem>> -> memref<1x512x16xf32, #tpu.memory_space<vmem>>
        %dma_wait3A_348 = tpu.memref_squeeze %dma_wait3A_347 : memref<1x512x16xf32, #tpu.memory_space<vmem>> -> memref<512x16xf32, #tpu.memory_space<vmem>>
        %dma_wait3A_349 = arith.constant 0 : i32
        %dma_wait3A_350 = tpu.memref_slice %arg6[%add3A_224, %dma_wait3A_349] : memref<20x512xi32, #tpu.memory_space<vmem>> -> memref<1x512xi32, #tpu.memory_space<vmem>>
        %dma_wait3A_351 = tpu.memref_squeeze %dma_wait3A_350 : memref<1x512xi32, #tpu.memory_space<vmem>> -> memref<512xi32, #tpu.memory_space<vmem>>
        %dma_wait3A_352 = arith.constant 0 : i32
        %dma_wait3A_353 = arith.constant 0 : i32
        %dma_wait3A_354 = tpu.memref_slice %arg10[%dma_wait3A_352, %dma_wait3A_353] : memref<10240x16xf32, #tpu.memory_space<vmem_shared>> -> memref<10240x16xf32, #tpu.memory_space<vmem_shared>>
        %dma_wait3A_355 = tpu.memref_slice %arg13[%dma_wait3A_344] : memref<8x!tpu.dma_semaphore, #tpu.memory_space<semaphore_mem>> -> memref<1x!tpu.dma_semaphore, #tpu.memory_space<semaphore_mem>>
        %dma_wait3A_356 = tpu.memref_squeeze %dma_wait3A_355 : memref<1x!tpu.dma_semaphore, #tpu.memory_space<semaphore_mem>> -> memref<!tpu.dma_semaphore, #tpu.memory_space<semaphore_mem>>
        tpu.wait_indirect_dma semaphore(%dma_wait3A_356 : memref<!tpu.dma_semaphore, #tpu.memory_space<semaphore_mem>>) src(%dma_wait3A_354 : memref<10240x16xf32, #tpu.memory_space<vmem_shared>>) dst(%dma_wait3A_348 : memref<512x16xf32, #tpu.memory_space<vmem>>)
        %dma_start3A_357 = arith.constant 4 : i32
        %dma_start3A_358 = arith.constant 4 : i32
        %dma_start3A_359 = arith.constant 0 : i32
        %dma_start3A_360 = arith.constant 0 : i32
        %dma_start3A_361 = tpu.memref_slice %arg8[%dma_start3A_357, %dma_start3A_359, %dma_start3A_360] : memref<8x512x16xf32, #tpu.memory_space<vmem>> -> memref<1x512x16xf32, #tpu.memory_space<vmem>>
        %dma_start3A_362 = tpu.memref_squeeze %dma_start3A_361 : memref<1x512x16xf32, #tpu.memory_space<vmem>> -> memref<512x16xf32, #tpu.memory_space<vmem>>
        %dma_start3A_363 = arith.constant 0 : i32
        %dma_start3A_364 = tpu.memref_slice %arg7[%add3A_224, %dma_start3A_363] : memref<20x512xi32, #tpu.memory_space<vmem>> -> memref<1x512xi32, #tpu.memory_space<vmem>>
        %dma_start3A_365 = tpu.memref_squeeze %dma_start3A_364 : memref<1x512xi32, #tpu.memory_space<vmem>> -> memref<512xi32, #tpu.memory_space<vmem>>
        %dma_start3A_366 = arith.constant 0 : i32
        %dma_start3A_367 = arith.constant 0 : i32
        %dma_start3A_368 = tpu.memref_slice %arg9[%dma_start3A_366, %dma_start3A_367] : memref<10240x16xf32, #tpu.memory_space<vmem_shared>> -> memref<10240x16xf32, #tpu.memory_space<vmem_shared>>
        %dma_start3A_369 = tpu.memref_slice %arg14[%dma_start3A_358] : memref<8x!tpu.dma_semaphore, #tpu.memory_space<semaphore_mem>> -> memref<1x!tpu.dma_semaphore, #tpu.memory_space<semaphore_mem>>
        %dma_start3A_370 = tpu.memref_squeeze %dma_start3A_369 : memref<1x!tpu.dma_semaphore, #tpu.memory_space<semaphore_mem>> -> memref<!tpu.dma_semaphore, #tpu.memory_space<semaphore_mem>>
        tpu.enqueue_indirect_dma source(%dma_start3A_362 : memref<512x16xf32, #tpu.memory_space<vmem>>) target(%dma_start3A_368 : memref<10240x16xf32, #tpu.memory_space<vmem_shared>>) offsets(%dma_start3A_365 : memref<512xi32, #tpu.memory_space<vmem>>) semaphore(%dma_start3A_370 : memref<!tpu.dma_semaphore, #tpu.memory_space<semaphore_mem>>) {add = true}
      } else {
      }
      %add3A_229 = arith.constant 5 : i32
      %add3A_230 = arith.addi %mul3A_198, %add3A_229 : i32
      %lt3A_231 = arith.cmpi slt, %add3A_230, %select_n3A : i32
      %convert_element_type3A_232 = arith.extui %lt3A_231 : i1 to i32
      %cond3A_233 = arith.constant 0 : i32
      %cond3A_234 = arith.cmpi ne, %convert_element_type3A_232, %cond3A_233 : i32
      scf.if %cond3A_234 {
        %dma_wait3A_343 = arith.constant 5 : i32
        %dma_wait3A_344 = arith.constant 5 : i32
        %dma_wait3A_345 = arith.constant 0 : i32
        %dma_wait3A_346 = arith.constant 0 : i32
        %dma_wait3A_347 = tpu.memref_slice %arg8[%dma_wait3A_343, %dma_wait3A_345, %dma_wait3A_346] : memref<8x512x16xf32, #tpu.memory_space<vmem>> -> memref<1x512x16xf32, #tpu.memory_space<vmem>>
        %dma_wait3A_348 = tpu.memref_squeeze %dma_wait3A_347 : memref<1x512x16xf32, #tpu.memory_space<vmem>> -> memref<512x16xf32, #tpu.memory_space<vmem>>
        %dma_wait3A_349 = arith.constant 0 : i32
        %dma_wait3A_350 = tpu.memref_slice %arg6[%add3A_230, %dma_wait3A_349] : memref<20x512xi32, #tpu.memory_space<vmem>> -> memref<1x512xi32, #tpu.memory_space<vmem>>
        %dma_wait3A_351 = tpu.memref_squeeze %dma_wait3A_350 : memref<1x512xi32, #tpu.memory_space<vmem>> -> memref<512xi32, #tpu.memory_space<vmem>>
        %dma_wait3A_352 = arith.constant 0 : i32
        %dma_wait3A_353 = arith.constant 0 : i32
        %dma_wait3A_354 = tpu.memref_slice %arg10[%dma_wait3A_352, %dma_wait3A_353] : memref<10240x16xf32, #tpu.memory_space<vmem_shared>> -> memref<10240x16xf32, #tpu.memory_space<vmem_shared>>
        %dma_wait3A_355 = tpu.memref_slice %arg13[%dma_wait3A_344] : memref<8x!tpu.dma_semaphore, #tpu.memory_space<semaphore_mem>> -> memref<1x!tpu.dma_semaphore, #tpu.memory_space<semaphore_mem>>
        %dma_wait3A_356 = tpu.memref_squeeze %dma_wait3A_355 : memref<1x!tpu.dma_semaphore, #tpu.memory_space<semaphore_mem>> -> memref<!tpu.dma_semaphore, #tpu.memory_space<semaphore_mem>>
        tpu.wait_indirect_dma semaphore(%dma_wait3A_356 : memref<!tpu.dma_semaphore, #tpu.memory_space<semaphore_mem>>) src(%dma_wait3A_354 : memref<10240x16xf32, #tpu.memory_space<vmem_shared>>) dst(%dma_wait3A_348 : memref<512x16xf32, #tpu.memory_space<vmem>>)
        %dma_start3A_357 = arith.constant 5 : i32
        %dma_start3A_358 = arith.constant 5 : i32
        %dma_start3A_359 = arith.constant 0 : i32
        %dma_start3A_360 = arith.constant 0 : i32
        %dma_start3A_361 = tpu.memref_slice %arg8[%dma_start3A_357, %dma_start3A_359, %dma_start3A_360] : memref<8x512x16xf32, #tpu.memory_space<vmem>> -> memref<1x512x16xf32, #tpu.memory_space<vmem>>
        %dma_start3A_362 = tpu.memref_squeeze %dma_start3A_361 : memref<1x512x16xf32, #tpu.memory_space<vmem>> -> memref<512x16xf32, #tpu.memory_space<vmem>>
        %dma_start3A_363 = arith.constant 0 : i32
        %dma_start3A_364 = tpu.memref_slice %arg7[%add3A_230, %dma_start3A_363] : memref<20x512xi32, #tpu.memory_space<vmem>> -> memref<1x512xi32, #tpu.memory_space<vmem>>
        %dma_start3A_365 = tpu.memref_squeeze %dma_start3A_364 : memref<1x512xi32, #tpu.memory_space<vmem>> -> memref<512xi32, #tpu.memory_space<vmem>>
        %dma_start3A_366 = arith.constant 0 : i32
        %dma_start3A_367 = arith.constant 0 : i32
        %dma_start3A_368 = tpu.memref_slice %arg9[%dma_start3A_366, %dma_start3A_367] : memref<10240x16xf32, #tpu.memory_space<vmem_shared>> -> memref<10240x16xf32, #tpu.memory_space<vmem_shared>>
        %dma_start3A_369 = tpu.memref_slice %arg14[%dma_start3A_358] : memref<8x!tpu.dma_semaphore, #tpu.memory_space<semaphore_mem>> -> memref<1x!tpu.dma_semaphore, #tpu.memory_space<semaphore_mem>>
        %dma_start3A_370 = tpu.memref_squeeze %dma_start3A_369 : memref<1x!tpu.dma_semaphore, #tpu.memory_space<semaphore_mem>> -> memref<!tpu.dma_semaphore, #tpu.memory_space<semaphore_mem>>
        tpu.enqueue_indirect_dma source(%dma_start3A_362 : memref<512x16xf32, #tpu.memory_space<vmem>>) target(%dma_start3A_368 : memref<10240x16xf32, #tpu.memory_space<vmem_shared>>) offsets(%dma_start3A_365 : memref<512xi32, #tpu.memory_space<vmem>>) semaphore(%dma_start3A_370 : memref<!tpu.dma_semaphore, #tpu.memory_space<semaphore_mem>>) {add = true}
      } else {
      }
      %add3A_235 = arith.constant 6 : i32
      %add3A_236 = arith.addi %mul3A_198, %add3A_235 : i32
      %lt3A_237 = arith.cmpi slt, %add3A_236, %select_n3A : i32
      %convert_element_type3A_238 = arith.extui %lt3A_237 : i1 to i32
      %cond3A_239 = arith.constant 0 : i32
      %cond3A_240 = arith.cmpi ne, %convert_element_type3A_238, %cond3A_239 : i32
      scf.if %cond3A_240 {
        %dma_wait3A_343 = arith.constant 6 : i32
        %dma_wait3A_344 = arith.constant 6 : i32
        %dma_wait3A_345 = arith.constant 0 : i32
        %dma_wait3A_346 = arith.constant 0 : i32
        %dma_wait3A_347 = tpu.memref_slice %arg8[%dma_wait3A_343, %dma_wait3A_345, %dma_wait3A_346] : memref<8x512x16xf32, #tpu.memory_space<vmem>> -> memref<1x512x16xf32, #tpu.memory_space<vmem>>
        %dma_wait3A_348 = tpu.memref_squeeze %dma_wait3A_347 : memref<1x512x16xf32, #tpu.memory_space<vmem>> -> memref<512x16xf32, #tpu.memory_space<vmem>>
        %dma_wait3A_349 = arith.constant 0 : i32
        %dma_wait3A_350 = tpu.memref_slice %arg6[%add3A_236, %dma_wait3A_349] : memref<20x512xi32, #tpu.memory_space<vmem>> -> memref<1x512xi32, #tpu.memory_space<vmem>>
        %dma_wait3A_351 = tpu.memref_squeeze %dma_wait3A_350 : memref<1x512xi32, #tpu.memory_space<vmem>> -> memref<512xi32, #tpu.memory_space<vmem>>
        %dma_wait3A_352 = arith.constant 0 : i32
        %dma_wait3A_353 = arith.constant 0 : i32
        %dma_wait3A_354 = tpu.memref_slice %arg10[%dma_wait3A_352, %dma_wait3A_353] : memref<10240x16xf32, #tpu.memory_space<vmem_shared>> -> memref<10240x16xf32, #tpu.memory_space<vmem_shared>>
        %dma_wait3A_355 = tpu.memref_slice %arg13[%dma_wait3A_344] : memref<8x!tpu.dma_semaphore, #tpu.memory_space<semaphore_mem>> -> memref<1x!tpu.dma_semaphore, #tpu.memory_space<semaphore_mem>>
        %dma_wait3A_356 = tpu.memref_squeeze %dma_wait3A_355 : memref<1x!tpu.dma_semaphore, #tpu.memory_space<semaphore_mem>> -> memref<!tpu.dma_semaphore, #tpu.memory_space<semaphore_mem>>
        tpu.wait_indirect_dma semaphore(%dma_wait3A_356 : memref<!tpu.dma_semaphore, #tpu.memory_space<semaphore_mem>>) src(%dma_wait3A_354 : memref<10240x16xf32, #tpu.memory_space<vmem_shared>>) dst(%dma_wait3A_348 : memref<512x16xf32, #tpu.memory_space<vmem>>)
        %dma_start3A_357 = arith.constant 6 : i32
        %dma_start3A_358 = arith.constant 6 : i32
        %dma_start3A_359 = arith.constant 0 : i32
        %dma_start3A_360 = arith.constant 0 : i32
        %dma_start3A_361 = tpu.memref_slice %arg8[%dma_start3A_357, %dma_start3A_359, %dma_start3A_360] : memref<8x512x16xf32, #tpu.memory_space<vmem>> -> memref<1x512x16xf32, #tpu.memory_space<vmem>>
        %dma_start3A_362 = tpu.memref_squeeze %dma_start3A_361 : memref<1x512x16xf32, #tpu.memory_space<vmem>> -> memref<512x16xf32, #tpu.memory_space<vmem>>
        %dma_start3A_363 = arith.constant 0 : i32
        %dma_start3A_364 = tpu.memref_slice %arg7[%add3A_236, %dma_start3A_363] : memref<20x512xi32, #tpu.memory_space<vmem>> -> memref<1x512xi32, #tpu.memory_space<vmem>>
        %dma_start3A_365 = tpu.memref_squeeze %dma_start3A_364 : memref<1x512xi32, #tpu.memory_space<vmem>> -> memref<512xi32, #tpu.memory_space<vmem>>
        %dma_start3A_366 = arith.constant 0 : i32
        %dma_start3A_367 = arith.constant 0 : i32
        %dma_start3A_368 = tpu.memref_slice %arg9[%dma_start3A_366, %dma_start3A_367] : memref<10240x16xf32, #tpu.memory_space<vmem_shared>> -> memref<10240x16xf32, #tpu.memory_space<vmem_shared>>
        %dma_start3A_369 = tpu.memref_slice %arg14[%dma_start3A_358] : memref<8x!tpu.dma_semaphore, #tpu.memory_space<semaphore_mem>> -> memref<1x!tpu.dma_semaphore, #tpu.memory_space<semaphore_mem>>
        %dma_start3A_370 = tpu.memref_squeeze %dma_start3A_369 : memref<1x!tpu.dma_semaphore, #tpu.memory_space<semaphore_mem>> -> memref<!tpu.dma_semaphore, #tpu.memory_space<semaphore_mem>>
        tpu.enqueue_indirect_dma source(%dma_start3A_362 : memref<512x16xf32, #tpu.memory_space<vmem>>) target(%dma_start3A_368 : memref<10240x16xf32, #tpu.memory_space<vmem_shared>>) offsets(%dma_start3A_365 : memref<512xi32, #tpu.memory_space<vmem>>) semaphore(%dma_start3A_370 : memref<!tpu.dma_semaphore, #tpu.memory_space<semaphore_mem>>) {add = true}
      } else {
      }
      %add3A_241 = arith.constant 7 : i32
      %add3A_242 = arith.addi %mul3A_198, %add3A_241 : i32
      %lt3A_243 = arith.cmpi slt, %add3A_242, %select_n3A : i32
      %convert_element_type3A_244 = arith.extui %lt3A_243 : i1 to i32
      %cond3A_245 = arith.constant 0 : i32
      %cond3A_246 = arith.cmpi ne, %convert_element_type3A_244, %cond3A_245 : i32
      scf.if %cond3A_246 {
        %dma_wait3A_343 = arith.constant 7 : i32
        %dma_wait3A_344 = arith.constant 7 : i32
        %dma_wait3A_345 = arith.constant 0 : i32
        %dma_wait3A_346 = arith.constant 0 : i32
        %dma_wait3A_347 = tpu.memref_slice %arg8[%dma_wait3A_343, %dma_wait3A_345, %dma_wait3A_346] : memref<8x512x16xf32, #tpu.memory_space<vmem>> -> memref<1x512x16xf32, #tpu.memory_space<vmem>>
        %dma_wait3A_348 = tpu.memref_squeeze %dma_wait3A_347 : memref<1x512x16xf32, #tpu.memory_space<vmem>> -> memref<512x16xf32, #tpu.memory_space<vmem>>
        %dma_wait3A_349 = arith.constant 0 : i32
        %dma_wait3A_350 = tpu.memref_slice %arg6[%add3A_242, %dma_wait3A_349] : memref<20x512xi32, #tpu.memory_space<vmem>> -> memref<1x512xi32, #tpu.memory_space<vmem>>
        %dma_wait3A_351 = tpu.memref_squeeze %dma_wait3A_350 : memref<1x512xi32, #tpu.memory_space<vmem>> -> memref<512xi32, #tpu.memory_space<vmem>>
        %dma_wait3A_352 = arith.constant 0 : i32
        %dma_wait3A_353 = arith.constant 0 : i32
        %dma_wait3A_354 = tpu.memref_slice %arg10[%dma_wait3A_352, %dma_wait3A_353] : memref<10240x16xf32, #tpu.memory_space<vmem_shared>> -> memref<10240x16xf32, #tpu.memory_space<vmem_shared>>
        %dma_wait3A_355 = tpu.memref_slice %arg13[%dma_wait3A_344] : memref<8x!tpu.dma_semaphore, #tpu.memory_space<semaphore_mem>> -> memref<1x!tpu.dma_semaphore, #tpu.memory_space<semaphore_mem>>
        %dma_wait3A_356 = tpu.memref_squeeze %dma_wait3A_355 : memref<1x!tpu.dma_semaphore, #tpu.memory_space<semaphore_mem>> -> memref<!tpu.dma_semaphore, #tpu.memory_space<semaphore_mem>>
        tpu.wait_indirect_dma semaphore(%dma_wait3A_356 : memref<!tpu.dma_semaphore, #tpu.memory_space<semaphore_mem>>) src(%dma_wait3A_354 : memref<10240x16xf32, #tpu.memory_space<vmem_shared>>) dst(%dma_wait3A_348 : memref<512x16xf32, #tpu.memory_space<vmem>>)
        %dma_start3A_357 = arith.constant 7 : i32
        %dma_start3A_358 = arith.constant 7 : i32
        %dma_start3A_359 = arith.constant 0 : i32
        %dma_start3A_360 = arith.constant 0 : i32
        %dma_start3A_361 = tpu.memref_slice %arg8[%dma_start3A_357, %dma_start3A_359, %dma_start3A_360] : memref<8x512x16xf32, #tpu.memory_space<vmem>> -> memref<1x512x16xf32, #tpu.memory_space<vmem>>
        %dma_start3A_362 = tpu.memref_squeeze %dma_start3A_361 : memref<1x512x16xf32, #tpu.memory_space<vmem>> -> memref<512x16xf32, #tpu.memory_space<vmem>>
        %dma_start3A_363 = arith.constant 0 : i32
        %dma_start3A_364 = tpu.memref_slice %arg7[%add3A_242, %dma_start3A_363] : memref<20x512xi32, #tpu.memory_space<vmem>> -> memref<1x512xi32, #tpu.memory_space<vmem>>
        %dma_start3A_365 = tpu.memref_squeeze %dma_start3A_364 : memref<1x512xi32, #tpu.memory_space<vmem>> -> memref<512xi32, #tpu.memory_space<vmem>>
        %dma_start3A_366 = arith.constant 0 : i32
        %dma_start3A_367 = arith.constant 0 : i32
        %dma_start3A_368 = tpu.memref_slice %arg9[%dma_start3A_366, %dma_start3A_367] : memref<10240x16xf32, #tpu.memory_space<vmem_shared>> -> memref<10240x16xf32, #tpu.memory_space<vmem_shared>>
        %dma_start3A_369 = tpu.memref_slice %arg14[%dma_start3A_358] : memref<8x!tpu.dma_semaphore, #tpu.memory_space<semaphore_mem>> -> memref<1x!tpu.dma_semaphore, #tpu.memory_space<semaphore_mem>>
        %dma_start3A_370 = tpu.memref_squeeze %dma_start3A_369 : memref<1x!tpu.dma_semaphore, #tpu.memory_space<semaphore_mem>> -> memref<!tpu.dma_semaphore, #tpu.memory_space<semaphore_mem>>
        tpu.enqueue_indirect_dma source(%dma_start3A_362 : memref<512x16xf32, #tpu.memory_space<vmem>>) target(%dma_start3A_368 : memref<10240x16xf32, #tpu.memory_space<vmem_shared>>) offsets(%dma_start3A_365 : memref<512xi32, #tpu.memory_space<vmem>>) semaphore(%dma_start3A_370 : memref<!tpu.dma_semaphore, #tpu.memory_space<semaphore_mem>>) {add = true}
      } else {
      }
      %add3A_247 = arith.constant 0 : i32
      %add3A_248 = arith.addi %mul3A_198, %add3A_247 : i32
      %add3A_249 = arith.constant 8 : i32
      %add3A_250 = arith.addi %add3A_248, %add3A_249 : i32
      %lt3A_251 = arith.cmpi slt, %add3A_248, %select_n3A : i32
      %convert_element_type3A_252 = arith.extui %lt3A_251 : i1 to i32
      %cond3A_253 = arith.constant 0 : i32
      %cond3A_254 = arith.cmpi ne, %convert_element_type3A_252, %cond3A_253 : i32
      scf.if %cond3A_254 {
        %dma_wait3A_343 = arith.constant 0 : i32
        %dma_wait3A_344 = arith.constant 0 : i32
        %dma_wait3A_345 = arith.constant 0 : i32
        %dma_wait3A_346 = arith.constant 0 : i32
        %dma_wait3A_347 = tpu.memref_slice %arg8[%dma_wait3A_343, %dma_wait3A_345, %dma_wait3A_346] : memref<8x512x16xf32, #tpu.memory_space<vmem>> -> memref<1x512x16xf32, #tpu.memory_space<vmem>>
        %dma_wait3A_348 = tpu.memref_squeeze %dma_wait3A_347 : memref<1x512x16xf32, #tpu.memory_space<vmem>> -> memref<512x16xf32, #tpu.memory_space<vmem>>
        %dma_wait3A_349 = arith.constant 0 : i32
        %dma_wait3A_350 = tpu.memref_slice %arg7[%add3A_248, %dma_wait3A_349] : memref<20x512xi32, #tpu.memory_space<vmem>> -> memref<1x512xi32, #tpu.memory_space<vmem>>
        %dma_wait3A_351 = tpu.memref_squeeze %dma_wait3A_350 : memref<1x512xi32, #tpu.memory_space<vmem>> -> memref<512xi32, #tpu.memory_space<vmem>>
        %dma_wait3A_352 = arith.constant 0 : i32
        %dma_wait3A_353 = arith.constant 0 : i32
        %dma_wait3A_354 = tpu.memref_slice %arg9[%dma_wait3A_352, %dma_wait3A_353] : memref<10240x16xf32, #tpu.memory_space<vmem_shared>> -> memref<10240x16xf32, #tpu.memory_space<vmem_shared>>
        %dma_wait3A_355 = tpu.memref_slice %arg14[%dma_wait3A_344] : memref<8x!tpu.dma_semaphore, #tpu.memory_space<semaphore_mem>> -> memref<1x!tpu.dma_semaphore, #tpu.memory_space<semaphore_mem>>
        %dma_wait3A_356 = tpu.memref_squeeze %dma_wait3A_355 : memref<1x!tpu.dma_semaphore, #tpu.memory_space<semaphore_mem>> -> memref<!tpu.dma_semaphore, #tpu.memory_space<semaphore_mem>>
        tpu.wait_indirect_dma semaphore(%dma_wait3A_356 : memref<!tpu.dma_semaphore, #tpu.memory_space<semaphore_mem>>) src(%dma_wait3A_348 : memref<512x16xf32, #tpu.memory_space<vmem>>) dst(%dma_wait3A_354 : memref<10240x16xf32, #tpu.memory_space<vmem_shared>>)
      } else {
      }
      %lt3A_255 = arith.cmpi slt, %add3A_250, %select_n3A : i32
      %convert_element_type3A_256 = arith.extui %lt3A_255 : i1 to i32
      %cond3A_257 = arith.constant 0 : i32
      %cond3A_258 = arith.cmpi ne, %convert_element_type3A_256, %cond3A_257 : i32
      scf.if %cond3A_258 {
        %dma_start3A_343 = arith.constant 0 : i32
        %dma_start3A_344 = arith.constant 0 : i32
        %dma_start3A_345 = arith.constant 0 : i32
        %dma_start3A_346 = arith.constant 0 : i32
        %dma_start3A_347 = tpu.memref_slice %arg8[%dma_start3A_343, %dma_start3A_345, %dma_start3A_346] : memref<8x512x16xf32, #tpu.memory_space<vmem>> -> memref<1x512x16xf32, #tpu.memory_space<vmem>>
        %dma_start3A_348 = tpu.memref_squeeze %dma_start3A_347 : memref<1x512x16xf32, #tpu.memory_space<vmem>> -> memref<512x16xf32, #tpu.memory_space<vmem>>
        %dma_start3A_349 = arith.constant 0 : i32
        %dma_start3A_350 = tpu.memref_slice %arg6[%add3A_250, %dma_start3A_349] : memref<20x512xi32, #tpu.memory_space<vmem>> -> memref<1x512xi32, #tpu.memory_space<vmem>>
        %dma_start3A_351 = tpu.memref_squeeze %dma_start3A_350 : memref<1x512xi32, #tpu.memory_space<vmem>> -> memref<512xi32, #tpu.memory_space<vmem>>
        %dma_start3A_352 = arith.constant 0 : i32
        %dma_start3A_353 = arith.constant 0 : i32
        %dma_start3A_354 = tpu.memref_slice %arg10[%dma_start3A_352, %dma_start3A_353] : memref<10240x16xf32, #tpu.memory_space<vmem_shared>> -> memref<10240x16xf32, #tpu.memory_space<vmem_shared>>
        %dma_start3A_355 = tpu.memref_slice %arg13[%dma_start3A_344] : memref<8x!tpu.dma_semaphore, #tpu.memory_space<semaphore_mem>> -> memref<1x!tpu.dma_semaphore, #tpu.memory_space<semaphore_mem>>
        %dma_start3A_356 = tpu.memref_squeeze %dma_start3A_355 : memref<1x!tpu.dma_semaphore, #tpu.memory_space<semaphore_mem>> -> memref<!tpu.dma_semaphore, #tpu.memory_space<semaphore_mem>>
        tpu.enqueue_indirect_dma source(%dma_start3A_354 : memref<10240x16xf32, #tpu.memory_space<vmem_shared>>) target(%dma_start3A_348 : memref<512x16xf32, #tpu.memory_space<vmem>>) offsets(%dma_start3A_351 : memref<512xi32, #tpu.memory_space<vmem>>) semaphore(%dma_start3A_356 : memref<!tpu.dma_semaphore, #tpu.memory_space<semaphore_mem>>)
      } else {
      }
      %add3A_259 = arith.constant 1 : i32
      %add3A_260 = arith.addi %mul3A_198, %add3A_259 : i32
      %add3A_261 = arith.constant 8 : i32
      %add3A_262 = arith.addi %add3A_260, %add3A_261 : i32
      %lt3A_263 = arith.cmpi slt, %add3A_260, %select_n3A : i32
      %convert_element_type3A_264 = arith.extui %lt3A_263 : i1 to i32
      %cond3A_265 = arith.constant 0 : i32
      %cond3A_266 = arith.cmpi ne, %convert_element_type3A_264, %cond3A_265 : i32
      scf.if %cond3A_266 {
        %dma_wait3A_343 = arith.constant 1 : i32
        %dma_wait3A_344 = arith.constant 1 : i32
        %dma_wait3A_345 = arith.constant 0 : i32
        %dma_wait3A_346 = arith.constant 0 : i32
        %dma_wait3A_347 = tpu.memref_slice %arg8[%dma_wait3A_343, %dma_wait3A_345, %dma_wait3A_346] : memref<8x512x16xf32, #tpu.memory_space<vmem>> -> memref<1x512x16xf32, #tpu.memory_space<vmem>>
        %dma_wait3A_348 = tpu.memref_squeeze %dma_wait3A_347 : memref<1x512x16xf32, #tpu.memory_space<vmem>> -> memref<512x16xf32, #tpu.memory_space<vmem>>
        %dma_wait3A_349 = arith.constant 0 : i32
        %dma_wait3A_350 = tpu.memref_slice %arg7[%add3A_260, %dma_wait3A_349] : memref<20x512xi32, #tpu.memory_space<vmem>> -> memref<1x512xi32, #tpu.memory_space<vmem>>
        %dma_wait3A_351 = tpu.memref_squeeze %dma_wait3A_350 : memref<1x512xi32, #tpu.memory_space<vmem>> -> memref<512xi32, #tpu.memory_space<vmem>>
        %dma_wait3A_352 = arith.constant 0 : i32
        %dma_wait3A_353 = arith.constant 0 : i32
        %dma_wait3A_354 = tpu.memref_slice %arg9[%dma_wait3A_352, %dma_wait3A_353] : memref<10240x16xf32, #tpu.memory_space<vmem_shared>> -> memref<10240x16xf32, #tpu.memory_space<vmem_shared>>
        %dma_wait3A_355 = tpu.memref_slice %arg14[%dma_wait3A_344] : memref<8x!tpu.dma_semaphore, #tpu.memory_space<semaphore_mem>> -> memref<1x!tpu.dma_semaphore, #tpu.memory_space<semaphore_mem>>
        %dma_wait3A_356 = tpu.memref_squeeze %dma_wait3A_355 : memref<1x!tpu.dma_semaphore, #tpu.memory_space<semaphore_mem>> -> memref<!tpu.dma_semaphore, #tpu.memory_space<semaphore_mem>>
        tpu.wait_indirect_dma semaphore(%dma_wait3A_356 : memref<!tpu.dma_semaphore, #tpu.memory_space<semaphore_mem>>) src(%dma_wait3A_348 : memref<512x16xf32, #tpu.memory_space<vmem>>) dst(%dma_wait3A_354 : memref<10240x16xf32, #tpu.memory_space<vmem_shared>>)
      } else {
      }
      %lt3A_267 = arith.cmpi slt, %add3A_262, %select_n3A : i32
      %convert_element_type3A_268 = arith.extui %lt3A_267 : i1 to i32
      %cond3A_269 = arith.constant 0 : i32
      %cond3A_270 = arith.cmpi ne, %convert_element_type3A_268, %cond3A_269 : i32
      scf.if %cond3A_270 {
        %dma_start3A_343 = arith.constant 1 : i32
        %dma_start3A_344 = arith.constant 1 : i32
        %dma_start3A_345 = arith.constant 0 : i32
        %dma_start3A_346 = arith.constant 0 : i32
        %dma_start3A_347 = tpu.memref_slice %arg8[%dma_start3A_343, %dma_start3A_345, %dma_start3A_346] : memref<8x512x16xf32, #tpu.memory_space<vmem>> -> memref<1x512x16xf32, #tpu.memory_space<vmem>>
        %dma_start3A_348 = tpu.memref_squeeze %dma_start3A_347 : memref<1x512x16xf32, #tpu.memory_space<vmem>> -> memref<512x16xf32, #tpu.memory_space<vmem>>
        %dma_start3A_349 = arith.constant 0 : i32
        %dma_start3A_350 = tpu.memref_slice %arg6[%add3A_262, %dma_start3A_349] : memref<20x512xi32, #tpu.memory_space<vmem>> -> memref<1x512xi32, #tpu.memory_space<vmem>>
        %dma_start3A_351 = tpu.memref_squeeze %dma_start3A_350 : memref<1x512xi32, #tpu.memory_space<vmem>> -> memref<512xi32, #tpu.memory_space<vmem>>
        %dma_start3A_352 = arith.constant 0 : i32
        %dma_start3A_353 = arith.constant 0 : i32
        %dma_start3A_354 = tpu.memref_slice %arg10[%dma_start3A_352, %dma_start3A_353] : memref<10240x16xf32, #tpu.memory_space<vmem_shared>> -> memref<10240x16xf32, #tpu.memory_space<vmem_shared>>
        %dma_start3A_355 = tpu.memref_slice %arg13[%dma_start3A_344] : memref<8x!tpu.dma_semaphore, #tpu.memory_space<semaphore_mem>> -> memref<1x!tpu.dma_semaphore, #tpu.memory_space<semaphore_mem>>
        %dma_start3A_356 = tpu.memref_squeeze %dma_start3A_355 : memref<1x!tpu.dma_semaphore, #tpu.memory_space<semaphore_mem>> -> memref<!tpu.dma_semaphore, #tpu.memory_space<semaphore_mem>>
        tpu.enqueue_indirect_dma source(%dma_start3A_354 : memref<10240x16xf32, #tpu.memory_space<vmem_shared>>) target(%dma_start3A_348 : memref<512x16xf32, #tpu.memory_space<vmem>>) offsets(%dma_start3A_351 : memref<512xi32, #tpu.memory_space<vmem>>) semaphore(%dma_start3A_356 : memref<!tpu.dma_semaphore, #tpu.memory_space<semaphore_mem>>)
      } else {
      }
      %add3A_271 = arith.constant 2 : i32
      %add3A_272 = arith.addi %mul3A_198, %add3A_271 : i32
      %add3A_273 = arith.constant 8 : i32
      %add3A_274 = arith.addi %add3A_272, %add3A_273 : i32
      %lt3A_275 = arith.cmpi slt, %add3A_272, %select_n3A : i32
      %convert_element_type3A_276 = arith.extui %lt3A_275 : i1 to i32
      %cond3A_277 = arith.constant 0 : i32
      %cond3A_278 = arith.cmpi ne, %convert_element_type3A_276, %cond3A_277 : i32
      scf.if %cond3A_278 {
        %dma_wait3A_343 = arith.constant 2 : i32
        %dma_wait3A_344 = arith.constant 2 : i32
        %dma_wait3A_345 = arith.constant 0 : i32
        %dma_wait3A_346 = arith.constant 0 : i32
        %dma_wait3A_347 = tpu.memref_slice %arg8[%dma_wait3A_343, %dma_wait3A_345, %dma_wait3A_346] : memref<8x512x16xf32, #tpu.memory_space<vmem>> -> memref<1x512x16xf32, #tpu.memory_space<vmem>>
        %dma_wait3A_348 = tpu.memref_squeeze %dma_wait3A_347 : memref<1x512x16xf32, #tpu.memory_space<vmem>> -> memref<512x16xf32, #tpu.memory_space<vmem>>
        %dma_wait3A_349 = arith.constant 0 : i32
        %dma_wait3A_350 = tpu.memref_slice %arg7[%add3A_272, %dma_wait3A_349] : memref<20x512xi32, #tpu.memory_space<vmem>> -> memref<1x512xi32, #tpu.memory_space<vmem>>
        %dma_wait3A_351 = tpu.memref_squeeze %dma_wait3A_350 : memref<1x512xi32, #tpu.memory_space<vmem>> -> memref<512xi32, #tpu.memory_space<vmem>>
        %dma_wait3A_352 = arith.constant 0 : i32
        %dma_wait3A_353 = arith.constant 0 : i32
        %dma_wait3A_354 = tpu.memref_slice %arg9[%dma_wait3A_352, %dma_wait3A_353] : memref<10240x16xf32, #tpu.memory_space<vmem_shared>> -> memref<10240x16xf32, #tpu.memory_space<vmem_shared>>
        %dma_wait3A_355 = tpu.memref_slice %arg14[%dma_wait3A_344] : memref<8x!tpu.dma_semaphore, #tpu.memory_space<semaphore_mem>> -> memref<1x!tpu.dma_semaphore, #tpu.memory_space<semaphore_mem>>
        %dma_wait3A_356 = tpu.memref_squeeze %dma_wait3A_355 : memref<1x!tpu.dma_semaphore, #tpu.memory_space<semaphore_mem>> -> memref<!tpu.dma_semaphore, #tpu.memory_space<semaphore_mem>>
        tpu.wait_indirect_dma semaphore(%dma_wait3A_356 : memref<!tpu.dma_semaphore, #tpu.memory_space<semaphore_mem>>) src(%dma_wait3A_348 : memref<512x16xf32, #tpu.memory_space<vmem>>) dst(%dma_wait3A_354 : memref<10240x16xf32, #tpu.memory_space<vmem_shared>>)
      } else {
      }
      %lt3A_279 = arith.cmpi slt, %add3A_274, %select_n3A : i32
      %convert_element_type3A_280 = arith.extui %lt3A_279 : i1 to i32
      %cond3A_281 = arith.constant 0 : i32
      %cond3A_282 = arith.cmpi ne, %convert_element_type3A_280, %cond3A_281 : i32
      scf.if %cond3A_282 {
        %dma_start3A_343 = arith.constant 2 : i32
        %dma_start3A_344 = arith.constant 2 : i32
        %dma_start3A_345 = arith.constant 0 : i32
        %dma_start3A_346 = arith.constant 0 : i32
        %dma_start3A_347 = tpu.memref_slice %arg8[%dma_start3A_343, %dma_start3A_345, %dma_start3A_346] : memref<8x512x16xf32, #tpu.memory_space<vmem>> -> memref<1x512x16xf32, #tpu.memory_space<vmem>>
        %dma_start3A_348 = tpu.memref_squeeze %dma_start3A_347 : memref<1x512x16xf32, #tpu.memory_space<vmem>> -> memref<512x16xf32, #tpu.memory_space<vmem>>
        %dma_start3A_349 = arith.constant 0 : i32
        %dma_start3A_350 = tpu.memref_slice %arg6[%add3A_274, %dma_start3A_349] : memref<20x512xi32, #tpu.memory_space<vmem>> -> memref<1x512xi32, #tpu.memory_space<vmem>>
        %dma_start3A_351 = tpu.memref_squeeze %dma_start3A_350 : memref<1x512xi32, #tpu.memory_space<vmem>> -> memref<512xi32, #tpu.memory_space<vmem>>
        %dma_start3A_352 = arith.constant 0 : i32
        %dma_start3A_353 = arith.constant 0 : i32
        %dma_start3A_354 = tpu.memref_slice %arg10[%dma_start3A_352, %dma_start3A_353] : memref<10240x16xf32, #tpu.memory_space<vmem_shared>> -> memref<10240x16xf32, #tpu.memory_space<vmem_shared>>
        %dma_start3A_355 = tpu.memref_slice %arg13[%dma_start3A_344] : memref<8x!tpu.dma_semaphore, #tpu.memory_space<semaphore_mem>> -> memref<1x!tpu.dma_semaphore, #tpu.memory_space<semaphore_mem>>
        %dma_start3A_356 = tpu.memref_squeeze %dma_start3A_355 : memref<1x!tpu.dma_semaphore, #tpu.memory_space<semaphore_mem>> -> memref<!tpu.dma_semaphore, #tpu.memory_space<semaphore_mem>>
        tpu.enqueue_indirect_dma source(%dma_start3A_354 : memref<10240x16xf32, #tpu.memory_space<vmem_shared>>) target(%dma_start3A_348 : memref<512x16xf32, #tpu.memory_space<vmem>>) offsets(%dma_start3A_351 : memref<512xi32, #tpu.memory_space<vmem>>) semaphore(%dma_start3A_356 : memref<!tpu.dma_semaphore, #tpu.memory_space<semaphore_mem>>)
      } else {
      }
      %add3A_283 = arith.constant 3 : i32
      %add3A_284 = arith.addi %mul3A_198, %add3A_283 : i32
      %add3A_285 = arith.constant 8 : i32
      %add3A_286 = arith.addi %add3A_284, %add3A_285 : i32
      %lt3A_287 = arith.cmpi slt, %add3A_284, %select_n3A : i32
      %convert_element_type3A_288 = arith.extui %lt3A_287 : i1 to i32
      %cond3A_289 = arith.constant 0 : i32
      %cond3A_290 = arith.cmpi ne, %convert_element_type3A_288, %cond3A_289 : i32
      scf.if %cond3A_290 {
        %dma_wait3A_343 = arith.constant 3 : i32
        %dma_wait3A_344 = arith.constant 3 : i32
        %dma_wait3A_345 = arith.constant 0 : i32
        %dma_wait3A_346 = arith.constant 0 : i32
        %dma_wait3A_347 = tpu.memref_slice %arg8[%dma_wait3A_343, %dma_wait3A_345, %dma_wait3A_346] : memref<8x512x16xf32, #tpu.memory_space<vmem>> -> memref<1x512x16xf32, #tpu.memory_space<vmem>>
        %dma_wait3A_348 = tpu.memref_squeeze %dma_wait3A_347 : memref<1x512x16xf32, #tpu.memory_space<vmem>> -> memref<512x16xf32, #tpu.memory_space<vmem>>
        %dma_wait3A_349 = arith.constant 0 : i32
        %dma_wait3A_350 = tpu.memref_slice %arg7[%add3A_284, %dma_wait3A_349] : memref<20x512xi32, #tpu.memory_space<vmem>> -> memref<1x512xi32, #tpu.memory_space<vmem>>
        %dma_wait3A_351 = tpu.memref_squeeze %dma_wait3A_350 : memref<1x512xi32, #tpu.memory_space<vmem>> -> memref<512xi32, #tpu.memory_space<vmem>>
        %dma_wait3A_352 = arith.constant 0 : i32
        %dma_wait3A_353 = arith.constant 0 : i32
        %dma_wait3A_354 = tpu.memref_slice %arg9[%dma_wait3A_352, %dma_wait3A_353] : memref<10240x16xf32, #tpu.memory_space<vmem_shared>> -> memref<10240x16xf32, #tpu.memory_space<vmem_shared>>
        %dma_wait3A_355 = tpu.memref_slice %arg14[%dma_wait3A_344] : memref<8x!tpu.dma_semaphore, #tpu.memory_space<semaphore_mem>> -> memref<1x!tpu.dma_semaphore, #tpu.memory_space<semaphore_mem>>
        %dma_wait3A_356 = tpu.memref_squeeze %dma_wait3A_355 : memref<1x!tpu.dma_semaphore, #tpu.memory_space<semaphore_mem>> -> memref<!tpu.dma_semaphore, #tpu.memory_space<semaphore_mem>>
        tpu.wait_indirect_dma semaphore(%dma_wait3A_356 : memref<!tpu.dma_semaphore, #tpu.memory_space<semaphore_mem>>) src(%dma_wait3A_348 : memref<512x16xf32, #tpu.memory_space<vmem>>) dst(%dma_wait3A_354 : memref<10240x16xf32, #tpu.memory_space<vmem_shared>>)
      } else {
      }
      %lt3A_291 = arith.cmpi slt, %add3A_286, %select_n3A : i32
      %convert_element_type3A_292 = arith.extui %lt3A_291 : i1 to i32
      %cond3A_293 = arith.constant 0 : i32
      %cond3A_294 = arith.cmpi ne, %convert_element_type3A_292, %cond3A_293 : i32
      scf.if %cond3A_294 {
        %dma_start3A_343 = arith.constant 3 : i32
        %dma_start3A_344 = arith.constant 3 : i32
        %dma_start3A_345 = arith.constant 0 : i32
        %dma_start3A_346 = arith.constant 0 : i32
        %dma_start3A_347 = tpu.memref_slice %arg8[%dma_start3A_343, %dma_start3A_345, %dma_start3A_346] : memref<8x512x16xf32, #tpu.memory_space<vmem>> -> memref<1x512x16xf32, #tpu.memory_space<vmem>>
        %dma_start3A_348 = tpu.memref_squeeze %dma_start3A_347 : memref<1x512x16xf32, #tpu.memory_space<vmem>> -> memref<512x16xf32, #tpu.memory_space<vmem>>
        %dma_start3A_349 = arith.constant 0 : i32
        %dma_start3A_350 = tpu.memref_slice %arg6[%add3A_286, %dma_start3A_349] : memref<20x512xi32, #tpu.memory_space<vmem>> -> memref<1x512xi32, #tpu.memory_space<vmem>>
        %dma_start3A_351 = tpu.memref_squeeze %dma_start3A_350 : memref<1x512xi32, #tpu.memory_space<vmem>> -> memref<512xi32, #tpu.memory_space<vmem>>
        %dma_start3A_352 = arith.constant 0 : i32
        %dma_start3A_353 = arith.constant 0 : i32
        %dma_start3A_354 = tpu.memref_slice %arg10[%dma_start3A_352, %dma_start3A_353] : memref<10240x16xf32, #tpu.memory_space<vmem_shared>> -> memref<10240x16xf32, #tpu.memory_space<vmem_shared>>
        %dma_start3A_355 = tpu.memref_slice %arg13[%dma_start3A_344] : memref<8x!tpu.dma_semaphore, #tpu.memory_space<semaphore_mem>> -> memref<1x!tpu.dma_semaphore, #tpu.memory_space<semaphore_mem>>
        %dma_start3A_356 = tpu.memref_squeeze %dma_start3A_355 : memref<1x!tpu.dma_semaphore, #tpu.memory_space<semaphore_mem>> -> memref<!tpu.dma_semaphore, #tpu.memory_space<semaphore_mem>>
        tpu.enqueue_indirect_dma source(%dma_start3A_354 : memref<10240x16xf32, #tpu.memory_space<vmem_shared>>) target(%dma_start3A_348 : memref<512x16xf32, #tpu.memory_space<vmem>>) offsets(%dma_start3A_351 : memref<512xi32, #tpu.memory_space<vmem>>) semaphore(%dma_start3A_356 : memref<!tpu.dma_semaphore, #tpu.memory_space<semaphore_mem>>)
      } else {
      }
      %add3A_295 = arith.constant 4 : i32
      %add3A_296 = arith.addi %mul3A_198, %add3A_295 : i32
      %add3A_297 = arith.constant 8 : i32
      %add3A_298 = arith.addi %add3A_296, %add3A_297 : i32
      %lt3A_299 = arith.cmpi slt, %add3A_296, %select_n3A : i32
      %convert_element_type3A_300 = arith.extui %lt3A_299 : i1 to i32
      %cond3A_301 = arith.constant 0 : i32
      %cond3A_302 = arith.cmpi ne, %convert_element_type3A_300, %cond3A_301 : i32
      scf.if %cond3A_302 {
        %dma_wait3A_343 = arith.constant 4 : i32
        %dma_wait3A_344 = arith.constant 4 : i32
        %dma_wait3A_345 = arith.constant 0 : i32
        %dma_wait3A_346 = arith.constant 0 : i32
        %dma_wait3A_347 = tpu.memref_slice %arg8[%dma_wait3A_343, %dma_wait3A_345, %dma_wait3A_346] : memref<8x512x16xf32, #tpu.memory_space<vmem>> -> memref<1x512x16xf32, #tpu.memory_space<vmem>>
        %dma_wait3A_348 = tpu.memref_squeeze %dma_wait3A_347 : memref<1x512x16xf32, #tpu.memory_space<vmem>> -> memref<512x16xf32, #tpu.memory_space<vmem>>
        %dma_wait3A_349 = arith.constant 0 : i32
        %dma_wait3A_350 = tpu.memref_slice %arg7[%add3A_296, %dma_wait3A_349] : memref<20x512xi32, #tpu.memory_space<vmem>> -> memref<1x512xi32, #tpu.memory_space<vmem>>
        %dma_wait3A_351 = tpu.memref_squeeze %dma_wait3A_350 : memref<1x512xi32, #tpu.memory_space<vmem>> -> memref<512xi32, #tpu.memory_space<vmem>>
        %dma_wait3A_352 = arith.constant 0 : i32
        %dma_wait3A_353 = arith.constant 0 : i32
        %dma_wait3A_354 = tpu.memref_slice %arg9[%dma_wait3A_352, %dma_wait3A_353] : memref<10240x16xf32, #tpu.memory_space<vmem_shared>> -> memref<10240x16xf32, #tpu.memory_space<vmem_shared>>
        %dma_wait3A_355 = tpu.memref_slice %arg14[%dma_wait3A_344] : memref<8x!tpu.dma_semaphore, #tpu.memory_space<semaphore_mem>> -> memref<1x!tpu.dma_semaphore, #tpu.memory_space<semaphore_mem>>
        %dma_wait3A_356 = tpu.memref_squeeze %dma_wait3A_355 : memref<1x!tpu.dma_semaphore, #tpu.memory_space<semaphore_mem>> -> memref<!tpu.dma_semaphore, #tpu.memory_space<semaphore_mem>>
        tpu.wait_indirect_dma semaphore(%dma_wait3A_356 : memref<!tpu.dma_semaphore, #tpu.memory_space<semaphore_mem>>) src(%dma_wait3A_348 : memref<512x16xf32, #tpu.memory_space<vmem>>) dst(%dma_wait3A_354 : memref<10240x16xf32, #tpu.memory_space<vmem_shared>>)
      } else {
      }
      %lt3A_303 = arith.cmpi slt, %add3A_298, %select_n3A : i32
      %convert_element_type3A_304 = arith.extui %lt3A_303 : i1 to i32
      %cond3A_305 = arith.constant 0 : i32
      %cond3A_306 = arith.cmpi ne, %convert_element_type3A_304, %cond3A_305 : i32
      scf.if %cond3A_306 {
        %dma_start3A_343 = arith.constant 4 : i32
        %dma_start3A_344 = arith.constant 4 : i32
        %dma_start3A_345 = arith.constant 0 : i32
        %dma_start3A_346 = arith.constant 0 : i32
        %dma_start3A_347 = tpu.memref_slice %arg8[%dma_start3A_343, %dma_start3A_345, %dma_start3A_346] : memref<8x512x16xf32, #tpu.memory_space<vmem>> -> memref<1x512x16xf32, #tpu.memory_space<vmem>>
        %dma_start3A_348 = tpu.memref_squeeze %dma_start3A_347 : memref<1x512x16xf32, #tpu.memory_space<vmem>> -> memref<512x16xf32, #tpu.memory_space<vmem>>
        %dma_start3A_349 = arith.constant 0 : i32
        %dma_start3A_350 = tpu.memref_slice %arg6[%add3A_298, %dma_start3A_349] : memref<20x512xi32, #tpu.memory_space<vmem>> -> memref<1x512xi32, #tpu.memory_space<vmem>>
        %dma_start3A_351 = tpu.memref_squeeze %dma_start3A_350 : memref<1x512xi32, #tpu.memory_space<vmem>> -> memref<512xi32, #tpu.memory_space<vmem>>
        %dma_start3A_352 = arith.constant 0 : i32
        %dma_start3A_353 = arith.constant 0 : i32
        %dma_start3A_354 = tpu.memref_slice %arg10[%dma_start3A_352, %dma_start3A_353] : memref<10240x16xf32, #tpu.memory_space<vmem_shared>> -> memref<10240x16xf32, #tpu.memory_space<vmem_shared>>
        %dma_start3A_355 = tpu.memref_slice %arg13[%dma_start3A_344] : memref<8x!tpu.dma_semaphore, #tpu.memory_space<semaphore_mem>> -> memref<1x!tpu.dma_semaphore, #tpu.memory_space<semaphore_mem>>
        %dma_start3A_356 = tpu.memref_squeeze %dma_start3A_355 : memref<1x!tpu.dma_semaphore, #tpu.memory_space<semaphore_mem>> -> memref<!tpu.dma_semaphore, #tpu.memory_space<semaphore_mem>>
        tpu.enqueue_indirect_dma source(%dma_start3A_354 : memref<10240x16xf32, #tpu.memory_space<vmem_shared>>) target(%dma_start3A_348 : memref<512x16xf32, #tpu.memory_space<vmem>>) offsets(%dma_start3A_351 : memref<512xi32, #tpu.memory_space<vmem>>) semaphore(%dma_start3A_356 : memref<!tpu.dma_semaphore, #tpu.memory_space<semaphore_mem>>)
      } else {
      }
      %add3A_307 = arith.constant 5 : i32
      %add3A_308 = arith.addi %mul3A_198, %add3A_307 : i32
      %add3A_309 = arith.constant 8 : i32
      %add3A_310 = arith.addi %add3A_308, %add3A_309 : i32
      %lt3A_311 = arith.cmpi slt, %add3A_308, %select_n3A : i32
      %convert_element_type3A_312 = arith.extui %lt3A_311 : i1 to i32
      %cond3A_313 = arith.constant 0 : i32
      %cond3A_314 = arith.cmpi ne, %convert_element_type3A_312, %cond3A_313 : i32
      scf.if %cond3A_314 {
        %dma_wait3A_343 = arith.constant 5 : i32
        %dma_wait3A_344 = arith.constant 5 : i32
        %dma_wait3A_345 = arith.constant 0 : i32
        %dma_wait3A_346 = arith.constant 0 : i32
        %dma_wait3A_347 = tpu.memref_slice %arg8[%dma_wait3A_343, %dma_wait3A_345, %dma_wait3A_346] : memref<8x512x16xf32, #tpu.memory_space<vmem>> -> memref<1x512x16xf32, #tpu.memory_space<vmem>>
        %dma_wait3A_348 = tpu.memref_squeeze %dma_wait3A_347 : memref<1x512x16xf32, #tpu.memory_space<vmem>> -> memref<512x16xf32, #tpu.memory_space<vmem>>
        %dma_wait3A_349 = arith.constant 0 : i32
        %dma_wait3A_350 = tpu.memref_slice %arg7[%add3A_308, %dma_wait3A_349] : memref<20x512xi32, #tpu.memory_space<vmem>> -> memref<1x512xi32, #tpu.memory_space<vmem>>
        %dma_wait3A_351 = tpu.memref_squeeze %dma_wait3A_350 : memref<1x512xi32, #tpu.memory_space<vmem>> -> memref<512xi32, #tpu.memory_space<vmem>>
        %dma_wait3A_352 = arith.constant 0 : i32
        %dma_wait3A_353 = arith.constant 0 : i32
        %dma_wait3A_354 = tpu.memref_slice %arg9[%dma_wait3A_352, %dma_wait3A_353] : memref<10240x16xf32, #tpu.memory_space<vmem_shared>> -> memref<10240x16xf32, #tpu.memory_space<vmem_shared>>
        %dma_wait3A_355 = tpu.memref_slice %arg14[%dma_wait3A_344] : memref<8x!tpu.dma_semaphore, #tpu.memory_space<semaphore_mem>> -> memref<1x!tpu.dma_semaphore, #tpu.memory_space<semaphore_mem>>
        %dma_wait3A_356 = tpu.memref_squeeze %dma_wait3A_355 : memref<1x!tpu.dma_semaphore, #tpu.memory_space<semaphore_mem>> -> memref<!tpu.dma_semaphore, #tpu.memory_space<semaphore_mem>>
        tpu.wait_indirect_dma semaphore(%dma_wait3A_356 : memref<!tpu.dma_semaphore, #tpu.memory_space<semaphore_mem>>) src(%dma_wait3A_348 : memref<512x16xf32, #tpu.memory_space<vmem>>) dst(%dma_wait3A_354 : memref<10240x16xf32, #tpu.memory_space<vmem_shared>>)
      } else {
      }
      %lt3A_315 = arith.cmpi slt, %add3A_310, %select_n3A : i32
      %convert_element_type3A_316 = arith.extui %lt3A_315 : i1 to i32
      %cond3A_317 = arith.constant 0 : i32
      %cond3A_318 = arith.cmpi ne, %convert_element_type3A_316, %cond3A_317 : i32
      scf.if %cond3A_318 {
        %dma_start3A_343 = arith.constant 5 : i32
        %dma_start3A_344 = arith.constant 5 : i32
        %dma_start3A_345 = arith.constant 0 : i32
        %dma_start3A_346 = arith.constant 0 : i32
        %dma_start3A_347 = tpu.memref_slice %arg8[%dma_start3A_343, %dma_start3A_345, %dma_start3A_346] : memref<8x512x16xf32, #tpu.memory_space<vmem>> -> memref<1x512x16xf32, #tpu.memory_space<vmem>>
        %dma_start3A_348 = tpu.memref_squeeze %dma_start3A_347 : memref<1x512x16xf32, #tpu.memory_space<vmem>> -> memref<512x16xf32, #tpu.memory_space<vmem>>
        %dma_start3A_349 = arith.constant 0 : i32
        %dma_start3A_350 = tpu.memref_slice %arg6[%add3A_310, %dma_start3A_349] : memref<20x512xi32, #tpu.memory_space<vmem>> -> memref<1x512xi32, #tpu.memory_space<vmem>>
        %dma_start3A_351 = tpu.memref_squeeze %dma_start3A_350 : memref<1x512xi32, #tpu.memory_space<vmem>> -> memref<512xi32, #tpu.memory_space<vmem>>
        %dma_start3A_352 = arith.constant 0 : i32
        %dma_start3A_353 = arith.constant 0 : i32
        %dma_start3A_354 = tpu.memref_slice %arg10[%dma_start3A_352, %dma_start3A_353] : memref<10240x16xf32, #tpu.memory_space<vmem_shared>> -> memref<10240x16xf32, #tpu.memory_space<vmem_shared>>
        %dma_start3A_355 = tpu.memref_slice %arg13[%dma_start3A_344] : memref<8x!tpu.dma_semaphore, #tpu.memory_space<semaphore_mem>> -> memref<1x!tpu.dma_semaphore, #tpu.memory_space<semaphore_mem>>
        %dma_start3A_356 = tpu.memref_squeeze %dma_start3A_355 : memref<1x!tpu.dma_semaphore, #tpu.memory_space<semaphore_mem>> -> memref<!tpu.dma_semaphore, #tpu.memory_space<semaphore_mem>>
        tpu.enqueue_indirect_dma source(%dma_start3A_354 : memref<10240x16xf32, #tpu.memory_space<vmem_shared>>) target(%dma_start3A_348 : memref<512x16xf32, #tpu.memory_space<vmem>>) offsets(%dma_start3A_351 : memref<512xi32, #tpu.memory_space<vmem>>) semaphore(%dma_start3A_356 : memref<!tpu.dma_semaphore, #tpu.memory_space<semaphore_mem>>)
      } else {
      }
      %add3A_319 = arith.constant 6 : i32
      %add3A_320 = arith.addi %mul3A_198, %add3A_319 : i32
      %add3A_321 = arith.constant 8 : i32
      %add3A_322 = arith.addi %add3A_320, %add3A_321 : i32
      %lt3A_323 = arith.cmpi slt, %add3A_320, %select_n3A : i32
      %convert_element_type3A_324 = arith.extui %lt3A_323 : i1 to i32
      %cond3A_325 = arith.constant 0 : i32
      %cond3A_326 = arith.cmpi ne, %convert_element_type3A_324, %cond3A_325 : i32
      scf.if %cond3A_326 {
        %dma_wait3A_343 = arith.constant 6 : i32
        %dma_wait3A_344 = arith.constant 6 : i32
        %dma_wait3A_345 = arith.constant 0 : i32
        %dma_wait3A_346 = arith.constant 0 : i32
        %dma_wait3A_347 = tpu.memref_slice %arg8[%dma_wait3A_343, %dma_wait3A_345, %dma_wait3A_346] : memref<8x512x16xf32, #tpu.memory_space<vmem>> -> memref<1x512x16xf32, #tpu.memory_space<vmem>>
        %dma_wait3A_348 = tpu.memref_squeeze %dma_wait3A_347 : memref<1x512x16xf32, #tpu.memory_space<vmem>> -> memref<512x16xf32, #tpu.memory_space<vmem>>
        %dma_wait3A_349 = arith.constant 0 : i32
        %dma_wait3A_350 = tpu.memref_slice %arg7[%add3A_320, %dma_wait3A_349] : memref<20x512xi32, #tpu.memory_space<vmem>> -> memref<1x512xi32, #tpu.memory_space<vmem>>
        %dma_wait3A_351 = tpu.memref_squeeze %dma_wait3A_350 : memref<1x512xi32, #tpu.memory_space<vmem>> -> memref<512xi32, #tpu.memory_space<vmem>>
        %dma_wait3A_352 = arith.constant 0 : i32
        %dma_wait3A_353 = arith.constant 0 : i32
        %dma_wait3A_354 = tpu.memref_slice %arg9[%dma_wait3A_352, %dma_wait3A_353] : memref<10240x16xf32, #tpu.memory_space<vmem_shared>> -> memref<10240x16xf32, #tpu.memory_space<vmem_shared>>
        %dma_wait3A_355 = tpu.memref_slice %arg14[%dma_wait3A_344] : memref<8x!tpu.dma_semaphore, #tpu.memory_space<semaphore_mem>> -> memref<1x!tpu.dma_semaphore, #tpu.memory_space<semaphore_mem>>
        %dma_wait3A_356 = tpu.memref_squeeze %dma_wait3A_355 : memref<1x!tpu.dma_semaphore, #tpu.memory_space<semaphore_mem>> -> memref<!tpu.dma_semaphore, #tpu.memory_space<semaphore_mem>>
        tpu.wait_indirect_dma semaphore(%dma_wait3A_356 : memref<!tpu.dma_semaphore, #tpu.memory_space<semaphore_mem>>) src(%dma_wait3A_348 : memref<512x16xf32, #tpu.memory_space<vmem>>) dst(%dma_wait3A_354 : memref<10240x16xf32, #tpu.memory_space<vmem_shared>>)
      } else {
      }
      %lt3A_327 = arith.cmpi slt, %add3A_322, %select_n3A : i32
      %convert_element_type3A_328 = arith.extui %lt3A_327 : i1 to i32
      %cond3A_329 = arith.constant 0 : i32
      %cond3A_330 = arith.cmpi ne, %convert_element_type3A_328, %cond3A_329 : i32
      scf.if %cond3A_330 {
        %dma_start3A_343 = arith.constant 6 : i32
        %dma_start3A_344 = arith.constant 6 : i32
        %dma_start3A_345 = arith.constant 0 : i32
        %dma_start3A_346 = arith.constant 0 : i32
        %dma_start3A_347 = tpu.memref_slice %arg8[%dma_start3A_343, %dma_start3A_345, %dma_start3A_346] : memref<8x512x16xf32, #tpu.memory_space<vmem>> -> memref<1x512x16xf32, #tpu.memory_space<vmem>>
        %dma_start3A_348 = tpu.memref_squeeze %dma_start3A_347 : memref<1x512x16xf32, #tpu.memory_space<vmem>> -> memref<512x16xf32, #tpu.memory_space<vmem>>
        %dma_start3A_349 = arith.constant 0 : i32
        %dma_start3A_350 = tpu.memref_slice %arg6[%add3A_322, %dma_start3A_349] : memref<20x512xi32, #tpu.memory_space<vmem>> -> memref<1x512xi32, #tpu.memory_space<vmem>>
        %dma_start3A_351 = tpu.memref_squeeze %dma_start3A_350 : memref<1x512xi32, #tpu.memory_space<vmem>> -> memref<512xi32, #tpu.memory_space<vmem>>
        %dma_start3A_352 = arith.constant 0 : i32
        %dma_start3A_353 = arith.constant 0 : i32
        %dma_start3A_354 = tpu.memref_slice %arg10[%dma_start3A_352, %dma_start3A_353] : memref<10240x16xf32, #tpu.memory_space<vmem_shared>> -> memref<10240x16xf32, #tpu.memory_space<vmem_shared>>
        %dma_start3A_355 = tpu.memref_slice %arg13[%dma_start3A_344] : memref<8x!tpu.dma_semaphore, #tpu.memory_space<semaphore_mem>> -> memref<1x!tpu.dma_semaphore, #tpu.memory_space<semaphore_mem>>
        %dma_start3A_356 = tpu.memref_squeeze %dma_start3A_355 : memref<1x!tpu.dma_semaphore, #tpu.memory_space<semaphore_mem>> -> memref<!tpu.dma_semaphore, #tpu.memory_space<semaphore_mem>>
        tpu.enqueue_indirect_dma source(%dma_start3A_354 : memref<10240x16xf32, #tpu.memory_space<vmem_shared>>) target(%dma_start3A_348 : memref<512x16xf32, #tpu.memory_space<vmem>>) offsets(%dma_start3A_351 : memref<512xi32, #tpu.memory_space<vmem>>) semaphore(%dma_start3A_356 : memref<!tpu.dma_semaphore, #tpu.memory_space<semaphore_mem>>)
      } else {
      }
      %add3A_331 = arith.constant 7 : i32
      %add3A_332 = arith.addi %mul3A_198, %add3A_331 : i32
      %add3A_333 = arith.constant 8 : i32
      %add3A_334 = arith.addi %add3A_332, %add3A_333 : i32
      %lt3A_335 = arith.cmpi slt, %add3A_332, %select_n3A : i32
      %convert_element_type3A_336 = arith.extui %lt3A_335 : i1 to i32
      %cond3A_337 = arith.constant 0 : i32
      %cond3A_338 = arith.cmpi ne, %convert_element_type3A_336, %cond3A_337 : i32
      scf.if %cond3A_338 {
        %dma_wait3A_343 = arith.constant 7 : i32
        %dma_wait3A_344 = arith.constant 7 : i32
        %dma_wait3A_345 = arith.constant 0 : i32
        %dma_wait3A_346 = arith.constant 0 : i32
        %dma_wait3A_347 = tpu.memref_slice %arg8[%dma_wait3A_343, %dma_wait3A_345, %dma_wait3A_346] : memref<8x512x16xf32, #tpu.memory_space<vmem>> -> memref<1x512x16xf32, #tpu.memory_space<vmem>>
        %dma_wait3A_348 = tpu.memref_squeeze %dma_wait3A_347 : memref<1x512x16xf32, #tpu.memory_space<vmem>> -> memref<512x16xf32, #tpu.memory_space<vmem>>
        %dma_wait3A_349 = arith.constant 0 : i32
        %dma_wait3A_350 = tpu.memref_slice %arg7[%add3A_332, %dma_wait3A_349] : memref<20x512xi32, #tpu.memory_space<vmem>> -> memref<1x512xi32, #tpu.memory_space<vmem>>
        %dma_wait3A_351 = tpu.memref_squeeze %dma_wait3A_350 : memref<1x512xi32, #tpu.memory_space<vmem>> -> memref<512xi32, #tpu.memory_space<vmem>>
        %dma_wait3A_352 = arith.constant 0 : i32
        %dma_wait3A_353 = arith.constant 0 : i32
        %dma_wait3A_354 = tpu.memref_slice %arg9[%dma_wait3A_352, %dma_wait3A_353] : memref<10240x16xf32, #tpu.memory_space<vmem_shared>> -> memref<10240x16xf32, #tpu.memory_space<vmem_shared>>
        %dma_wait3A_355 = tpu.memref_slice %arg14[%dma_wait3A_344] : memref<8x!tpu.dma_semaphore, #tpu.memory_space<semaphore_mem>> -> memref<1x!tpu.dma_semaphore, #tpu.memory_space<semaphore_mem>>
        %dma_wait3A_356 = tpu.memref_squeeze %dma_wait3A_355 : memref<1x!tpu.dma_semaphore, #tpu.memory_space<semaphore_mem>> -> memref<!tpu.dma_semaphore, #tpu.memory_space<semaphore_mem>>
        tpu.wait_indirect_dma semaphore(%dma_wait3A_356 : memref<!tpu.dma_semaphore, #tpu.memory_space<semaphore_mem>>) src(%dma_wait3A_348 : memref<512x16xf32, #tpu.memory_space<vmem>>) dst(%dma_wait3A_354 : memref<10240x16xf32, #tpu.memory_space<vmem_shared>>)
      } else {
      }
      %lt3A_339 = arith.cmpi slt, %add3A_334, %select_n3A : i32
      %convert_element_type3A_340 = arith.extui %lt3A_339 : i1 to i32
      %cond3A_341 = arith.constant 0 : i32
      %cond3A_342 = arith.cmpi ne, %convert_element_type3A_340, %cond3A_341 : i32
      scf.if %cond3A_342 {
        %dma_start3A_343 = arith.constant 7 : i32
        %dma_start3A_344 = arith.constant 7 : i32
        %dma_start3A_345 = arith.constant 0 : i32
        %dma_start3A_346 = arith.constant 0 : i32
        %dma_start3A_347 = tpu.memref_slice %arg8[%dma_start3A_343, %dma_start3A_345, %dma_start3A_346] : memref<8x512x16xf32, #tpu.memory_space<vmem>> -> memref<1x512x16xf32, #tpu.memory_space<vmem>>
        %dma_start3A_348 = tpu.memref_squeeze %dma_start3A_347 : memref<1x512x16xf32, #tpu.memory_space<vmem>> -> memref<512x16xf32, #tpu.memory_space<vmem>>
        %dma_start3A_349 = arith.constant 0 : i32
        %dma_start3A_350 = tpu.memref_slice %arg6[%add3A_334, %dma_start3A_349] : memref<20x512xi32, #tpu.memory_space<vmem>> -> memref<1x512xi32, #tpu.memory_space<vmem>>
        %dma_start3A_351 = tpu.memref_squeeze %dma_start3A_350 : memref<1x512xi32, #tpu.memory_space<vmem>> -> memref<512xi32, #tpu.memory_space<vmem>>
        %dma_start3A_352 = arith.constant 0 : i32
        %dma_start3A_353 = arith.constant 0 : i32
        %dma_start3A_354 = tpu.memref_slice %arg10[%dma_start3A_352, %dma_start3A_353] : memref<10240x16xf32, #tpu.memory_space<vmem_shared>> -> memref<10240x16xf32, #tpu.memory_space<vmem_shared>>
        %dma_start3A_355 = tpu.memref_slice %arg13[%dma_start3A_344] : memref<8x!tpu.dma_semaphore, #tpu.memory_space<semaphore_mem>> -> memref<1x!tpu.dma_semaphore, #tpu.memory_space<semaphore_mem>>
        %dma_start3A_356 = tpu.memref_squeeze %dma_start3A_355 : memref<1x!tpu.dma_semaphore, #tpu.memory_space<semaphore_mem>> -> memref<!tpu.dma_semaphore, #tpu.memory_space<semaphore_mem>>
        tpu.enqueue_indirect_dma source(%dma_start3A_354 : memref<10240x16xf32, #tpu.memory_space<vmem_shared>>) target(%dma_start3A_348 : memref<512x16xf32, #tpu.memory_space<vmem>>) offsets(%dma_start3A_351 : memref<512xi32, #tpu.memory_space<vmem>>) semaphore(%dma_start3A_356 : memref<!tpu.dma_semaphore, #tpu.memory_space<semaphore_mem>>)
      } else {
      }
    }
    %scan3A_190 = arith.constant 3 : i32
    %barrier3A_191 = arith.constant 0 : index
    tpu.barrier barrier_id(%barrier3A_191)
    %mul3A_192 = arith.constant 640 : i32
    %mul3A_193 = arith.muli %arg1, %mul3A_192 : i32
    %mul3A_194 = arith.constant 640 : i32
    %mul3A_195 = arith.muli %arg1, %mul3A_194 : i32
    "tpu.region"() ({
      %run_scoped3A = tpu.sem_alloc : memref<!tpu.dma_semaphore, #tpu.memory_space<semaphore_mem>>
      %dma_start3A_196 = arith.constant 0 : i32
      %dma_start3A_197 = tpu.memref_slice %arg5[%arg0, %mul3A_195, %dma_start3A_196] : memref<2x10240x16xf32, #tpu.memory_space<hbm>> -> memref<1x640x16xf32, #tpu.memory_space<hbm>>
      %dma_start3A_198 = tpu.memref_squeeze %dma_start3A_197 : memref<1x640x16xf32, #tpu.memory_space<hbm>> -> memref<640x16xf32, #tpu.memory_space<hbm>>
      %dma_start3A_199 = arith.constant 0 : i32
      %dma_start3A_200 = tpu.memref_slice %arg9[%mul3A_193, %dma_start3A_199] : memref<10240x16xf32, #tpu.memory_space<vmem_shared>> -> memref<640x16xf32, #tpu.memory_space<vmem_shared>>
      tpu.enqueue_dma source(%dma_start3A_200 : memref<640x16xf32, #tpu.memory_space<vmem_shared>>) target(%dma_start3A_198 : memref<640x16xf32, #tpu.memory_space<hbm>>) target_semaphore(%run_scoped3A : memref<!tpu.dma_semaphore, #tpu.memory_space<semaphore_mem>>)
      %dma_wait3A_201 = arith.constant 0 : i32
      %dma_wait3A_202 = tpu.memref_slice %arg5[%arg0, %mul3A_195, %dma_wait3A_201] : memref<2x10240x16xf32, #tpu.memory_space<hbm>> -> memref<1x640x16xf32, #tpu.memory_space<hbm>>
      %dma_wait3A_203 = tpu.memref_squeeze %dma_wait3A_202 : memref<1x640x16xf32, #tpu.memory_space<hbm>> -> memref<640x16xf32, #tpu.memory_space<hbm>>
      %dma_wait3A_204 = arith.constant 0 : i32
      %dma_wait3A_205 = tpu.memref_slice %arg9[%mul3A_193, %dma_wait3A_204] : memref<10240x16xf32, #tpu.memory_space<vmem_shared>> -> memref<640x16xf32, #tpu.memory_space<vmem_shared>>
      tpu.wait_dma2 semaphore(%run_scoped3A : memref<!tpu.dma_semaphore, #tpu.memory_space<semaphore_mem>>) src(%dma_wait3A_205 : memref<640x16xf32, #tpu.memory_space<vmem_shared>>) dst(%dma_wait3A_203 : memref<640x16xf32, #tpu.memory_space<hbm>>)
      tpu.yield
    }) : () -> ()
    return
  }
}

#map = affine_map<(d0, d1) -> (0, 0)>
#map1 = affine_map<(d0, d1) -> (0, 0, 0)>
module attributes {stable_mosaic.version = 14 : i64} {
  func.func @agg(%arg0: i32, %arg1: i32, %arg2: memref<10240x16xf32, #tpu.memory_space<hbm>>, %arg3: memref<2x625x512xi32, #tpu.memory_space<hbm>>, %arg4: memref<640x16xf32, #tpu.memory_space<hbm>>, %arg5: memref<2x10240x16xf32, #tpu.memory_space<hbm>>, %arg6: memref<20x512xi32, #tpu.memory_space<vmem>>, %arg7: memref<20x512xi32, #tpu.memory_space<vmem>>, %arg8: memref<8x512x16xf32, #tpu.memory_space<vmem>>, %arg9: memref<10240x16xf32, #tpu.memory_space<vmem_shared>>, %arg10: memref<10240x16xf32, #tpu.memory_space<vmem_shared>>, %arg11: memref<!tpu.dma_semaphore, #tpu.memory_space<semaphore_mem>>, %arg12: memref<!tpu.dma_semaphore, #tpu.memory_space<semaphore_mem>>, %arg13: memref<8x!tpu.dma_semaphore, #tpu.memory_space<semaphore_mem>>, %arg14: memref<8x!tpu.dma_semaphore, #tpu.memory_space<semaphore_mem>>) attributes {dimension_semantics = [#tpu.dimension_semantics<core_parallel>, #tpu.dimension_semantics<subcore_parallel>], iteration_bounds = array<i64: 2, 16>, scalar_prefetch = 0 : i64, scratch_operands = 9 : i64, tpu.core_type = #tpu.core_type<sc_vector_subcore>, window_params = [{transform_indices = #map}, {transform_indices = #map1}, {transform_indices = #map}, {transform_indices = #map1}]} {
    %sub3A = arith.constant 1 : i32
    %sub3A_0 = arith.subi %sub3A, %arg0 : i32
    %mul3A = arith.constant 16 : i32
    %mul3A_1 = arith.muli %sub3A_0, %mul3A : i32
    %add3A = arith.addi %mul3A_1, %arg1 : i32
    %mul3A_2 = arith.constant 19 : i32
    %mul3A_3 = arith.muli %add3A, %mul3A_2 : i32
    %min3A = arith.constant 17 : i32
    %min3A_4 = arith.minsi %add3A, %min3A : i32
    %add3A_5 = arith.addi %mul3A_3, %min3A_4 : i32
    %lt3A = arith.constant 17 : i32
    %lt3A_6 = arith.cmpi slt, %add3A, %lt3A : i32
    %jit3A = arith.constant 20 : i32
    %jit3A_7 = arith.constant 19 : i32
    %select_n3A = arith.select %lt3A_6, %jit3A, %jit3A_7 : i32
    %dma_start3A = arith.constant 0 : i32
    %dma_start3A_8 = arith.constant 0 : i32
    %dma_start3A_9 = arith.constant 0 : i32
    %dma_start3A_10 = tpu.memref_slice %arg6[%dma_start3A_8, %dma_start3A_9] : memref<20x512xi32, #tpu.memory_space<vmem>> -> memref<19x512xi32, #tpu.memory_space<vmem>>
    %dma_start3A_11 = arith.constant 0 : i32
    %dma_start3A_12 = tpu.memref_slice %arg3[%dma_start3A, %add3A_5, %dma_start3A_11] : memref<2x625x512xi32, #tpu.memory_space<hbm>> -> memref<1x19x512xi32, #tpu.memory_space<hbm>>
    %dma_start3A_13 = tpu.memref_squeeze %dma_start3A_12 : memref<1x19x512xi32, #tpu.memory_space<hbm>> -> memref<19x512xi32, #tpu.memory_space<hbm>>
    %dma_start3A_14 = arith.constant 0 : i32
    %dma_start3A_15 = arith.constant 0 : i32
    %dma_start3A_16 = tpu.memref_slice %arg6[%dma_start3A_14, %dma_start3A_15] : memref<20x512xi32, #tpu.memory_space<vmem>> -> memref<19x512xi32, #tpu.memory_space<vmem>>
    %dma_start3A_17 = arith.constant 0 : i32
    %dma_start3A_18 = tpu.memref_slice %arg3[%dma_start3A, %add3A_5, %dma_start3A_17] : memref<2x625x512xi32, #tpu.memory_space<hbm>> -> memref<1x19x512xi32, #tpu.memory_space<hbm>>
    %dma_start3A_19 = tpu.memref_squeeze %dma_start3A_18 : memref<1x19x512xi32, #tpu.memory_space<hbm>> -> memref<19x512xi32, #tpu.memory_space<hbm>>
    tpu.enqueue_dma source(%dma_start3A_19 : memref<19x512xi32, #tpu.memory_space<hbm>>) target(%dma_start3A_16 : memref<19x512xi32, #tpu.memory_space<vmem>>) target_semaphore(%arg11 : memref<!tpu.dma_semaphore, #tpu.memory_space<semaphore_mem>>)
    %dma_start3A_20 = arith.constant 1 : i32
    %dma_start3A_21 = arith.constant 0 : i32
    %dma_start3A_22 = arith.constant 0 : i32
    %dma_start3A_23 = tpu.memref_slice %arg7[%dma_start3A_21, %dma_start3A_22] : memref<20x512xi32, #tpu.memory_space<vmem>> -> memref<19x512xi32, #tpu.memory_space<vmem>>
    %dma_start3A_24 = arith.constant 0 : i32
    %dma_start3A_25 = tpu.memref_slice %arg3[%dma_start3A_20, %add3A_5, %dma_start3A_24] : memref<2x625x512xi32, #tpu.memory_space<hbm>> -> memref<1x19x512xi32, #tpu.memory_space<hbm>>
    %dma_start3A_26 = tpu.memref_squeeze %dma_start3A_25 : memref<1x19x512xi32, #tpu.memory_space<hbm>> -> memref<19x512xi32, #tpu.memory_space<hbm>>
    %dma_start3A_27 = arith.constant 0 : i32
    %dma_start3A_28 = arith.constant 0 : i32
    %dma_start3A_29 = tpu.memref_slice %arg7[%dma_start3A_27, %dma_start3A_28] : memref<20x512xi32, #tpu.memory_space<vmem>> -> memref<19x512xi32, #tpu.memory_space<vmem>>
    %dma_start3A_30 = arith.constant 0 : i32
    %dma_start3A_31 = tpu.memref_slice %arg3[%dma_start3A_20, %add3A_5, %dma_start3A_30] : memref<2x625x512xi32, #tpu.memory_space<hbm>> -> memref<1x19x512xi32, #tpu.memory_space<hbm>>
    %dma_start3A_32 = tpu.memref_squeeze %dma_start3A_31 : memref<1x19x512xi32, #tpu.memory_space<hbm>> -> memref<19x512xi32, #tpu.memory_space<hbm>>
    tpu.enqueue_dma source(%dma_start3A_32 : memref<19x512xi32, #tpu.memory_space<hbm>>) target(%dma_start3A_29 : memref<19x512xi32, #tpu.memory_space<vmem>>) target_semaphore(%arg12 : memref<!tpu.dma_semaphore, #tpu.memory_space<semaphore_mem>>)
    %mul3A_33 = arith.constant 640 : i32
    %mul3A_34 = arith.muli %arg1, %mul3A_33 : i32
    %mul3A_35 = arith.constant 640 : i32
    %mul3A_36 = arith.muli %arg1, %mul3A_35 : i32
    "tpu.region"() ({
      %run_scoped3A = tpu.sem_alloc : memref<!tpu.dma_semaphore, #tpu.memory_space<semaphore_mem>>
      %dma_start3A_196 = arith.constant 0 : i32
      %dma_start3A_197 = tpu.memref_slice %arg10[%mul3A_36, %dma_start3A_196] : memref<10240x16xf32, #tpu.memory_space<vmem_shared>> -> memref<640x16xf32, #tpu.memory_space<vmem_shared>>
      %dma_start3A_198 = arith.constant 0 : i32
      %dma_start3A_199 = tpu.memref_slice %arg2[%mul3A_34, %dma_start3A_198] : memref<10240x16xf32, #tpu.memory_space<hbm>> -> memref<640x16xf32, #tpu.memory_space<hbm>>
      tpu.enqueue_dma source(%dma_start3A_199 : memref<640x16xf32, #tpu.memory_space<hbm>>) target(%dma_start3A_197 : memref<640x16xf32, #tpu.memory_space<vmem_shared>>) target_semaphore(%run_scoped3A : memref<!tpu.dma_semaphore, #tpu.memory_space<semaphore_mem>>)
      %dma_wait3A_200 = arith.constant 0 : i32
      %dma_wait3A_201 = tpu.memref_slice %arg10[%mul3A_36, %dma_wait3A_200] : memref<10240x16xf32, #tpu.memory_space<vmem_shared>> -> memref<640x16xf32, #tpu.memory_space<vmem_shared>>
      %dma_wait3A_202 = arith.constant 0 : i32
      %dma_wait3A_203 = tpu.memref_slice %arg2[%mul3A_34, %dma_wait3A_202] : memref<10240x16xf32, #tpu.memory_space<hbm>> -> memref<640x16xf32, #tpu.memory_space<hbm>>
      tpu.wait_dma2 semaphore(%run_scoped3A : memref<!tpu.dma_semaphore, #tpu.memory_space<semaphore_mem>>) src(%dma_wait3A_203 : memref<640x16xf32, #tpu.memory_space<hbm>>) dst(%dma_wait3A_201 : memref<640x16xf32, #tpu.memory_space<vmem_shared>>)
      tpu.yield
    }) : () -> ()
    %mul3A_37 = arith.constant 640 : i32
    %mul3A_38 = arith.muli %arg1, %mul3A_37 : i32
    "tpu.region"() ({
      %run_scoped3A = tpu.sem_alloc : memref<!tpu.dma_semaphore, #tpu.memory_space<semaphore_mem>>
      %dma_start3A_196 = arith.constant 0 : i32
      %dma_start3A_197 = tpu.memref_slice %arg9[%mul3A_38, %dma_start3A_196] : memref<10240x16xf32, #tpu.memory_space<vmem_shared>> -> memref<640x16xf32, #tpu.memory_space<vmem_shared>>
      tpu.enqueue_dma source(%arg4 : memref<640x16xf32, #tpu.memory_space<hbm>>) target(%dma_start3A_197 : memref<640x16xf32, #tpu.memory_space<vmem_shared>>) target_semaphore(%run_scoped3A : memref<!tpu.dma_semaphore, #tpu.memory_space<semaphore_mem>>)
      %dma_wait3A_198 = arith.constant 0 : i32
      %dma_wait3A_199 = tpu.memref_slice %arg9[%mul3A_38, %dma_wait3A_198] : memref<10240x16xf32, #tpu.memory_space<vmem_shared>> -> memref<640x16xf32, #tpu.memory_space<vmem_shared>>
      tpu.wait_dma2 semaphore(%run_scoped3A : memref<!tpu.dma_semaphore, #tpu.memory_space<semaphore_mem>>) src(%arg4 : memref<640x16xf32, #tpu.memory_space<hbm>>) dst(%dma_wait3A_199 : memref<640x16xf32, #tpu.memory_space<vmem_shared>>)
      tpu.yield
    }) : () -> ()
    %dma_wait3A = arith.constant 0 : i32
    %dma_wait3A_39 = arith.constant 0 : i32
    %dma_wait3A_40 = arith.constant 0 : i32
    %dma_wait3A_41 = tpu.memref_slice %arg6[%dma_wait3A_39, %dma_wait3A_40] : memref<20x512xi32, #tpu.memory_space<vmem>> -> memref<19x512xi32, #tpu.memory_space<vmem>>
    %dma_wait3A_42 = arith.constant 0 : i32
    %dma_wait3A_43 = tpu.memref_slice %arg3[%dma_wait3A, %add3A_5, %dma_wait3A_42] : memref<2x625x512xi32, #tpu.memory_space<hbm>> -> memref<1x19x512xi32, #tpu.memory_space<hbm>>
    %dma_wait3A_44 = tpu.memref_squeeze %dma_wait3A_43 : memref<1x19x512xi32, #tpu.memory_space<hbm>> -> memref<19x512xi32, #tpu.memory_space<hbm>>
    %dma_wait3A_45 = arith.constant 0 : i32
    %dma_wait3A_46 = arith.constant 0 : i32
    %dma_wait3A_47 = tpu.memref_slice %arg6[%dma_wait3A_45, %dma_wait3A_46] : memref<20x512xi32, #tpu.memory_space<vmem>> -> memref<19x512xi32, #tpu.memory_space<vmem>>
    %dma_wait3A_48 = arith.constant 0 : i32
    %dma_wait3A_49 = tpu.memref_slice %arg3[%dma_wait3A, %add3A_5, %dma_wait3A_48] : memref<2x625x512xi32, #tpu.memory_space<hbm>> -> memref<1x19x512xi32, #tpu.memory_space<hbm>>
    %dma_wait3A_50 = tpu.memref_squeeze %dma_wait3A_49 : memref<1x19x512xi32, #tpu.memory_space<hbm>> -> memref<19x512xi32, #tpu.memory_space<hbm>>
    tpu.wait_dma2 semaphore(%arg11 : memref<!tpu.dma_semaphore, #tpu.memory_space<semaphore_mem>>) src(%dma_wait3A_50 : memref<19x512xi32, #tpu.memory_space<hbm>>) dst(%dma_wait3A_47 : memref<19x512xi32, #tpu.memory_space<vmem>>)
    %dma_wait3A_51 = arith.constant 1 : i32
    %dma_wait3A_52 = arith.constant 0 : i32
    %dma_wait3A_53 = arith.constant 0 : i32
    %dma_wait3A_54 = tpu.memref_slice %arg7[%dma_wait3A_52, %dma_wait3A_53] : memref<20x512xi32, #tpu.memory_space<vmem>> -> memref<19x512xi32, #tpu.memory_space<vmem>>
    %dma_wait3A_55 = arith.constant 0 : i32
    %dma_wait3A_56 = tpu.memref_slice %arg3[%dma_wait3A_51, %add3A_5, %dma_wait3A_55] : memref<2x625x512xi32, #tpu.memory_space<hbm>> -> memref<1x19x512xi32, #tpu.memory_space<hbm>>
    %dma_wait3A_57 = tpu.memref_squeeze %dma_wait3A_56 : memref<1x19x512xi32, #tpu.memory_space<hbm>> -> memref<19x512xi32, #tpu.memory_space<hbm>>
    %dma_wait3A_58 = arith.constant 0 : i32
    %dma_wait3A_59 = arith.constant 0 : i32
    %dma_wait3A_60 = tpu.memref_slice %arg7[%dma_wait3A_58, %dma_wait3A_59] : memref<20x512xi32, #tpu.memory_space<vmem>> -> memref<19x512xi32, #tpu.memory_space<vmem>>
    %dma_wait3A_61 = arith.constant 0 : i32
    %dma_wait3A_62 = tpu.memref_slice %arg3[%dma_wait3A_51, %add3A_5, %dma_wait3A_61] : memref<2x625x512xi32, #tpu.memory_space<hbm>> -> memref<1x19x512xi32, #tpu.memory_space<hbm>>
    %dma_wait3A_63 = tpu.memref_squeeze %dma_wait3A_62 : memref<1x19x512xi32, #tpu.memory_space<hbm>> -> memref<19x512xi32, #tpu.memory_space<hbm>>
    tpu.wait_dma2 semaphore(%arg12 : memref<!tpu.dma_semaphore, #tpu.memory_space<semaphore_mem>>) src(%dma_wait3A_63 : memref<19x512xi32, #tpu.memory_space<hbm>>) dst(%dma_wait3A_60 : memref<19x512xi32, #tpu.memory_space<vmem>>)
    %gt3A = arith.constant 19 : i32
    %gt3A_64 = arith.cmpi sgt, %select_n3A, %gt3A : i32
    %convert_element_type3A = arith.extui %gt3A_64 : i1 to i32
    %cond3A = arith.constant 0 : i32
    %cond3A_65 = arith.cmpi ne, %convert_element_type3A, %cond3A : i32
    scf.if %cond3A_65 {
      %add3A_196 = arith.constant 19 : i32
      %add3A_197 = arith.addi %add3A_5, %add3A_196 : i32
      %run_scoped3A = arith.constant 0 : i32
      "tpu.region"() ({
        %run_scoped3A_201 = tpu.sem_alloc : memref<!tpu.dma_semaphore, #tpu.memory_space<semaphore_mem>>
        %dma_start3A_202 = arith.constant 19 : i32
        %dma_start3A_203 = arith.constant 0 : i32
        %dma_start3A_204 = tpu.memref_slice %arg6[%dma_start3A_202, %dma_start3A_203] : memref<20x512xi32, #tpu.memory_space<vmem>> -> memref<1x512xi32, #tpu.memory_space<vmem>>
        %dma_start3A_205 = arith.constant 0 : i32
        %dma_start3A_206 = tpu.memref_slice %arg3[%run_scoped3A, %add3A_197, %dma_start3A_205] : memref<2x625x512xi32, #tpu.memory_space<hbm>> -> memref<1x1x512xi32, #tpu.memory_space<hbm>>
        %dma_start3A_207 = tpu.memref_squeeze %dma_start3A_206 : memref<1x1x512xi32, #tpu.memory_space<hbm>> -> memref<1x512xi32, #tpu.memory_space<hbm>>
        %dma_start3A_208 = arith.constant 19 : i32
        %dma_start3A_209 = arith.constant 0 : i32
        %dma_start3A_210 = tpu.memref_slice %arg6[%dma_start3A_208, %dma_start3A_209] : memref<20x512xi32, #tpu.memory_space<vmem>> -> memref<1x512xi32, #tpu.memory_space<vmem>>
        %dma_start3A_211 = arith.constant 0 : i32
        %dma_start3A_212 = tpu.memref_slice %arg3[%run_scoped3A, %add3A_197, %dma_start3A_211] : memref<2x625x512xi32, #tpu.memory_space<hbm>> -> memref<1x1x512xi32, #tpu.memory_space<hbm>>
        %dma_start3A_213 = tpu.memref_squeeze %dma_start3A_212 : memref<1x1x512xi32, #tpu.memory_space<hbm>> -> memref<1x512xi32, #tpu.memory_space<hbm>>
        tpu.enqueue_dma source(%dma_start3A_213 : memref<1x512xi32, #tpu.memory_space<hbm>>) target(%dma_start3A_210 : memref<1x512xi32, #tpu.memory_space<vmem>>) target_semaphore(%run_scoped3A_201 : memref<!tpu.dma_semaphore, #tpu.memory_space<semaphore_mem>>)
        %dma_wait3A_214 = arith.constant 19 : i32
        %dma_wait3A_215 = arith.constant 0 : i32
        %dma_wait3A_216 = tpu.memref_slice %arg6[%dma_wait3A_214, %dma_wait3A_215] : memref<20x512xi32, #tpu.memory_space<vmem>> -> memref<1x512xi32, #tpu.memory_space<vmem>>
        %dma_wait3A_217 = arith.constant 0 : i32
        %dma_wait3A_218 = tpu.memref_slice %arg3[%run_scoped3A, %add3A_197, %dma_wait3A_217] : memref<2x625x512xi32, #tpu.memory_space<hbm>> -> memref<1x1x512xi32, #tpu.memory_space<hbm>>
        %dma_wait3A_219 = tpu.memref_squeeze %dma_wait3A_218 : memref<1x1x512xi32, #tpu.memory_space<hbm>> -> memref<1x512xi32, #tpu.memory_space<hbm>>
        %dma_wait3A_220 = arith.constant 19 : i32
        %dma_wait3A_221 = arith.constant 0 : i32
        %dma_wait3A_222 = tpu.memref_slice %arg6[%dma_wait3A_220, %dma_wait3A_221] : memref<20x512xi32, #tpu.memory_space<vmem>> -> memref<1x512xi32, #tpu.memory_space<vmem>>
        %dma_wait3A_223 = arith.constant 0 : i32
        %dma_wait3A_224 = tpu.memref_slice %arg3[%run_scoped3A, %add3A_197, %dma_wait3A_223] : memref<2x625x512xi32, #tpu.memory_space<hbm>> -> memref<1x1x512xi32, #tpu.memory_space<hbm>>
        %dma_wait3A_225 = tpu.memref_squeeze %dma_wait3A_224 : memref<1x1x512xi32, #tpu.memory_space<hbm>> -> memref<1x512xi32, #tpu.memory_space<hbm>>
        tpu.wait_dma2 semaphore(%run_scoped3A_201 : memref<!tpu.dma_semaphore, #tpu.memory_space<semaphore_mem>>) src(%dma_wait3A_225 : memref<1x512xi32, #tpu.memory_space<hbm>>) dst(%dma_wait3A_222 : memref<1x512xi32, #tpu.memory_space<vmem>>)
        tpu.yield
      }) : () -> ()
      %add3A_198 = arith.constant 19 : i32
      %add3A_199 = arith.addi %add3A_5, %add3A_198 : i32
      %run_scoped3A_200 = arith.constant 1 : i32
      "tpu.region"() ({
        %run_scoped3A_201 = tpu.sem_alloc : memref<!tpu.dma_semaphore, #tpu.memory_space<semaphore_mem>>
        %dma_start3A_202 = arith.constant 19 : i32
        %dma_start3A_203 = arith.constant 0 : i32
        %dma_start3A_204 = tpu.memref_slice %arg7[%dma_start3A_202, %dma_start3A_203] : memref<20x512xi32, #tpu.memory_space<vmem>> -> memref<1x512xi32, #tpu.memory_space<vmem>>
        %dma_start3A_205 = arith.constant 0 : i32
        %dma_start3A_206 = tpu.memref_slice %arg3[%run_scoped3A_200, %add3A_199, %dma_start3A_205] : memref<2x625x512xi32, #tpu.memory_space<hbm>> -> memref<1x1x512xi32, #tpu.memory_space<hbm>>
        %dma_start3A_207 = tpu.memref_squeeze %dma_start3A_206 : memref<1x1x512xi32, #tpu.memory_space<hbm>> -> memref<1x512xi32, #tpu.memory_space<hbm>>
        %dma_start3A_208 = arith.constant 19 : i32
        %dma_start3A_209 = arith.constant 0 : i32
        %dma_start3A_210 = tpu.memref_slice %arg7[%dma_start3A_208, %dma_start3A_209] : memref<20x512xi32, #tpu.memory_space<vmem>> -> memref<1x512xi32, #tpu.memory_space<vmem>>
        %dma_start3A_211 = arith.constant 0 : i32
        %dma_start3A_212 = tpu.memref_slice %arg3[%run_scoped3A_200, %add3A_199, %dma_start3A_211] : memref<2x625x512xi32, #tpu.memory_space<hbm>> -> memref<1x1x512xi32, #tpu.memory_space<hbm>>
        %dma_start3A_213 = tpu.memref_squeeze %dma_start3A_212 : memref<1x1x512xi32, #tpu.memory_space<hbm>> -> memref<1x512xi32, #tpu.memory_space<hbm>>
        tpu.enqueue_dma source(%dma_start3A_213 : memref<1x512xi32, #tpu.memory_space<hbm>>) target(%dma_start3A_210 : memref<1x512xi32, #tpu.memory_space<vmem>>) target_semaphore(%run_scoped3A_201 : memref<!tpu.dma_semaphore, #tpu.memory_space<semaphore_mem>>)
        %dma_wait3A_214 = arith.constant 19 : i32
        %dma_wait3A_215 = arith.constant 0 : i32
        %dma_wait3A_216 = tpu.memref_slice %arg7[%dma_wait3A_214, %dma_wait3A_215] : memref<20x512xi32, #tpu.memory_space<vmem>> -> memref<1x512xi32, #tpu.memory_space<vmem>>
        %dma_wait3A_217 = arith.constant 0 : i32
        %dma_wait3A_218 = tpu.memref_slice %arg3[%run_scoped3A_200, %add3A_199, %dma_wait3A_217] : memref<2x625x512xi32, #tpu.memory_space<hbm>> -> memref<1x1x512xi32, #tpu.memory_space<hbm>>
        %dma_wait3A_219 = tpu.memref_squeeze %dma_wait3A_218 : memref<1x1x512xi32, #tpu.memory_space<hbm>> -> memref<1x512xi32, #tpu.memory_space<hbm>>
        %dma_wait3A_220 = arith.constant 19 : i32
        %dma_wait3A_221 = arith.constant 0 : i32
        %dma_wait3A_222 = tpu.memref_slice %arg7[%dma_wait3A_220, %dma_wait3A_221] : memref<20x512xi32, #tpu.memory_space<vmem>> -> memref<1x512xi32, #tpu.memory_space<vmem>>
        %dma_wait3A_223 = arith.constant 0 : i32
        %dma_wait3A_224 = tpu.memref_slice %arg3[%run_scoped3A_200, %add3A_199, %dma_wait3A_223] : memref<2x625x512xi32, #tpu.memory_space<hbm>> -> memref<1x1x512xi32, #tpu.memory_space<hbm>>
        %dma_wait3A_225 = tpu.memref_squeeze %dma_wait3A_224 : memref<1x1x512xi32, #tpu.memory_space<hbm>> -> memref<1x512xi32, #tpu.memory_space<hbm>>
        tpu.wait_dma2 semaphore(%run_scoped3A_201 : memref<!tpu.dma_semaphore, #tpu.memory_space<semaphore_mem>>) src(%dma_wait3A_225 : memref<1x512xi32, #tpu.memory_space<hbm>>) dst(%dma_wait3A_222 : memref<1x512xi32, #tpu.memory_space<vmem>>)
        tpu.yield
      }) : () -> ()
    } else {
    }
    %barrier3A = arith.constant 0 : index
    tpu.barrier barrier_id(%barrier3A)
    %dma_start3A_66 = arith.constant 0 : i32
    %dma_start3A_67 = arith.constant 0 : i32
    %dma_start3A_68 = arith.constant 0 : i32
    %dma_start3A_69 = arith.constant 0 : i32
    %dma_start3A_70 = arith.constant 0 : i32
    %dma_start3A_71 = tpu.memref_slice %arg8[%dma_start3A_67, %dma_start3A_69, %dma_start3A_70] : memref<8x512x16xf32, #tpu.memory_space<vmem>> -> memref<1x512x16xf32, #tpu.memory_space<vmem>>
    %dma_start3A_72 = tpu.memref_squeeze %dma_start3A_71 : memref<1x512x16xf32, #tpu.memory_space<vmem>> -> memref<512x16xf32, #tpu.memory_space<vmem>>
    %dma_start3A_73 = arith.constant 0 : i32
    %dma_start3A_74 = tpu.memref_slice %arg6[%dma_start3A_66, %dma_start3A_73] : memref<20x512xi32, #tpu.memory_space<vmem>> -> memref<1x512xi32, #tpu.memory_space<vmem>>
    %dma_start3A_75 = tpu.memref_squeeze %dma_start3A_74 : memref<1x512xi32, #tpu.memory_space<vmem>> -> memref<512xi32, #tpu.memory_space<vmem>>
    %dma_start3A_76 = arith.constant 0 : i32
    %dma_start3A_77 = arith.constant 0 : i32
    %dma_start3A_78 = tpu.memref_slice %arg10[%dma_start3A_76, %dma_start3A_77] : memref<10240x16xf32, #tpu.memory_space<vmem_shared>> -> memref<10240x16xf32, #tpu.memory_space<vmem_shared>>
    %dma_start3A_79 = tpu.memref_slice %arg13[%dma_start3A_68] : memref<8x!tpu.dma_semaphore, #tpu.memory_space<semaphore_mem>> -> memref<1x!tpu.dma_semaphore, #tpu.memory_space<semaphore_mem>>
    %dma_start3A_80 = tpu.memref_squeeze %dma_start3A_79 : memref<1x!tpu.dma_semaphore, #tpu.memory_space<semaphore_mem>> -> memref<!tpu.dma_semaphore, #tpu.memory_space<semaphore_mem>>
    tpu.enqueue_indirect_dma source(%dma_start3A_78 : memref<10240x16xf32, #tpu.memory_space<vmem_shared>>) target(%dma_start3A_72 : memref<512x16xf32, #tpu.memory_space<vmem>>) offsets(%dma_start3A_75 : memref<512xi32, #tpu.memory_space<vmem>>) semaphore(%dma_start3A_80 : memref<!tpu.dma_semaphore, #tpu.memory_space<semaphore_mem>>)
    %dma_start3A_81 = arith.constant 1 : i32
    %dma_start3A_82 = arith.constant 1 : i32
    %dma_start3A_83 = arith.constant 1 : i32
    %dma_start3A_84 = arith.constant 0 : i32
    %dma_start3A_85 = arith.constant 0 : i32
    %dma_start3A_86 = tpu.memref_slice %arg8[%dma_start3A_82, %dma_start3A_84, %dma_start3A_85] : memref<8x512x16xf32, #tpu.memory_space<vmem>> -> memref<1x512x16xf32, #tpu.memory_space<vmem>>
    %dma_start3A_87 = tpu.memref_squeeze %dma_start3A_86 : memref<1x512x16xf32, #tpu.memory_space<vmem>> -> memref<512x16xf32, #tpu.memory_space<vmem>>
    %dma_start3A_88 = arith.constant 0 : i32
    %dma_start3A_89 = tpu.memref_slice %arg6[%dma_start3A_81, %dma_start3A_88] : memref<20x512xi32, #tpu.memory_space<vmem>> -> memref<1x512xi32, #tpu.memory_space<vmem>>
    %dma_start3A_90 = tpu.memref_squeeze %dma_start3A_89 : memref<1x512xi32, #tpu.memory_space<vmem>> -> memref<512xi32, #tpu.memory_space<vmem>>
    %dma_start3A_91 = arith.constant 0 : i32
    %dma_start3A_92 = arith.constant 0 : i32
    %dma_start3A_93 = tpu.memref_slice %arg10[%dma_start3A_91, %dma_start3A_92] : memref<10240x16xf32, #tpu.memory_space<vmem_shared>> -> memref<10240x16xf32, #tpu.memory_space<vmem_shared>>
    %dma_start3A_94 = tpu.memref_slice %arg13[%dma_start3A_83] : memref<8x!tpu.dma_semaphore, #tpu.memory_space<semaphore_mem>> -> memref<1x!tpu.dma_semaphore, #tpu.memory_space<semaphore_mem>>
    %dma_start3A_95 = tpu.memref_squeeze %dma_start3A_94 : memref<1x!tpu.dma_semaphore, #tpu.memory_space<semaphore_mem>> -> memref<!tpu.dma_semaphore, #tpu.memory_space<semaphore_mem>>
    tpu.enqueue_indirect_dma source(%dma_start3A_93 : memref<10240x16xf32, #tpu.memory_space<vmem_shared>>) target(%dma_start3A_87 : memref<512x16xf32, #tpu.memory_space<vmem>>) offsets(%dma_start3A_90 : memref<512xi32, #tpu.memory_space<vmem>>) semaphore(%dma_start3A_95 : memref<!tpu.dma_semaphore, #tpu.memory_space<semaphore_mem>>)
    %dma_start3A_96 = arith.constant 2 : i32
    %dma_start3A_97 = arith.constant 2 : i32
    %dma_start3A_98 = arith.constant 2 : i32
    %dma_start3A_99 = arith.constant 0 : i32
    %dma_start3A_100 = arith.constant 0 : i32
    %dma_start3A_101 = tpu.memref_slice %arg8[%dma_start3A_97, %dma_start3A_99, %dma_start3A_100] : memref<8x512x16xf32, #tpu.memory_space<vmem>> -> memref<1x512x16xf32, #tpu.memory_space<vmem>>
    %dma_start3A_102 = tpu.memref_squeeze %dma_start3A_101 : memref<1x512x16xf32, #tpu.memory_space<vmem>> -> memref<512x16xf32, #tpu.memory_space<vmem>>
    %dma_start3A_103 = arith.constant 0 : i32
    %dma_start3A_104 = tpu.memref_slice %arg6[%dma_start3A_96, %dma_start3A_103] : memref<20x512xi32, #tpu.memory_space<vmem>> -> memref<1x512xi32, #tpu.memory_space<vmem>>
    %dma_start3A_105 = tpu.memref_squeeze %dma_start3A_104 : memref<1x512xi32, #tpu.memory_space<vmem>> -> memref<512xi32, #tpu.memory_space<vmem>>
    %dma_start3A_106 = arith.constant 0 : i32
    %dma_start3A_107 = arith.constant 0 : i32
    %dma_start3A_108 = tpu.memref_slice %arg10[%dma_start3A_106, %dma_start3A_107] : memref<10240x16xf32, #tpu.memory_space<vmem_shared>> -> memref<10240x16xf32, #tpu.memory_space<vmem_shared>>
    %dma_start3A_109 = tpu.memref_slice %arg13[%dma_start3A_98] : memref<8x!tpu.dma_semaphore, #tpu.memory_space<semaphore_mem>> -> memref<1x!tpu.dma_semaphore, #tpu.memory_space<semaphore_mem>>
    %dma_start3A_110 = tpu.memref_squeeze %dma_start3A_109 : memref<1x!tpu.dma_semaphore, #tpu.memory_space<semaphore_mem>> -> memref<!tpu.dma_semaphore, #tpu.memory_space<semaphore_mem>>
    tpu.enqueue_indirect_dma source(%dma_start3A_108 : memref<10240x16xf32, #tpu.memory_space<vmem_shared>>) target(%dma_start3A_102 : memref<512x16xf32, #tpu.memory_space<vmem>>) offsets(%dma_start3A_105 : memref<512xi32, #tpu.memory_space<vmem>>) semaphore(%dma_start3A_110 : memref<!tpu.dma_semaphore, #tpu.memory_space<semaphore_mem>>)
    %dma_start3A_111 = arith.constant 3 : i32
    %dma_start3A_112 = arith.constant 3 : i32
    %dma_start3A_113 = arith.constant 3 : i32
    %dma_start3A_114 = arith.constant 0 : i32
    %dma_start3A_115 = arith.constant 0 : i32
    %dma_start3A_116 = tpu.memref_slice %arg8[%dma_start3A_112, %dma_start3A_114, %dma_start3A_115] : memref<8x512x16xf32, #tpu.memory_space<vmem>> -> memref<1x512x16xf32, #tpu.memory_space<vmem>>
    %dma_start3A_117 = tpu.memref_squeeze %dma_start3A_116 : memref<1x512x16xf32, #tpu.memory_space<vmem>> -> memref<512x16xf32, #tpu.memory_space<vmem>>
    %dma_start3A_118 = arith.constant 0 : i32
    %dma_start3A_119 = tpu.memref_slice %arg6[%dma_start3A_111, %dma_start3A_118] : memref<20x512xi32, #tpu.memory_space<vmem>> -> memref<1x512xi32, #tpu.memory_space<vmem>>
    %dma_start3A_120 = tpu.memref_squeeze %dma_start3A_119 : memref<1x512xi32, #tpu.memory_space<vmem>> -> memref<512xi32, #tpu.memory_space<vmem>>
    %dma_start3A_121 = arith.constant 0 : i32
    %dma_start3A_122 = arith.constant 0 : i32
    %dma_start3A_123 = tpu.memref_slice %arg10[%dma_start3A_121, %dma_start3A_122] : memref<10240x16xf32, #tpu.memory_space<vmem_shared>> -> memref<10240x16xf32, #tpu.memory_space<vmem_shared>>
    %dma_start3A_124 = tpu.memref_slice %arg13[%dma_start3A_113] : memref<8x!tpu.dma_semaphore, #tpu.memory_space<semaphore_mem>> -> memref<1x!tpu.dma_semaphore, #tpu.memory_space<semaphore_mem>>
    %dma_start3A_125 = tpu.memref_squeeze %dma_start3A_124 : memref<1x!tpu.dma_semaphore, #tpu.memory_space<semaphore_mem>> -> memref<!tpu.dma_semaphore, #tpu.memory_space<semaphore_mem>>
    tpu.enqueue_indirect_dma source(%dma_start3A_123 : memref<10240x16xf32, #tpu.memory_space<vmem_shared>>) target(%dma_start3A_117 : memref<512x16xf32, #tpu.memory_space<vmem>>) offsets(%dma_start3A_120 : memref<512xi32, #tpu.memory_space<vmem>>) semaphore(%dma_start3A_125 : memref<!tpu.dma_semaphore, #tpu.memory_space<semaphore_mem>>)
    %dma_start3A_126 = arith.constant 4 : i32
    %dma_start3A_127 = arith.constant 4 : i32
    %dma_start3A_128 = arith.constant 4 : i32
    %dma_start3A_129 = arith.constant 0 : i32
    %dma_start3A_130 = arith.constant 0 : i32
    %dma_start3A_131 = tpu.memref_slice %arg8[%dma_start3A_127, %dma_start3A_129, %dma_start3A_130] : memref<8x512x16xf32, #tpu.memory_space<vmem>> -> memref<1x512x16xf32, #tpu.memory_space<vmem>>
    %dma_start3A_132 = tpu.memref_squeeze %dma_start3A_131 : memref<1x512x16xf32, #tpu.memory_space<vmem>> -> memref<512x16xf32, #tpu.memory_space<vmem>>
    %dma_start3A_133 = arith.constant 0 : i32
    %dma_start3A_134 = tpu.memref_slice %arg6[%dma_start3A_126, %dma_start3A_133] : memref<20x512xi32, #tpu.memory_space<vmem>> -> memref<1x512xi32, #tpu.memory_space<vmem>>
    %dma_start3A_135 = tpu.memref_squeeze %dma_start3A_134 : memref<1x512xi32, #tpu.memory_space<vmem>> -> memref<512xi32, #tpu.memory_space<vmem>>
    %dma_start3A_136 = arith.constant 0 : i32
    %dma_start3A_137 = arith.constant 0 : i32
    %dma_start3A_138 = tpu.memref_slice %arg10[%dma_start3A_136, %dma_start3A_137] : memref<10240x16xf32, #tpu.memory_space<vmem_shared>> -> memref<10240x16xf32, #tpu.memory_space<vmem_shared>>
    %dma_start3A_139 = tpu.memref_slice %arg13[%dma_start3A_128] : memref<8x!tpu.dma_semaphore, #tpu.memory_space<semaphore_mem>> -> memref<1x!tpu.dma_semaphore, #tpu.memory_space<semaphore_mem>>
    %dma_start3A_140 = tpu.memref_squeeze %dma_start3A_139 : memref<1x!tpu.dma_semaphore, #tpu.memory_space<semaphore_mem>> -> memref<!tpu.dma_semaphore, #tpu.memory_space<semaphore_mem>>
    tpu.enqueue_indirect_dma source(%dma_start3A_138 : memref<10240x16xf32, #tpu.memory_space<vmem_shared>>) target(%dma_start3A_132 : memref<512x16xf32, #tpu.memory_space<vmem>>) offsets(%dma_start3A_135 : memref<512xi32, #tpu.memory_space<vmem>>) semaphore(%dma_start3A_140 : memref<!tpu.dma_semaphore, #tpu.memory_space<semaphore_mem>>)
    %dma_start3A_141 = arith.constant 5 : i32
    %dma_start3A_142 = arith.constant 5 : i32
    %dma_start3A_143 = arith.constant 5 : i32
    %dma_start3A_144 = arith.constant 0 : i32
    %dma_start3A_145 = arith.constant 0 : i32
    %dma_start3A_146 = tpu.memref_slice %arg8[%dma_start3A_142, %dma_start3A_144, %dma_start3A_145] : memref<8x512x16xf32, #tpu.memory_space<vmem>> -> memref<1x512x16xf32, #tpu.memory_space<vmem>>
    %dma_start3A_147 = tpu.memref_squeeze %dma_start3A_146 : memref<1x512x16xf32, #tpu.memory_space<vmem>> -> memref<512x16xf32, #tpu.memory_space<vmem>>
    %dma_start3A_148 = arith.constant 0 : i32
    %dma_start3A_149 = tpu.memref_slice %arg6[%dma_start3A_141, %dma_start3A_148] : memref<20x512xi32, #tpu.memory_space<vmem>> -> memref<1x512xi32, #tpu.memory_space<vmem>>
    %dma_start3A_150 = tpu.memref_squeeze %dma_start3A_149 : memref<1x512xi32, #tpu.memory_space<vmem>> -> memref<512xi32, #tpu.memory_space<vmem>>
    %dma_start3A_151 = arith.constant 0 : i32
    %dma_start3A_152 = arith.constant 0 : i32
    %dma_start3A_153 = tpu.memref_slice %arg10[%dma_start3A_151, %dma_start3A_152] : memref<10240x16xf32, #tpu.memory_space<vmem_shared>> -> memref<10240x16xf32, #tpu.memory_space<vmem_shared>>
    %dma_start3A_154 = tpu.memref_slice %arg13[%dma_start3A_143] : memref<8x!tpu.dma_semaphore, #tpu.memory_space<semaphore_mem>> -> memref<1x!tpu.dma_semaphore, #tpu.memory_space<semaphore_mem>>
    %dma_start3A_155 = tpu.memref_squeeze %dma_start3A_154 : memref<1x!tpu.dma_semaphore, #tpu.memory_space<semaphore_mem>> -> memref<!tpu.dma_semaphore, #tpu.memory_space<semaphore_mem>>
    tpu.enqueue_indirect_dma source(%dma_start3A_153 : memref<10240x16xf32, #tpu.memory_space<vmem_shared>>) target(%dma_start3A_147 : memref<512x16xf32, #tpu.memory_space<vmem>>) offsets(%dma_start3A_150 : memref<512xi32, #tpu.memory_space<vmem>>) semaphore(%dma_start3A_155 : memref<!tpu.dma_semaphore, #tpu.memory_space<semaphore_mem>>)
    %dma_start3A_156 = arith.constant 6 : i32
    %dma_start3A_157 = arith.constant 6 : i32
    %dma_start3A_158 = arith.constant 6 : i32
    %dma_start3A_159 = arith.constant 0 : i32
    %dma_start3A_160 = arith.constant 0 : i32
    %dma_start3A_161 = tpu.memref_slice %arg8[%dma_start3A_157, %dma_start3A_159, %dma_start3A_160] : memref<8x512x16xf32, #tpu.memory_space<vmem>> -> memref<1x512x16xf32, #tpu.memory_space<vmem>>
    %dma_start3A_162 = tpu.memref_squeeze %dma_start3A_161 : memref<1x512x16xf32, #tpu.memory_space<vmem>> -> memref<512x16xf32, #tpu.memory_space<vmem>>
    %dma_start3A_163 = arith.constant 0 : i32
    %dma_start3A_164 = tpu.memref_slice %arg6[%dma_start3A_156, %dma_start3A_163] : memref<20x512xi32, #tpu.memory_space<vmem>> -> memref<1x512xi32, #tpu.memory_space<vmem>>
    %dma_start3A_165 = tpu.memref_squeeze %dma_start3A_164 : memref<1x512xi32, #tpu.memory_space<vmem>> -> memref<512xi32, #tpu.memory_space<vmem>>
    %dma_start3A_166 = arith.constant 0 : i32
    %dma_start3A_167 = arith.constant 0 : i32
    %dma_start3A_168 = tpu.memref_slice %arg10[%dma_start3A_166, %dma_start3A_167] : memref<10240x16xf32, #tpu.memory_space<vmem_shared>> -> memref<10240x16xf32, #tpu.memory_space<vmem_shared>>
    %dma_start3A_169 = tpu.memref_slice %arg13[%dma_start3A_158] : memref<8x!tpu.dma_semaphore, #tpu.memory_space<semaphore_mem>> -> memref<1x!tpu.dma_semaphore, #tpu.memory_space<semaphore_mem>>
    %dma_start3A_170 = tpu.memref_squeeze %dma_start3A_169 : memref<1x!tpu.dma_semaphore, #tpu.memory_space<semaphore_mem>> -> memref<!tpu.dma_semaphore, #tpu.memory_space<semaphore_mem>>
    tpu.enqueue_indirect_dma source(%dma_start3A_168 : memref<10240x16xf32, #tpu.memory_space<vmem_shared>>) target(%dma_start3A_162 : memref<512x16xf32, #tpu.memory_space<vmem>>) offsets(%dma_start3A_165 : memref<512xi32, #tpu.memory_space<vmem>>) semaphore(%dma_start3A_170 : memref<!tpu.dma_semaphore, #tpu.memory_space<semaphore_mem>>)
    %dma_start3A_171 = arith.constant 7 : i32
    %dma_start3A_172 = arith.constant 7 : i32
    %dma_start3A_173 = arith.constant 7 : i32
    %dma_start3A_174 = arith.constant 0 : i32
    %dma_start3A_175 = arith.constant 0 : i32
    %dma_start3A_176 = tpu.memref_slice %arg8[%dma_start3A_172, %dma_start3A_174, %dma_start3A_175] : memref<8x512x16xf32, #tpu.memory_space<vmem>> -> memref<1x512x16xf32, #tpu.memory_space<vmem>>
    %dma_start3A_177 = tpu.memref_squeeze %dma_start3A_176 : memref<1x512x16xf32, #tpu.memory_space<vmem>> -> memref<512x16xf32, #tpu.memory_space<vmem>>
    %dma_start3A_178 = arith.constant 0 : i32
    %dma_start3A_179 = tpu.memref_slice %arg6[%dma_start3A_171, %dma_start3A_178] : memref<20x512xi32, #tpu.memory_space<vmem>> -> memref<1x512xi32, #tpu.memory_space<vmem>>
    %dma_start3A_180 = tpu.memref_squeeze %dma_start3A_179 : memref<1x512xi32, #tpu.memory_space<vmem>> -> memref<512xi32, #tpu.memory_space<vmem>>
    %dma_start3A_181 = arith.constant 0 : i32
    %dma_start3A_182 = arith.constant 0 : i32
    %dma_start3A_183 = tpu.memref_slice %arg10[%dma_start3A_181, %dma_start3A_182] : memref<10240x16xf32, #tpu.memory_space<vmem_shared>> -> memref<10240x16xf32, #tpu.memory_space<vmem_shared>>
    %dma_start3A_184 = tpu.memref_slice %arg13[%dma_start3A_173] : memref<8x!tpu.dma_semaphore, #tpu.memory_space<semaphore_mem>> -> memref<1x!tpu.dma_semaphore, #tpu.memory_space<semaphore_mem>>
    %dma_start3A_185 = tpu.memref_squeeze %dma_start3A_184 : memref<1x!tpu.dma_semaphore, #tpu.memory_space<semaphore_mem>> -> memref<!tpu.dma_semaphore, #tpu.memory_space<semaphore_mem>>
    tpu.enqueue_indirect_dma source(%dma_start3A_183 : memref<10240x16xf32, #tpu.memory_space<vmem_shared>>) target(%dma_start3A_177 : memref<512x16xf32, #tpu.memory_space<vmem>>) offsets(%dma_start3A_180 : memref<512xi32, #tpu.memory_space<vmem>>) semaphore(%dma_start3A_185 : memref<!tpu.dma_semaphore, #tpu.memory_space<semaphore_mem>>)
    %scan3A = arith.constant 0 : i32
    %scan3A_186 = arith.constant 0 : i32
    %scan3A_187 = arith.constant 3 : i32
    %scan3A_188 = arith.addi %scan3A_186, %scan3A_187 : i32
    %scan3A_189 = arith.constant 1 : i32
    scf.for %scan3A_196 = %scan3A_186 to %scan3A_188 step %scan3A_189  : i32 {
      %mul3A_197 = arith.constant 8 : i32
      %mul3A_198 = arith.muli %scan3A_196, %mul3A_197 : i32
      %add3A_199 = arith.constant 0 : i32
      %add3A_200 = arith.addi %mul3A_198, %add3A_199 : i32
      %lt3A_201 = arith.cmpi slt, %add3A_200, %select_n3A : i32
      %convert_element_type3A_202 = arith.extui %lt3A_201 : i1 to i32
      %cond3A_203 = arith.constant 0 : i32
      %cond3A_204 = arith.cmpi ne, %convert_element_type3A_202, %cond3A_203 : i32
      scf.if %cond3A_204 {
        %dma_wait3A_343 = arith.constant 0 : i32
        %dma_wait3A_344 = arith.constant 0 : i32
        %dma_wait3A_345 = arith.constant 0 : i32
        %dma_wait3A_346 = arith.constant 0 : i32
        %dma_wait3A_347 = tpu.memref_slice %arg8[%dma_wait3A_343, %dma_wait3A_345, %dma_wait3A_346] : memref<8x512x16xf32, #tpu.memory_space<vmem>> -> memref<1x512x16xf32, #tpu.memory_space<vmem>>
        %dma_wait3A_348 = tpu.memref_squeeze %dma_wait3A_347 : memref<1x512x16xf32, #tpu.memory_space<vmem>> -> memref<512x16xf32, #tpu.memory_space<vmem>>
        %dma_wait3A_349 = arith.constant 0 : i32
        %dma_wait3A_350 = tpu.memref_slice %arg6[%add3A_200, %dma_wait3A_349] : memref<20x512xi32, #tpu.memory_space<vmem>> -> memref<1x512xi32, #tpu.memory_space<vmem>>
        %dma_wait3A_351 = tpu.memref_squeeze %dma_wait3A_350 : memref<1x512xi32, #tpu.memory_space<vmem>> -> memref<512xi32, #tpu.memory_space<vmem>>
        %dma_wait3A_352 = arith.constant 0 : i32
        %dma_wait3A_353 = arith.constant 0 : i32
        %dma_wait3A_354 = tpu.memref_slice %arg10[%dma_wait3A_352, %dma_wait3A_353] : memref<10240x16xf32, #tpu.memory_space<vmem_shared>> -> memref<10240x16xf32, #tpu.memory_space<vmem_shared>>
        %dma_wait3A_355 = tpu.memref_slice %arg13[%dma_wait3A_344] : memref<8x!tpu.dma_semaphore, #tpu.memory_space<semaphore_mem>> -> memref<1x!tpu.dma_semaphore, #tpu.memory_space<semaphore_mem>>
        %dma_wait3A_356 = tpu.memref_squeeze %dma_wait3A_355 : memref<1x!tpu.dma_semaphore, #tpu.memory_space<semaphore_mem>> -> memref<!tpu.dma_semaphore, #tpu.memory_space<semaphore_mem>>
        tpu.wait_indirect_dma semaphore(%dma_wait3A_356 : memref<!tpu.dma_semaphore, #tpu.memory_space<semaphore_mem>>) src(%dma_wait3A_354 : memref<10240x16xf32, #tpu.memory_space<vmem_shared>>) dst(%dma_wait3A_348 : memref<512x16xf32, #tpu.memory_space<vmem>>)
        %dma_start3A_357 = arith.constant 0 : i32
        %dma_start3A_358 = arith.constant 0 : i32
        %dma_start3A_359 = arith.constant 0 : i32
        %dma_start3A_360 = arith.constant 0 : i32
        %dma_start3A_361 = tpu.memref_slice %arg8[%dma_start3A_357, %dma_start3A_359, %dma_start3A_360] : memref<8x512x16xf32, #tpu.memory_space<vmem>> -> memref<1x512x16xf32, #tpu.memory_space<vmem>>
        %dma_start3A_362 = tpu.memref_squeeze %dma_start3A_361 : memref<1x512x16xf32, #tpu.memory_space<vmem>> -> memref<512x16xf32, #tpu.memory_space<vmem>>
        %dma_start3A_363 = arith.constant 0 : i32
        %dma_start3A_364 = tpu.memref_slice %arg7[%add3A_200, %dma_start3A_363] : memref<20x512xi32, #tpu.memory_space<vmem>> -> memref<1x512xi32, #tpu.memory_space<vmem>>
        %dma_start3A_365 = tpu.memref_squeeze %dma_start3A_364 : memref<1x512xi32, #tpu.memory_space<vmem>> -> memref<512xi32, #tpu.memory_space<vmem>>
        %dma_start3A_366 = arith.constant 0 : i32
        %dma_start3A_367 = arith.constant 0 : i32
        %dma_start3A_368 = tpu.memref_slice %arg9[%dma_start3A_366, %dma_start3A_367] : memref<10240x16xf32, #tpu.memory_space<vmem_shared>> -> memref<10240x16xf32, #tpu.memory_space<vmem_shared>>
        %dma_start3A_369 = tpu.memref_slice %arg14[%dma_start3A_358] : memref<8x!tpu.dma_semaphore, #tpu.memory_space<semaphore_mem>> -> memref<1x!tpu.dma_semaphore, #tpu.memory_space<semaphore_mem>>
        %dma_start3A_370 = tpu.memref_squeeze %dma_start3A_369 : memref<1x!tpu.dma_semaphore, #tpu.memory_space<semaphore_mem>> -> memref<!tpu.dma_semaphore, #tpu.memory_space<semaphore_mem>>
        tpu.enqueue_indirect_dma source(%dma_start3A_362 : memref<512x16xf32, #tpu.memory_space<vmem>>) target(%dma_start3A_368 : memref<10240x16xf32, #tpu.memory_space<vmem_shared>>) offsets(%dma_start3A_365 : memref<512xi32, #tpu.memory_space<vmem>>) semaphore(%dma_start3A_370 : memref<!tpu.dma_semaphore, #tpu.memory_space<semaphore_mem>>) {add = true}
      } else {
      }
      %add3A_205 = arith.constant 1 : i32
      %add3A_206 = arith.addi %mul3A_198, %add3A_205 : i32
      %lt3A_207 = arith.cmpi slt, %add3A_206, %select_n3A : i32
      %convert_element_type3A_208 = arith.extui %lt3A_207 : i1 to i32
      %cond3A_209 = arith.constant 0 : i32
      %cond3A_210 = arith.cmpi ne, %convert_element_type3A_208, %cond3A_209 : i32
      scf.if %cond3A_210 {
        %dma_wait3A_343 = arith.constant 1 : i32
        %dma_wait3A_344 = arith.constant 1 : i32
        %dma_wait3A_345 = arith.constant 0 : i32
        %dma_wait3A_346 = arith.constant 0 : i32
        %dma_wait3A_347 = tpu.memref_slice %arg8[%dma_wait3A_343, %dma_wait3A_345, %dma_wait3A_346] : memref<8x512x16xf32, #tpu.memory_space<vmem>> -> memref<1x512x16xf32, #tpu.memory_space<vmem>>
        %dma_wait3A_348 = tpu.memref_squeeze %dma_wait3A_347 : memref<1x512x16xf32, #tpu.memory_space<vmem>> -> memref<512x16xf32, #tpu.memory_space<vmem>>
        %dma_wait3A_349 = arith.constant 0 : i32
        %dma_wait3A_350 = tpu.memref_slice %arg6[%add3A_206, %dma_wait3A_349] : memref<20x512xi32, #tpu.memory_space<vmem>> -> memref<1x512xi32, #tpu.memory_space<vmem>>
        %dma_wait3A_351 = tpu.memref_squeeze %dma_wait3A_350 : memref<1x512xi32, #tpu.memory_space<vmem>> -> memref<512xi32, #tpu.memory_space<vmem>>
        %dma_wait3A_352 = arith.constant 0 : i32
        %dma_wait3A_353 = arith.constant 0 : i32
        %dma_wait3A_354 = tpu.memref_slice %arg10[%dma_wait3A_352, %dma_wait3A_353] : memref<10240x16xf32, #tpu.memory_space<vmem_shared>> -> memref<10240x16xf32, #tpu.memory_space<vmem_shared>>
        %dma_wait3A_355 = tpu.memref_slice %arg13[%dma_wait3A_344] : memref<8x!tpu.dma_semaphore, #tpu.memory_space<semaphore_mem>> -> memref<1x!tpu.dma_semaphore, #tpu.memory_space<semaphore_mem>>
        %dma_wait3A_356 = tpu.memref_squeeze %dma_wait3A_355 : memref<1x!tpu.dma_semaphore, #tpu.memory_space<semaphore_mem>> -> memref<!tpu.dma_semaphore, #tpu.memory_space<semaphore_mem>>
        tpu.wait_indirect_dma semaphore(%dma_wait3A_356 : memref<!tpu.dma_semaphore, #tpu.memory_space<semaphore_mem>>) src(%dma_wait3A_354 : memref<10240x16xf32, #tpu.memory_space<vmem_shared>>) dst(%dma_wait3A_348 : memref<512x16xf32, #tpu.memory_space<vmem>>)
        %dma_start3A_357 = arith.constant 1 : i32
        %dma_start3A_358 = arith.constant 1 : i32
        %dma_start3A_359 = arith.constant 0 : i32
        %dma_start3A_360 = arith.constant 0 : i32
        %dma_start3A_361 = tpu.memref_slice %arg8[%dma_start3A_357, %dma_start3A_359, %dma_start3A_360] : memref<8x512x16xf32, #tpu.memory_space<vmem>> -> memref<1x512x16xf32, #tpu.memory_space<vmem>>
        %dma_start3A_362 = tpu.memref_squeeze %dma_start3A_361 : memref<1x512x16xf32, #tpu.memory_space<vmem>> -> memref<512x16xf32, #tpu.memory_space<vmem>>
        %dma_start3A_363 = arith.constant 0 : i32
        %dma_start3A_364 = tpu.memref_slice %arg7[%add3A_206, %dma_start3A_363] : memref<20x512xi32, #tpu.memory_space<vmem>> -> memref<1x512xi32, #tpu.memory_space<vmem>>
        %dma_start3A_365 = tpu.memref_squeeze %dma_start3A_364 : memref<1x512xi32, #tpu.memory_space<vmem>> -> memref<512xi32, #tpu.memory_space<vmem>>
        %dma_start3A_366 = arith.constant 0 : i32
        %dma_start3A_367 = arith.constant 0 : i32
        %dma_start3A_368 = tpu.memref_slice %arg9[%dma_start3A_366, %dma_start3A_367] : memref<10240x16xf32, #tpu.memory_space<vmem_shared>> -> memref<10240x16xf32, #tpu.memory_space<vmem_shared>>
        %dma_start3A_369 = tpu.memref_slice %arg14[%dma_start3A_358] : memref<8x!tpu.dma_semaphore, #tpu.memory_space<semaphore_mem>> -> memref<1x!tpu.dma_semaphore, #tpu.memory_space<semaphore_mem>>
        %dma_start3A_370 = tpu.memref_squeeze %dma_start3A_369 : memref<1x!tpu.dma_semaphore, #tpu.memory_space<semaphore_mem>> -> memref<!tpu.dma_semaphore, #tpu.memory_space<semaphore_mem>>
        tpu.enqueue_indirect_dma source(%dma_start3A_362 : memref<512x16xf32, #tpu.memory_space<vmem>>) target(%dma_start3A_368 : memref<10240x16xf32, #tpu.memory_space<vmem_shared>>) offsets(%dma_start3A_365 : memref<512xi32, #tpu.memory_space<vmem>>) semaphore(%dma_start3A_370 : memref<!tpu.dma_semaphore, #tpu.memory_space<semaphore_mem>>) {add = true}
      } else {
      }
      %add3A_211 = arith.constant 2 : i32
      %add3A_212 = arith.addi %mul3A_198, %add3A_211 : i32
      %lt3A_213 = arith.cmpi slt, %add3A_212, %select_n3A : i32
      %convert_element_type3A_214 = arith.extui %lt3A_213 : i1 to i32
      %cond3A_215 = arith.constant 0 : i32
      %cond3A_216 = arith.cmpi ne, %convert_element_type3A_214, %cond3A_215 : i32
      scf.if %cond3A_216 {
        %dma_wait3A_343 = arith.constant 2 : i32
        %dma_wait3A_344 = arith.constant 2 : i32
        %dma_wait3A_345 = arith.constant 0 : i32
        %dma_wait3A_346 = arith.constant 0 : i32
        %dma_wait3A_347 = tpu.memref_slice %arg8[%dma_wait3A_343, %dma_wait3A_345, %dma_wait3A_346] : memref<8x512x16xf32, #tpu.memory_space<vmem>> -> memref<1x512x16xf32, #tpu.memory_space<vmem>>
        %dma_wait3A_348 = tpu.memref_squeeze %dma_wait3A_347 : memref<1x512x16xf32, #tpu.memory_space<vmem>> -> memref<512x16xf32, #tpu.memory_space<vmem>>
        %dma_wait3A_349 = arith.constant 0 : i32
        %dma_wait3A_350 = tpu.memref_slice %arg6[%add3A_212, %dma_wait3A_349] : memref<20x512xi32, #tpu.memory_space<vmem>> -> memref<1x512xi32, #tpu.memory_space<vmem>>
        %dma_wait3A_351 = tpu.memref_squeeze %dma_wait3A_350 : memref<1x512xi32, #tpu.memory_space<vmem>> -> memref<512xi32, #tpu.memory_space<vmem>>
        %dma_wait3A_352 = arith.constant 0 : i32
        %dma_wait3A_353 = arith.constant 0 : i32
        %dma_wait3A_354 = tpu.memref_slice %arg10[%dma_wait3A_352, %dma_wait3A_353] : memref<10240x16xf32, #tpu.memory_space<vmem_shared>> -> memref<10240x16xf32, #tpu.memory_space<vmem_shared>>
        %dma_wait3A_355 = tpu.memref_slice %arg13[%dma_wait3A_344] : memref<8x!tpu.dma_semaphore, #tpu.memory_space<semaphore_mem>> -> memref<1x!tpu.dma_semaphore, #tpu.memory_space<semaphore_mem>>
        %dma_wait3A_356 = tpu.memref_squeeze %dma_wait3A_355 : memref<1x!tpu.dma_semaphore, #tpu.memory_space<semaphore_mem>> -> memref<!tpu.dma_semaphore, #tpu.memory_space<semaphore_mem>>
        tpu.wait_indirect_dma semaphore(%dma_wait3A_356 : memref<!tpu.dma_semaphore, #tpu.memory_space<semaphore_mem>>) src(%dma_wait3A_354 : memref<10240x16xf32, #tpu.memory_space<vmem_shared>>) dst(%dma_wait3A_348 : memref<512x16xf32, #tpu.memory_space<vmem>>)
        %dma_start3A_357 = arith.constant 2 : i32
        %dma_start3A_358 = arith.constant 2 : i32
        %dma_start3A_359 = arith.constant 0 : i32
        %dma_start3A_360 = arith.constant 0 : i32
        %dma_start3A_361 = tpu.memref_slice %arg8[%dma_start3A_357, %dma_start3A_359, %dma_start3A_360] : memref<8x512x16xf32, #tpu.memory_space<vmem>> -> memref<1x512x16xf32, #tpu.memory_space<vmem>>
        %dma_start3A_362 = tpu.memref_squeeze %dma_start3A_361 : memref<1x512x16xf32, #tpu.memory_space<vmem>> -> memref<512x16xf32, #tpu.memory_space<vmem>>
        %dma_start3A_363 = arith.constant 0 : i32
        %dma_start3A_364 = tpu.memref_slice %arg7[%add3A_212, %dma_start3A_363] : memref<20x512xi32, #tpu.memory_space<vmem>> -> memref<1x512xi32, #tpu.memory_space<vmem>>
        %dma_start3A_365 = tpu.memref_squeeze %dma_start3A_364 : memref<1x512xi32, #tpu.memory_space<vmem>> -> memref<512xi32, #tpu.memory_space<vmem>>
        %dma_start3A_366 = arith.constant 0 : i32
        %dma_start3A_367 = arith.constant 0 : i32
        %dma_start3A_368 = tpu.memref_slice %arg9[%dma_start3A_366, %dma_start3A_367] : memref<10240x16xf32, #tpu.memory_space<vmem_shared>> -> memref<10240x16xf32, #tpu.memory_space<vmem_shared>>
        %dma_start3A_369 = tpu.memref_slice %arg14[%dma_start3A_358] : memref<8x!tpu.dma_semaphore, #tpu.memory_space<semaphore_mem>> -> memref<1x!tpu.dma_semaphore, #tpu.memory_space<semaphore_mem>>
        %dma_start3A_370 = tpu.memref_squeeze %dma_start3A_369 : memref<1x!tpu.dma_semaphore, #tpu.memory_space<semaphore_mem>> -> memref<!tpu.dma_semaphore, #tpu.memory_space<semaphore_mem>>
        tpu.enqueue_indirect_dma source(%dma_start3A_362 : memref<512x16xf32, #tpu.memory_space<vmem>>) target(%dma_start3A_368 : memref<10240x16xf32, #tpu.memory_space<vmem_shared>>) offsets(%dma_start3A_365 : memref<512xi32, #tpu.memory_space<vmem>>) semaphore(%dma_start3A_370 : memref<!tpu.dma_semaphore, #tpu.memory_space<semaphore_mem>>) {add = true}
      } else {
      }
      %add3A_217 = arith.constant 3 : i32
      %add3A_218 = arith.addi %mul3A_198, %add3A_217 : i32
      %lt3A_219 = arith.cmpi slt, %add3A_218, %select_n3A : i32
      %convert_element_type3A_220 = arith.extui %lt3A_219 : i1 to i32
      %cond3A_221 = arith.constant 0 : i32
      %cond3A_222 = arith.cmpi ne, %convert_element_type3A_220, %cond3A_221 : i32
      scf.if %cond3A_222 {
        %dma_wait3A_343 = arith.constant 3 : i32
        %dma_wait3A_344 = arith.constant 3 : i32
        %dma_wait3A_345 = arith.constant 0 : i32
        %dma_wait3A_346 = arith.constant 0 : i32
        %dma_wait3A_347 = tpu.memref_slice %arg8[%dma_wait3A_343, %dma_wait3A_345, %dma_wait3A_346] : memref<8x512x16xf32, #tpu.memory_space<vmem>> -> memref<1x512x16xf32, #tpu.memory_space<vmem>>
        %dma_wait3A_348 = tpu.memref_squeeze %dma_wait3A_347 : memref<1x512x16xf32, #tpu.memory_space<vmem>> -> memref<512x16xf32, #tpu.memory_space<vmem>>
        %dma_wait3A_349 = arith.constant 0 : i32
        %dma_wait3A_350 = tpu.memref_slice %arg6[%add3A_218, %dma_wait3A_349] : memref<20x512xi32, #tpu.memory_space<vmem>> -> memref<1x512xi32, #tpu.memory_space<vmem>>
        %dma_wait3A_351 = tpu.memref_squeeze %dma_wait3A_350 : memref<1x512xi32, #tpu.memory_space<vmem>> -> memref<512xi32, #tpu.memory_space<vmem>>
        %dma_wait3A_352 = arith.constant 0 : i32
        %dma_wait3A_353 = arith.constant 0 : i32
        %dma_wait3A_354 = tpu.memref_slice %arg10[%dma_wait3A_352, %dma_wait3A_353] : memref<10240x16xf32, #tpu.memory_space<vmem_shared>> -> memref<10240x16xf32, #tpu.memory_space<vmem_shared>>
        %dma_wait3A_355 = tpu.memref_slice %arg13[%dma_wait3A_344] : memref<8x!tpu.dma_semaphore, #tpu.memory_space<semaphore_mem>> -> memref<1x!tpu.dma_semaphore, #tpu.memory_space<semaphore_mem>>
        %dma_wait3A_356 = tpu.memref_squeeze %dma_wait3A_355 : memref<1x!tpu.dma_semaphore, #tpu.memory_space<semaphore_mem>> -> memref<!tpu.dma_semaphore, #tpu.memory_space<semaphore_mem>>
        tpu.wait_indirect_dma semaphore(%dma_wait3A_356 : memref<!tpu.dma_semaphore, #tpu.memory_space<semaphore_mem>>) src(%dma_wait3A_354 : memref<10240x16xf32, #tpu.memory_space<vmem_shared>>) dst(%dma_wait3A_348 : memref<512x16xf32, #tpu.memory_space<vmem>>)
        %dma_start3A_357 = arith.constant 3 : i32
        %dma_start3A_358 = arith.constant 3 : i32
        %dma_start3A_359 = arith.constant 0 : i32
        %dma_start3A_360 = arith.constant 0 : i32
        %dma_start3A_361 = tpu.memref_slice %arg8[%dma_start3A_357, %dma_start3A_359, %dma_start3A_360] : memref<8x512x16xf32, #tpu.memory_space<vmem>> -> memref<1x512x16xf32, #tpu.memory_space<vmem>>
        %dma_start3A_362 = tpu.memref_squeeze %dma_start3A_361 : memref<1x512x16xf32, #tpu.memory_space<vmem>> -> memref<512x16xf32, #tpu.memory_space<vmem>>
        %dma_start3A_363 = arith.constant 0 : i32
        %dma_start3A_364 = tpu.memref_slice %arg7[%add3A_218, %dma_start3A_363] : memref<20x512xi32, #tpu.memory_space<vmem>> -> memref<1x512xi32, #tpu.memory_space<vmem>>
        %dma_start3A_365 = tpu.memref_squeeze %dma_start3A_364 : memref<1x512xi32, #tpu.memory_space<vmem>> -> memref<512xi32, #tpu.memory_space<vmem>>
        %dma_start3A_366 = arith.constant 0 : i32
        %dma_start3A_367 = arith.constant 0 : i32
        %dma_start3A_368 = tpu.memref_slice %arg9[%dma_start3A_366, %dma_start3A_367] : memref<10240x16xf32, #tpu.memory_space<vmem_shared>> -> memref<10240x16xf32, #tpu.memory_space<vmem_shared>>
        %dma_start3A_369 = tpu.memref_slice %arg14[%dma_start3A_358] : memref<8x!tpu.dma_semaphore, #tpu.memory_space<semaphore_mem>> -> memref<1x!tpu.dma_semaphore, #tpu.memory_space<semaphore_mem>>
        %dma_start3A_370 = tpu.memref_squeeze %dma_start3A_369 : memref<1x!tpu.dma_semaphore, #tpu.memory_space<semaphore_mem>> -> memref<!tpu.dma_semaphore, #tpu.memory_space<semaphore_mem>>
        tpu.enqueue_indirect_dma source(%dma_start3A_362 : memref<512x16xf32, #tpu.memory_space<vmem>>) target(%dma_start3A_368 : memref<10240x16xf32, #tpu.memory_space<vmem_shared>>) offsets(%dma_start3A_365 : memref<512xi32, #tpu.memory_space<vmem>>) semaphore(%dma_start3A_370 : memref<!tpu.dma_semaphore, #tpu.memory_space<semaphore_mem>>) {add = true}
      } else {
      }
      %add3A_223 = arith.constant 4 : i32
      %add3A_224 = arith.addi %mul3A_198, %add3A_223 : i32
      %lt3A_225 = arith.cmpi slt, %add3A_224, %select_n3A : i32
      %convert_element_type3A_226 = arith.extui %lt3A_225 : i1 to i32
      %cond3A_227 = arith.constant 0 : i32
      %cond3A_228 = arith.cmpi ne, %convert_element_type3A_226, %cond3A_227 : i32
      scf.if %cond3A_228 {
        %dma_wait3A_343 = arith.constant 4 : i32
        %dma_wait3A_344 = arith.constant 4 : i32
        %dma_wait3A_345 = arith.constant 0 : i32
        %dma_wait3A_346 = arith.constant 0 : i32
        %dma_wait3A_347 = tpu.memref_slice %arg8[%dma_wait3A_343, %dma_wait3A_345, %dma_wait3A_346] : memref<8x512x16xf32, #tpu.memory_space<vmem>> -> memref<1x512x16xf32, #tpu.memory_space<vmem>>
        %dma_wait3A_348 = tpu.memref_squeeze %dma_wait3A_347 : memref<1x512x16xf32, #tpu.memory_space<vmem>> -> memref<512x16xf32, #tpu.memory_space<vmem>>
        %dma_wait3A_349 = arith.constant 0 : i32
        %dma_wait3A_350 = tpu.memref_slice %arg6[%add3A_224, %dma_wait3A_349] : memref<20x512xi32, #tpu.memory_space<vmem>> -> memref<1x512xi32, #tpu.memory_space<vmem>>
        %dma_wait3A_351 = tpu.memref_squeeze %dma_wait3A_350 : memref<1x512xi32, #tpu.memory_space<vmem>> -> memref<512xi32, #tpu.memory_space<vmem>>
        %dma_wait3A_352 = arith.constant 0 : i32
        %dma_wait3A_353 = arith.constant 0 : i32
        %dma_wait3A_354 = tpu.memref_slice %arg10[%dma_wait3A_352, %dma_wait3A_353] : memref<10240x16xf32, #tpu.memory_space<vmem_shared>> -> memref<10240x16xf32, #tpu.memory_space<vmem_shared>>
        %dma_wait3A_355 = tpu.memref_slice %arg13[%dma_wait3A_344] : memref<8x!tpu.dma_semaphore, #tpu.memory_space<semaphore_mem>> -> memref<1x!tpu.dma_semaphore, #tpu.memory_space<semaphore_mem>>
        %dma_wait3A_356 = tpu.memref_squeeze %dma_wait3A_355 : memref<1x!tpu.dma_semaphore, #tpu.memory_space<semaphore_mem>> -> memref<!tpu.dma_semaphore, #tpu.memory_space<semaphore_mem>>
        tpu.wait_indirect_dma semaphore(%dma_wait3A_356 : memref<!tpu.dma_semaphore, #tpu.memory_space<semaphore_mem>>) src(%dma_wait3A_354 : memref<10240x16xf32, #tpu.memory_space<vmem_shared>>) dst(%dma_wait3A_348 : memref<512x16xf32, #tpu.memory_space<vmem>>)
        %dma_start3A_357 = arith.constant 4 : i32
        %dma_start3A_358 = arith.constant 4 : i32
        %dma_start3A_359 = arith.constant 0 : i32
        %dma_start3A_360 = arith.constant 0 : i32
        %dma_start3A_361 = tpu.memref_slice %arg8[%dma_start3A_357, %dma_start3A_359, %dma_start3A_360] : memref<8x512x16xf32, #tpu.memory_space<vmem>> -> memref<1x512x16xf32, #tpu.memory_space<vmem>>
        %dma_start3A_362 = tpu.memref_squeeze %dma_start3A_361 : memref<1x512x16xf32, #tpu.memory_space<vmem>> -> memref<512x16xf32, #tpu.memory_space<vmem>>
        %dma_start3A_363 = arith.constant 0 : i32
        %dma_start3A_364 = tpu.memref_slice %arg7[%add3A_224, %dma_start3A_363] : memref<20x512xi32, #tpu.memory_space<vmem>> -> memref<1x512xi32, #tpu.memory_space<vmem>>
        %dma_start3A_365 = tpu.memref_squeeze %dma_start3A_364 : memref<1x512xi32, #tpu.memory_space<vmem>> -> memref<512xi32, #tpu.memory_space<vmem>>
        %dma_start3A_366 = arith.constant 0 : i32
        %dma_start3A_367 = arith.constant 0 : i32
        %dma_start3A_368 = tpu.memref_slice %arg9[%dma_start3A_366, %dma_start3A_367] : memref<10240x16xf32, #tpu.memory_space<vmem_shared>> -> memref<10240x16xf32, #tpu.memory_space<vmem_shared>>
        %dma_start3A_369 = tpu.memref_slice %arg14[%dma_start3A_358] : memref<8x!tpu.dma_semaphore, #tpu.memory_space<semaphore_mem>> -> memref<1x!tpu.dma_semaphore, #tpu.memory_space<semaphore_mem>>
        %dma_start3A_370 = tpu.memref_squeeze %dma_start3A_369 : memref<1x!tpu.dma_semaphore, #tpu.memory_space<semaphore_mem>> -> memref<!tpu.dma_semaphore, #tpu.memory_space<semaphore_mem>>
        tpu.enqueue_indirect_dma source(%dma_start3A_362 : memref<512x16xf32, #tpu.memory_space<vmem>>) target(%dma_start3A_368 : memref<10240x16xf32, #tpu.memory_space<vmem_shared>>) offsets(%dma_start3A_365 : memref<512xi32, #tpu.memory_space<vmem>>) semaphore(%dma_start3A_370 : memref<!tpu.dma_semaphore, #tpu.memory_space<semaphore_mem>>) {add = true}
      } else {
      }
      %add3A_229 = arith.constant 5 : i32
      %add3A_230 = arith.addi %mul3A_198, %add3A_229 : i32
      %lt3A_231 = arith.cmpi slt, %add3A_230, %select_n3A : i32
      %convert_element_type3A_232 = arith.extui %lt3A_231 : i1 to i32
      %cond3A_233 = arith.constant 0 : i32
      %cond3A_234 = arith.cmpi ne, %convert_element_type3A_232, %cond3A_233 : i32
      scf.if %cond3A_234 {
        %dma_wait3A_343 = arith.constant 5 : i32
        %dma_wait3A_344 = arith.constant 5 : i32
        %dma_wait3A_345 = arith.constant 0 : i32
        %dma_wait3A_346 = arith.constant 0 : i32
        %dma_wait3A_347 = tpu.memref_slice %arg8[%dma_wait3A_343, %dma_wait3A_345, %dma_wait3A_346] : memref<8x512x16xf32, #tpu.memory_space<vmem>> -> memref<1x512x16xf32, #tpu.memory_space<vmem>>
        %dma_wait3A_348 = tpu.memref_squeeze %dma_wait3A_347 : memref<1x512x16xf32, #tpu.memory_space<vmem>> -> memref<512x16xf32, #tpu.memory_space<vmem>>
        %dma_wait3A_349 = arith.constant 0 : i32
        %dma_wait3A_350 = tpu.memref_slice %arg6[%add3A_230, %dma_wait3A_349] : memref<20x512xi32, #tpu.memory_space<vmem>> -> memref<1x512xi32, #tpu.memory_space<vmem>>
        %dma_wait3A_351 = tpu.memref_squeeze %dma_wait3A_350 : memref<1x512xi32, #tpu.memory_space<vmem>> -> memref<512xi32, #tpu.memory_space<vmem>>
        %dma_wait3A_352 = arith.constant 0 : i32
        %dma_wait3A_353 = arith.constant 0 : i32
        %dma_wait3A_354 = tpu.memref_slice %arg10[%dma_wait3A_352, %dma_wait3A_353] : memref<10240x16xf32, #tpu.memory_space<vmem_shared>> -> memref<10240x16xf32, #tpu.memory_space<vmem_shared>>
        %dma_wait3A_355 = tpu.memref_slice %arg13[%dma_wait3A_344] : memref<8x!tpu.dma_semaphore, #tpu.memory_space<semaphore_mem>> -> memref<1x!tpu.dma_semaphore, #tpu.memory_space<semaphore_mem>>
        %dma_wait3A_356 = tpu.memref_squeeze %dma_wait3A_355 : memref<1x!tpu.dma_semaphore, #tpu.memory_space<semaphore_mem>> -> memref<!tpu.dma_semaphore, #tpu.memory_space<semaphore_mem>>
        tpu.wait_indirect_dma semaphore(%dma_wait3A_356 : memref<!tpu.dma_semaphore, #tpu.memory_space<semaphore_mem>>) src(%dma_wait3A_354 : memref<10240x16xf32, #tpu.memory_space<vmem_shared>>) dst(%dma_wait3A_348 : memref<512x16xf32, #tpu.memory_space<vmem>>)
        %dma_start3A_357 = arith.constant 5 : i32
        %dma_start3A_358 = arith.constant 5 : i32
        %dma_start3A_359 = arith.constant 0 : i32
        %dma_start3A_360 = arith.constant 0 : i32
        %dma_start3A_361 = tpu.memref_slice %arg8[%dma_start3A_357, %dma_start3A_359, %dma_start3A_360] : memref<8x512x16xf32, #tpu.memory_space<vmem>> -> memref<1x512x16xf32, #tpu.memory_space<vmem>>
        %dma_start3A_362 = tpu.memref_squeeze %dma_start3A_361 : memref<1x512x16xf32, #tpu.memory_space<vmem>> -> memref<512x16xf32, #tpu.memory_space<vmem>>
        %dma_start3A_363 = arith.constant 0 : i32
        %dma_start3A_364 = tpu.memref_slice %arg7[%add3A_230, %dma_start3A_363] : memref<20x512xi32, #tpu.memory_space<vmem>> -> memref<1x512xi32, #tpu.memory_space<vmem>>
        %dma_start3A_365 = tpu.memref_squeeze %dma_start3A_364 : memref<1x512xi32, #tpu.memory_space<vmem>> -> memref<512xi32, #tpu.memory_space<vmem>>
        %dma_start3A_366 = arith.constant 0 : i32
        %dma_start3A_367 = arith.constant 0 : i32
        %dma_start3A_368 = tpu.memref_slice %arg9[%dma_start3A_366, %dma_start3A_367] : memref<10240x16xf32, #tpu.memory_space<vmem_shared>> -> memref<10240x16xf32, #tpu.memory_space<vmem_shared>>
        %dma_start3A_369 = tpu.memref_slice %arg14[%dma_start3A_358] : memref<8x!tpu.dma_semaphore, #tpu.memory_space<semaphore_mem>> -> memref<1x!tpu.dma_semaphore, #tpu.memory_space<semaphore_mem>>
        %dma_start3A_370 = tpu.memref_squeeze %dma_start3A_369 : memref<1x!tpu.dma_semaphore, #tpu.memory_space<semaphore_mem>> -> memref<!tpu.dma_semaphore, #tpu.memory_space<semaphore_mem>>
        tpu.enqueue_indirect_dma source(%dma_start3A_362 : memref<512x16xf32, #tpu.memory_space<vmem>>) target(%dma_start3A_368 : memref<10240x16xf32, #tpu.memory_space<vmem_shared>>) offsets(%dma_start3A_365 : memref<512xi32, #tpu.memory_space<vmem>>) semaphore(%dma_start3A_370 : memref<!tpu.dma_semaphore, #tpu.memory_space<semaphore_mem>>) {add = true}
      } else {
      }
      %add3A_235 = arith.constant 6 : i32
      %add3A_236 = arith.addi %mul3A_198, %add3A_235 : i32
      %lt3A_237 = arith.cmpi slt, %add3A_236, %select_n3A : i32
      %convert_element_type3A_238 = arith.extui %lt3A_237 : i1 to i32
      %cond3A_239 = arith.constant 0 : i32
      %cond3A_240 = arith.cmpi ne, %convert_element_type3A_238, %cond3A_239 : i32
      scf.if %cond3A_240 {
        %dma_wait3A_343 = arith.constant 6 : i32
        %dma_wait3A_344 = arith.constant 6 : i32
        %dma_wait3A_345 = arith.constant 0 : i32
        %dma_wait3A_346 = arith.constant 0 : i32
        %dma_wait3A_347 = tpu.memref_slice %arg8[%dma_wait3A_343, %dma_wait3A_345, %dma_wait3A_346] : memref<8x512x16xf32, #tpu.memory_space<vmem>> -> memref<1x512x16xf32, #tpu.memory_space<vmem>>
        %dma_wait3A_348 = tpu.memref_squeeze %dma_wait3A_347 : memref<1x512x16xf32, #tpu.memory_space<vmem>> -> memref<512x16xf32, #tpu.memory_space<vmem>>
        %dma_wait3A_349 = arith.constant 0 : i32
        %dma_wait3A_350 = tpu.memref_slice %arg6[%add3A_236, %dma_wait3A_349] : memref<20x512xi32, #tpu.memory_space<vmem>> -> memref<1x512xi32, #tpu.memory_space<vmem>>
        %dma_wait3A_351 = tpu.memref_squeeze %dma_wait3A_350 : memref<1x512xi32, #tpu.memory_space<vmem>> -> memref<512xi32, #tpu.memory_space<vmem>>
        %dma_wait3A_352 = arith.constant 0 : i32
        %dma_wait3A_353 = arith.constant 0 : i32
        %dma_wait3A_354 = tpu.memref_slice %arg10[%dma_wait3A_352, %dma_wait3A_353] : memref<10240x16xf32, #tpu.memory_space<vmem_shared>> -> memref<10240x16xf32, #tpu.memory_space<vmem_shared>>
        %dma_wait3A_355 = tpu.memref_slice %arg13[%dma_wait3A_344] : memref<8x!tpu.dma_semaphore, #tpu.memory_space<semaphore_mem>> -> memref<1x!tpu.dma_semaphore, #tpu.memory_space<semaphore_mem>>
        %dma_wait3A_356 = tpu.memref_squeeze %dma_wait3A_355 : memref<1x!tpu.dma_semaphore, #tpu.memory_space<semaphore_mem>> -> memref<!tpu.dma_semaphore, #tpu.memory_space<semaphore_mem>>
        tpu.wait_indirect_dma semaphore(%dma_wait3A_356 : memref<!tpu.dma_semaphore, #tpu.memory_space<semaphore_mem>>) src(%dma_wait3A_354 : memref<10240x16xf32, #tpu.memory_space<vmem_shared>>) dst(%dma_wait3A_348 : memref<512x16xf32, #tpu.memory_space<vmem>>)
        %dma_start3A_357 = arith.constant 6 : i32
        %dma_start3A_358 = arith.constant 6 : i32
        %dma_start3A_359 = arith.constant 0 : i32
        %dma_start3A_360 = arith.constant 0 : i32
        %dma_start3A_361 = tpu.memref_slice %arg8[%dma_start3A_357, %dma_start3A_359, %dma_start3A_360] : memref<8x512x16xf32, #tpu.memory_space<vmem>> -> memref<1x512x16xf32, #tpu.memory_space<vmem>>
        %dma_start3A_362 = tpu.memref_squeeze %dma_start3A_361 : memref<1x512x16xf32, #tpu.memory_space<vmem>> -> memref<512x16xf32, #tpu.memory_space<vmem>>
        %dma_start3A_363 = arith.constant 0 : i32
        %dma_start3A_364 = tpu.memref_slice %arg7[%add3A_236, %dma_start3A_363] : memref<20x512xi32, #tpu.memory_space<vmem>> -> memref<1x512xi32, #tpu.memory_space<vmem>>
        %dma_start3A_365 = tpu.memref_squeeze %dma_start3A_364 : memref<1x512xi32, #tpu.memory_space<vmem>> -> memref<512xi32, #tpu.memory_space<vmem>>
        %dma_start3A_366 = arith.constant 0 : i32
        %dma_start3A_367 = arith.constant 0 : i32
        %dma_start3A_368 = tpu.memref_slice %arg9[%dma_start3A_366, %dma_start3A_367] : memref<10240x16xf32, #tpu.memory_space<vmem_shared>> -> memref<10240x16xf32, #tpu.memory_space<vmem_shared>>
        %dma_start3A_369 = tpu.memref_slice %arg14[%dma_start3A_358] : memref<8x!tpu.dma_semaphore, #tpu.memory_space<semaphore_mem>> -> memref<1x!tpu.dma_semaphore, #tpu.memory_space<semaphore_mem>>
        %dma_start3A_370 = tpu.memref_squeeze %dma_start3A_369 : memref<1x!tpu.dma_semaphore, #tpu.memory_space<semaphore_mem>> -> memref<!tpu.dma_semaphore, #tpu.memory_space<semaphore_mem>>
        tpu.enqueue_indirect_dma source(%dma_start3A_362 : memref<512x16xf32, #tpu.memory_space<vmem>>) target(%dma_start3A_368 : memref<10240x16xf32, #tpu.memory_space<vmem_shared>>) offsets(%dma_start3A_365 : memref<512xi32, #tpu.memory_space<vmem>>) semaphore(%dma_start3A_370 : memref<!tpu.dma_semaphore, #tpu.memory_space<semaphore_mem>>) {add = true}
      } else {
      }
      %add3A_241 = arith.constant 7 : i32
      %add3A_242 = arith.addi %mul3A_198, %add3A_241 : i32
      %lt3A_243 = arith.cmpi slt, %add3A_242, %select_n3A : i32
      %convert_element_type3A_244 = arith.extui %lt3A_243 : i1 to i32
      %cond3A_245 = arith.constant 0 : i32
      %cond3A_246 = arith.cmpi ne, %convert_element_type3A_244, %cond3A_245 : i32
      scf.if %cond3A_246 {
        %dma_wait3A_343 = arith.constant 7 : i32
        %dma_wait3A_344 = arith.constant 7 : i32
        %dma_wait3A_345 = arith.constant 0 : i32
        %dma_wait3A_346 = arith.constant 0 : i32
        %dma_wait3A_347 = tpu.memref_slice %arg8[%dma_wait3A_343, %dma_wait3A_345, %dma_wait3A_346] : memref<8x512x16xf32, #tpu.memory_space<vmem>> -> memref<1x512x16xf32, #tpu.memory_space<vmem>>
        %dma_wait3A_348 = tpu.memref_squeeze %dma_wait3A_347 : memref<1x512x16xf32, #tpu.memory_space<vmem>> -> memref<512x16xf32, #tpu.memory_space<vmem>>
        %dma_wait3A_349 = arith.constant 0 : i32
        %dma_wait3A_350 = tpu.memref_slice %arg6[%add3A_242, %dma_wait3A_349] : memref<20x512xi32, #tpu.memory_space<vmem>> -> memref<1x512xi32, #tpu.memory_space<vmem>>
        %dma_wait3A_351 = tpu.memref_squeeze %dma_wait3A_350 : memref<1x512xi32, #tpu.memory_space<vmem>> -> memref<512xi32, #tpu.memory_space<vmem>>
        %dma_wait3A_352 = arith.constant 0 : i32
        %dma_wait3A_353 = arith.constant 0 : i32
        %dma_wait3A_354 = tpu.memref_slice %arg10[%dma_wait3A_352, %dma_wait3A_353] : memref<10240x16xf32, #tpu.memory_space<vmem_shared>> -> memref<10240x16xf32, #tpu.memory_space<vmem_shared>>
        %dma_wait3A_355 = tpu.memref_slice %arg13[%dma_wait3A_344] : memref<8x!tpu.dma_semaphore, #tpu.memory_space<semaphore_mem>> -> memref<1x!tpu.dma_semaphore, #tpu.memory_space<semaphore_mem>>
        %dma_wait3A_356 = tpu.memref_squeeze %dma_wait3A_355 : memref<1x!tpu.dma_semaphore, #tpu.memory_space<semaphore_mem>> -> memref<!tpu.dma_semaphore, #tpu.memory_space<semaphore_mem>>
        tpu.wait_indirect_dma semaphore(%dma_wait3A_356 : memref<!tpu.dma_semaphore, #tpu.memory_space<semaphore_mem>>) src(%dma_wait3A_354 : memref<10240x16xf32, #tpu.memory_space<vmem_shared>>) dst(%dma_wait3A_348 : memref<512x16xf32, #tpu.memory_space<vmem>>)
        %dma_start3A_357 = arith.constant 7 : i32
        %dma_start3A_358 = arith.constant 7 : i32
        %dma_start3A_359 = arith.constant 0 : i32
        %dma_start3A_360 = arith.constant 0 : i32
        %dma_start3A_361 = tpu.memref_slice %arg8[%dma_start3A_357, %dma_start3A_359, %dma_start3A_360] : memref<8x512x16xf32, #tpu.memory_space<vmem>> -> memref<1x512x16xf32, #tpu.memory_space<vmem>>
        %dma_start3A_362 = tpu.memref_squeeze %dma_start3A_361 : memref<1x512x16xf32, #tpu.memory_space<vmem>> -> memref<512x16xf32, #tpu.memory_space<vmem>>
        %dma_start3A_363 = arith.constant 0 : i32
        %dma_start3A_364 = tpu.memref_slice %arg7[%add3A_242, %dma_start3A_363] : memref<20x512xi32, #tpu.memory_space<vmem>> -> memref<1x512xi32, #tpu.memory_space<vmem>>
        %dma_start3A_365 = tpu.memref_squeeze %dma_start3A_364 : memref<1x512xi32, #tpu.memory_space<vmem>> -> memref<512xi32, #tpu.memory_space<vmem>>
        %dma_start3A_366 = arith.constant 0 : i32
        %dma_start3A_367 = arith.constant 0 : i32
        %dma_start3A_368 = tpu.memref_slice %arg9[%dma_start3A_366, %dma_start3A_367] : memref<10240x16xf32, #tpu.memory_space<vmem_shared>> -> memref<10240x16xf32, #tpu.memory_space<vmem_shared>>
        %dma_start3A_369 = tpu.memref_slice %arg14[%dma_start3A_358] : memref<8x!tpu.dma_semaphore, #tpu.memory_space<semaphore_mem>> -> memref<1x!tpu.dma_semaphore, #tpu.memory_space<semaphore_mem>>
        %dma_start3A_370 = tpu.memref_squeeze %dma_start3A_369 : memref<1x!tpu.dma_semaphore, #tpu.memory_space<semaphore_mem>> -> memref<!tpu.dma_semaphore, #tpu.memory_space<semaphore_mem>>
        tpu.enqueue_indirect_dma source(%dma_start3A_362 : memref<512x16xf32, #tpu.memory_space<vmem>>) target(%dma_start3A_368 : memref<10240x16xf32, #tpu.memory_space<vmem_shared>>) offsets(%dma_start3A_365 : memref<512xi32, #tpu.memory_space<vmem>>) semaphore(%dma_start3A_370 : memref<!tpu.dma_semaphore, #tpu.memory_space<semaphore_mem>>) {add = true}
      } else {
      }
      %add3A_247 = arith.constant 0 : i32
      %add3A_248 = arith.addi %mul3A_198, %add3A_247 : i32
      %add3A_249 = arith.constant 8 : i32
      %add3A_250 = arith.addi %add3A_248, %add3A_249 : i32
      %lt3A_251 = arith.cmpi slt, %add3A_248, %select_n3A : i32
      %convert_element_type3A_252 = arith.extui %lt3A_251 : i1 to i32
      %cond3A_253 = arith.constant 0 : i32
      %cond3A_254 = arith.cmpi ne, %convert_element_type3A_252, %cond3A_253 : i32
      scf.if %cond3A_254 {
        %dma_wait3A_343 = arith.constant 0 : i32
        %dma_wait3A_344 = arith.constant 0 : i32
        %dma_wait3A_345 = arith.constant 0 : i32
        %dma_wait3A_346 = arith.constant 0 : i32
        %dma_wait3A_347 = tpu.memref_slice %arg8[%dma_wait3A_343, %dma_wait3A_345, %dma_wait3A_346] : memref<8x512x16xf32, #tpu.memory_space<vmem>> -> memref<1x512x16xf32, #tpu.memory_space<vmem>>
        %dma_wait3A_348 = tpu.memref_squeeze %dma_wait3A_347 : memref<1x512x16xf32, #tpu.memory_space<vmem>> -> memref<512x16xf32, #tpu.memory_space<vmem>>
        %dma_wait3A_349 = arith.constant 0 : i32
        %dma_wait3A_350 = tpu.memref_slice %arg7[%add3A_248, %dma_wait3A_349] : memref<20x512xi32, #tpu.memory_space<vmem>> -> memref<1x512xi32, #tpu.memory_space<vmem>>
        %dma_wait3A_351 = tpu.memref_squeeze %dma_wait3A_350 : memref<1x512xi32, #tpu.memory_space<vmem>> -> memref<512xi32, #tpu.memory_space<vmem>>
        %dma_wait3A_352 = arith.constant 0 : i32
        %dma_wait3A_353 = arith.constant 0 : i32
        %dma_wait3A_354 = tpu.memref_slice %arg9[%dma_wait3A_352, %dma_wait3A_353] : memref<10240x16xf32, #tpu.memory_space<vmem_shared>> -> memref<10240x16xf32, #tpu.memory_space<vmem_shared>>
        %dma_wait3A_355 = tpu.memref_slice %arg14[%dma_wait3A_344] : memref<8x!tpu.dma_semaphore, #tpu.memory_space<semaphore_mem>> -> memref<1x!tpu.dma_semaphore, #tpu.memory_space<semaphore_mem>>
        %dma_wait3A_356 = tpu.memref_squeeze %dma_wait3A_355 : memref<1x!tpu.dma_semaphore, #tpu.memory_space<semaphore_mem>> -> memref<!tpu.dma_semaphore, #tpu.memory_space<semaphore_mem>>
        tpu.wait_indirect_dma semaphore(%dma_wait3A_356 : memref<!tpu.dma_semaphore, #tpu.memory_space<semaphore_mem>>) src(%dma_wait3A_348 : memref<512x16xf32, #tpu.memory_space<vmem>>) dst(%dma_wait3A_354 : memref<10240x16xf32, #tpu.memory_space<vmem_shared>>)
      } else {
      }
      %lt3A_255 = arith.cmpi slt, %add3A_250, %select_n3A : i32
      %convert_element_type3A_256 = arith.extui %lt3A_255 : i1 to i32
      %cond3A_257 = arith.constant 0 : i32
      %cond3A_258 = arith.cmpi ne, %convert_element_type3A_256, %cond3A_257 : i32
      scf.if %cond3A_258 {
        %dma_start3A_343 = arith.constant 0 : i32
        %dma_start3A_344 = arith.constant 0 : i32
        %dma_start3A_345 = arith.constant 0 : i32
        %dma_start3A_346 = arith.constant 0 : i32
        %dma_start3A_347 = tpu.memref_slice %arg8[%dma_start3A_343, %dma_start3A_345, %dma_start3A_346] : memref<8x512x16xf32, #tpu.memory_space<vmem>> -> memref<1x512x16xf32, #tpu.memory_space<vmem>>
        %dma_start3A_348 = tpu.memref_squeeze %dma_start3A_347 : memref<1x512x16xf32, #tpu.memory_space<vmem>> -> memref<512x16xf32, #tpu.memory_space<vmem>>
        %dma_start3A_349 = arith.constant 0 : i32
        %dma_start3A_350 = tpu.memref_slice %arg6[%add3A_250, %dma_start3A_349] : memref<20x512xi32, #tpu.memory_space<vmem>> -> memref<1x512xi32, #tpu.memory_space<vmem>>
        %dma_start3A_351 = tpu.memref_squeeze %dma_start3A_350 : memref<1x512xi32, #tpu.memory_space<vmem>> -> memref<512xi32, #tpu.memory_space<vmem>>
        %dma_start3A_352 = arith.constant 0 : i32
        %dma_start3A_353 = arith.constant 0 : i32
        %dma_start3A_354 = tpu.memref_slice %arg10[%dma_start3A_352, %dma_start3A_353] : memref<10240x16xf32, #tpu.memory_space<vmem_shared>> -> memref<10240x16xf32, #tpu.memory_space<vmem_shared>>
        %dma_start3A_355 = tpu.memref_slice %arg13[%dma_start3A_344] : memref<8x!tpu.dma_semaphore, #tpu.memory_space<semaphore_mem>> -> memref<1x!tpu.dma_semaphore, #tpu.memory_space<semaphore_mem>>
        %dma_start3A_356 = tpu.memref_squeeze %dma_start3A_355 : memref<1x!tpu.dma_semaphore, #tpu.memory_space<semaphore_mem>> -> memref<!tpu.dma_semaphore, #tpu.memory_space<semaphore_mem>>
        tpu.enqueue_indirect_dma source(%dma_start3A_354 : memref<10240x16xf32, #tpu.memory_space<vmem_shared>>) target(%dma_start3A_348 : memref<512x16xf32, #tpu.memory_space<vmem>>) offsets(%dma_start3A_351 : memref<512xi32, #tpu.memory_space<vmem>>) semaphore(%dma_start3A_356 : memref<!tpu.dma_semaphore, #tpu.memory_space<semaphore_mem>>)
      } else {
      }
      %add3A_259 = arith.constant 1 : i32
      %add3A_260 = arith.addi %mul3A_198, %add3A_259 : i32
      %add3A_261 = arith.constant 8 : i32
      %add3A_262 = arith.addi %add3A_260, %add3A_261 : i32
      %lt3A_263 = arith.cmpi slt, %add3A_260, %select_n3A : i32
      %convert_element_type3A_264 = arith.extui %lt3A_263 : i1 to i32
      %cond3A_265 = arith.constant 0 : i32
      %cond3A_266 = arith.cmpi ne, %convert_element_type3A_264, %cond3A_265 : i32
      scf.if %cond3A_266 {
        %dma_wait3A_343 = arith.constant 1 : i32
        %dma_wait3A_344 = arith.constant 1 : i32
        %dma_wait3A_345 = arith.constant 0 : i32
        %dma_wait3A_346 = arith.constant 0 : i32
        %dma_wait3A_347 = tpu.memref_slice %arg8[%dma_wait3A_343, %dma_wait3A_345, %dma_wait3A_346] : memref<8x512x16xf32, #tpu.memory_space<vmem>> -> memref<1x512x16xf32, #tpu.memory_space<vmem>>
        %dma_wait3A_348 = tpu.memref_squeeze %dma_wait3A_347 : memref<1x512x16xf32, #tpu.memory_space<vmem>> -> memref<512x16xf32, #tpu.memory_space<vmem>>
        %dma_wait3A_349 = arith.constant 0 : i32
        %dma_wait3A_350 = tpu.memref_slice %arg7[%add3A_260, %dma_wait3A_349] : memref<20x512xi32, #tpu.memory_space<vmem>> -> memref<1x512xi32, #tpu.memory_space<vmem>>
        %dma_wait3A_351 = tpu.memref_squeeze %dma_wait3A_350 : memref<1x512xi32, #tpu.memory_space<vmem>> -> memref<512xi32, #tpu.memory_space<vmem>>
        %dma_wait3A_352 = arith.constant 0 : i32
        %dma_wait3A_353 = arith.constant 0 : i32
        %dma_wait3A_354 = tpu.memref_slice %arg9[%dma_wait3A_352, %dma_wait3A_353] : memref<10240x16xf32, #tpu.memory_space<vmem_shared>> -> memref<10240x16xf32, #tpu.memory_space<vmem_shared>>
        %dma_wait3A_355 = tpu.memref_slice %arg14[%dma_wait3A_344] : memref<8x!tpu.dma_semaphore, #tpu.memory_space<semaphore_mem>> -> memref<1x!tpu.dma_semaphore, #tpu.memory_space<semaphore_mem>>
        %dma_wait3A_356 = tpu.memref_squeeze %dma_wait3A_355 : memref<1x!tpu.dma_semaphore, #tpu.memory_space<semaphore_mem>> -> memref<!tpu.dma_semaphore, #tpu.memory_space<semaphore_mem>>
        tpu.wait_indirect_dma semaphore(%dma_wait3A_356 : memref<!tpu.dma_semaphore, #tpu.memory_space<semaphore_mem>>) src(%dma_wait3A_348 : memref<512x16xf32, #tpu.memory_space<vmem>>) dst(%dma_wait3A_354 : memref<10240x16xf32, #tpu.memory_space<vmem_shared>>)
      } else {
      }
      %lt3A_267 = arith.cmpi slt, %add3A_262, %select_n3A : i32
      %convert_element_type3A_268 = arith.extui %lt3A_267 : i1 to i32
      %cond3A_269 = arith.constant 0 : i32
      %cond3A_270 = arith.cmpi ne, %convert_element_type3A_268, %cond3A_269 : i32
      scf.if %cond3A_270 {
        %dma_start3A_343 = arith.constant 1 : i32
        %dma_start3A_344 = arith.constant 1 : i32
        %dma_start3A_345 = arith.constant 0 : i32
        %dma_start3A_346 = arith.constant 0 : i32
        %dma_start3A_347 = tpu.memref_slice %arg8[%dma_start3A_343, %dma_start3A_345, %dma_start3A_346] : memref<8x512x16xf32, #tpu.memory_space<vmem>> -> memref<1x512x16xf32, #tpu.memory_space<vmem>>
        %dma_start3A_348 = tpu.memref_squeeze %dma_start3A_347 : memref<1x512x16xf32, #tpu.memory_space<vmem>> -> memref<512x16xf32, #tpu.memory_space<vmem>>
        %dma_start3A_349 = arith.constant 0 : i32
        %dma_start3A_350 = tpu.memref_slice %arg6[%add3A_262, %dma_start3A_349] : memref<20x512xi32, #tpu.memory_space<vmem>> -> memref<1x512xi32, #tpu.memory_space<vmem>>
        %dma_start3A_351 = tpu.memref_squeeze %dma_start3A_350 : memref<1x512xi32, #tpu.memory_space<vmem>> -> memref<512xi32, #tpu.memory_space<vmem>>
        %dma_start3A_352 = arith.constant 0 : i32
        %dma_start3A_353 = arith.constant 0 : i32
        %dma_start3A_354 = tpu.memref_slice %arg10[%dma_start3A_352, %dma_start3A_353] : memref<10240x16xf32, #tpu.memory_space<vmem_shared>> -> memref<10240x16xf32, #tpu.memory_space<vmem_shared>>
        %dma_start3A_355 = tpu.memref_slice %arg13[%dma_start3A_344] : memref<8x!tpu.dma_semaphore, #tpu.memory_space<semaphore_mem>> -> memref<1x!tpu.dma_semaphore, #tpu.memory_space<semaphore_mem>>
        %dma_start3A_356 = tpu.memref_squeeze %dma_start3A_355 : memref<1x!tpu.dma_semaphore, #tpu.memory_space<semaphore_mem>> -> memref<!tpu.dma_semaphore, #tpu.memory_space<semaphore_mem>>
        tpu.enqueue_indirect_dma source(%dma_start3A_354 : memref<10240x16xf32, #tpu.memory_space<vmem_shared>>) target(%dma_start3A_348 : memref<512x16xf32, #tpu.memory_space<vmem>>) offsets(%dma_start3A_351 : memref<512xi32, #tpu.memory_space<vmem>>) semaphore(%dma_start3A_356 : memref<!tpu.dma_semaphore, #tpu.memory_space<semaphore_mem>>)
      } else {
      }
      %add3A_271 = arith.constant 2 : i32
      %add3A_272 = arith.addi %mul3A_198, %add3A_271 : i32
      %add3A_273 = arith.constant 8 : i32
      %add3A_274 = arith.addi %add3A_272, %add3A_273 : i32
      %lt3A_275 = arith.cmpi slt, %add3A_272, %select_n3A : i32
      %convert_element_type3A_276 = arith.extui %lt3A_275 : i1 to i32
      %cond3A_277 = arith.constant 0 : i32
      %cond3A_278 = arith.cmpi ne, %convert_element_type3A_276, %cond3A_277 : i32
      scf.if %cond3A_278 {
        %dma_wait3A_343 = arith.constant 2 : i32
        %dma_wait3A_344 = arith.constant 2 : i32
        %dma_wait3A_345 = arith.constant 0 : i32
        %dma_wait3A_346 = arith.constant 0 : i32
        %dma_wait3A_347 = tpu.memref_slice %arg8[%dma_wait3A_343, %dma_wait3A_345, %dma_wait3A_346] : memref<8x512x16xf32, #tpu.memory_space<vmem>> -> memref<1x512x16xf32, #tpu.memory_space<vmem>>
        %dma_wait3A_348 = tpu.memref_squeeze %dma_wait3A_347 : memref<1x512x16xf32, #tpu.memory_space<vmem>> -> memref<512x16xf32, #tpu.memory_space<vmem>>
        %dma_wait3A_349 = arith.constant 0 : i32
        %dma_wait3A_350 = tpu.memref_slice %arg7[%add3A_272, %dma_wait3A_349] : memref<20x512xi32, #tpu.memory_space<vmem>> -> memref<1x512xi32, #tpu.memory_space<vmem>>
        %dma_wait3A_351 = tpu.memref_squeeze %dma_wait3A_350 : memref<1x512xi32, #tpu.memory_space<vmem>> -> memref<512xi32, #tpu.memory_space<vmem>>
        %dma_wait3A_352 = arith.constant 0 : i32
        %dma_wait3A_353 = arith.constant 0 : i32
        %dma_wait3A_354 = tpu.memref_slice %arg9[%dma_wait3A_352, %dma_wait3A_353] : memref<10240x16xf32, #tpu.memory_space<vmem_shared>> -> memref<10240x16xf32, #tpu.memory_space<vmem_shared>>
        %dma_wait3A_355 = tpu.memref_slice %arg14[%dma_wait3A_344] : memref<8x!tpu.dma_semaphore, #tpu.memory_space<semaphore_mem>> -> memref<1x!tpu.dma_semaphore, #tpu.memory_space<semaphore_mem>>
        %dma_wait3A_356 = tpu.memref_squeeze %dma_wait3A_355 : memref<1x!tpu.dma_semaphore, #tpu.memory_space<semaphore_mem>> -> memref<!tpu.dma_semaphore, #tpu.memory_space<semaphore_mem>>
        tpu.wait_indirect_dma semaphore(%dma_wait3A_356 : memref<!tpu.dma_semaphore, #tpu.memory_space<semaphore_mem>>) src(%dma_wait3A_348 : memref<512x16xf32, #tpu.memory_space<vmem>>) dst(%dma_wait3A_354 : memref<10240x16xf32, #tpu.memory_space<vmem_shared>>)
      } else {
      }
      %lt3A_279 = arith.cmpi slt, %add3A_274, %select_n3A : i32
      %convert_element_type3A_280 = arith.extui %lt3A_279 : i1 to i32
      %cond3A_281 = arith.constant 0 : i32
      %cond3A_282 = arith.cmpi ne, %convert_element_type3A_280, %cond3A_281 : i32
      scf.if %cond3A_282 {
        %dma_start3A_343 = arith.constant 2 : i32
        %dma_start3A_344 = arith.constant 2 : i32
        %dma_start3A_345 = arith.constant 0 : i32
        %dma_start3A_346 = arith.constant 0 : i32
        %dma_start3A_347 = tpu.memref_slice %arg8[%dma_start3A_343, %dma_start3A_345, %dma_start3A_346] : memref<8x512x16xf32, #tpu.memory_space<vmem>> -> memref<1x512x16xf32, #tpu.memory_space<vmem>>
        %dma_start3A_348 = tpu.memref_squeeze %dma_start3A_347 : memref<1x512x16xf32, #tpu.memory_space<vmem>> -> memref<512x16xf32, #tpu.memory_space<vmem>>
        %dma_start3A_349 = arith.constant 0 : i32
        %dma_start3A_350 = tpu.memref_slice %arg6[%add3A_274, %dma_start3A_349] : memref<20x512xi32, #tpu.memory_space<vmem>> -> memref<1x512xi32, #tpu.memory_space<vmem>>
        %dma_start3A_351 = tpu.memref_squeeze %dma_start3A_350 : memref<1x512xi32, #tpu.memory_space<vmem>> -> memref<512xi32, #tpu.memory_space<vmem>>
        %dma_start3A_352 = arith.constant 0 : i32
        %dma_start3A_353 = arith.constant 0 : i32
        %dma_start3A_354 = tpu.memref_slice %arg10[%dma_start3A_352, %dma_start3A_353] : memref<10240x16xf32, #tpu.memory_space<vmem_shared>> -> memref<10240x16xf32, #tpu.memory_space<vmem_shared>>
        %dma_start3A_355 = tpu.memref_slice %arg13[%dma_start3A_344] : memref<8x!tpu.dma_semaphore, #tpu.memory_space<semaphore_mem>> -> memref<1x!tpu.dma_semaphore, #tpu.memory_space<semaphore_mem>>
        %dma_start3A_356 = tpu.memref_squeeze %dma_start3A_355 : memref<1x!tpu.dma_semaphore, #tpu.memory_space<semaphore_mem>> -> memref<!tpu.dma_semaphore, #tpu.memory_space<semaphore_mem>>
        tpu.enqueue_indirect_dma source(%dma_start3A_354 : memref<10240x16xf32, #tpu.memory_space<vmem_shared>>) target(%dma_start3A_348 : memref<512x16xf32, #tpu.memory_space<vmem>>) offsets(%dma_start3A_351 : memref<512xi32, #tpu.memory_space<vmem>>) semaphore(%dma_start3A_356 : memref<!tpu.dma_semaphore, #tpu.memory_space<semaphore_mem>>)
      } else {
      }
      %add3A_283 = arith.constant 3 : i32
      %add3A_284 = arith.addi %mul3A_198, %add3A_283 : i32
      %add3A_285 = arith.constant 8 : i32
      %add3A_286 = arith.addi %add3A_284, %add3A_285 : i32
      %lt3A_287 = arith.cmpi slt, %add3A_284, %select_n3A : i32
      %convert_element_type3A_288 = arith.extui %lt3A_287 : i1 to i32
      %cond3A_289 = arith.constant 0 : i32
      %cond3A_290 = arith.cmpi ne, %convert_element_type3A_288, %cond3A_289 : i32
      scf.if %cond3A_290 {
        %dma_wait3A_343 = arith.constant 3 : i32
        %dma_wait3A_344 = arith.constant 3 : i32
        %dma_wait3A_345 = arith.constant 0 : i32
        %dma_wait3A_346 = arith.constant 0 : i32
        %dma_wait3A_347 = tpu.memref_slice %arg8[%dma_wait3A_343, %dma_wait3A_345, %dma_wait3A_346] : memref<8x512x16xf32, #tpu.memory_space<vmem>> -> memref<1x512x16xf32, #tpu.memory_space<vmem>>
        %dma_wait3A_348 = tpu.memref_squeeze %dma_wait3A_347 : memref<1x512x16xf32, #tpu.memory_space<vmem>> -> memref<512x16xf32, #tpu.memory_space<vmem>>
        %dma_wait3A_349 = arith.constant 0 : i32
        %dma_wait3A_350 = tpu.memref_slice %arg7[%add3A_284, %dma_wait3A_349] : memref<20x512xi32, #tpu.memory_space<vmem>> -> memref<1x512xi32, #tpu.memory_space<vmem>>
        %dma_wait3A_351 = tpu.memref_squeeze %dma_wait3A_350 : memref<1x512xi32, #tpu.memory_space<vmem>> -> memref<512xi32, #tpu.memory_space<vmem>>
        %dma_wait3A_352 = arith.constant 0 : i32
        %dma_wait3A_353 = arith.constant 0 : i32
        %dma_wait3A_354 = tpu.memref_slice %arg9[%dma_wait3A_352, %dma_wait3A_353] : memref<10240x16xf32, #tpu.memory_space<vmem_shared>> -> memref<10240x16xf32, #tpu.memory_space<vmem_shared>>
        %dma_wait3A_355 = tpu.memref_slice %arg14[%dma_wait3A_344] : memref<8x!tpu.dma_semaphore, #tpu.memory_space<semaphore_mem>> -> memref<1x!tpu.dma_semaphore, #tpu.memory_space<semaphore_mem>>
        %dma_wait3A_356 = tpu.memref_squeeze %dma_wait3A_355 : memref<1x!tpu.dma_semaphore, #tpu.memory_space<semaphore_mem>> -> memref<!tpu.dma_semaphore, #tpu.memory_space<semaphore_mem>>
        tpu.wait_indirect_dma semaphore(%dma_wait3A_356 : memref<!tpu.dma_semaphore, #tpu.memory_space<semaphore_mem>>) src(%dma_wait3A_348 : memref<512x16xf32, #tpu.memory_space<vmem>>) dst(%dma_wait3A_354 : memref<10240x16xf32, #tpu.memory_space<vmem_shared>>)
      } else {
      }
      %lt3A_291 = arith.cmpi slt, %add3A_286, %select_n3A : i32
      %convert_element_type3A_292 = arith.extui %lt3A_291 : i1 to i32
      %cond3A_293 = arith.constant 0 : i32
      %cond3A_294 = arith.cmpi ne, %convert_element_type3A_292, %cond3A_293 : i32
      scf.if %cond3A_294 {
        %dma_start3A_343 = arith.constant 3 : i32
        %dma_start3A_344 = arith.constant 3 : i32
        %dma_start3A_345 = arith.constant 0 : i32
        %dma_start3A_346 = arith.constant 0 : i32
        %dma_start3A_347 = tpu.memref_slice %arg8[%dma_start3A_343, %dma_start3A_345, %dma_start3A_346] : memref<8x512x16xf32, #tpu.memory_space<vmem>> -> memref<1x512x16xf32, #tpu.memory_space<vmem>>
        %dma_start3A_348 = tpu.memref_squeeze %dma_start3A_347 : memref<1x512x16xf32, #tpu.memory_space<vmem>> -> memref<512x16xf32, #tpu.memory_space<vmem>>
        %dma_start3A_349 = arith.constant 0 : i32
        %dma_start3A_350 = tpu.memref_slice %arg6[%add3A_286, %dma_start3A_349] : memref<20x512xi32, #tpu.memory_space<vmem>> -> memref<1x512xi32, #tpu.memory_space<vmem>>
        %dma_start3A_351 = tpu.memref_squeeze %dma_start3A_350 : memref<1x512xi32, #tpu.memory_space<vmem>> -> memref<512xi32, #tpu.memory_space<vmem>>
        %dma_start3A_352 = arith.constant 0 : i32
        %dma_start3A_353 = arith.constant 0 : i32
        %dma_start3A_354 = tpu.memref_slice %arg10[%dma_start3A_352, %dma_start3A_353] : memref<10240x16xf32, #tpu.memory_space<vmem_shared>> -> memref<10240x16xf32, #tpu.memory_space<vmem_shared>>
        %dma_start3A_355 = tpu.memref_slice %arg13[%dma_start3A_344] : memref<8x!tpu.dma_semaphore, #tpu.memory_space<semaphore_mem>> -> memref<1x!tpu.dma_semaphore, #tpu.memory_space<semaphore_mem>>
        %dma_start3A_356 = tpu.memref_squeeze %dma_start3A_355 : memref<1x!tpu.dma_semaphore, #tpu.memory_space<semaphore_mem>> -> memref<!tpu.dma_semaphore, #tpu.memory_space<semaphore_mem>>
        tpu.enqueue_indirect_dma source(%dma_start3A_354 : memref<10240x16xf32, #tpu.memory_space<vmem_shared>>) target(%dma_start3A_348 : memref<512x16xf32, #tpu.memory_space<vmem>>) offsets(%dma_start3A_351 : memref<512xi32, #tpu.memory_space<vmem>>) semaphore(%dma_start3A_356 : memref<!tpu.dma_semaphore, #tpu.memory_space<semaphore_mem>>)
      } else {
      }
      %add3A_295 = arith.constant 4 : i32
      %add3A_296 = arith.addi %mul3A_198, %add3A_295 : i32
      %add3A_297 = arith.constant 8 : i32
      %add3A_298 = arith.addi %add3A_296, %add3A_297 : i32
      %lt3A_299 = arith.cmpi slt, %add3A_296, %select_n3A : i32
      %convert_element_type3A_300 = arith.extui %lt3A_299 : i1 to i32
      %cond3A_301 = arith.constant 0 : i32
      %cond3A_302 = arith.cmpi ne, %convert_element_type3A_300, %cond3A_301 : i32
      scf.if %cond3A_302 {
        %dma_wait3A_343 = arith.constant 4 : i32
        %dma_wait3A_344 = arith.constant 4 : i32
        %dma_wait3A_345 = arith.constant 0 : i32
        %dma_wait3A_346 = arith.constant 0 : i32
        %dma_wait3A_347 = tpu.memref_slice %arg8[%dma_wait3A_343, %dma_wait3A_345, %dma_wait3A_346] : memref<8x512x16xf32, #tpu.memory_space<vmem>> -> memref<1x512x16xf32, #tpu.memory_space<vmem>>
        %dma_wait3A_348 = tpu.memref_squeeze %dma_wait3A_347 : memref<1x512x16xf32, #tpu.memory_space<vmem>> -> memref<512x16xf32, #tpu.memory_space<vmem>>
        %dma_wait3A_349 = arith.constant 0 : i32
        %dma_wait3A_350 = tpu.memref_slice %arg7[%add3A_296, %dma_wait3A_349] : memref<20x512xi32, #tpu.memory_space<vmem>> -> memref<1x512xi32, #tpu.memory_space<vmem>>
        %dma_wait3A_351 = tpu.memref_squeeze %dma_wait3A_350 : memref<1x512xi32, #tpu.memory_space<vmem>> -> memref<512xi32, #tpu.memory_space<vmem>>
        %dma_wait3A_352 = arith.constant 0 : i32
        %dma_wait3A_353 = arith.constant 0 : i32
        %dma_wait3A_354 = tpu.memref_slice %arg9[%dma_wait3A_352, %dma_wait3A_353] : memref<10240x16xf32, #tpu.memory_space<vmem_shared>> -> memref<10240x16xf32, #tpu.memory_space<vmem_shared>>
        %dma_wait3A_355 = tpu.memref_slice %arg14[%dma_wait3A_344] : memref<8x!tpu.dma_semaphore, #tpu.memory_space<semaphore_mem>> -> memref<1x!tpu.dma_semaphore, #tpu.memory_space<semaphore_mem>>
        %dma_wait3A_356 = tpu.memref_squeeze %dma_wait3A_355 : memref<1x!tpu.dma_semaphore, #tpu.memory_space<semaphore_mem>> -> memref<!tpu.dma_semaphore, #tpu.memory_space<semaphore_mem>>
        tpu.wait_indirect_dma semaphore(%dma_wait3A_356 : memref<!tpu.dma_semaphore, #tpu.memory_space<semaphore_mem>>) src(%dma_wait3A_348 : memref<512x16xf32, #tpu.memory_space<vmem>>) dst(%dma_wait3A_354 : memref<10240x16xf32, #tpu.memory_space<vmem_shared>>)
      } else {
      }
      %lt3A_303 = arith.cmpi slt, %add3A_298, %select_n3A : i32
      %convert_element_type3A_304 = arith.extui %lt3A_303 : i1 to i32
      %cond3A_305 = arith.constant 0 : i32
      %cond3A_306 = arith.cmpi ne, %convert_element_type3A_304, %cond3A_305 : i32
      scf.if %cond3A_306 {
        %dma_start3A_343 = arith.constant 4 : i32
        %dma_start3A_344 = arith.constant 4 : i32
        %dma_start3A_345 = arith.constant 0 : i32
        %dma_start3A_346 = arith.constant 0 : i32
        %dma_start3A_347 = tpu.memref_slice %arg8[%dma_start3A_343, %dma_start3A_345, %dma_start3A_346] : memref<8x512x16xf32, #tpu.memory_space<vmem>> -> memref<1x512x16xf32, #tpu.memory_space<vmem>>
        %dma_start3A_348 = tpu.memref_squeeze %dma_start3A_347 : memref<1x512x16xf32, #tpu.memory_space<vmem>> -> memref<512x16xf32, #tpu.memory_space<vmem>>
        %dma_start3A_349 = arith.constant 0 : i32
        %dma_start3A_350 = tpu.memref_slice %arg6[%add3A_298, %dma_start3A_349] : memref<20x512xi32, #tpu.memory_space<vmem>> -> memref<1x512xi32, #tpu.memory_space<vmem>>
        %dma_start3A_351 = tpu.memref_squeeze %dma_start3A_350 : memref<1x512xi32, #tpu.memory_space<vmem>> -> memref<512xi32, #tpu.memory_space<vmem>>
        %dma_start3A_352 = arith.constant 0 : i32
        %dma_start3A_353 = arith.constant 0 : i32
        %dma_start3A_354 = tpu.memref_slice %arg10[%dma_start3A_352, %dma_start3A_353] : memref<10240x16xf32, #tpu.memory_space<vmem_shared>> -> memref<10240x16xf32, #tpu.memory_space<vmem_shared>>
        %dma_start3A_355 = tpu.memref_slice %arg13[%dma_start3A_344] : memref<8x!tpu.dma_semaphore, #tpu.memory_space<semaphore_mem>> -> memref<1x!tpu.dma_semaphore, #tpu.memory_space<semaphore_mem>>
        %dma_start3A_356 = tpu.memref_squeeze %dma_start3A_355 : memref<1x!tpu.dma_semaphore, #tpu.memory_space<semaphore_mem>> -> memref<!tpu.dma_semaphore, #tpu.memory_space<semaphore_mem>>
        tpu.enqueue_indirect_dma source(%dma_start3A_354 : memref<10240x16xf32, #tpu.memory_space<vmem_shared>>) target(%dma_start3A_348 : memref<512x16xf32, #tpu.memory_space<vmem>>) offsets(%dma_start3A_351 : memref<512xi32, #tpu.memory_space<vmem>>) semaphore(%dma_start3A_356 : memref<!tpu.dma_semaphore, #tpu.memory_space<semaphore_mem>>)
      } else {
      }
      %add3A_307 = arith.constant 5 : i32
      %add3A_308 = arith.addi %mul3A_198, %add3A_307 : i32
      %add3A_309 = arith.constant 8 : i32
      %add3A_310 = arith.addi %add3A_308, %add3A_309 : i32
      %lt3A_311 = arith.cmpi slt, %add3A_308, %select_n3A : i32
      %convert_element_type3A_312 = arith.extui %lt3A_311 : i1 to i32
      %cond3A_313 = arith.constant 0 : i32
      %cond3A_314 = arith.cmpi ne, %convert_element_type3A_312, %cond3A_313 : i32
      scf.if %cond3A_314 {
        %dma_wait3A_343 = arith.constant 5 : i32
        %dma_wait3A_344 = arith.constant 5 : i32
        %dma_wait3A_345 = arith.constant 0 : i32
        %dma_wait3A_346 = arith.constant 0 : i32
        %dma_wait3A_347 = tpu.memref_slice %arg8[%dma_wait3A_343, %dma_wait3A_345, %dma_wait3A_346] : memref<8x512x16xf32, #tpu.memory_space<vmem>> -> memref<1x512x16xf32, #tpu.memory_space<vmem>>
        %dma_wait3A_348 = tpu.memref_squeeze %dma_wait3A_347 : memref<1x512x16xf32, #tpu.memory_space<vmem>> -> memref<512x16xf32, #tpu.memory_space<vmem>>
        %dma_wait3A_349 = arith.constant 0 : i32
        %dma_wait3A_350 = tpu.memref_slice %arg7[%add3A_308, %dma_wait3A_349] : memref<20x512xi32, #tpu.memory_space<vmem>> -> memref<1x512xi32, #tpu.memory_space<vmem>>
        %dma_wait3A_351 = tpu.memref_squeeze %dma_wait3A_350 : memref<1x512xi32, #tpu.memory_space<vmem>> -> memref<512xi32, #tpu.memory_space<vmem>>
        %dma_wait3A_352 = arith.constant 0 : i32
        %dma_wait3A_353 = arith.constant 0 : i32
        %dma_wait3A_354 = tpu.memref_slice %arg9[%dma_wait3A_352, %dma_wait3A_353] : memref<10240x16xf32, #tpu.memory_space<vmem_shared>> -> memref<10240x16xf32, #tpu.memory_space<vmem_shared>>
        %dma_wait3A_355 = tpu.memref_slice %arg14[%dma_wait3A_344] : memref<8x!tpu.dma_semaphore, #tpu.memory_space<semaphore_mem>> -> memref<1x!tpu.dma_semaphore, #tpu.memory_space<semaphore_mem>>
        %dma_wait3A_356 = tpu.memref_squeeze %dma_wait3A_355 : memref<1x!tpu.dma_semaphore, #tpu.memory_space<semaphore_mem>> -> memref<!tpu.dma_semaphore, #tpu.memory_space<semaphore_mem>>
        tpu.wait_indirect_dma semaphore(%dma_wait3A_356 : memref<!tpu.dma_semaphore, #tpu.memory_space<semaphore_mem>>) src(%dma_wait3A_348 : memref<512x16xf32, #tpu.memory_space<vmem>>) dst(%dma_wait3A_354 : memref<10240x16xf32, #tpu.memory_space<vmem_shared>>)
      } else {
      }
      %lt3A_315 = arith.cmpi slt, %add3A_310, %select_n3A : i32
      %convert_element_type3A_316 = arith.extui %lt3A_315 : i1 to i32
      %cond3A_317 = arith.constant 0 : i32
      %cond3A_318 = arith.cmpi ne, %convert_element_type3A_316, %cond3A_317 : i32
      scf.if %cond3A_318 {
        %dma_start3A_343 = arith.constant 5 : i32
        %dma_start3A_344 = arith.constant 5 : i32
        %dma_start3A_345 = arith.constant 0 : i32
        %dma_start3A_346 = arith.constant 0 : i32
        %dma_start3A_347 = tpu.memref_slice %arg8[%dma_start3A_343, %dma_start3A_345, %dma_start3A_346] : memref<8x512x16xf32, #tpu.memory_space<vmem>> -> memref<1x512x16xf32, #tpu.memory_space<vmem>>
        %dma_start3A_348 = tpu.memref_squeeze %dma_start3A_347 : memref<1x512x16xf32, #tpu.memory_space<vmem>> -> memref<512x16xf32, #tpu.memory_space<vmem>>
        %dma_start3A_349 = arith.constant 0 : i32
        %dma_start3A_350 = tpu.memref_slice %arg6[%add3A_310, %dma_start3A_349] : memref<20x512xi32, #tpu.memory_space<vmem>> -> memref<1x512xi32, #tpu.memory_space<vmem>>
        %dma_start3A_351 = tpu.memref_squeeze %dma_start3A_350 : memref<1x512xi32, #tpu.memory_space<vmem>> -> memref<512xi32, #tpu.memory_space<vmem>>
        %dma_start3A_352 = arith.constant 0 : i32
        %dma_start3A_353 = arith.constant 0 : i32
        %dma_start3A_354 = tpu.memref_slice %arg10[%dma_start3A_352, %dma_start3A_353] : memref<10240x16xf32, #tpu.memory_space<vmem_shared>> -> memref<10240x16xf32, #tpu.memory_space<vmem_shared>>
        %dma_start3A_355 = tpu.memref_slice %arg13[%dma_start3A_344] : memref<8x!tpu.dma_semaphore, #tpu.memory_space<semaphore_mem>> -> memref<1x!tpu.dma_semaphore, #tpu.memory_space<semaphore_mem>>
        %dma_start3A_356 = tpu.memref_squeeze %dma_start3A_355 : memref<1x!tpu.dma_semaphore, #tpu.memory_space<semaphore_mem>> -> memref<!tpu.dma_semaphore, #tpu.memory_space<semaphore_mem>>
        tpu.enqueue_indirect_dma source(%dma_start3A_354 : memref<10240x16xf32, #tpu.memory_space<vmem_shared>>) target(%dma_start3A_348 : memref<512x16xf32, #tpu.memory_space<vmem>>) offsets(%dma_start3A_351 : memref<512xi32, #tpu.memory_space<vmem>>) semaphore(%dma_start3A_356 : memref<!tpu.dma_semaphore, #tpu.memory_space<semaphore_mem>>)
      } else {
      }
      %add3A_319 = arith.constant 6 : i32
      %add3A_320 = arith.addi %mul3A_198, %add3A_319 : i32
      %add3A_321 = arith.constant 8 : i32
      %add3A_322 = arith.addi %add3A_320, %add3A_321 : i32
      %lt3A_323 = arith.cmpi slt, %add3A_320, %select_n3A : i32
      %convert_element_type3A_324 = arith.extui %lt3A_323 : i1 to i32
      %cond3A_325 = arith.constant 0 : i32
      %cond3A_326 = arith.cmpi ne, %convert_element_type3A_324, %cond3A_325 : i32
      scf.if %cond3A_326 {
        %dma_wait3A_343 = arith.constant 6 : i32
        %dma_wait3A_344 = arith.constant 6 : i32
        %dma_wait3A_345 = arith.constant 0 : i32
        %dma_wait3A_346 = arith.constant 0 : i32
        %dma_wait3A_347 = tpu.memref_slice %arg8[%dma_wait3A_343, %dma_wait3A_345, %dma_wait3A_346] : memref<8x512x16xf32, #tpu.memory_space<vmem>> -> memref<1x512x16xf32, #tpu.memory_space<vmem>>
        %dma_wait3A_348 = tpu.memref_squeeze %dma_wait3A_347 : memref<1x512x16xf32, #tpu.memory_space<vmem>> -> memref<512x16xf32, #tpu.memory_space<vmem>>
        %dma_wait3A_349 = arith.constant 0 : i32
        %dma_wait3A_350 = tpu.memref_slice %arg7[%add3A_320, %dma_wait3A_349] : memref<20x512xi32, #tpu.memory_space<vmem>> -> memref<1x512xi32, #tpu.memory_space<vmem>>
        %dma_wait3A_351 = tpu.memref_squeeze %dma_wait3A_350 : memref<1x512xi32, #tpu.memory_space<vmem>> -> memref<512xi32, #tpu.memory_space<vmem>>
        %dma_wait3A_352 = arith.constant 0 : i32
        %dma_wait3A_353 = arith.constant 0 : i32
        %dma_wait3A_354 = tpu.memref_slice %arg9[%dma_wait3A_352, %dma_wait3A_353] : memref<10240x16xf32, #tpu.memory_space<vmem_shared>> -> memref<10240x16xf32, #tpu.memory_space<vmem_shared>>
        %dma_wait3A_355 = tpu.memref_slice %arg14[%dma_wait3A_344] : memref<8x!tpu.dma_semaphore, #tpu.memory_space<semaphore_mem>> -> memref<1x!tpu.dma_semaphore, #tpu.memory_space<semaphore_mem>>
        %dma_wait3A_356 = tpu.memref_squeeze %dma_wait3A_355 : memref<1x!tpu.dma_semaphore, #tpu.memory_space<semaphore_mem>> -> memref<!tpu.dma_semaphore, #tpu.memory_space<semaphore_mem>>
        tpu.wait_indirect_dma semaphore(%dma_wait3A_356 : memref<!tpu.dma_semaphore, #tpu.memory_space<semaphore_mem>>) src(%dma_wait3A_348 : memref<512x16xf32, #tpu.memory_space<vmem>>) dst(%dma_wait3A_354 : memref<10240x16xf32, #tpu.memory_space<vmem_shared>>)
      } else {
      }
      %lt3A_327 = arith.cmpi slt, %add3A_322, %select_n3A : i32
      %convert_element_type3A_328 = arith.extui %lt3A_327 : i1 to i32
      %cond3A_329 = arith.constant 0 : i32
      %cond3A_330 = arith.cmpi ne, %convert_element_type3A_328, %cond3A_329 : i32
      scf.if %cond3A_330 {
        %dma_start3A_343 = arith.constant 6 : i32
        %dma_start3A_344 = arith.constant 6 : i32
        %dma_start3A_345 = arith.constant 0 : i32
        %dma_start3A_346 = arith.constant 0 : i32
        %dma_start3A_347 = tpu.memref_slice %arg8[%dma_start3A_343, %dma_start3A_345, %dma_start3A_346] : memref<8x512x16xf32, #tpu.memory_space<vmem>> -> memref<1x512x16xf32, #tpu.memory_space<vmem>>
        %dma_start3A_348 = tpu.memref_squeeze %dma_start3A_347 : memref<1x512x16xf32, #tpu.memory_space<vmem>> -> memref<512x16xf32, #tpu.memory_space<vmem>>
        %dma_start3A_349 = arith.constant 0 : i32
        %dma_start3A_350 = tpu.memref_slice %arg6[%add3A_322, %dma_start3A_349] : memref<20x512xi32, #tpu.memory_space<vmem>> -> memref<1x512xi32, #tpu.memory_space<vmem>>
        %dma_start3A_351 = tpu.memref_squeeze %dma_start3A_350 : memref<1x512xi32, #tpu.memory_space<vmem>> -> memref<512xi32, #tpu.memory_space<vmem>>
        %dma_start3A_352 = arith.constant 0 : i32
        %dma_start3A_353 = arith.constant 0 : i32
        %dma_start3A_354 = tpu.memref_slice %arg10[%dma_start3A_352, %dma_start3A_353] : memref<10240x16xf32, #tpu.memory_space<vmem_shared>> -> memref<10240x16xf32, #tpu.memory_space<vmem_shared>>
        %dma_start3A_355 = tpu.memref_slice %arg13[%dma_start3A_344] : memref<8x!tpu.dma_semaphore, #tpu.memory_space<semaphore_mem>> -> memref<1x!tpu.dma_semaphore, #tpu.memory_space<semaphore_mem>>
        %dma_start3A_356 = tpu.memref_squeeze %dma_start3A_355 : memref<1x!tpu.dma_semaphore, #tpu.memory_space<semaphore_mem>> -> memref<!tpu.dma_semaphore, #tpu.memory_space<semaphore_mem>>
        tpu.enqueue_indirect_dma source(%dma_start3A_354 : memref<10240x16xf32, #tpu.memory_space<vmem_shared>>) target(%dma_start3A_348 : memref<512x16xf32, #tpu.memory_space<vmem>>) offsets(%dma_start3A_351 : memref<512xi32, #tpu.memory_space<vmem>>) semaphore(%dma_start3A_356 : memref<!tpu.dma_semaphore, #tpu.memory_space<semaphore_mem>>)
      } else {
      }
      %add3A_331 = arith.constant 7 : i32
      %add3A_332 = arith.addi %mul3A_198, %add3A_331 : i32
      %add3A_333 = arith.constant 8 : i32
      %add3A_334 = arith.addi %add3A_332, %add3A_333 : i32
      %lt3A_335 = arith.cmpi slt, %add3A_332, %select_n3A : i32
      %convert_element_type3A_336 = arith.extui %lt3A_335 : i1 to i32
      %cond3A_337 = arith.constant 0 : i32
      %cond3A_338 = arith.cmpi ne, %convert_element_type3A_336, %cond3A_337 : i32
      scf.if %cond3A_338 {
        %dma_wait3A_343 = arith.constant 7 : i32
        %dma_wait3A_344 = arith.constant 7 : i32
        %dma_wait3A_345 = arith.constant 0 : i32
        %dma_wait3A_346 = arith.constant 0 : i32
        %dma_wait3A_347 = tpu.memref_slice %arg8[%dma_wait3A_343, %dma_wait3A_345, %dma_wait3A_346] : memref<8x512x16xf32, #tpu.memory_space<vmem>> -> memref<1x512x16xf32, #tpu.memory_space<vmem>>
        %dma_wait3A_348 = tpu.memref_squeeze %dma_wait3A_347 : memref<1x512x16xf32, #tpu.memory_space<vmem>> -> memref<512x16xf32, #tpu.memory_space<vmem>>
        %dma_wait3A_349 = arith.constant 0 : i32
        %dma_wait3A_350 = tpu.memref_slice %arg7[%add3A_332, %dma_wait3A_349] : memref<20x512xi32, #tpu.memory_space<vmem>> -> memref<1x512xi32, #tpu.memory_space<vmem>>
        %dma_wait3A_351 = tpu.memref_squeeze %dma_wait3A_350 : memref<1x512xi32, #tpu.memory_space<vmem>> -> memref<512xi32, #tpu.memory_space<vmem>>
        %dma_wait3A_352 = arith.constant 0 : i32
        %dma_wait3A_353 = arith.constant 0 : i32
        %dma_wait3A_354 = tpu.memref_slice %arg9[%dma_wait3A_352, %dma_wait3A_353] : memref<10240x16xf32, #tpu.memory_space<vmem_shared>> -> memref<10240x16xf32, #tpu.memory_space<vmem_shared>>
        %dma_wait3A_355 = tpu.memref_slice %arg14[%dma_wait3A_344] : memref<8x!tpu.dma_semaphore, #tpu.memory_space<semaphore_mem>> -> memref<1x!tpu.dma_semaphore, #tpu.memory_space<semaphore_mem>>
        %dma_wait3A_356 = tpu.memref_squeeze %dma_wait3A_355 : memref<1x!tpu.dma_semaphore, #tpu.memory_space<semaphore_mem>> -> memref<!tpu.dma_semaphore, #tpu.memory_space<semaphore_mem>>
        tpu.wait_indirect_dma semaphore(%dma_wait3A_356 : memref<!tpu.dma_semaphore, #tpu.memory_space<semaphore_mem>>) src(%dma_wait3A_348 : memref<512x16xf32, #tpu.memory_space<vmem>>) dst(%dma_wait3A_354 : memref<10240x16xf32, #tpu.memory_space<vmem_shared>>)
      } else {
      }
      %lt3A_339 = arith.cmpi slt, %add3A_334, %select_n3A : i32
      %convert_element_type3A_340 = arith.extui %lt3A_339 : i1 to i32
      %cond3A_341 = arith.constant 0 : i32
      %cond3A_342 = arith.cmpi ne, %convert_element_type3A_340, %cond3A_341 : i32
      scf.if %cond3A_342 {
        %dma_start3A_343 = arith.constant 7 : i32
        %dma_start3A_344 = arith.constant 7 : i32
        %dma_start3A_345 = arith.constant 0 : i32
        %dma_start3A_346 = arith.constant 0 : i32
        %dma_start3A_347 = tpu.memref_slice %arg8[%dma_start3A_343, %dma_start3A_345, %dma_start3A_346] : memref<8x512x16xf32, #tpu.memory_space<vmem>> -> memref<1x512x16xf32, #tpu.memory_space<vmem>>
        %dma_start3A_348 = tpu.memref_squeeze %dma_start3A_347 : memref<1x512x16xf32, #tpu.memory_space<vmem>> -> memref<512x16xf32, #tpu.memory_space<vmem>>
        %dma_start3A_349 = arith.constant 0 : i32
        %dma_start3A_350 = tpu.memref_slice %arg6[%add3A_334, %dma_start3A_349] : memref<20x512xi32, #tpu.memory_space<vmem>> -> memref<1x512xi32, #tpu.memory_space<vmem>>
        %dma_start3A_351 = tpu.memref_squeeze %dma_start3A_350 : memref<1x512xi32, #tpu.memory_space<vmem>> -> memref<512xi32, #tpu.memory_space<vmem>>
        %dma_start3A_352 = arith.constant 0 : i32
        %dma_start3A_353 = arith.constant 0 : i32
        %dma_start3A_354 = tpu.memref_slice %arg10[%dma_start3A_352, %dma_start3A_353] : memref<10240x16xf32, #tpu.memory_space<vmem_shared>> -> memref<10240x16xf32, #tpu.memory_space<vmem_shared>>
        %dma_start3A_355 = tpu.memref_slice %arg13[%dma_start3A_344] : memref<8x!tpu.dma_semaphore, #tpu.memory_space<semaphore_mem>> -> memref<1x!tpu.dma_semaphore, #tpu.memory_space<semaphore_mem>>
        %dma_start3A_356 = tpu.memref_squeeze %dma_start3A_355 : memref<1x!tpu.dma_semaphore, #tpu.memory_space<semaphore_mem>> -> memref<!tpu.dma_semaphore, #tpu.memory_space<semaphore_mem>>
        tpu.enqueue_indirect_dma source(%dma_start3A_354 : memref<10240x16xf32, #tpu.memory_space<vmem_shared>>) target(%dma_start3A_348 : memref<512x16xf32, #tpu.memory_space<vmem>>) offsets(%dma_start3A_351 : memref<512xi32, #tpu.memory_space<vmem>>) semaphore(%dma_start3A_356 : memref<!tpu.dma_semaphore, #tpu.memory_space<semaphore_mem>>)
      } else {
      }
    }
    %scan3A_190 = arith.constant 3 : i32
    %barrier3A_191 = arith.constant 0 : index
    tpu.barrier barrier_id(%barrier3A_191)
    %mul3A_192 = arith.constant 640 : i32
    %mul3A_193 = arith.muli %arg1, %mul3A_192 : i32
    %mul3A_194 = arith.constant 640 : i32
    %mul3A_195 = arith.muli %arg1, %mul3A_194 : i32
    "tpu.region"() ({
      %run_scoped3A = tpu.sem_alloc : memref<!tpu.dma_semaphore, #tpu.memory_space<semaphore_mem>>
      %dma_start3A_196 = arith.constant 0 : i32
      %dma_start3A_197 = tpu.memref_slice %arg5[%arg0, %mul3A_195, %dma_start3A_196] : memref<2x10240x16xf32, #tpu.memory_space<hbm>> -> memref<1x640x16xf32, #tpu.memory_space<hbm>>
      %dma_start3A_198 = tpu.memref_squeeze %dma_start3A_197 : memref<1x640x16xf32, #tpu.memory_space<hbm>> -> memref<640x16xf32, #tpu.memory_space<hbm>>
      %dma_start3A_199 = arith.constant 0 : i32
      %dma_start3A_200 = tpu.memref_slice %arg9[%mul3A_193, %dma_start3A_199] : memref<10240x16xf32, #tpu.memory_space<vmem_shared>> -> memref<640x16xf32, #tpu.memory_space<vmem_shared>>
      tpu.enqueue_dma source(%dma_start3A_200 : memref<640x16xf32, #tpu.memory_space<vmem_shared>>) target(%dma_start3A_198 : memref<640x16xf32, #tpu.memory_space<hbm>>) target_semaphore(%run_scoped3A : memref<!tpu.dma_semaphore, #tpu.memory_space<semaphore_mem>>)
      %dma_wait3A_201 = arith.constant 0 : i32
      %dma_wait3A_202 = tpu.memref_slice %arg5[%arg0, %mul3A_195, %dma_wait3A_201] : memref<2x10240x16xf32, #tpu.memory_space<hbm>> -> memref<1x640x16xf32, #tpu.memory_space<hbm>>
      %dma_wait3A_203 = tpu.memref_squeeze %dma_wait3A_202 : memref<1x640x16xf32, #tpu.memory_space<hbm>> -> memref<640x16xf32, #tpu.memory_space<hbm>>
      %dma_wait3A_204 = arith.constant 0 : i32
      %dma_wait3A_205 = tpu.memref_slice %arg9[%mul3A_193, %dma_wait3A_204] : memref<10240x16xf32, #tpu.memory_space<vmem_shared>> -> memref<640x16xf32, #tpu.memory_space<vmem_shared>>
      tpu.wait_dma2 semaphore(%run_scoped3A : memref<!tpu.dma_semaphore, #tpu.memory_space<semaphore_mem>>) src(%dma_wait3A_205 : memref<640x16xf32, #tpu.memory_space<vmem_shared>>) dst(%dma_wait3A_203 : memref<640x16xf32, #tpu.memory_space<hbm>>)
      tpu.yield
    }) : () -> ()
    return
  }
}

module attributes {stable_mosaic.version = 14 : i64} {
  func.func @body(%arg0: memref<2x1280x128xf32, #tpu.memory_space<vmem>>, %arg1: memref<1280x128xf32, #tpu.memory_space<vmem>>, %arg2: memref<1280x128xf32, #tpu.memory_space<vmem>>, %arg3: memref<1280x128xf32, #tpu.memory_space<vmem>>) attributes {dimension_semantics = [], scalar_prefetch = 0 : i64, scratch_operands = 0 : i64, tpu.core_type = #tpu.core_type<tc>} {
    %get3A = arith.constant 0 : index
    %get3A_0 = arith.constant 0 : index
    %get3A_1 = arith.constant 0 : index
    %get3A_2 = vector.load %arg0[%get3A, %get3A_0, %get3A_1] : memref<2x1280x128xf32, #tpu.memory_space<vmem>>, vector<1x1280x128xf32>
    %get3A_3 = vector.shape_cast %get3A_2 : vector<1x1280x128xf32> to vector<1280x128xf32>
    %get3A_4 = arith.constant 1 : index
    %get3A_5 = arith.constant 0 : index
    %get3A_6 = arith.constant 0 : index
    %get3A_7 = vector.load %arg0[%get3A_4, %get3A_5, %get3A_6] : memref<2x1280x128xf32, #tpu.memory_space<vmem>>, vector<1x1280x128xf32>
    %get3A_8 = vector.shape_cast %get3A_7 : vector<1x1280x128xf32> to vector<1280x128xf32>
    %add3A = arith.addf %get3A_3, %get3A_8 : vector<1280x128xf32>
    %add3A_9 = arith.constant 1.000000e+00 : f32
    %add3A_10 = vector.broadcast %add3A_9 : f32 to vector<1280x128xf32>
    %add3A_11 = arith.addf %add3A, %add3A_10 : vector<1280x128xf32>
    %rsqrt3A = math.rsqrt %add3A_11 : vector<1280x128xf32>
    %swap3A = arith.constant 0 : index
    %swap3A_12 = arith.constant 0 : index
    %swap3A_13 = vector.load %arg3[%swap3A, %swap3A_12] : memref<1280x128xf32, #tpu.memory_space<vmem>>, vector<1280x128xf32>
    tpu.vector_store %arg3[%swap3A, %swap3A_12], %rsqrt3A {strides = array<i32>} : memref<1280x128xf32, #tpu.memory_space<vmem>>, vector<1280x128xf32>,
    %get3A_14 = arith.constant 0 : index
    %get3A_15 = arith.constant 0 : index
    %get3A_16 = vector.load %arg1[%get3A_14, %get3A_15] : memref<1280x128xf32, #tpu.memory_space<vmem>>, vector<1280x128xf32>
    %mul3A = arith.mulf %get3A_16, %rsqrt3A : vector<1280x128xf32>
    %swap3A_17 = arith.constant 0 : index
    %swap3A_18 = arith.constant 0 : index
    %swap3A_19 = vector.load %arg2[%swap3A_17, %swap3A_18] : memref<1280x128xf32, #tpu.memory_space<vmem>>, vector<1280x128xf32>
    tpu.vector_store %arg2[%swap3A_17, %swap3A_18], %mul3A {strides = array<i32>} : memref<1280x128xf32, #tpu.memory_space<vmem>>, vector<1280x128xf32>,
    return
  }
}

module attributes {stable_mosaic.version = 14 : i64} {
  func.func @body(%arg0: memref<1250x8x128xf32, #tpu.memory_space<vmem>>, %arg1: memref<128x16xf32, #tpu.memory_space<vmem>>, %arg2: memref<1280x128xf32, #tpu.memory_space<vmem>>) attributes {dimension_semantics = [], scalar_prefetch = 0 : i64, scratch_operands = 0 : i64, tpu.core_type = #tpu.core_type<tc>} {
    %get3A = arith.constant 0 : index
    %get3A_0 = arith.constant 0 : index
    %get3A_1 = arith.constant 0 : index
    %get3A_2 = vector.load %arg0[%get3A, %get3A_0, %get3A_1] : memref<1250x8x128xf32, #tpu.memory_space<vmem>>, vector<1250x1x128xf32>
    %get3A_3 = vector.shape_cast %get3A_2 : vector<1250x1x128xf32> to vector<1250x128xf32>
    %get3A_4 = arith.constant 0 : index
    %get3A_5 = arith.constant 0 : index
    %get3A_6 = vector.load %arg1[%get3A_4, %get3A_5] : memref<128x16xf32, #tpu.memory_space<vmem>>, vector<128x16xf32>
    %dot_general3A = arith.constant dense<0.000000e+00> : vector<1250x16xf32>
    %dot_general3A_7 = tpu.matmul %get3A_3, %get3A_6, %dot_general3A {dimension_numbers = #tpu.dot_dimension_numbers<[1], [0], [0], [1], [0, 0, 1, 1], [], []>, transpose_lhs_hint = false} : vector<1250x128xf32>, vector<128x16xf32>, vector<1250x16xf32> -> vector<1250x16xf32>
    %swap3A = arith.constant 0 : index
    %swap3A_8 = arith.constant 0 : index
    %swap3A_9 = vector.load %arg2[%swap3A, %swap3A_8] : memref<1280x128xf32, #tpu.memory_space<vmem>>, vector<1250x16xf32>
    tpu.vector_store %arg2[%swap3A, %swap3A_8], %dot_general3A_7 {strides = array<i32>} : memref<1280x128xf32, #tpu.memory_space<vmem>>, vector<1250x16xf32>,
    %get3A_10 = arith.constant 0 : index
    %get3A_11 = arith.constant 1 : index
    %get3A_12 = arith.constant 0 : index
    %get3A_13 = vector.load %arg0[%get3A_10, %get3A_11, %get3A_12] : memref<1250x8x128xf32, #tpu.memory_space<vmem>>, vector<1250x1x128xf32>
    %get3A_14 = vector.shape_cast %get3A_13 : vector<1250x1x128xf32> to vector<1250x128xf32>
    %get3A_15 = arith.constant 0 : index
    %get3A_16 = arith.constant 0 : index
    %get3A_17 = vector.load %arg1[%get3A_15, %get3A_16] : memref<128x16xf32, #tpu.memory_space<vmem>>, vector<128x16xf32>
    %dot_general3A_18 = arith.constant dense<0.000000e+00> : vector<1250x16xf32>
    %dot_general3A_19 = tpu.matmul %get3A_14, %get3A_17, %dot_general3A_18 {dimension_numbers = #tpu.dot_dimension_numbers<[1], [0], [0], [1], [0, 0, 1, 1], [], []>, transpose_lhs_hint = false} : vector<1250x128xf32>, vector<128x16xf32>, vector<1250x16xf32> -> vector<1250x16xf32>
    %swap3A_20 = arith.constant 0 : index
    %swap3A_21 = arith.constant 16 : index
    %swap3A_22 = vector.load %arg2[%swap3A_20, %swap3A_21] : memref<1280x128xf32, #tpu.memory_space<vmem>>, vector<1250x16xf32>
    tpu.vector_store %arg2[%swap3A_20, %swap3A_21], %dot_general3A_19 {strides = array<i32>} : memref<1280x128xf32, #tpu.memory_space<vmem>>, vector<1250x16xf32>,
    %get3A_23 = arith.constant 0 : index
    %get3A_24 = arith.constant 2 : index
    %get3A_25 = arith.constant 0 : index
    %get3A_26 = vector.load %arg0[%get3A_23, %get3A_24, %get3A_25] : memref<1250x8x128xf32, #tpu.memory_space<vmem>>, vector<1250x1x128xf32>
    %get3A_27 = vector.shape_cast %get3A_26 : vector<1250x1x128xf32> to vector<1250x128xf32>
    %get3A_28 = arith.constant 0 : index
    %get3A_29 = arith.constant 0 : index
    %get3A_30 = vector.load %arg1[%get3A_28, %get3A_29] : memref<128x16xf32, #tpu.memory_space<vmem>>, vector<128x16xf32>
    %dot_general3A_31 = arith.constant dense<0.000000e+00> : vector<1250x16xf32>
    %dot_general3A_32 = tpu.matmul %get3A_27, %get3A_30, %dot_general3A_31 {dimension_numbers = #tpu.dot_dimension_numbers<[1], [0], [0], [1], [0, 0, 1, 1], [], []>, transpose_lhs_hint = false} : vector<1250x128xf32>, vector<128x16xf32>, vector<1250x16xf32> -> vector<1250x16xf32>
    %swap3A_33 = arith.constant 0 : index
    %swap3A_34 = arith.constant 32 : index
    %swap3A_35 = vector.load %arg2[%swap3A_33, %swap3A_34] : memref<1280x128xf32, #tpu.memory_space<vmem>>, vector<1250x16xf32>
    tpu.vector_store %arg2[%swap3A_33, %swap3A_34], %dot_general3A_32 {strides = array<i32>} : memref<1280x128xf32, #tpu.memory_space<vmem>>, vector<1250x16xf32>,
    %get3A_36 = arith.constant 0 : index
    %get3A_37 = arith.constant 3 : index
    %get3A_38 = arith.constant 0 : index
    %get3A_39 = vector.load %arg0[%get3A_36, %get3A_37, %get3A_38] : memref<1250x8x128xf32, #tpu.memory_space<vmem>>, vector<1250x1x128xf32>
    %get3A_40 = vector.shape_cast %get3A_39 : vector<1250x1x128xf32> to vector<1250x128xf32>
    %get3A_41 = arith.constant 0 : index
    %get3A_42 = arith.constant 0 : index
    %get3A_43 = vector.load %arg1[%get3A_41, %get3A_42] : memref<128x16xf32, #tpu.memory_space<vmem>>, vector<128x16xf32>
    %dot_general3A_44 = arith.constant dense<0.000000e+00> : vector<1250x16xf32>
    %dot_general3A_45 = tpu.matmul %get3A_40, %get3A_43, %dot_general3A_44 {dimension_numbers = #tpu.dot_dimension_numbers<[1], [0], [0], [1], [0, 0, 1, 1], [], []>, transpose_lhs_hint = false} : vector<1250x128xf32>, vector<128x16xf32>, vector<1250x16xf32> -> vector<1250x16xf32>
    %swap3A_46 = arith.constant 0 : index
    %swap3A_47 = arith.constant 48 : index
    %swap3A_48 = vector.load %arg2[%swap3A_46, %swap3A_47] : memref<1280x128xf32, #tpu.memory_space<vmem>>, vector<1250x16xf32>
    tpu.vector_store %arg2[%swap3A_46, %swap3A_47], %dot_general3A_45 {strides = array<i32>} : memref<1280x128xf32, #tpu.memory_space<vmem>>, vector<1250x16xf32>,
    %get3A_49 = arith.constant 0 : index
    %get3A_50 = arith.constant 4 : index
    %get3A_51 = arith.constant 0 : index
    %get3A_52 = vector.load %arg0[%get3A_49, %get3A_50, %get3A_51] : memref<1250x8x128xf32, #tpu.memory_space<vmem>>, vector<1250x1x128xf32>
    %get3A_53 = vector.shape_cast %get3A_52 : vector<1250x1x128xf32> to vector<1250x128xf32>
    %get3A_54 = arith.constant 0 : index
    %get3A_55 = arith.constant 0 : index
    %get3A_56 = vector.load %arg1[%get3A_54, %get3A_55] : memref<128x16xf32, #tpu.memory_space<vmem>>, vector<128x16xf32>
    %dot_general3A_57 = arith.constant dense<0.000000e+00> : vector<1250x16xf32>
    %dot_general3A_58 = tpu.matmul %get3A_53, %get3A_56, %dot_general3A_57 {dimension_numbers = #tpu.dot_dimension_numbers<[1], [0], [0], [1], [0, 0, 1, 1], [], []>, transpose_lhs_hint = false} : vector<1250x128xf32>, vector<128x16xf32>, vector<1250x16xf32> -> vector<1250x16xf32>
    %swap3A_59 = arith.constant 0 : index
    %swap3A_60 = arith.constant 64 : index
    %swap3A_61 = vector.load %arg2[%swap3A_59, %swap3A_60] : memref<1280x128xf32, #tpu.memory_space<vmem>>, vector<1250x16xf32>
    tpu.vector_store %arg2[%swap3A_59, %swap3A_60], %dot_general3A_58 {strides = array<i32>} : memref<1280x128xf32, #tpu.memory_space<vmem>>, vector<1250x16xf32>,
    %get3A_62 = arith.constant 0 : index
    %get3A_63 = arith.constant 5 : index
    %get3A_64 = arith.constant 0 : index
    %get3A_65 = vector.load %arg0[%get3A_62, %get3A_63, %get3A_64] : memref<1250x8x128xf32, #tpu.memory_space<vmem>>, vector<1250x1x128xf32>
    %get3A_66 = vector.shape_cast %get3A_65 : vector<1250x1x128xf32> to vector<1250x128xf32>
    %get3A_67 = arith.constant 0 : index
    %get3A_68 = arith.constant 0 : index
    %get3A_69 = vector.load %arg1[%get3A_67, %get3A_68] : memref<128x16xf32, #tpu.memory_space<vmem>>, vector<128x16xf32>
    %dot_general3A_70 = arith.constant dense<0.000000e+00> : vector<1250x16xf32>
    %dot_general3A_71 = tpu.matmul %get3A_66, %get3A_69, %dot_general3A_70 {dimension_numbers = #tpu.dot_dimension_numbers<[1], [0], [0], [1], [0, 0, 1, 1], [], []>, transpose_lhs_hint = false} : vector<1250x128xf32>, vector<128x16xf32>, vector<1250x16xf32> -> vector<1250x16xf32>
    %swap3A_72 = arith.constant 0 : index
    %swap3A_73 = arith.constant 80 : index
    %swap3A_74 = vector.load %arg2[%swap3A_72, %swap3A_73] : memref<1280x128xf32, #tpu.memory_space<vmem>>, vector<1250x16xf32>
    tpu.vector_store %arg2[%swap3A_72, %swap3A_73], %dot_general3A_71 {strides = array<i32>} : memref<1280x128xf32, #tpu.memory_space<vmem>>, vector<1250x16xf32>,
    %get3A_75 = arith.constant 0 : index
    %get3A_76 = arith.constant 6 : index
    %get3A_77 = arith.constant 0 : index
    %get3A_78 = vector.load %arg0[%get3A_75, %get3A_76, %get3A_77] : memref<1250x8x128xf32, #tpu.memory_space<vmem>>, vector<1250x1x128xf32>
    %get3A_79 = vector.shape_cast %get3A_78 : vector<1250x1x128xf32> to vector<1250x128xf32>
    %get3A_80 = arith.constant 0 : index
    %get3A_81 = arith.constant 0 : index
    %get3A_82 = vector.load %arg1[%get3A_80, %get3A_81] : memref<128x16xf32, #tpu.memory_space<vmem>>, vector<128x16xf32>
    %dot_general3A_83 = arith.constant dense<0.000000e+00> : vector<1250x16xf32>
    %dot_general3A_84 = tpu.matmul %get3A_79, %get3A_82, %dot_general3A_83 {dimension_numbers = #tpu.dot_dimension_numbers<[1], [0], [0], [1], [0, 0, 1, 1], [], []>, transpose_lhs_hint = false} : vector<1250x128xf32>, vector<128x16xf32>, vector<1250x16xf32> -> vector<1250x16xf32>
    %swap3A_85 = arith.constant 0 : index
    %swap3A_86 = arith.constant 96 : index
    %swap3A_87 = vector.load %arg2[%swap3A_85, %swap3A_86] : memref<1280x128xf32, #tpu.memory_space<vmem>>, vector<1250x16xf32>
    tpu.vector_store %arg2[%swap3A_85, %swap3A_86], %dot_general3A_84 {strides = array<i32>} : memref<1280x128xf32, #tpu.memory_space<vmem>>, vector<1250x16xf32>,
    %get3A_88 = arith.constant 0 : index
    %get3A_89 = arith.constant 7 : index
    %get3A_90 = arith.constant 0 : index
    %get3A_91 = vector.load %arg0[%get3A_88, %get3A_89, %get3A_90] : memref<1250x8x128xf32, #tpu.memory_space<vmem>>, vector<1250x1x128xf32>
    %get3A_92 = vector.shape_cast %get3A_91 : vector<1250x1x128xf32> to vector<1250x128xf32>
    %get3A_93 = arith.constant 0 : index
    %get3A_94 = arith.constant 0 : index
    %get3A_95 = vector.load %arg1[%get3A_93, %get3A_94] : memref<128x16xf32, #tpu.memory_space<vmem>>, vector<128x16xf32>
    %dot_general3A_96 = arith.constant dense<0.000000e+00> : vector<1250x16xf32>
    %dot_general3A_97 = tpu.matmul %get3A_92, %get3A_95, %dot_general3A_96 {dimension_numbers = #tpu.dot_dimension_numbers<[1], [0], [0], [1], [0, 0, 1, 1], [], []>, transpose_lhs_hint = false} : vector<1250x128xf32>, vector<128x16xf32>, vector<1250x16xf32> -> vector<1250x16xf32>
    %swap3A_98 = arith.constant 0 : index
    %swap3A_99 = arith.constant 112 : index
    %swap3A_100 = vector.load %arg2[%swap3A_98, %swap3A_99] : memref<1280x128xf32, #tpu.memory_space<vmem>>, vector<1250x16xf32>
    tpu.vector_store %arg2[%swap3A_98, %swap3A_99], %dot_general3A_97 {strides = array<i32>} : memref<1280x128xf32, #tpu.memory_space<vmem>>, vector<1250x16xf32>,
    %broadcast_in_dim3A = arith.constant 0.000000e+00 : f32
    %broadcast_in_dim3A_101 = vector.broadcast %broadcast_in_dim3A : f32 to vector<30x128xf32>
    %swap3A_102 = arith.constant 1250 : index
    %swap3A_103 = arith.constant 0 : index
    %swap3A_104 = vector.load %arg2[%swap3A_102, %swap3A_103] : memref<1280x128xf32, #tpu.memory_space<vmem>>, vector<30x128xf32>
    tpu.vector_store %arg2[%swap3A_102, %swap3A_103], %broadcast_in_dim3A_101 {strides = array<i32>} : memref<1280x128xf32, #tpu.memory_space<vmem>>, vector<30x128xf32>,
    return
  }
}

module attributes {stable_mosaic.version = 14 : i64} {
  func.func @body(%arg0: memref<2x1280x128xf32, #tpu.memory_space<vmem>>, %arg1: memref<1280x128xf32, #tpu.memory_space<vmem>>, %arg2: memref<1280x128xf32, #tpu.memory_space<vmem>>, %arg3: memref<1x128xf32, #tpu.memory_space<vmem>>, %arg4: memref<16x16xf32, #tpu.memory_space<vmem>>, %arg5: memref<1280x128xf32, #tpu.memory_space<vmem>>) attributes {dimension_semantics = [], scalar_prefetch = 0 : i64, scratch_operands = 0 : i64, tpu.core_type = #tpu.core_type<tc>} {
    %get3A = arith.constant 0 : index
    %get3A_0 = arith.constant 0 : index
    %get3A_1 = arith.constant 0 : index
    %get3A_2 = vector.load %arg0[%get3A, %get3A_0, %get3A_1] : memref<2x1280x128xf32, #tpu.memory_space<vmem>>, vector<1x1280x128xf32>
    %get3A_3 = vector.shape_cast %get3A_2 : vector<1x1280x128xf32> to vector<1280x128xf32>
    %get3A_4 = arith.constant 1 : index
    %get3A_5 = arith.constant 0 : index
    %get3A_6 = arith.constant 0 : index
    %get3A_7 = vector.load %arg0[%get3A_4, %get3A_5, %get3A_6] : memref<2x1280x128xf32, #tpu.memory_space<vmem>>, vector<1x1280x128xf32>
    %get3A_8 = vector.shape_cast %get3A_7 : vector<1x1280x128xf32> to vector<1280x128xf32>
    %add3A = arith.addf %get3A_3, %get3A_8 : vector<1280x128xf32>
    %get3A_9 = arith.constant 0 : index
    %get3A_10 = arith.constant 0 : index
    %get3A_11 = vector.load %arg1[%get3A_9, %get3A_10] : memref<1280x128xf32, #tpu.memory_space<vmem>>, vector<1280x128xf32>
    %add3A_12 = arith.addf %add3A, %get3A_11 : vector<1280x128xf32>
    %get3A_13 = arith.constant 0 : index
    %get3A_14 = arith.constant 0 : index
    %get3A_15 = vector.load %arg2[%get3A_13, %get3A_14] : memref<1280x128xf32, #tpu.memory_space<vmem>>, vector<1280x128xf32>
    %mul3A = arith.mulf %get3A_15, %add3A_12 : vector<1280x128xf32>
    %get3A_16 = arith.constant 0 : index
    %get3A_17 = arith.constant 0 : index
    %get3A_18 = vector.load %arg3[%get3A_16, %get3A_17] : memref<1x128xf32, #tpu.memory_space<vmem>>, vector<1x128xf32>
    %add3A_19 = vector.broadcast %get3A_18 : vector<1x128xf32> to vector<1280x128xf32>
    %add3A_20 = arith.addf %mul3A, %add3A_19 : vector<1280x128xf32>
    %max3A = arith.constant 0.000000e+00 : f32
    %max3A_21 = vector.broadcast %max3A : f32 to vector<1280x128xf32>
    %max3A_22 = arith.maximumf %add3A_20, %max3A_21 : vector<1280x128xf32>
    %slice3A = vector.extract_strided_slice %max3A_22 {offsets = [0, 0], sizes = [1280, 16], strides = [1, 1]} : vector<1280x128xf32> to vector<1280x16xf32>
    %get3A_23 = arith.constant 0 : index
    %get3A_24 = arith.constant 0 : index
    %get3A_25 = vector.load %arg4[%get3A_23, %get3A_24] : memref<16x16xf32, #tpu.memory_space<vmem>>, vector<16x16xf32>
    %dot_general3A = arith.constant dense<0.000000e+00> : vector<1280x16xf32>
    %dot_general3A_26 = tpu.matmul %slice3A, %get3A_25, %dot_general3A {dimension_numbers = #tpu.dot_dimension_numbers<[1], [0], [0], [1], [0, 0, 1, 1], [], []>, transpose_lhs_hint = false} : vector<1280x16xf32>, vector<16x16xf32>, vector<1280x16xf32> -> vector<1280x16xf32>
    %get3A_27 = arith.constant 0 : index
    %get3A_28 = arith.constant 0 : index
    %get3A_29 = vector.load %arg2[%get3A_27, %get3A_28] : memref<1280x128xf32, #tpu.memory_space<vmem>>, vector<1280x16xf32>
    %mul3A_30 = arith.mulf %dot_general3A_26, %get3A_29 : vector<1280x16xf32>
    %swap3A = arith.constant 0 : index
    %swap3A_31 = arith.constant 0 : index
    %swap3A_32 = vector.load %arg5[%swap3A, %swap3A_31] : memref<1280x128xf32, #tpu.memory_space<vmem>>, vector<1280x16xf32>
    tpu.vector_store %arg5[%swap3A, %swap3A_31], %mul3A_30 {strides = array<i32>} : memref<1280x128xf32, #tpu.memory_space<vmem>>, vector<1280x16xf32>,
    %slice3A_33 = vector.extract_strided_slice %max3A_22 {offsets = [0, 16], sizes = [1280, 16], strides = [1, 1]} : vector<1280x128xf32> to vector<1280x16xf32>
    %get3A_34 = arith.constant 0 : index
    %get3A_35 = arith.constant 0 : index
    %get3A_36 = vector.load %arg4[%get3A_34, %get3A_35] : memref<16x16xf32, #tpu.memory_space<vmem>>, vector<16x16xf32>
    %dot_general3A_37 = arith.constant dense<0.000000e+00> : vector<1280x16xf32>
    %dot_general3A_38 = tpu.matmul %slice3A_33, %get3A_36, %dot_general3A_37 {dimension_numbers = #tpu.dot_dimension_numbers<[1], [0], [0], [1], [0, 0, 1, 1], [], []>, transpose_lhs_hint = false} : vector<1280x16xf32>, vector<16x16xf32>, vector<1280x16xf32> -> vector<1280x16xf32>
    %get3A_39 = arith.constant 0 : index
    %get3A_40 = arith.constant 16 : index
    %get3A_41 = vector.load %arg2[%get3A_39, %get3A_40] : memref<1280x128xf32, #tpu.memory_space<vmem>>, vector<1280x16xf32>
    %mul3A_42 = arith.mulf %dot_general3A_38, %get3A_41 : vector<1280x16xf32>
    %swap3A_43 = arith.constant 0 : index
    %swap3A_44 = arith.constant 16 : index
    %swap3A_45 = vector.load %arg5[%swap3A_43, %swap3A_44] : memref<1280x128xf32, #tpu.memory_space<vmem>>, vector<1280x16xf32>
    tpu.vector_store %arg5[%swap3A_43, %swap3A_44], %mul3A_42 {strides = array<i32>} : memref<1280x128xf32, #tpu.memory_space<vmem>>, vector<1280x16xf32>,
    %slice3A_46 = vector.extract_strided_slice %max3A_22 {offsets = [0, 32], sizes = [1280, 16], strides = [1, 1]} : vector<1280x128xf32> to vector<1280x16xf32>
    %get3A_47 = arith.constant 0 : index
    %get3A_48 = arith.constant 0 : index
    %get3A_49 = vector.load %arg4[%get3A_47, %get3A_48] : memref<16x16xf32, #tpu.memory_space<vmem>>, vector<16x16xf32>
    %dot_general3A_50 = arith.constant dense<0.000000e+00> : vector<1280x16xf32>
    %dot_general3A_51 = tpu.matmul %slice3A_46, %get3A_49, %dot_general3A_50 {dimension_numbers = #tpu.dot_dimension_numbers<[1], [0], [0], [1], [0, 0, 1, 1], [], []>, transpose_lhs_hint = false} : vector<1280x16xf32>, vector<16x16xf32>, vector<1280x16xf32> -> vector<1280x16xf32>
    %get3A_52 = arith.constant 0 : index
    %get3A_53 = arith.constant 32 : index
    %get3A_54 = vector.load %arg2[%get3A_52, %get3A_53] : memref<1280x128xf32, #tpu.memory_space<vmem>>, vector<1280x16xf32>
    %mul3A_55 = arith.mulf %dot_general3A_51, %get3A_54 : vector<1280x16xf32>
    %swap3A_56 = arith.constant 0 : index
    %swap3A_57 = arith.constant 32 : index
    %swap3A_58 = vector.load %arg5[%swap3A_56, %swap3A_57] : memref<1280x128xf32, #tpu.memory_space<vmem>>, vector<1280x16xf32>
    tpu.vector_store %arg5[%swap3A_56, %swap3A_57], %mul3A_55 {strides = array<i32>} : memref<1280x128xf32, #tpu.memory_space<vmem>>, vector<1280x16xf32>,
    %slice3A_59 = vector.extract_strided_slice %max3A_22 {offsets = [0, 48], sizes = [1280, 16], strides = [1, 1]} : vector<1280x128xf32> to vector<1280x16xf32>
    %get3A_60 = arith.constant 0 : index
    %get3A_61 = arith.constant 0 : index
    %get3A_62 = vector.load %arg4[%get3A_60, %get3A_61] : memref<16x16xf32, #tpu.memory_space<vmem>>, vector<16x16xf32>
    %dot_general3A_63 = arith.constant dense<0.000000e+00> : vector<1280x16xf32>
    %dot_general3A_64 = tpu.matmul %slice3A_59, %get3A_62, %dot_general3A_63 {dimension_numbers = #tpu.dot_dimension_numbers<[1], [0], [0], [1], [0, 0, 1, 1], [], []>, transpose_lhs_hint = false} : vector<1280x16xf32>, vector<16x16xf32>, vector<1280x16xf32> -> vector<1280x16xf32>
    %get3A_65 = arith.constant 0 : index
    %get3A_66 = arith.constant 48 : index
    %get3A_67 = vector.load %arg2[%get3A_65, %get3A_66] : memref<1280x128xf32, #tpu.memory_space<vmem>>, vector<1280x16xf32>
    %mul3A_68 = arith.mulf %dot_general3A_64, %get3A_67 : vector<1280x16xf32>
    %swap3A_69 = arith.constant 0 : index
    %swap3A_70 = arith.constant 48 : index
    %swap3A_71 = vector.load %arg5[%swap3A_69, %swap3A_70] : memref<1280x128xf32, #tpu.memory_space<vmem>>, vector<1280x16xf32>
    tpu.vector_store %arg5[%swap3A_69, %swap3A_70], %mul3A_68 {strides = array<i32>} : memref<1280x128xf32, #tpu.memory_space<vmem>>, vector<1280x16xf32>,
    %slice3A_72 = vector.extract_strided_slice %max3A_22 {offsets = [0, 64], sizes = [1280, 16], strides = [1, 1]} : vector<1280x128xf32> to vector<1280x16xf32>
    %get3A_73 = arith.constant 0 : index
    %get3A_74 = arith.constant 0 : index
    %get3A_75 = vector.load %arg4[%get3A_73, %get3A_74] : memref<16x16xf32, #tpu.memory_space<vmem>>, vector<16x16xf32>
    %dot_general3A_76 = arith.constant dense<0.000000e+00> : vector<1280x16xf32>
    %dot_general3A_77 = tpu.matmul %slice3A_72, %get3A_75, %dot_general3A_76 {dimension_numbers = #tpu.dot_dimension_numbers<[1], [0], [0], [1], [0, 0, 1, 1], [], []>, transpose_lhs_hint = false} : vector<1280x16xf32>, vector<16x16xf32>, vector<1280x16xf32> -> vector<1280x16xf32>
    %get3A_78 = arith.constant 0 : index
    %get3A_79 = arith.constant 64 : index
    %get3A_80 = vector.load %arg2[%get3A_78, %get3A_79] : memref<1280x128xf32, #tpu.memory_space<vmem>>, vector<1280x16xf32>
    %mul3A_81 = arith.mulf %dot_general3A_77, %get3A_80 : vector<1280x16xf32>
    %swap3A_82 = arith.constant 0 : index
    %swap3A_83 = arith.constant 64 : index
    %swap3A_84 = vector.load %arg5[%swap3A_82, %swap3A_83] : memref<1280x128xf32, #tpu.memory_space<vmem>>, vector<1280x16xf32>
    tpu.vector_store %arg5[%swap3A_82, %swap3A_83], %mul3A_81 {strides = array<i32>} : memref<1280x128xf32, #tpu.memory_space<vmem>>, vector<1280x16xf32>,
    %slice3A_85 = vector.extract_strided_slice %max3A_22 {offsets = [0, 80], sizes = [1280, 16], strides = [1, 1]} : vector<1280x128xf32> to vector<1280x16xf32>
    %get3A_86 = arith.constant 0 : index
    %get3A_87 = arith.constant 0 : index
    %get3A_88 = vector.load %arg4[%get3A_86, %get3A_87] : memref<16x16xf32, #tpu.memory_space<vmem>>, vector<16x16xf32>
    %dot_general3A_89 = arith.constant dense<0.000000e+00> : vector<1280x16xf32>
    %dot_general3A_90 = tpu.matmul %slice3A_85, %get3A_88, %dot_general3A_89 {dimension_numbers = #tpu.dot_dimension_numbers<[1], [0], [0], [1], [0, 0, 1, 1], [], []>, transpose_lhs_hint = false} : vector<1280x16xf32>, vector<16x16xf32>, vector<1280x16xf32> -> vector<1280x16xf32>
    %get3A_91 = arith.constant 0 : index
    %get3A_92 = arith.constant 80 : index
    %get3A_93 = vector.load %arg2[%get3A_91, %get3A_92] : memref<1280x128xf32, #tpu.memory_space<vmem>>, vector<1280x16xf32>
    %mul3A_94 = arith.mulf %dot_general3A_90, %get3A_93 : vector<1280x16xf32>
    %swap3A_95 = arith.constant 0 : index
    %swap3A_96 = arith.constant 80 : index
    %swap3A_97 = vector.load %arg5[%swap3A_95, %swap3A_96] : memref<1280x128xf32, #tpu.memory_space<vmem>>, vector<1280x16xf32>
    tpu.vector_store %arg5[%swap3A_95, %swap3A_96], %mul3A_94 {strides = array<i32>} : memref<1280x128xf32, #tpu.memory_space<vmem>>, vector<1280x16xf32>,
    %slice3A_98 = vector.extract_strided_slice %max3A_22 {offsets = [0, 96], sizes = [1280, 16], strides = [1, 1]} : vector<1280x128xf32> to vector<1280x16xf32>
    %get3A_99 = arith.constant 0 : index
    %get3A_100 = arith.constant 0 : index
    %get3A_101 = vector.load %arg4[%get3A_99, %get3A_100] : memref<16x16xf32, #tpu.memory_space<vmem>>, vector<16x16xf32>
    %dot_general3A_102 = arith.constant dense<0.000000e+00> : vector<1280x16xf32>
    %dot_general3A_103 = tpu.matmul %slice3A_98, %get3A_101, %dot_general3A_102 {dimension_numbers = #tpu.dot_dimension_numbers<[1], [0], [0], [1], [0, 0, 1, 1], [], []>, transpose_lhs_hint = false} : vector<1280x16xf32>, vector<16x16xf32>, vector<1280x16xf32> -> vector<1280x16xf32>
    %get3A_104 = arith.constant 0 : index
    %get3A_105 = arith.constant 96 : index
    %get3A_106 = vector.load %arg2[%get3A_104, %get3A_105] : memref<1280x128xf32, #tpu.memory_space<vmem>>, vector<1280x16xf32>
    %mul3A_107 = arith.mulf %dot_general3A_103, %get3A_106 : vector<1280x16xf32>
    %swap3A_108 = arith.constant 0 : index
    %swap3A_109 = arith.constant 96 : index
    %swap3A_110 = vector.load %arg5[%swap3A_108, %swap3A_109] : memref<1280x128xf32, #tpu.memory_space<vmem>>, vector<1280x16xf32>
    tpu.vector_store %arg5[%swap3A_108, %swap3A_109], %mul3A_107 {strides = array<i32>} : memref<1280x128xf32, #tpu.memory_space<vmem>>, vector<1280x16xf32>,
    %slice3A_111 = vector.extract_strided_slice %max3A_22 {offsets = [0, 112], sizes = [1280, 16], strides = [1, 1]} : vector<1280x128xf32> to vector<1280x16xf32>
    %get3A_112 = arith.constant 0 : index
    %get3A_113 = arith.constant 0 : index
    %get3A_114 = vector.load %arg4[%get3A_112, %get3A_113] : memref<16x16xf32, #tpu.memory_space<vmem>>, vector<16x16xf32>
    %dot_general3A_115 = arith.constant dense<0.000000e+00> : vector<1280x16xf32>
    %dot_general3A_116 = tpu.matmul %slice3A_111, %get3A_114, %dot_general3A_115 {dimension_numbers = #tpu.dot_dimension_numbers<[1], [0], [0], [1], [0, 0, 1, 1], [], []>, transpose_lhs_hint = false} : vector<1280x16xf32>, vector<16x16xf32>, vector<1280x16xf32> -> vector<1280x16xf32>
    %get3A_117 = arith.constant 0 : index
    %get3A_118 = arith.constant 112 : index
    %get3A_119 = vector.load %arg2[%get3A_117, %get3A_118] : memref<1280x128xf32, #tpu.memory_space<vmem>>, vector<1280x16xf32>
    %mul3A_120 = arith.mulf %dot_general3A_116, %get3A_119 : vector<1280x16xf32>
    %swap3A_121 = arith.constant 0 : index
    %swap3A_122 = arith.constant 112 : index
    %swap3A_123 = vector.load %arg5[%swap3A_121, %swap3A_122] : memref<1280x128xf32, #tpu.memory_space<vmem>>, vector<1280x16xf32>
    tpu.vector_store %arg5[%swap3A_121, %swap3A_122], %mul3A_120 {strides = array<i32>} : memref<1280x128xf32, #tpu.memory_space<vmem>>, vector<1280x16xf32>,
    return
  }
}

module attributes {stable_mosaic.version = 14 : i64} {
  func.func @body(%arg0: memref<2x1280x128xf32, #tpu.memory_space<vmem>>, %arg1: memref<1280x128xf32, #tpu.memory_space<vmem>>, %arg2: memref<1280x128xf32, #tpu.memory_space<vmem>>, %arg3: memref<1x128xf32, #tpu.memory_space<vmem>>, %arg4: memref<16x8xf32, #tpu.memory_space<vmem>>, %arg5: memref<1x8xf32, #tpu.memory_space<vmem>>, %arg6: memref<8x1xf32, #tpu.memory_space<vmem>>, %arg7: memref<1x1xf32, #tpu.memory_space<vmem>>, %arg8: memref<1280x8xf32, #tpu.memory_space<vmem>>) attributes {dimension_semantics = [], scalar_prefetch = 0 : i64, scratch_operands = 0 : i64, tpu.core_type = #tpu.core_type<tc>} {
    %get3A = arith.constant 0 : index
    %get3A_0 = arith.constant 0 : index
    %get3A_1 = arith.constant 0 : index
    %get3A_2 = vector.load %arg0[%get3A, %get3A_0, %get3A_1] : memref<2x1280x128xf32, #tpu.memory_space<vmem>>, vector<1x1280x128xf32>
    %get3A_3 = vector.shape_cast %get3A_2 : vector<1x1280x128xf32> to vector<1280x128xf32>
    %get3A_4 = arith.constant 1 : index
    %get3A_5 = arith.constant 0 : index
    %get3A_6 = arith.constant 0 : index
    %get3A_7 = vector.load %arg0[%get3A_4, %get3A_5, %get3A_6] : memref<2x1280x128xf32, #tpu.memory_space<vmem>>, vector<1x1280x128xf32>
    %get3A_8 = vector.shape_cast %get3A_7 : vector<1x1280x128xf32> to vector<1280x128xf32>
    %add3A = arith.addf %get3A_3, %get3A_8 : vector<1280x128xf32>
    %get3A_9 = arith.constant 0 : index
    %get3A_10 = arith.constant 0 : index
    %get3A_11 = vector.load %arg1[%get3A_9, %get3A_10] : memref<1280x128xf32, #tpu.memory_space<vmem>>, vector<1280x128xf32>
    %add3A_12 = arith.addf %add3A, %get3A_11 : vector<1280x128xf32>
    %get3A_13 = arith.constant 0 : index
    %get3A_14 = arith.constant 0 : index
    %get3A_15 = vector.load %arg2[%get3A_13, %get3A_14] : memref<1280x128xf32, #tpu.memory_space<vmem>>, vector<1280x128xf32>
    %mul3A = arith.mulf %get3A_15, %add3A_12 : vector<1280x128xf32>
    %get3A_16 = arith.constant 0 : index
    %get3A_17 = arith.constant 0 : index
    %get3A_18 = vector.load %arg3[%get3A_16, %get3A_17] : memref<1x128xf32, #tpu.memory_space<vmem>>, vector<1x128xf32>
    %add3A_19 = vector.broadcast %get3A_18 : vector<1x128xf32> to vector<1280x128xf32>
    %add3A_20 = arith.addf %mul3A, %add3A_19 : vector<1280x128xf32>
    %max3A = arith.constant 0.000000e+00 : f32
    %max3A_21 = vector.broadcast %max3A : f32 to vector<1280x128xf32>
    %max3A_22 = arith.maximumf %add3A_20, %max3A_21 : vector<1280x128xf32>
    %slice3A = vector.extract_strided_slice %max3A_22 {offsets = [0, 0], sizes = [1280, 16], strides = [1, 1]} : vector<1280x128xf32> to vector<1280x16xf32>
    %get3A_23 = arith.constant 0 : index
    %get3A_24 = arith.constant 0 : index
    %get3A_25 = vector.load %arg4[%get3A_23, %get3A_24] : memref<16x8xf32, #tpu.memory_space<vmem>>, vector<16x8xf32>
    %dot_general3A = arith.constant dense<0.000000e+00> : vector<1280x8xf32>
    %dot_general3A_26 = tpu.matmul %slice3A, %get3A_25, %dot_general3A {dimension_numbers = #tpu.dot_dimension_numbers<[1], [0], [0], [1], [0, 0, 1, 1], [], []>, transpose_lhs_hint = false} : vector<1280x16xf32>, vector<16x8xf32>, vector<1280x8xf32> -> vector<1280x8xf32>
    %get3A_27 = arith.constant 0 : index
    %get3A_28 = arith.constant 0 : index
    %get3A_29 = vector.load %arg5[%get3A_27, %get3A_28] : memref<1x8xf32, #tpu.memory_space<vmem>>, vector<1x8xf32>
    %add3A_30 = vector.broadcast %get3A_29 : vector<1x8xf32> to vector<1280x8xf32>
    %add3A_31 = arith.addf %dot_general3A_26, %add3A_30 : vector<1280x8xf32>
    %max3A_32 = arith.constant 0.000000e+00 : f32
    %max3A_33 = vector.broadcast %max3A_32 : f32 to vector<1280x8xf32>
    %max3A_34 = arith.maximumf %add3A_31, %max3A_33 : vector<1280x8xf32>
    %get3A_35 = arith.constant 0 : index
    %get3A_36 = arith.constant 0 : index
    %get3A_37 = vector.load %arg6[%get3A_35, %get3A_36] : memref<8x1xf32, #tpu.memory_space<vmem>>, vector<8x1xf32>
    %dot_general3A_38 = arith.constant dense<0.000000e+00> : vector<1280x1xf32>
    %dot_general3A_39 = tpu.matmul %max3A_34, %get3A_37, %dot_general3A_38 {dimension_numbers = #tpu.dot_dimension_numbers<[1], [0], [0], [1], [0, 0, 1, 1], [], []>, transpose_lhs_hint = false} : vector<1280x8xf32>, vector<8x1xf32>, vector<1280x1xf32> -> vector<1280x1xf32>
    %get3A_40 = arith.constant 0 : index
    %get3A_41 = arith.constant 0 : index
    %get3A_42 = vector.load %arg7[%get3A_40, %get3A_41] : memref<1x1xf32, #tpu.memory_space<vmem>>, vector<1x1xf32>
    %add3A_43 = vector.broadcast %get3A_42 : vector<1x1xf32> to vector<1280x1xf32>
    %add3A_44 = arith.addf %dot_general3A_39, %add3A_43 : vector<1280x1xf32>
    %slice3A_45 = vector.extract_strided_slice %max3A_22 {offsets = [0, 16], sizes = [1280, 16], strides = [1, 1]} : vector<1280x128xf32> to vector<1280x16xf32>
    %get3A_46 = arith.constant 0 : index
    %get3A_47 = arith.constant 0 : index
    %get3A_48 = vector.load %arg4[%get3A_46, %get3A_47] : memref<16x8xf32, #tpu.memory_space<vmem>>, vector<16x8xf32>
    %dot_general3A_49 = arith.constant dense<0.000000e+00> : vector<1280x8xf32>
    %dot_general3A_50 = tpu.matmul %slice3A_45, %get3A_48, %dot_general3A_49 {dimension_numbers = #tpu.dot_dimension_numbers<[1], [0], [0], [1], [0, 0, 1, 1], [], []>, transpose_lhs_hint = false} : vector<1280x16xf32>, vector<16x8xf32>, vector<1280x8xf32> -> vector<1280x8xf32>
    %get3A_51 = arith.constant 0 : index
    %get3A_52 = arith.constant 0 : index
    %get3A_53 = vector.load %arg5[%get3A_51, %get3A_52] : memref<1x8xf32, #tpu.memory_space<vmem>>, vector<1x8xf32>
    %add3A_54 = vector.broadcast %get3A_53 : vector<1x8xf32> to vector<1280x8xf32>
    %add3A_55 = arith.addf %dot_general3A_50, %add3A_54 : vector<1280x8xf32>
    %max3A_56 = arith.constant 0.000000e+00 : f32
    %max3A_57 = vector.broadcast %max3A_56 : f32 to vector<1280x8xf32>
    %max3A_58 = arith.maximumf %add3A_55, %max3A_57 : vector<1280x8xf32>
    %get3A_59 = arith.constant 0 : index
    %get3A_60 = arith.constant 0 : index
    %get3A_61 = vector.load %arg6[%get3A_59, %get3A_60] : memref<8x1xf32, #tpu.memory_space<vmem>>, vector<8x1xf32>
    %dot_general3A_62 = arith.constant dense<0.000000e+00> : vector<1280x1xf32>
    %dot_general3A_63 = tpu.matmul %max3A_58, %get3A_61, %dot_general3A_62 {dimension_numbers = #tpu.dot_dimension_numbers<[1], [0], [0], [1], [0, 0, 1, 1], [], []>, transpose_lhs_hint = false} : vector<1280x8xf32>, vector<8x1xf32>, vector<1280x1xf32> -> vector<1280x1xf32>
    %get3A_64 = arith.constant 0 : index
    %get3A_65 = arith.constant 0 : index
    %get3A_66 = vector.load %arg7[%get3A_64, %get3A_65] : memref<1x1xf32, #tpu.memory_space<vmem>>, vector<1x1xf32>
    %add3A_67 = vector.broadcast %get3A_66 : vector<1x1xf32> to vector<1280x1xf32>
    %add3A_68 = arith.addf %dot_general3A_63, %add3A_67 : vector<1280x1xf32>
    %slice3A_69 = vector.extract_strided_slice %max3A_22 {offsets = [0, 32], sizes = [1280, 16], strides = [1, 1]} : vector<1280x128xf32> to vector<1280x16xf32>
    %get3A_70 = arith.constant 0 : index
    %get3A_71 = arith.constant 0 : index
    %get3A_72 = vector.load %arg4[%get3A_70, %get3A_71] : memref<16x8xf32, #tpu.memory_space<vmem>>, vector<16x8xf32>
    %dot_general3A_73 = arith.constant dense<0.000000e+00> : vector<1280x8xf32>
    %dot_general3A_74 = tpu.matmul %slice3A_69, %get3A_72, %dot_general3A_73 {dimension_numbers = #tpu.dot_dimension_numbers<[1], [0], [0], [1], [0, 0, 1, 1], [], []>, transpose_lhs_hint = false} : vector<1280x16xf32>, vector<16x8xf32>, vector<1280x8xf32> -> vector<1280x8xf32>
    %get3A_75 = arith.constant 0 : index
    %get3A_76 = arith.constant 0 : index
    %get3A_77 = vector.load %arg5[%get3A_75, %get3A_76] : memref<1x8xf32, #tpu.memory_space<vmem>>, vector<1x8xf32>
    %add3A_78 = vector.broadcast %get3A_77 : vector<1x8xf32> to vector<1280x8xf32>
    %add3A_79 = arith.addf %dot_general3A_74, %add3A_78 : vector<1280x8xf32>
    %max3A_80 = arith.constant 0.000000e+00 : f32
    %max3A_81 = vector.broadcast %max3A_80 : f32 to vector<1280x8xf32>
    %max3A_82 = arith.maximumf %add3A_79, %max3A_81 : vector<1280x8xf32>
    %get3A_83 = arith.constant 0 : index
    %get3A_84 = arith.constant 0 : index
    %get3A_85 = vector.load %arg6[%get3A_83, %get3A_84] : memref<8x1xf32, #tpu.memory_space<vmem>>, vector<8x1xf32>
    %dot_general3A_86 = arith.constant dense<0.000000e+00> : vector<1280x1xf32>
    %dot_general3A_87 = tpu.matmul %max3A_82, %get3A_85, %dot_general3A_86 {dimension_numbers = #tpu.dot_dimension_numbers<[1], [0], [0], [1], [0, 0, 1, 1], [], []>, transpose_lhs_hint = false} : vector<1280x8xf32>, vector<8x1xf32>, vector<1280x1xf32> -> vector<1280x1xf32>
    %get3A_88 = arith.constant 0 : index
    %get3A_89 = arith.constant 0 : index
    %get3A_90 = vector.load %arg7[%get3A_88, %get3A_89] : memref<1x1xf32, #tpu.memory_space<vmem>>, vector<1x1xf32>
    %add3A_91 = vector.broadcast %get3A_90 : vector<1x1xf32> to vector<1280x1xf32>
    %add3A_92 = arith.addf %dot_general3A_87, %add3A_91 : vector<1280x1xf32>
    %slice3A_93 = vector.extract_strided_slice %max3A_22 {offsets = [0, 48], sizes = [1280, 16], strides = [1, 1]} : vector<1280x128xf32> to vector<1280x16xf32>
    %get3A_94 = arith.constant 0 : index
    %get3A_95 = arith.constant 0 : index
    %get3A_96 = vector.load %arg4[%get3A_94, %get3A_95] : memref<16x8xf32, #tpu.memory_space<vmem>>, vector<16x8xf32>
    %dot_general3A_97 = arith.constant dense<0.000000e+00> : vector<1280x8xf32>
    %dot_general3A_98 = tpu.matmul %slice3A_93, %get3A_96, %dot_general3A_97 {dimension_numbers = #tpu.dot_dimension_numbers<[1], [0], [0], [1], [0, 0, 1, 1], [], []>, transpose_lhs_hint = false} : vector<1280x16xf32>, vector<16x8xf32>, vector<1280x8xf32> -> vector<1280x8xf32>
    %get3A_99 = arith.constant 0 : index
    %get3A_100 = arith.constant 0 : index
    %get3A_101 = vector.load %arg5[%get3A_99, %get3A_100] : memref<1x8xf32, #tpu.memory_space<vmem>>, vector<1x8xf32>
    %add3A_102 = vector.broadcast %get3A_101 : vector<1x8xf32> to vector<1280x8xf32>
    %add3A_103 = arith.addf %dot_general3A_98, %add3A_102 : vector<1280x8xf32>
    %max3A_104 = arith.constant 0.000000e+00 : f32
    %max3A_105 = vector.broadcast %max3A_104 : f32 to vector<1280x8xf32>
    %max3A_106 = arith.maximumf %add3A_103, %max3A_105 : vector<1280x8xf32>
    %get3A_107 = arith.constant 0 : index
    %get3A_108 = arith.constant 0 : index
    %get3A_109 = vector.load %arg6[%get3A_107, %get3A_108] : memref<8x1xf32, #tpu.memory_space<vmem>>, vector<8x1xf32>
    %dot_general3A_110 = arith.constant dense<0.000000e+00> : vector<1280x1xf32>
    %dot_general3A_111 = tpu.matmul %max3A_106, %get3A_109, %dot_general3A_110 {dimension_numbers = #tpu.dot_dimension_numbers<[1], [0], [0], [1], [0, 0, 1, 1], [], []>, transpose_lhs_hint = false} : vector<1280x8xf32>, vector<8x1xf32>, vector<1280x1xf32> -> vector<1280x1xf32>
    %get3A_112 = arith.constant 0 : index
    %get3A_113 = arith.constant 0 : index
    %get3A_114 = vector.load %arg7[%get3A_112, %get3A_113] : memref<1x1xf32, #tpu.memory_space<vmem>>, vector<1x1xf32>
    %add3A_115 = vector.broadcast %get3A_114 : vector<1x1xf32> to vector<1280x1xf32>
    %add3A_116 = arith.addf %dot_general3A_111, %add3A_115 : vector<1280x1xf32>
    %slice3A_117 = vector.extract_strided_slice %max3A_22 {offsets = [0, 64], sizes = [1280, 16], strides = [1, 1]} : vector<1280x128xf32> to vector<1280x16xf32>
    %get3A_118 = arith.constant 0 : index
    %get3A_119 = arith.constant 0 : index
    %get3A_120 = vector.load %arg4[%get3A_118, %get3A_119] : memref<16x8xf32, #tpu.memory_space<vmem>>, vector<16x8xf32>
    %dot_general3A_121 = arith.constant dense<0.000000e+00> : vector<1280x8xf32>
    %dot_general3A_122 = tpu.matmul %slice3A_117, %get3A_120, %dot_general3A_121 {dimension_numbers = #tpu.dot_dimension_numbers<[1], [0], [0], [1], [0, 0, 1, 1], [], []>, transpose_lhs_hint = false} : vector<1280x16xf32>, vector<16x8xf32>, vector<1280x8xf32> -> vector<1280x8xf32>
    %get3A_123 = arith.constant 0 : index
    %get3A_124 = arith.constant 0 : index
    %get3A_125 = vector.load %arg5[%get3A_123, %get3A_124] : memref<1x8xf32, #tpu.memory_space<vmem>>, vector<1x8xf32>
    %add3A_126 = vector.broadcast %get3A_125 : vector<1x8xf32> to vector<1280x8xf32>
    %add3A_127 = arith.addf %dot_general3A_122, %add3A_126 : vector<1280x8xf32>
    %max3A_128 = arith.constant 0.000000e+00 : f32
    %max3A_129 = vector.broadcast %max3A_128 : f32 to vector<1280x8xf32>
    %max3A_130 = arith.maximumf %add3A_127, %max3A_129 : vector<1280x8xf32>
    %get3A_131 = arith.constant 0 : index
    %get3A_132 = arith.constant 0 : index
    %get3A_133 = vector.load %arg6[%get3A_131, %get3A_132] : memref<8x1xf32, #tpu.memory_space<vmem>>, vector<8x1xf32>
    %dot_general3A_134 = arith.constant dense<0.000000e+00> : vector<1280x1xf32>
    %dot_general3A_135 = tpu.matmul %max3A_130, %get3A_133, %dot_general3A_134 {dimension_numbers = #tpu.dot_dimension_numbers<[1], [0], [0], [1], [0, 0, 1, 1], [], []>, transpose_lhs_hint = false} : vector<1280x8xf32>, vector<8x1xf32>, vector<1280x1xf32> -> vector<1280x1xf32>
    %get3A_136 = arith.constant 0 : index
    %get3A_137 = arith.constant 0 : index
    %get3A_138 = vector.load %arg7[%get3A_136, %get3A_137] : memref<1x1xf32, #tpu.memory_space<vmem>>, vector<1x1xf32>
    %add3A_139 = vector.broadcast %get3A_138 : vector<1x1xf32> to vector<1280x1xf32>
    %add3A_140 = arith.addf %dot_general3A_135, %add3A_139 : vector<1280x1xf32>
    %slice3A_141 = vector.extract_strided_slice %max3A_22 {offsets = [0, 80], sizes = [1280, 16], strides = [1, 1]} : vector<1280x128xf32> to vector<1280x16xf32>
    %get3A_142 = arith.constant 0 : index
    %get3A_143 = arith.constant 0 : index
    %get3A_144 = vector.load %arg4[%get3A_142, %get3A_143] : memref<16x8xf32, #tpu.memory_space<vmem>>, vector<16x8xf32>
    %dot_general3A_145 = arith.constant dense<0.000000e+00> : vector<1280x8xf32>
    %dot_general3A_146 = tpu.matmul %slice3A_141, %get3A_144, %dot_general3A_145 {dimension_numbers = #tpu.dot_dimension_numbers<[1], [0], [0], [1], [0, 0, 1, 1], [], []>, transpose_lhs_hint = false} : vector<1280x16xf32>, vector<16x8xf32>, vector<1280x8xf32> -> vector<1280x8xf32>
    %get3A_147 = arith.constant 0 : index
    %get3A_148 = arith.constant 0 : index
    %get3A_149 = vector.load %arg5[%get3A_147, %get3A_148] : memref<1x8xf32, #tpu.memory_space<vmem>>, vector<1x8xf32>
    %add3A_150 = vector.broadcast %get3A_149 : vector<1x8xf32> to vector<1280x8xf32>
    %add3A_151 = arith.addf %dot_general3A_146, %add3A_150 : vector<1280x8xf32>
    %max3A_152 = arith.constant 0.000000e+00 : f32
    %max3A_153 = vector.broadcast %max3A_152 : f32 to vector<1280x8xf32>
    %max3A_154 = arith.maximumf %add3A_151, %max3A_153 : vector<1280x8xf32>
    %get3A_155 = arith.constant 0 : index
    %get3A_156 = arith.constant 0 : index
    %get3A_157 = vector.load %arg6[%get3A_155, %get3A_156] : memref<8x1xf32, #tpu.memory_space<vmem>>, vector<8x1xf32>
    %dot_general3A_158 = arith.constant dense<0.000000e+00> : vector<1280x1xf32>
    %dot_general3A_159 = tpu.matmul %max3A_154, %get3A_157, %dot_general3A_158 {dimension_numbers = #tpu.dot_dimension_numbers<[1], [0], [0], [1], [0, 0, 1, 1], [], []>, transpose_lhs_hint = false} : vector<1280x8xf32>, vector<8x1xf32>, vector<1280x1xf32> -> vector<1280x1xf32>
    %get3A_160 = arith.constant 0 : index
    %get3A_161 = arith.constant 0 : index
    %get3A_162 = vector.load %arg7[%get3A_160, %get3A_161] : memref<1x1xf32, #tpu.memory_space<vmem>>, vector<1x1xf32>
    %add3A_163 = vector.broadcast %get3A_162 : vector<1x1xf32> to vector<1280x1xf32>
    %add3A_164 = arith.addf %dot_general3A_159, %add3A_163 : vector<1280x1xf32>
    %slice3A_165 = vector.extract_strided_slice %max3A_22 {offsets = [0, 96], sizes = [1280, 16], strides = [1, 1]} : vector<1280x128xf32> to vector<1280x16xf32>
    %get3A_166 = arith.constant 0 : index
    %get3A_167 = arith.constant 0 : index
    %get3A_168 = vector.load %arg4[%get3A_166, %get3A_167] : memref<16x8xf32, #tpu.memory_space<vmem>>, vector<16x8xf32>
    %dot_general3A_169 = arith.constant dense<0.000000e+00> : vector<1280x8xf32>
    %dot_general3A_170 = tpu.matmul %slice3A_165, %get3A_168, %dot_general3A_169 {dimension_numbers = #tpu.dot_dimension_numbers<[1], [0], [0], [1], [0, 0, 1, 1], [], []>, transpose_lhs_hint = false} : vector<1280x16xf32>, vector<16x8xf32>, vector<1280x8xf32> -> vector<1280x8xf32>
    %get3A_171 = arith.constant 0 : index
    %get3A_172 = arith.constant 0 : index
    %get3A_173 = vector.load %arg5[%get3A_171, %get3A_172] : memref<1x8xf32, #tpu.memory_space<vmem>>, vector<1x8xf32>
    %add3A_174 = vector.broadcast %get3A_173 : vector<1x8xf32> to vector<1280x8xf32>
    %add3A_175 = arith.addf %dot_general3A_170, %add3A_174 : vector<1280x8xf32>
    %max3A_176 = arith.constant 0.000000e+00 : f32
    %max3A_177 = vector.broadcast %max3A_176 : f32 to vector<1280x8xf32>
    %max3A_178 = arith.maximumf %add3A_175, %max3A_177 : vector<1280x8xf32>
    %get3A_179 = arith.constant 0 : index
    %get3A_180 = arith.constant 0 : index
    %get3A_181 = vector.load %arg6[%get3A_179, %get3A_180] : memref<8x1xf32, #tpu.memory_space<vmem>>, vector<8x1xf32>
    %dot_general3A_182 = arith.constant dense<0.000000e+00> : vector<1280x1xf32>
    %dot_general3A_183 = tpu.matmul %max3A_178, %get3A_181, %dot_general3A_182 {dimension_numbers = #tpu.dot_dimension_numbers<[1], [0], [0], [1], [0, 0, 1, 1], [], []>, transpose_lhs_hint = false} : vector<1280x8xf32>, vector<8x1xf32>, vector<1280x1xf32> -> vector<1280x1xf32>
    %get3A_184 = arith.constant 0 : index
    %get3A_185 = arith.constant 0 : index
    %get3A_186 = vector.load %arg7[%get3A_184, %get3A_185] : memref<1x1xf32, #tpu.memory_space<vmem>>, vector<1x1xf32>
    %add3A_187 = vector.broadcast %get3A_186 : vector<1x1xf32> to vector<1280x1xf32>
    %add3A_188 = arith.addf %dot_general3A_183, %add3A_187 : vector<1280x1xf32>
    %slice3A_189 = vector.extract_strided_slice %max3A_22 {offsets = [0, 112], sizes = [1280, 16], strides = [1, 1]} : vector<1280x128xf32> to vector<1280x16xf32>
    %get3A_190 = arith.constant 0 : index
    %get3A_191 = arith.constant 0 : index
    %get3A_192 = vector.load %arg4[%get3A_190, %get3A_191] : memref<16x8xf32, #tpu.memory_space<vmem>>, vector<16x8xf32>
    %dot_general3A_193 = arith.constant dense<0.000000e+00> : vector<1280x8xf32>
    %dot_general3A_194 = tpu.matmul %slice3A_189, %get3A_192, %dot_general3A_193 {dimension_numbers = #tpu.dot_dimension_numbers<[1], [0], [0], [1], [0, 0, 1, 1], [], []>, transpose_lhs_hint = false} : vector<1280x16xf32>, vector<16x8xf32>, vector<1280x8xf32> -> vector<1280x8xf32>
    %get3A_195 = arith.constant 0 : index
    %get3A_196 = arith.constant 0 : index
    %get3A_197 = vector.load %arg5[%get3A_195, %get3A_196] : memref<1x8xf32, #tpu.memory_space<vmem>>, vector<1x8xf32>
    %add3A_198 = vector.broadcast %get3A_197 : vector<1x8xf32> to vector<1280x8xf32>
    %add3A_199 = arith.addf %dot_general3A_194, %add3A_198 : vector<1280x8xf32>
    %max3A_200 = arith.constant 0.000000e+00 : f32
    %max3A_201 = vector.broadcast %max3A_200 : f32 to vector<1280x8xf32>
    %max3A_202 = arith.maximumf %add3A_199, %max3A_201 : vector<1280x8xf32>
    %get3A_203 = arith.constant 0 : index
    %get3A_204 = arith.constant 0 : index
    %get3A_205 = vector.load %arg6[%get3A_203, %get3A_204] : memref<8x1xf32, #tpu.memory_space<vmem>>, vector<8x1xf32>
    %dot_general3A_206 = arith.constant dense<0.000000e+00> : vector<1280x1xf32>
    %dot_general3A_207 = tpu.matmul %max3A_202, %get3A_205, %dot_general3A_206 {dimension_numbers = #tpu.dot_dimension_numbers<[1], [0], [0], [1], [0, 0, 1, 1], [], []>, transpose_lhs_hint = false} : vector<1280x8xf32>, vector<8x1xf32>, vector<1280x1xf32> -> vector<1280x1xf32>
    %get3A_208 = arith.constant 0 : index
    %get3A_209 = arith.constant 0 : index
    %get3A_210 = vector.load %arg7[%get3A_208, %get3A_209] : memref<1x1xf32, #tpu.memory_space<vmem>>, vector<1x1xf32>
    %add3A_211 = vector.broadcast %get3A_210 : vector<1x1xf32> to vector<1280x1xf32>
    %add3A_212 = arith.addf %dot_general3A_207, %add3A_211 : vector<1280x1xf32>
    %concatenate3A = tpu.concatenate %add3A_44, %add3A_68, %add3A_92, %add3A_116, %add3A_140, %add3A_164, %add3A_188, %add3A_212 in 1 : vector<1280x1xf32>, vector<1280x1xf32>, vector<1280x1xf32>, vector<1280x1xf32>, vector<1280x1xf32>, vector<1280x1xf32>, vector<1280x1xf32>, vector<1280x1xf32> -> vector<1280x8xf32>
    %swap3A = arith.constant 0 : index
    %swap3A_213 = arith.constant 0 : index
    %swap3A_214 = vector.load %arg8[%swap3A, %swap3A_213] : memref<1280x8xf32, #tpu.memory_space<vmem>>, vector<1280x8xf32>
    tpu.vector_store %arg8[%swap3A, %swap3A_213], %concatenate3A {strides = array<i32>} : memref<1280x8xf32, #tpu.memory_space<vmem>>, vector<1280x8xf32>,
    return
  }
}

</mosaic_0001>

<sc_bundles>
// kernel: kernel.12.cloned.1.call-start
scs
__scs_entry_jumppad:
0x0: {  	(pc) =	sbr.rel $0x88, $3  }
0x1: {  	(tag) =	ssettag $0x0;
	lr =	simm.s32 $0x1  }
0x2: {  	[smem:$0x3F97] =	sst lr;
	_ =	strace $0xD0000000  }
0x3: {  	_ = 	snop  }
0x4: {  	_ = 	snop  }
0x5: {  	_ = 	snop  }
0x6: {  	_ = 	snop  }
0x7: {  	_ = 	snop  }
__scs_overlays_trampoline_lowered:
0x8: {  	[smem:$0x3FA6] =	sst s0  }
0x9: {  	[smem:$0x3FA7] =	sst s1  }
0xa: {  	[smem:$0x3FA8] =	sst s2  }
0xb: {  	[smem:$0x3FA9] =	sst s3  }
0xc: {  	[smem:$0x3FAA] =	sst s4  }
0xd: {  	[smem:$0x3FAB] =	sst s5  }
0xe: {  	[smem:$0x3FAC] =	sst s6  }
0xf: {  	[smem:$0x3FAD] =	sst s7  }
0x10: {  	[smem:$0x3FAE] =	sst s8  }
0x11: {  	[smem:$0x3FAF] =	sst s9;
	s0 =	simm.s32 @!p0 $0x0  }
0x12: {  	s1 =	sld [smem:$0x3F95];
	s0 =	simm.s32 @p0 $0x1  }
0x13: {  	[smem:$0x3FB0] =	sst s0;
	s0 =	simm.s32 @!p1 $0x0  }
0x14: {  	s2 =	sld [smem:$0x3F94];
	s0 =	simm.s32 @p1 $0x1  }
0x15: {  	[smem:$0x3FB1] =	sst s0;
	s0 =	simm.s32 @!p2 $0x0  }
0x16: {  	s3 =	sld [smem:$0x3FDB];
	s0 =	simm.s32 @p2 $0x1  }
0x17: {  	s4 =	simm.s32 $0x1BF5;
	[smem:$0x3FB3] =	sst s0  }
0x18: {  	s0 =	sld [smem:$0x3F96];
	_ =	swait.ge [sflag:s4], $0x0  }
0x19: {  	s7 =	sld [smem:$0x3F97]  }
0x1a: {  	s8 =	sadd.s32 $0xFFFFE003, lr  }
0x1b: {  	s9 =	sadd.s32 $0xFFFFFEF7, lr;
	s5 =	simm.s32 $0xFFFFFFFF;
	p2 =	slt.u32 s8, $0xFFFFF086  }
0x1c: {  	p1 =	slt.u32 s9, $0xF7A;
	s5 =	simm.s32 @!p2 $0x0  }
0x1d: {  	s5 =	simm.s32 @p1 $0x1;
	p0 =	seq.s32 s7, s2  }
0x1e: {  	s7 =	smul.u32 @!p0 $0xF7A, s2;
	p2 =	seq.s32 @!p0 s5, $0x0  }
0x1f: {  	s9 =	smul.u32 $0xF7A, s1;
	s8 =	simm.s32 @!p0 $0x1BF5;
	p2 =	por !p2, p0  }
0x20: {  	[sflag:s8] =	ssyncset.s32 @!p0 $0xFFFFF086;
	s6 =	sadd.s32 @!p0 s3, s7;
	s7 =	simm.s32 @!p0 $0x108  }
0x21: {  	s3 =	sadd.s32 s3, s9;
	s6 =	sadd.s32 @!p0 $0x88, s6;
	s7 =	simm.s32 @p2 $0x1082  }
0x22: {  	[simem:s7], [sflag:s8] =	dma.local @!p0 [hbm:s6], $0xF7A  }
0x23: {  	s9 =	sor.u32 $0xD0000000, s2;
	s6 =	simm.s32 $0x108;
	_ =	swait.ge @!p0 [sflag:s8], $0x0  }
0x24: {  	s3 =	sadd.s32 $0x88, s3;
	s6 =	simm.s32 @!p1 $0x1082;
	[sflag:s4] =	ssyncset.s32 $0xFFFFF086  }
0x25: {  	[simem:s6], [sflag:s4] =	dma.local [hbm:s3], $0xF7A  }
0x26: {  	[smem:$0x3F97] =	sst s1;
	(tag) =	ssettag s2;
	_ =	strace s9  }
0x27: {  	s1 =	sld [smem:$0x3FA7]  }
0x28: {  	s2 =	sld [smem:$0x3FA8]  }
0x29: {  	s4 =	sld [smem:$0x3FAA]  }
0x2a: {  	p0 =	seq.s32 s5, $0x0;
	s5 =	sld [smem:$0x3FAB]  }
0x2b: {  	s6 =	sld [smem:$0x3FAC]  }
0x2c: {  	s7 =	sld [smem:$0x3FAD]  }
0x2d: {  	s3 =	simm.s32 $0x108;
	s8 =	sld [smem:$0x3FAE]  }
0x2e: {  	s3 =	simm.s32 @!p0 $0x1082;
	s9 =	sld [smem:$0x3FAF]  }
0x2f: {  	lr =	sadd.s32 s0, s3;
	s0 =	sld [smem:$0x3FA6]  }
0x30: {  	s3 =	sld [smem:$0x3FA9]  }
0x31: {  	[smem:$0x3FB2] =	sst s10  }
0x32: {  	s10 =	sld [smem:$0x3FB0];
	_ =	sdelay $0x3  }
0x33: {  	p0 =	seq.s32 s10, $0x1;
	s10 =	sld [smem:$0x3FB2];
	_ =	sdelay $0x3  }
0x34: {  	[smem:$0x3FB2] =	sst s10  }
0x35: {  	s10 =	sld [smem:$0x3FB1];
	_ =	sdelay $0x3  }
0x36: {  	p1 =	seq.s32 s10, $0x1;
	s10 =	sld [smem:$0x3FB2];
	_ =	sdelay $0x3  }
0x37: {  	[smem:$0x3FB2] =	sst s10  }
0x38: {  	s10 =	sld [smem:$0x3FB3]  }
0x39: {  	_ = 	snop;
	(pc) =	sbr.ind lr, $3  }
0x3a: {  	_ = 	snop  }
0x3b: {  	_ = 	snop  }
0x3c: {  	p2 =	seq.s32 s10, $0x1;
	s10 =	sld [smem:$0x3FB2]  }
0x3d: {  	_ =	shalt  }
0x3e: {  	_ =	shalt  }
0x3f: {  	_ =	shalt  }
0x40: {  	_ =	shalt  }
0x41: {  	_ =	shalt  }
0x42: {  	_ =	shalt  }
0x43: {  	_ =	shalt  }
0x44: {  	_ =	shalt  }
0x45: {  	_ =	shalt  }
0x46: {  	_ =	shalt  }
0x47: {  	_ =	shalt  }
0x48: {  	_ =	shalt  }
0x49: {  	_ =	shalt  }
0x4a: {  	_ =	shalt  }
0x4b: {  	_ =	shalt  }
0x4c: {  	_ =	shalt  }
0x4d: {  	_ =	shalt  }
0x4e: {  	_ =	shalt  }
0x4f: {  	_ =	shalt  }
0x50: {  	_ =	shalt  }
0x51: {  	_ =	shalt  }
0x52: {  	_ =	shalt  }
0x53: {  	_ =	shalt  }
0x54: {  	_ =	shalt  }
0x55: {  	_ =	shalt  }
0x56: {  	_ =	shalt  }
0x57: {  	_ =	shalt  }
0x58: {  	_ =	shalt  }
0x59: {  	_ =	shalt  }
0x5a: {  	_ =	shalt  }
0x5b: {  	_ =	shalt  }
0x5c: {  	_ =	shalt  }
0x5d: {  	_ =	shalt  }
0x5e: {  	_ =	shalt  }
0x5f: {  	_ =	shalt  }
0x60: {  	_ =	shalt  }
0x61: {  	_ =	shalt  }
0x62: {  	_ =	shalt  }
0x63: {  	_ =	shalt  }
0x64: {  	_ =	shalt  }
0x65: {  	_ =	shalt  }
0x66: {  	_ =	shalt  }
0x67: {  	_ =	shalt  }
0x68: {  	_ =	shalt  }
0x69: {  	_ =	shalt  }
0x6a: {  	_ =	shalt  }
0x6b: {  	_ =	shalt  }
0x6c: {  	_ =	shalt  }
0x6d: {  	_ =	shalt  }
0x6e: {  	_ =	shalt  }
0x6f: {  	_ =	shalt  }
0x70: {  	_ =	shalt  }
0x71: {  	_ =	shalt  }
0x72: {  	_ =	shalt  }
0x73: {  	_ =	shalt  }
0x74: {  	_ =	shalt  }
0x75: {  	_ =	shalt  }
0x76: {  	_ =	shalt  }
0x77: {  	_ =	shalt  }
0x78: {  	_ =	shalt  }
0x79: {  	_ =	shalt  }
0x7a: {  	_ =	shalt  }
0x7b: {  	_ =	shalt  }
0x7c: {  	_ =	shalt  }
0x7d: {  	_ =	shalt  }
0x7e: {  	_ =	shalt  }
0x7f: {  	_ =	shalt  }
0x80: {  	_ =	shalt  }
0x81: {  	_ =	shalt  }
0x82: {  	_ =	shalt  }
0x83: {  	_ =	shalt  }
0x84: {  	_ =	shalt  }
0x85: {  	_ =	shalt  }
0x86: {  	_ =	shalt  }
0x87: {  	_ =	shalt  }
.Lfunc_end0:
.L_simem_size_0:
called_computation.1_lowered:
.L_overlay_start_0:
0x88: {  	s2 =	sld [smem:$0x3FD9]  }
0x89: {  	s3 =	sld [smem:$0x3FFE];
	_ =	sdelay $0x1  }
0x8a: {  	s1 =	srdreg.scid  }
0x8b: {  	s0 =	sand.u32 $0x1, s1  }
0x8c: {  	s16 =	sshll.u32 s0, $0xA;
	s2 =	sadd.s32 s3, s2  }
0x8d: {  	s2 =	sadd.s32 s2, s16  }
0x8e: {  	[smem:$0x3FBE] =	sst s2  }
0x8f: {  	_ = 	snop  }
0x90: {  	(tm) =	ssettm $0x1  }
0x91: {  	s17 =	sld [smem:$0x3FFB];
	_ =	sdelay $0x3  }
0x92: {  	_ =	strace s17  }
0x93: {  	s2 =	sld [smem:$0x3FFC];
	_ =	sdelay $0x3  }
0x94: {  	_ =	strace s2  }
0x95: {  	s2 =	sld [smem:$0x3FFD];
	_ =	sdelay $0x3  }
0x96: {  	_ =	strace s2  }
0x97: {  	_ =	strace $0x8FFFFFFF  }
0x98: {  	s18 =	sld [smem:$0x3FDB];
	_ =	sdelay $0x1  }
0x99: {  	s19 =	simm.s32 $_scs_section_size  }
0x9a: {  	s4 =	simm.s32 $_size__tile_overlayer_lowered;
	s5 =	simm.s32 $_tile_overlayer_lowered  }
0x9b: {  	s22 =	simm.s32 $0x1BFF;
	s21 =	sshll.u32 s5, $0x1;
	s2 =	sadd.s32 s19, s18  }
0x9c: {  	s6 =	simm.s32 $0x0;
	s20 =	sshll.u32 s4, $0x1;
	s4 =	sadd.s32 s21, s2  }
0x9d: {  	[timem:s6], [sflag:s22] =	dma.local [hbm:s4], s20  }
0x9e: {  	_ =	swait.ge [sflag:s22], s20  }
0x9f: {  	s3 =	ssub.s32 $0x0, s20;
	[sflag:s22] =	ssyncset.done $0x0  }
0xa0: {  	[sflag:s22] =	ssyncadd.s32 s3;
	_ =	sdelay $0x1  }
0xa1: {  	s23 =	simm.s32 $0x1B8B  }
0xa2: {  	_ =	swait.ge [sflag:s23], $0x1  }
0xa3: {  	[sflag:s23] =	ssyncset.done $0x0  }
0xa4: {  	s25 =	simm.s32 $0x1B8E;
	s24 =	sld [smem:$0x3FFE];
	[sflag:s23] =	ssyncadd.s32 $0xFFFFFFFF  }
0xa5: {  	s26 =	simm.s32 $execute0_lowered;
	[smem:$0x3FD2] =	sst s25  }
0xa6: {  	s4 =	sshll.u32 s26, $0x1;
	_ =	strace $0x80000049;
	[dreg:$0x1] =	wrdreg $0xFFFFFFFF  }
0xa7: {  	s28 =	simm.s32 $_size_execute0_lowered;
	s2 =	sadd.s32 s2, s4;
	[dreg:$0x0] =	wrdreg $0x0  }
0xa8: {  	s4 =	sshll.u32 s28, $0x1;
	[dreg:$0x2] =	wrdreg s2  }
0xa9: {  	[dreg:$0x3] =	wrdreg s4  }
0xaa: {  	[dreg:$0x4] =	wrdreg $0xC0  }
0xab: {  	_ =	task [dreg:s6], $0x5FFFF  }
0xac: {  	[dreg:$0x1] =	wrdreg $0xFFFFFFFF  }
0xad: {  	[dreg:$0x0] =	wrdreg $0x60  }
0xae: {  	[dreg:$0x2] =	wrdreg s24  }
0xaf: {  	[dreg:$0x3] =	wrdreg $0x178000  }
0xb0: {  	[dreg:$0x4] =	wrdreg $0x150000  }
0xb1: {  	[dreg:$0x5] =	wrdreg $0x9  }
0xb2: {  	_ =	task.clear_ibuf [dreg:s6], $0x6FFFF;
	_ =	strace $0x90000049  }
0xb3: {  	s29 =	simm.s32 $0x9;
	_ =	strace $0x8000004B  }
0xb4: {  	_ =	swait.ge [sflag:s29], $0x1  }
0xb5: {  	[sflag:s29] =	ssyncadd.s32 $0xFFFFFFFF  }
0xb6: {  	_ =	strace $0x9000004B  }
0xb7: {  	_ =	sfence  }
0xb8: {  	s30 =	sld [smem:$0x0];
	_ =	sdelay $0x2  }
0xb9: {  	s31 =	sshll.u32 s1, $0xD;
	s1 =	sshrl.u32 s1, $0x2  }
0xba: {  	s3 =	sand.u32 $0x4000, s31;
	s1 =	sadd.s32 s1, s30  }
0xbb: {  	s0 =	sor.u32 s3, s0;
	s1 =	sshll.u32 s1, $0x11  }
0xbc: {  	s0 =	sor.u32 s1, s0  }
0xbd: {  	s0 =	sadd.s32 $0x8F2B, s0  }
0xbe: {  	[sflag:s0] =	ssyncadd.remote.s32 $0x1  }
0xbf: {  	_ =	sfence.sel $0xFFFF  }
0xc0: {  	[dreg:$0x0] =	wrdreg $0xFFFFFFFF;
	(pc) =	sbr.abs _section_cstart, $3  }
0xc1: {  	[dreg:$0x1] =	wrdreg $0xFFFFFFFF  }
0xc2: {  	_ =	task.clear_ibuf [dreg:s6], $0x2FFFF;
	_ =	strace $0x9FFFFFFF  }
0xc3: {  	(tm) =	ssettm $0x7FFFFFFF  }
tec
execute0_lowered:
.L_overlay_start_1:
0x0: {  	(tag) =	ssettag $0x1  }
0x1: {  	s5 =	rddreg [dreg:$0x0]  }
0x2: {  	s0 =	srdreg.scid;
	s3 =	rddreg [dreg:$0x1]  }
0x3: {  	s11 =	stileid.u32;
	s2 =	rddreg [dreg:$0x2];
	s17 =	simm.s32 $0x0  }
0x4: {  	s21 =	simm.s32 $0x400;
	s22 =	simm.s32 $0x600;
	s23 =	simm.s32 $0x800  }
0x5: {  	s24 =	simm.s32 $0xA00;
	[smem:$0x7FF] =	sst s17;
	s8 =	sadd.s32 $0x16C00, s5  }
0x6: {  	s31 =	simm.s32 $0xB000;
	_ =	strace $0x8000004A;
	[dreg:$0x4] =	wrdreg s8  }
0x7: {  	s30 =	simm.s32 $0xD000;
	s28 =	simm.s32 $0x11000;
	[dreg:$0xc] =	wrdreg s21  }
0x8: {  	p1 =	por $0x0, $0x0;
	s4 =	sand.u32 $0x1, s0;
	[dreg:$0xd] =	wrdreg s22  }
0x9: {  	s1 =	smul.u32 $0x2800, s11;
	s9 =	sadd.s32 $0x3200, s5;
	[dreg:$0xe] =	wrdreg s23  }
0xa: {  	s0 =	sshll.u32 s4, $0x4;
	[dreg:$0xf] =	wrdreg s24;
	s21 =	simm.s32 $0x1800  }
0xb: {  	s10 =	smul.u32 $0x28000, s4;
	s22 =	simm.s32 $0x1A00;
	[dreg:$0x1d] =	wrdreg s21  }
0xc: {  	s4 =	ssub.s32 $0x2, s4;
	s23 =	simm.s32 $0x1C00;
	[dreg:$0x1e] =	wrdreg s22  }
0xd: {  	s24 =	simm.s32 $0x1E00;
	s0 =	ssub.s32 s11, s0;
	[dreg:$0x1f] =	wrdreg s23  }
0xe: {  	s25 =	sshrl.u32 s1, $0x3;
	s19 =	sadd.s32 s1, s3;
	[smem:$0x7EF] =	sst s24  }
0xf: {  	s21 =	simm.s32 $0xF000;
	s24 =	simm.s32 $0x13000;
	s22 =	simm.s32 $0x4800  }
0x10: {  	s23 =	simm.s32 $0x4A00;
	s6 =	sadd.s32 $0x10, s0;
	s13 =	sadd.s32 s1, s10  }
0x11: {  	s20 =	sshrl.u32 s19, $0x3;
	s10 =	simm.s32 $0x3200;
	[smem:$0x7FB] =	sst s22  }
0x12: {  	s1 =	sadd.s32 s1, s2;
	s19 =	simm.s32 $0x1400;
	[smem:$0x7FC] =	sst s23  }
0x13: {  	p0 =	sgt.s32 s0, $0x0;
	s0 =	simm.s32 $0xD;
	[dreg:$0xb] =	wrdreg s20  }
0x14: {  	s22 =	simm.s32 $0x10;
	s7 =	smul.u32 $0x13, s6;
	[dreg:$0x16] =	wrdreg s10  }
0x15: {  	s15 =	sshrl.u32 s13, $0x3;
	s13 =	simm.s32 $0x3400;
	[dreg:$0x1b] =	wrdreg s19  }
0x16: {  	s6 =	smin.u32 s6, $0x11;
	s20 =	simm.s32 $0x1600;
	[dreg:$0x17] =	wrdreg s13  }
0x17: {  	s29 =	sshrl.u32 s1, $0x3;
	s1 =	simm.s32 $0x3C00;
	[dreg:$0x1c] =	wrdreg s20  }
0x18: {  	[smem:$0x7F2] =	sst s1;
	s13 =	simm.s32 $0x4600;
	s20 =	simm.s32 $0x2400  }
0x19: {  	s6 =	sadd.s32 s6, s7;
	s7 =	sadd.s32 s25, s5;
	[smem:$0x7F7] =	sst s13  }
0x1a: {  	s5 =	sadd.s32 s15, s5;
	s25 =	simm.s32 $0xC00;
	[smem:$0x7FA] =	sst s20  }
0x1b: {  	s15 =	sshll.u32 s11, $0x6;
	s11 =	simm.s32 $0x4200;
	[dreg:$0x10] =	wrdreg s25  }
0x1c: {  	s10 =	simm.s32 $0x2800;
	s14 =	sadd.s32 $0x17200, s7;
	[smem:$0x7F5] =	sst s11  }
0x1d: {  	s19 =	simm.s32 $0x2;
	s5 =	sadd.s32 $0x1C200, s5;
	[dreg:$0x7] =	wrdreg s14  }
0x1e: {  	s1 =	simm.s32 $0xE;
	s7 =	simm.s32 $0x2C00;
	[dreg:$0xa] =	wrdreg s5  }
0x1f: {  	s6 =	sshll.u32 s6, $0x6;
	s25 =	simm.s32 $0x3800;
	[dreg:$0x13] =	wrdreg s7  }
0x20: {  	s26 =	sand.u32 $0x1FFFFFC0, s6;
	s6 =	sadd.s32 s9, s6;
	[smem:$0x7F0] =	sst s25  }
0x21: {  	s13 =	simm.s32 $0x3;
	s14 =	simm.s32 $0x3600;
	[dreg:$0x5] =	wrdreg s6  }
0x22: {  	s20 =	simm.s32 $0x6;
	s25 =	simm.s32 $0x4C00;
	[dreg:$0x18] =	wrdreg s14  }
0x23: {  	s8 =	sadd.s32 s9, s26;
	s26 =	simm.s32 $0xE00;
	[smem:$0x7FD] =	sst s25  }
0x24: {  	s11 =	simm.s32 $0x7;
	s6 =	simm.s32 $0x2A00;
	[dreg:$0x11] =	wrdreg s26  }
0x25: {  	s5 =	simm.s32 $0x13;
	s9 =	simm.s32 $0x3000;
	[dreg:$0x12] =	wrdreg s6  }
0x26: {  	s7 =	simm.s32 $0x200;
	s12 =	sadd.s32 $0x9C40, s8;
	[dreg:$0x15] =	wrdreg s9  }
0x27: {  	s14 =	simm.s32 $0x7000;
	s16 =	sadd.s32 $0x4C0, s8;
	[dreg:$0x6] =	wrdreg s12  }
0x28: {  	s25 =	simm.s32 $0xF;
	s18 =	sadd.s32 $0xA100, s8;
	[dreg:$0x8] =	wrdreg s16  }
0x29: {  	s8 =	simm.s32 $0x2E00;
	s26 =	simm.s32 $0x3A00;
	[dreg:$0x9] =	wrdreg s18  }
0x2a: {  	s6 =	simm.s32 $0x3E00;
	[dreg:$0x14] =	wrdreg s8;
	s12 =	sshrl.u32 s4, $0x1  }
0x2b: {  	s9 =	simm.s32 $0x4000;
	[smem:$0x7F1] =	sst s26;
	s4 =	ssub.s32 s4, s12  }
0x2c: {  	s16 =	simm.s32 $0x1000;
	[smem:$0x7F3] =	sst s6;
	s4 =	smax.u32 s4, $0x1  }
0x2d: {  	s8 =	sor.u32 $0x1C13, s15;
	[smem:$0x7F4] =	sst s9;
	s6 =	sadd.s32 $0xFFFFFFFF, s4  }
0x2e: {  	s18 =	simm.s32 $0x1200;
	[dreg:$0x19] =	wrdreg s16;
	p2 =	sne.s32 s6, $0x0  }
.Ltmp0:
0x2f: {  	[dreg:$0x1a] =	wrdreg s18;
	s12 =	simm.s32 $0x4400;
	(pc) =	sbr.rel @!p2 .LBB2_1-.Ltmp0, $4  }
0x30: {  	s15 =	simm.s32 $0x5000;
	s16 =	simm.s32 $0x2000;
	[smem:$0x7F6] =	sst s12  }
0x31: {  	s26 =	simm.s32 $0x5;
	s18 =	simm.s32 $0x2200;
	[smem:$0x7F8] =	sst s16  }
0x32: {  	s9 =	simm.s32 $0xC;
	[smem:$0x7F9] =	sst s18;
	s12 =	simm.s32 $0x4  }
0x33: {  	s18 =	simm.s32 $0x11;
	s16 =	simm.s32 $0x12;
	s4 =	rddreg [dreg:$0xb]  }
0x34: {  	[smem:$0x7ED] =	sst s6  }
0x35: {  	s6 =	rddreg [dreg:$0x5]  }
0x36: {  	s17 =	rddreg [dreg:$0x7];
	s23 =	simm.s32 $0x0  }
0x37: {  	[tilespmem:s23], [sflag:$0x1] =	stream.linear.gather [hbm4b:s6+s23], $0x2600, $0x38;
	[tilespmem:$0x1A000] =	vst v63  }
0x38: {  	s19 =	rddreg [dreg:$0x6]  }
0x39: {  	[tilespmem:s10], [sflag:$0x2] =	stream.linear.gather [hbm4b:s19+s23], $0x2600, $0x38;
	[tilespmem:$0x1A000] =	vst v63  }
0x3a: {  	[spmem:s4], [sflag:s8] =	dma.local [hbm:s17], $0x500  }
0x3b: {  	_ =	swait.ge [sflag:s5], $0x500  }
0x3c: {  	[sflag:s5] =	ssyncset.done $0x0  }
0x3d: {  	s10 =	rddreg [dreg:$0x4];
	[sflag:s5] =	ssyncadd.s32 $0xFFFFFB00  }
0x3e: {  	[spmem:s29], [sflag:s8] =	dma.local [hbm:s10], $0x500  }
0x3f: {  	_ =	swait.ge [sflag:s5], $0x500  }
0x40: {  	[sflag:s5] =	ssyncset.done $0x0  }
0x41: {  	s17 =	simm.s32 $0x1;
	[sflag:s5] =	ssyncadd.s32 $0xFFFFFB00  }
0x42: {  	_ =	swait.ge [sflag:s17], $0x2600  }
0x43: {  	[sflag:s17] =	ssyncset.done $0x0  }
0x44: {  	s9 =	simm.s32 $0x2;
	[sflag:s17] =	ssyncadd.s32 $0xFFFFDA00  }
0x45: {  	_ =	swait.ge [sflag:s9], $0x2600  }
0x46: {  	s6 =	simm.s32 @!p0 $0x0;
	s19 =	simm.s32 @!p0 $0x13;
	[sflag:s9] =	ssyncset.done $0x0  }
0x47: {  	s4 =	rddreg [dreg:$0x8];
	[sflag:s9] =	ssyncadd.s32 $0xFFFFDA00;
	s9 =	simm.s32 @!p0 $0x2600  }
0x48: {  	[tilespmem:s9], [sflag:$0x13] =	stream.linear.gather @!p0 [hbm4b:s4+s6], $0x200, $0x38;
	[tilespmem:$0x1A000] =	vst v63  }
0x49: {  	_ =	swait.ge @!p0 [sflag:s19], $0x200  }
0x4a: {  	[sflag:s19] =	ssyncset.done @!p0 $0x0  }
0x4b: {  	s9 =	simm.s32 @!p0 $0x4E00;
	s4 =	rddreg [dreg:$0x9];
	[sflag:s19] =	ssyncadd.s32 @!p0 $0xFFFFFE00  }
0x4c: {  	[tilespmem:s9], [sflag:$0x13] =	stream.linear.gather @!p0 [hbm4b:s4+s6], $0x200, $0x38;
	[tilespmem:$0x1A000] =	vst v63  }
0x4d: {  	_ =	swait.ge @!p0 [sflag:s19], $0x200  }
0x4e: {  	[sflag:s19] =	ssyncset.done @!p0 $0x0  }
0x4f: {  	[sflag:s19] =	ssyncadd.s32 @!p0 $0xFFFFFE00  }
0x50: {  	[bflag:$0x0] =	sbarrier.arrive $0xFFFF  }
0x51: {  	[tilespmem:s15], [sflag:$0x3] =	stream.indirect.gather [spmem:s3], $0x10, s23, s7, $0xb8;
	[tilespmem:$0x1A000] =	vst v63  }
0x52: {  	_ = 	snop  }
0x53: {  	[tilespmem:s14], [sflag:$0x4] =	stream.indirect.gather [spmem:s3], $0x10, s7, s7, $0xb8;
	[tilespmem:$0x1A000] =	vst v63  }
0x54: {  	s11 =	simm.s32 $0x9000;
	s19 =	rddreg [dreg:$0xc]  }
0x55: {  	[tilespmem:s11], [sflag:$0x5] =	stream.indirect.gather [spmem:s3], $0x10, s19, s7, $0xb8;
	[tilespmem:$0x1A000] =	vst v63  }
0x56: {  	s23 =	rddreg [dreg:$0xd]  }
0x57: {  	[tilespmem:s31], [sflag:$0x6] =	stream.indirect.gather [spmem:s3], $0x10, s23, s7, $0xb8;
	[tilespmem:$0x1A000] =	vst v63  }
0x58: {  	s19 =	rddreg [dreg:$0xe]  }
0x59: {  	[tilespmem:s30], [sflag:$0x7] =	stream.indirect.gather [spmem:s3], $0x10, s19, s7, $0xb8;
	[tilespmem:$0x1A000] =	vst v63  }
0x5a: {  	s23 =	rddreg [dreg:$0xf]  }
0x5b: {  	[tilespmem:s21], [sflag:$0x8] =	stream.indirect.gather [spmem:s3], $0x10, s23, s7, $0xb8;
	[tilespmem:$0x1A000] =	vst v63  }
0x5c: {  	s19 =	rddreg [dreg:$0x10]  }
0x5d: {  	[tilespmem:s28], [sflag:$0x9] =	stream.indirect.gather [spmem:s3], $0x10, s19, s7, $0xb8;
	[tilespmem:$0x1A000] =	vst v63  }
0x5e: {  	s23 =	rddreg [dreg:$0x11]  }
0x5f: {  	[tilespmem:s24], [sflag:$0xA] =	stream.indirect.gather [spmem:s3], $0x10, s23, s7, $0xb8;
	[tilespmem:$0x1A000] =	vst v63  }
0x60: {  	_ =	swait.ge [sflag:s13], $0x2000  }
0x61: {  	[sflag:s13] =	ssyncset.done $0x0  }
0x62: {  	s17 =	simm.s32 $0x2800;
	[sflag:s13] =	ssyncadd.s32 $0xFFFFE000  }
0x63: {  	[spmem:s2] =	stream.indirect.scatter.add.f32 [tilespmem:s15], [sflag:$0xB], $0x10, s17, s7, $0xb8;
	[tilespmem:$0x1A000] =	vst v63  }
0x64: {  	_ =	swait.ge [sflag:s12], $0x2000  }
0x65: {  	[sflag:s12] =	ssyncset.done $0x0  }
0x66: {  	s17 =	rddreg [dreg:$0x12];
	[sflag:s12] =	ssyncadd.s32 $0xFFFFE000  }
0x67: {  	[spmem:s2] =	stream.indirect.scatter.add.f32 [tilespmem:s14], [sflag:$0xC], $0x10, s17, s7, $0xb8;
	[tilespmem:$0x1A000] =	vst v63  }
0x68: {  	_ =	swait.ge [sflag:s26], $0x2000  }
0x69: {  	[sflag:s26] =	ssyncset.done $0x0  }
0x6a: {  	s19 =	rddreg [dreg:$0x13];
	[sflag:s26] =	ssyncadd.s32 $0xFFFFE000  }
0x6b: {  	[spmem:s2] =	stream.indirect.scatter.add.f32 [tilespmem:s11], [sflag:$0xD], $0x10, s19, s7, $0xb8;
	[tilespmem:$0x1A000] =	vst v63  }
0x6c: {  	_ =	swait.ge [sflag:s20], $0x2000  }
0x6d: {  	[sflag:s20] =	ssyncset.done $0x0  }
0x6e: {  	s5 =	simm.s32 $0x7;
	s23 =	rddreg [dreg:$0x14];
	[sflag:s20] =	ssyncadd.s32 $0xFFFFE000  }
0x6f: {  	[spmem:s2] =	stream.indirect.scatter.add.f32 [tilespmem:s31], [sflag:$0xE], $0x10, s23, s7, $0xb8;
	[tilespmem:$0x1A000] =	vst v63  }
0x70: {  	_ =	swait.ge [sflag:s5], $0x2000  }
0x71: {  	[sflag:s5] =	ssyncset.done $0x0  }
0x72: {  	s23 =	simm.s32 $0x8;
	s17 =	rddreg [dreg:$0x15];
	[sflag:s5] =	ssyncadd.s32 $0xFFFFE000  }
0x73: {  	[spmem:s2] =	stream.indirect.scatter.add.f32 [tilespmem:s30], [sflag:$0xF], $0x10, s17, s7, $0xb8;
	[tilespmem:$0x1A000] =	vst v63  }
0x74: {  	_ =	swait.ge [sflag:s23], $0x2000  }
0x75: {  	[sflag:s23] =	ssyncset.done $0x0  }
0x76: {  	s19 =	rddreg [dreg:$0x16];
	[sflag:s23] =	ssyncadd.s32 $0xFFFFE000  }
0x77: {  	[spmem:s2] =	stream.indirect.scatter.add.f32 [tilespmem:s21], [sflag:$0x10], $0x10, s19, s7, $0xb8;
	[tilespmem:$0x1A000] =	vst v63  }
0x78: {  	s19 =	simm.s32 $0x9  }
0x79: {  	_ =	swait.ge [sflag:s19], $0x2000  }
0x7a: {  	[sflag:s19] =	ssyncset.done $0x0  }
0x7b: {  	s17 =	rddreg [dreg:$0x17];
	[sflag:s19] =	ssyncadd.s32 $0xFFFFE000  }
0x7c: {  	[spmem:s2] =	stream.indirect.scatter.add.f32 [tilespmem:s28], [sflag:$0x11], $0x10, s17, s7, $0xb8;
	[tilespmem:$0x1A000] =	vst v63  }
0x7d: {  	s17 =	simm.s32 $0xA  }
0x7e: {  	_ =	swait.ge [sflag:s17], $0x2000  }
0x7f: {  	[sflag:s17] =	ssyncset.done $0x0  }
0x80: {  	s6 =	simm.s32 $0xB;
	s4 =	rddreg [dreg:$0x18];
	[sflag:s17] =	ssyncadd.s32 $0xFFFFE000  }
0x81: {  	[spmem:s2] =	stream.indirect.scatter.add.f32 [tilespmem:s24], [sflag:$0x12], $0x10, s4, s7, $0xb8;
	[tilespmem:$0x1A000] =	vst v63  }
0x82: {  	_ =	swait.ge [sflag:s6], $0x2000  }
0x83: {  	[sflag:s6] =	ssyncset.done $0x0  }
0x84: {  	s10 =	simm.s32 $0xC;
	s4 =	rddreg [dreg:$0x19];
	[sflag:s6] =	ssyncadd.s32 $0xFFFFE000  }
0x85: {  	[tilespmem:s15], [sflag:$0x3] =	stream.indirect.gather [spmem:s3], $0x10, s4, s7, $0xb8;
	[tilespmem:$0x1A000] =	vst v63  }
0x86: {  	_ =	swait.ge [sflag:s10], $0x2000  }
0x87: {  	[sflag:s10] =	ssyncset.done $0x0  }
0x88: {  	s4 =	rddreg [dreg:$0x1a];
	[sflag:s10] =	ssyncadd.s32 $0xFFFFE000  }
0x89: {  	[tilespmem:s14], [sflag:$0x4] =	stream.indirect.gather [spmem:s3], $0x10, s4, s7, $0xb8;
	[tilespmem:$0x1A000] =	vst v63  }
0x8a: {  	_ =	swait.ge [sflag:s0], $0x2000  }
0x8b: {  	[sflag:s0] =	ssyncset.done $0x0  }
0x8c: {  	s4 =	rddreg [dreg:$0x1b];
	[sflag:s0] =	ssyncadd.s32 $0xFFFFE000  }
0x8d: {  	[tilespmem:s11], [sflag:$0x5] =	stream.indirect.gather [spmem:s3], $0x10, s4, s7, $0xb8;
	[tilespmem:$0x1A000] =	vst v63  }
0x8e: {  	_ =	swait.ge [sflag:s1], $0x2000  }
0x8f: {  	[sflag:s1] =	ssyncset.done $0x0  }
0x90: {  	s4 =	rddreg [dreg:$0x1c];
	[sflag:s1] =	ssyncadd.s32 $0xFFFFE000  }
0x91: {  	[tilespmem:s31], [sflag:$0x6] =	stream.indirect.gather [spmem:s3], $0x10, s4, s7, $0xb8;
	[tilespmem:$0x1A000] =	vst v63  }
0x92: {  	_ =	swait.ge [sflag:s25], $0x2000  }
0x93: {  	[sflag:s25] =	ssyncset.done $0x0  }
0x94: {  	s4 =	rddreg [dreg:$0x1d];
	[sflag:s25] =	ssyncadd.s32 $0xFFFFE000  }
0x95: {  	[tilespmem:s30], [sflag:$0x7] =	stream.indirect.gather [spmem:s3], $0x10, s4, s7, $0xb8;
	[tilespmem:$0x1A000] =	vst v63  }
0x96: {  	_ =	swait.ge [sflag:s22], $0x2000  }
0x97: {  	[sflag:s22] =	ssyncset.done $0x0  }
0x98: {  	s4 =	rddreg [dreg:$0x1e];
	[sflag:s22] =	ssyncadd.s32 $0xFFFFE000  }
0x99: {  	[tilespmem:s21], [sflag:$0x8] =	stream.indirect.gather [spmem:s3], $0x10, s4, s7, $0xb8;
	[tilespmem:$0x1A000] =	vst v63  }
0x9a: {  	_ =	swait.ge [sflag:s18], $0x2000  }
0x9b: {  	[sflag:s18] =	ssyncset.done $0x0  }
0x9c: {  	s4 =	rddreg [dreg:$0x1f];
	[sflag:s18] =	ssyncadd.s32 $0xFFFFE000  }
0x9d: {  	[tilespmem:s28], [sflag:$0x9] =	stream.indirect.gather [spmem:s3], $0x10, s4, s7, $0xb8;
	[tilespmem:$0x1A000] =	vst v63  }
0x9e: {  	_ =	swait.ge [sflag:s16], $0x2000  }
0x9f: {  	s4 =	sld [smem:$0x7EF]  }
0xa0: {  	[sflag:s16] =	ssyncset.done $0x0  }
0xa1: {  	[sflag:s16] =	ssyncadd.s32 $0xFFFFE000  }
0xa2: {  	[tilespmem:s24], [sflag:$0xA] =	stream.indirect.gather [spmem:s3], $0x10, s4, s7, $0xb8;
	[tilespmem:$0x1A000] =	vst v63  }
0xa3: {  	_ =	swait.ge [sflag:s13], $0x2000  }
0xa4: {  	s4 =	sld [smem:$0x7F0]  }
0xa5: {  	[sflag:s13] =	ssyncset.done $0x0  }
0xa6: {  	[sflag:s13] =	ssyncadd.s32 $0xFFFFE000  }
0xa7: {  	[spmem:s2] =	stream.indirect.scatter.add.f32 [tilespmem:s15], [sflag:$0xB], $0x10, s4, s7, $0xb8;
	[tilespmem:$0x1A000] =	vst v63  }
0xa8: {  	_ =	swait.ge [sflag:s12], $0x2000  }
0xa9: {  	s4 =	sld [smem:$0x7F1]  }
0xaa: {  	[sflag:s12] =	ssyncset.done $0x0  }
0xab: {  	[sflag:s12] =	ssyncadd.s32 $0xFFFFE000  }
0xac: {  	[spmem:s2] =	stream.indirect.scatter.add.f32 [tilespmem:s14], [sflag:$0xC], $0x10, s4, s7, $0xb8;
	[tilespmem:$0x1A000] =	vst v63  }
0xad: {  	_ =	swait.ge [sflag:s26], $0x2000  }
0xae: {  	s4 =	sld [smem:$0x7F2]  }
0xaf: {  	[sflag:s26] =	ssyncset.done $0x0  }
0xb0: {  	[sflag:s26] =	ssyncadd.s32 $0xFFFFE000  }
0xb1: {  	[spmem:s2] =	stream.indirect.scatter.add.f32 [tilespmem:s11], [sflag:$0xD], $0x10, s4, s7, $0xb8;
	[tilespmem:$0x1A000] =	vst v63  }
0xb2: {  	_ =	swait.ge [sflag:s20], $0x2000  }
0xb3: {  	s4 =	sld [smem:$0x7F3]  }
0xb4: {  	[sflag:s20] =	ssyncset.done $0x0  }
0xb5: {  	[sflag:s20] =	ssyncadd.s32 $0xFFFFE000  }
0xb6: {  	[spmem:s2] =	stream.indirect.scatter.add.f32 [tilespmem:s31], [sflag:$0xE], $0x10, s4, s7, $0xb8;
	[tilespmem:$0x1A000] =	vst v63  }
0xb7: {  	_ =	swait.ge [sflag:s5], $0x2000  }
0xb8: {  	s20 =	sld [smem:$0x7F4]  }
0xb9: {  	[sflag:s5] =	ssyncset.done $0x0  }
0xba: {  	[sflag:s5] =	ssyncadd.s32 $0xFFFFE000  }
0xbb: {  	[spmem:s2] =	stream.indirect.scatter.add.f32 [tilespmem:s30], [sflag:$0xF], $0x10, s20, s7, $0xb8;
	[tilespmem:$0x1A000] =	vst v63  }
0xbc: {  	_ =	swait.ge [sflag:s23], $0x2000  }
0xbd: {  	s30 =	sld [smem:$0x7F5]  }
0xbe: {  	[sflag:s23] =	ssyncset.done $0x0  }
0xbf: {  	[sflag:s23] =	ssyncadd.s32 $0xFFFFE000  }
0xc0: {  	[spmem:s2] =	stream.indirect.scatter.add.f32 [tilespmem:s21], [sflag:$0x10], $0x10, s30, s7, $0xb8;
	[tilespmem:$0x1A000] =	vst v63  }
0xc1: {  	_ =	swait.ge [sflag:s19], $0x2000  }
0xc2: {  	s31 =	sld [smem:$0x7F6]  }
0xc3: {  	[sflag:s19] =	ssyncset.done $0x0  }
0xc4: {  	[sflag:s19] =	ssyncadd.s32 $0xFFFFE000  }
0xc5: {  	[spmem:s2] =	stream.indirect.scatter.add.f32 [tilespmem:s28], [sflag:$0x11], $0x10, s31, s7, $0xb8;
	[tilespmem:$0x1A000] =	vst v63  }
0xc6: {  	_ =	swait.ge [sflag:s17], $0x2000  }
0xc7: {  	s19 =	sld [smem:$0x7F7]  }
0xc8: {  	[sflag:s17] =	ssyncset.done $0x0  }
0xc9: {  	[sflag:s17] =	ssyncadd.s32 $0xFFFFE000  }
0xca: {  	[spmem:s2] =	stream.indirect.scatter.add.f32 [tilespmem:s24], [sflag:$0x12], $0x10, s19, s7, $0xb8;
	[tilespmem:$0x1A000] =	vst v63  }
0xcb: {  	_ =	swait.ge [sflag:s6], $0x2000  }
0xcc: {  	s20 =	sld [smem:$0x7F8]  }
0xcd: {  	[sflag:s6] =	ssyncset.done $0x0  }
0xce: {  	[sflag:s6] =	ssyncadd.s32 $0xFFFFE000  }
0xcf: {  	[tilespmem:s15], [sflag:$0x3] =	stream.indirect.gather [spmem:s3], $0x10, s20, s7, $0xb8;
	[tilespmem:$0x1A000] =	vst v63  }
0xd0: {  	_ =	swait.ge [sflag:s10], $0x2000  }
0xd1: {  	s21 =	sld [smem:$0x7F9]  }
0xd2: {  	[sflag:s10] =	ssyncset.done $0x0  }
0xd3: {  	[sflag:s10] =	ssyncadd.s32 $0xFFFFE000  }
0xd4: {  	[tilespmem:s14], [sflag:$0x4] =	stream.indirect.gather [spmem:s3], $0x10, s21, s7, $0xb8;
	[tilespmem:$0x1A000] =	vst v63  }
0xd5: {  	_ =	swait.ge [sflag:s0], $0x2000  }
0xd6: {  	s23 =	sld [smem:$0x7FA]  }
0xd7: {  	[sflag:s0] =	ssyncset.done $0x0  }
0xd8: {  	[sflag:s0] =	ssyncadd.s32 $0xFFFFE000  }
0xd9: {  	[tilespmem:s11], [sflag:$0x5] =	stream.indirect.gather [spmem:s3], $0x10, s23, s7, $0xb8;
	[tilespmem:$0x1A000] =	vst v63  }
0xda: {  	_ =	swait.ge [sflag:s1], $0x2000  }
0xdb: {  	s4 =	simm.s32 @!p0 $0x2600;
	[sflag:s1] =	ssyncset.done $0x0  }
0xdc: {  	s0 =	simm.s32 @!p0 $0x200;
	[sflag:s1] =	ssyncadd.s32 $0xFFFFE000;
	s1 =	simm.s32 @!p0 $0xB000  }
0xdd: {  	[tilespmem:s1], [sflag:$0x6] =	stream.indirect.gather @!p0 [spmem:s3], $0x10, s4, s0, $0xb8;
	[tilespmem:$0x1A000] =	vst v63  }
0xde: {  	_ =	swait.ge [sflag:s25], $0x2000  }
0xdf: {  	[sflag:s25] =	ssyncset.done $0x0  }
0xe0: {  	[sflag:s25] =	ssyncadd.s32 $0xFFFFE000  }
0xe1: {  	_ =	swait.ge [sflag:s22], $0x2000  }
0xe2: {  	[sflag:s22] =	ssyncset.done $0x0  }
0xe3: {  	[sflag:s22] =	ssyncadd.s32 $0xFFFFE000  }
0xe4: {  	_ =	swait.ge [sflag:s18], $0x2000  }
0xe5: {  	[sflag:s18] =	ssyncset.done $0x0  }
0xe6: {  	[sflag:s18] =	ssyncadd.s32 $0xFFFFE000  }
0xe7: {  	_ =	swait.ge [sflag:s16], $0x2000  }
0xe8: {  	[sflag:s16] =	ssyncset.done $0x0  }
0xe9: {  	[sflag:s16] =	ssyncadd.s32 $0xFFFFE000  }
0xea: {  	_ =	swait.ge [sflag:s13], $0x2000  }
0xeb: {  	s24 =	sld [smem:$0x7FB]  }
0xec: {  	[sflag:s13] =	ssyncset.done $0x0  }
0xed: {  	[sflag:s13] =	ssyncadd.s32 $0xFFFFE000  }
0xee: {  	[spmem:s2] =	stream.indirect.scatter.add.f32 [tilespmem:s15], [sflag:$0xB], $0x10, s24, s7, $0xb8;
	[tilespmem:$0x1A000] =	vst v63  }
0xef: {  	_ =	swait.ge [sflag:s12], $0x2000  }
0xf0: {  	s25 =	sld [smem:$0x7FC]  }
0xf1: {  	[sflag:s12] =	ssyncset.done $0x0  }
0xf2: {  	[sflag:s12] =	ssyncadd.s32 $0xFFFFE000  }
0xf3: {  	[spmem:s2] =	stream.indirect.scatter.add.f32 [tilespmem:s14], [sflag:$0xC], $0x10, s25, s7, $0xb8;
	[tilespmem:$0x1A000] =	vst v63  }
0xf4: {  	_ =	swait.ge [sflag:s26], $0x2000  }
0xf5: {  	s28 =	sld [smem:$0x7FD]  }
0xf6: {  	[sflag:s26] =	ssyncset.done $0x0  }
0xf7: {  	s6 =	simm.s32 @!p0 $0x6;
	[sflag:s26] =	ssyncadd.s32 $0xFFFFE000  }
0xf8: {  	[spmem:s2] =	stream.indirect.scatter.add.f32 [tilespmem:s11], [sflag:$0xD], $0x10, s28, s7, $0xb8;
	[tilespmem:$0x1A000] =	vst v63  }
0xf9: {  	_ =	swait.ge @!p0 [sflag:s6], $0x2000  }
0xfa: {  	[sflag:s6] =	ssyncset.done @!p0 $0x0  }
0xfb: {  	s9 =	simm.s32 @!p0 $0x4E00;
	s4 =	simm.s32 @!p0 $0xB;
	[sflag:s6] =	ssyncadd.s32 @!p0 $0xFFFFE000  }
0xfc: {  	[spmem:s2] =	stream.indirect.scatter.add.f32 @!p0 [tilespmem:s1], [sflag:$0xE], $0x10, s9, s0, $0xb8;
	[tilespmem:$0x1A000] =	vst v63  }
0xfd: {  	_ =	swait.ge @!p0 [sflag:s4], $0x2000  }
0xfe: {  	s0 =	simm.s32 @!p0 $0xC;
	[sflag:s4] =	ssyncset.done @!p0 $0x0  }
0xff: {  	s0 =	simm.s32 @p0 $0xB;
	[sflag:s4] =	ssyncadd.s32 @!p0 $0xFFFFE000  }
0x100: {  	_ =	swait.ge [sflag:s0], $0x2000  }
0x101: {  	s1 =	simm.s32 @!p0 $0xD;
	[sflag:s0] =	ssyncset.done $0x0  }
0x102: {  	s1 =	simm.s32 @p0 $0xC;
	[smem:$0x7EA] =	sst s0;
	[sflag:s0] =	ssyncadd.s32 $0xFFFFE000  }
0x103: {  	_ =	swait.ge [sflag:s1], $0x2000  }
0x104: {  	s0 =	simm.s32 @!p0 $0xE;
	[sflag:s1] =	ssyncset.done $0x0  }
0x105: {  	s0 =	simm.s32 @p0 $0xD;
	[smem:$0x7EB] =	sst s1;
	[sflag:s1] =	ssyncadd.s32 $0xFFFFE000  }
0x106: {  	_ =	swait.ge [sflag:s0], $0x2000  }
0x107: {  	[sflag:s0] =	ssyncset.done $0x0  }
0x108: {  	[smem:$0x7EC] =	sst s0;
	[sflag:s0] =	ssyncadd.s32 $0xFFFFE000  }
0x109: {  	[bflag:$0x0] =	sbarrier.arrive $0xFFFF  }
0x10a: {  	s31 =	sld [smem:$0x7ED];
	_ =	sdelay $0x2  }
0x10b: {  	s23 =	sadd.s32 $0xFFFFFFFF, s31  }
0x10c: {  	p2 =	sne.s32 s23, $0x0  }
.Ltmp1:
0x10d: {  	s5 =	simm.s32 $0x13;
	s30 =	rddreg [dreg:$0xa];
	(pc) =	sbr.rel @!p2 .LBB2_7-.Ltmp1, $4  }
0x10e: {  	[hbm:s30], [sflag:s8] =	dma.local [spmem:s29], $0x500  }
0x10f: {  	_ =	swait.ge [sflag:s5], $0x500  }
0x110: {  	p1 =	por $0x1, $0x1;
	s4 =	rddreg [dreg:$0xb]  }
0x111: {  	s10 =	simm.s32 $0x5;
	[sflag:s5] =	ssyncset.done $0x0;
	[smem:$0x7EE] =	sst s29  }
0x112: {  	s22 =	simm.s32 $0x5000;
	s16 =	simm.s32 $0x7000;
	s15 =	simm.s32 $0x9000  }
0x113: {  	s21 =	simm.s32 $0xB000;
	s30 =	simm.s32 $0xD000;
	s20 =	simm.s32 $0xF000  }
0x114: {  	s26 =	simm.s32 $0x11000;
	s11 =	simm.s32 $0x13000;
	s14 =	simm.s32 $0x6  }
0x115: {  	s19 =	simm.s32 $0x3;
	s9 =	simm.s32 $0xD;
	s25 =	simm.s32 $0xE  }
0x116: {  	s28 =	simm.s32 $0x10;
	s18 =	simm.s32 $0x11;
	s24 =	simm.s32 $0x12  }
.LBB2_4:
0x117: {  	s6 =	rddreg [dreg:$0x5]  }
0x118: {  	[sflag:s5] =	ssyncadd.s32 $0xFFFFFB00;
	s17 =	rddreg [dreg:$0x7];
	s0 =	simm.s32 $0x0  }
0x119: {  	[tilespmem:s0], [sflag:$0x1] =	stream.linear.gather [hbm4b:s6+s0], $0x2600, $0x38;
	[tilespmem:$0x1A000] =	vst v63  }
0x11a: {  	s29 =	smov.u32 s8;
	s1 =	rddreg [dreg:$0x6];
	s31 =	simm.s32 $0x2800  }
0x11b: {  	[tilespmem:s31], [sflag:$0x2] =	stream.linear.gather [hbm4b:s1+s0], $0x2600, $0x38;
	[tilespmem:$0x1A000] =	vst v63  }
0x11c: {  	[spmem:s4], [sflag:s29] =	dma.local [hbm:s17], $0x500  }
0x11d: {  	_ =	swait.ge [sflag:s5], $0x500  }
0x11e: {  	s1 =	sld [smem:$0x7EE]  }
0x11f: {  	[sflag:s5] =	ssyncset.done $0x0  }
0x120: {  	s17 =	rddreg [dreg:$0x4];
	[sflag:s5] =	ssyncadd.s32 $0xFFFFFB00  }
0x121: {  	[spmem:s1], [sflag:s29] =	dma.local [hbm:s17], $0x500  }
0x122: {  	_ =	swait.ge [sflag:s5], $0x500  }
0x123: {  	[sflag:s5] =	ssyncset.done $0x0  }
0x124: {  	s6 =	simm.s32 $0x1;
	[sflag:s5] =	ssyncadd.s32 $0xFFFFFB00  }
0x125: {  	_ =	swait.ge [sflag:s6], $0x2600  }
0x126: {  	[sflag:s6] =	ssyncset.done $0x0  }
0x127: {  	s17 =	simm.s32 $0x2;
	[sflag:s6] =	ssyncadd.s32 $0xFFFFDA00  }
0x128: {  	_ =	swait.ge [sflag:s17], $0x2600  }
0x129: {  	s1 =	simm.s32 @!p0 $0x2600;
	s6 =	simm.s32 @!p0 $0x0;
	[sflag:s17] =	ssyncset.done $0x0  }
0x12a: {  	s4 =	rddreg [dreg:$0x8];
	[sflag:s17] =	ssyncadd.s32 $0xFFFFDA00;
	s17 =	simm.s32 @!p0 $0x13  }
0x12b: {  	[tilespmem:s1], [sflag:$0x13] =	stream.linear.gather @!p0 [hbm4b:s4+s6], $0x200, $0x38;
	[tilespmem:$0x1A000] =	vst v63  }
0x12c: {  	_ =	swait.ge @!p0 [sflag:s17], $0x200  }
0x12d: {  	[sflag:s17] =	ssyncset.done @!p0 $0x0  }
0x12e: {  	s1 =	simm.s32 @!p0 $0x4E00;
	s4 =	rddreg [dreg:$0x9];
	[sflag:s17] =	ssyncadd.s32 @!p0 $0xFFFFFE00  }
0x12f: {  	[tilespmem:s1], [sflag:$0x13] =	stream.linear.gather @!p0 [hbm4b:s4+s6], $0x200, $0x38;
	[tilespmem:$0x1A000] =	vst v63  }
0x130: {  	_ =	swait.ge @!p0 [sflag:s17], $0x200  }
0x131: {  	[sflag:s17] =	ssyncset.done @!p0 $0x0  }
0x132: {  	[sflag:s17] =	ssyncadd.s32 @!p0 $0xFFFFFE00  }
0x133: {  	[bflag:$0x0] =	sbarrier.arrive $0xFFFF  }
0x134: {  	[tilespmem:s22], [sflag:$0x3] =	stream.indirect.gather [spmem:s3], $0x10, s0, s7, $0xb8;
	[tilespmem:$0x1A000] =	vst v63  }
0x135: {  	_ = 	snop  }
0x136: {  	[tilespmem:s16], [sflag:$0x4] =	stream.indirect.gather [spmem:s3], $0x10, s7, s7, $0xb8;
	[tilespmem:$0x1A000] =	vst v63  }
0x137: {  	s1 =	rddreg [dreg:$0xc]  }
0x138: {  	[tilespmem:s15], [sflag:$0x5] =	stream.indirect.gather [spmem:s3], $0x10, s1, s7, $0xb8;
	[tilespmem:$0x1A000] =	vst v63  }
0x139: {  	s5 =	rddreg [dreg:$0xd]  }
0x13a: {  	[tilespmem:s21], [sflag:$0x6] =	stream.indirect.gather [spmem:s3], $0x10, s5, s7, $0xb8;
	[tilespmem:$0x1A000] =	vst v63  }
0x13b: {  	s17 =	rddreg [dreg:$0xe]  }
0x13c: {  	[tilespmem:s30], [sflag:$0x7] =	stream.indirect.gather [spmem:s3], $0x10, s17, s7, $0xb8;
	[tilespmem:$0x1A000] =	vst v63  }
0x13d: {  	s0 =	rddreg [dreg:$0xf]  }
0x13e: {  	[tilespmem:s20], [sflag:$0x8] =	stream.indirect.gather [spmem:s3], $0x10, s0, s7, $0xb8;
	[tilespmem:$0x1A000] =	vst v63  }
0x13f: {  	s1 =	rddreg [dreg:$0x10]  }
0x140: {  	[tilespmem:s26], [sflag:$0x9] =	stream.indirect.gather [spmem:s3], $0x10, s1, s7, $0xb8;
	[tilespmem:$0x1A000] =	vst v63  }
0x141: {  	s5 =	rddreg [dreg:$0x11]  }
0x142: {  	[tilespmem:s11], [sflag:$0xA] =	stream.indirect.gather [spmem:s3], $0x10, s5, s7, $0xb8;
	[tilespmem:$0x1A000] =	vst v63  }
0x143: {  	_ =	swait.ge [sflag:s13], $0x2000  }
0x144: {  	[sflag:s13] =	ssyncset.done $0x0  }
0x145: {  	[sflag:s13] =	ssyncadd.s32 $0xFFFFE000  }
0x146: {  	[spmem:s2] =	stream.indirect.scatter.add.f32 [tilespmem:s22], [sflag:$0xB], $0x10, s31, s7, $0xb8;
	[tilespmem:$0x1A000] =	vst v63  }
0x147: {  	_ =	swait.ge [sflag:s12], $0x2000  }
0x148: {  	[sflag:s12] =	ssyncset.done $0x0  }
0x149: {  	s13 =	rddreg [dreg:$0x12];
	[sflag:s12] =	ssyncadd.s32 $0xFFFFE000  }
0x14a: {  	[spmem:s2] =	stream.indirect.scatter.add.f32 [tilespmem:s16], [sflag:$0xC], $0x10, s13, s7, $0xb8;
	[tilespmem:$0x1A000] =	vst v63  }
0x14b: {  	_ =	swait.ge [sflag:s10], $0x2000  }
0x14c: {  	[sflag:s10] =	ssyncset.done $0x0  }
0x14d: {  	s17 =	rddreg [dreg:$0x13];
	[sflag:s10] =	ssyncadd.s32 $0xFFFFE000  }
0x14e: {  	[spmem:s2] =	stream.indirect.scatter.add.f32 [tilespmem:s15], [sflag:$0xD], $0x10, s17, s7, $0xb8;
	[tilespmem:$0x1A000] =	vst v63  }
0x14f: {  	_ =	swait.ge [sflag:s14], $0x2000  }
0x150: {  	[sflag:s14] =	ssyncset.done $0x0  }
0x151: {  	s5 =	simm.s32 $0x7;
	s31 =	rddreg [dreg:$0x14];
	[sflag:s14] =	ssyncadd.s32 $0xFFFFE000  }
0x152: {  	[spmem:s2] =	stream.indirect.scatter.add.f32 [tilespmem:s21], [sflag:$0xE], $0x10, s31, s7, $0xb8;
	[tilespmem:$0x1A000] =	vst v63  }
0x153: {  	_ =	swait.ge [sflag:s5], $0x2000  }
0x154: {  	[sflag:s5] =	ssyncset.done $0x0  }
0x155: {  	s0 =	rddreg [dreg:$0x15];
	[sflag:s5] =	ssyncadd.s32 $0xFFFFE000  }
0x156: {  	[spmem:s2] =	stream.indirect.scatter.add.f32 [tilespmem:s30], [sflag:$0xF], $0x10, s0, s7, $0xb8;
	[tilespmem:$0x1A000] =	vst v63  }
0x157: {  	s0 =	simm.s32 $0x8  }
0x158: {  	_ =	swait.ge [sflag:s0], $0x2000  }
0x159: {  	[sflag:s0] =	ssyncset.done $0x0  }
0x15a: {  	s31 =	simm.s32 $0x9;
	s1 =	rddreg [dreg:$0x16];
	[sflag:s0] =	ssyncadd.s32 $0xFFFFE000  }
0x15b: {  	[spmem:s2] =	stream.indirect.scatter.add.f32 [tilespmem:s20], [sflag:$0x10], $0x10, s1, s7, $0xb8;
	[tilespmem:$0x1A000] =	vst v63  }
0x15c: {  	_ =	swait.ge [sflag:s31], $0x2000  }
0x15d: {  	[sflag:s31] =	ssyncset.done $0x0  }
0x15e: {  	s17 =	simm.s32 $0xA;
	s10 =	rddreg [dreg:$0x17];
	[sflag:s31] =	ssyncadd.s32 $0xFFFFE000  }
0x15f: {  	[spmem:s2] =	stream.indirect.scatter.add.f32 [tilespmem:s26], [sflag:$0x11], $0x10, s10, s7, $0xb8;
	[tilespmem:$0x1A000] =	vst v63  }
0x160: {  	_ =	swait.ge [sflag:s17], $0x2000  }
0x161: {  	[sflag:s17] =	ssyncset.done $0x0  }
0x162: {  	s6 =	simm.s32 $0xB;
	s12 =	rddreg [dreg:$0x18];
	[sflag:s17] =	ssyncadd.s32 $0xFFFFE000  }
0x163: {  	[spmem:s2] =	stream.indirect.scatter.add.f32 [tilespmem:s11], [sflag:$0x12], $0x10, s12, s7, $0xb8;
	[tilespmem:$0x1A000] =	vst v63  }
0x164: {  	_ =	swait.ge [sflag:s6], $0x2000  }
0x165: {  	[sflag:s6] =	ssyncset.done $0x0  }
0x166: {  	s10 =	simm.s32 $0xC;
	s13 =	rddreg [dreg:$0x19];
	[sflag:s6] =	ssyncadd.s32 $0xFFFFE000  }
0x167: {  	[tilespmem:s22], [sflag:$0x3] =	stream.indirect.gather [spmem:s3], $0x10, s13, s7, $0xb8;
	[tilespmem:$0x1A000] =	vst v63  }
0x168: {  	_ =	swait.ge [sflag:s10], $0x2000  }
0x169: {  	[sflag:s10] =	ssyncset.done $0x0  }
0x16a: {  	s1 =	rddreg [dreg:$0x1a];
	[sflag:s10] =	ssyncadd.s32 $0xFFFFE000  }
0x16b: {  	[tilespmem:s16], [sflag:$0x4] =	stream.indirect.gather [spmem:s3], $0x10, s1, s7, $0xb8;
	[tilespmem:$0x1A000] =	vst v63  }
0x16c: {  	_ =	swait.ge [sflag:s9], $0x2000  }
0x16d: {  	[sflag:s9] =	ssyncset.done $0x0  }
0x16e: {  	s1 =	rddreg [dreg:$0x1b];
	[sflag:s9] =	ssyncadd.s32 $0xFFFFE000  }
0x16f: {  	[tilespmem:s15], [sflag:$0x5] =	stream.indirect.gather [spmem:s3], $0x10, s1, s7, $0xb8;
	[tilespmem:$0x1A000] =	vst v63  }
0x170: {  	_ =	swait.ge [sflag:s25], $0x2000  }
0x171: {  	[sflag:s25] =	ssyncset.done $0x0  }
0x172: {  	s1 =	rddreg [dreg:$0x1c];
	[sflag:s25] =	ssyncadd.s32 $0xFFFFE000  }
0x173: {  	[tilespmem:s21], [sflag:$0x6] =	stream.indirect.gather [spmem:s3], $0x10, s1, s7, $0xb8;
	[tilespmem:$0x1A000] =	vst v63  }
0x174: {  	s1 =	simm.s32 $0xF  }
0x175: {  	_ =	swait.ge [sflag:s1], $0x2000  }
0x176: {  	[sflag:s1] =	ssyncset.done $0x0  }
0x177: {  	s4 =	rddreg [dreg:$0x1d];
	[sflag:s1] =	ssyncadd.s32 $0xFFFFE000  }
0x178: {  	[tilespmem:s30], [sflag:$0x7] =	stream.indirect.gather [spmem:s3], $0x10, s4, s7, $0xb8;
	[tilespmem:$0x1A000] =	vst v63  }
0x179: {  	_ =	swait.ge [sflag:s28], $0x2000  }
0x17a: {  	[sflag:s28] =	ssyncset.done $0x0  }
0x17b: {  	s4 =	rddreg [dreg:$0x1e];
	[sflag:s28] =	ssyncadd.s32 $0xFFFFE000  }
0x17c: {  	[tilespmem:s20], [sflag:$0x8] =	stream.indirect.gather [spmem:s3], $0x10, s4, s7, $0xb8;
	[tilespmem:$0x1A000] =	vst v63  }
0x17d: {  	_ =	swait.ge [sflag:s18], $0x2000  }
0x17e: {  	[sflag:s18] =	ssyncset.done $0x0  }
0x17f: {  	s4 =	rddreg [dreg:$0x1f];
	[sflag:s18] =	ssyncadd.s32 $0xFFFFE000  }
0x180: {  	[tilespmem:s26], [sflag:$0x9] =	stream.indirect.gather [spmem:s3], $0x10, s4, s7, $0xb8;
	[tilespmem:$0x1A000] =	vst v63  }
0x181: {  	_ =	swait.ge [sflag:s24], $0x2000  }
0x182: {  	s4 =	sld [smem:$0x7EF]  }
0x183: {  	[sflag:s24] =	ssyncset.done $0x0  }
0x184: {  	[sflag:s24] =	ssyncadd.s32 $0xFFFFE000  }
0x185: {  	[tilespmem:s11], [sflag:$0xA] =	stream.indirect.gather [spmem:s3], $0x10, s4, s7, $0xb8;
	[tilespmem:$0x1A000] =	vst v63  }
0x186: {  	_ =	swait.ge [sflag:s19], $0x2000  }
0x187: {  	s4 =	sld [smem:$0x7F0]  }
0x188: {  	[sflag:s19] =	ssyncset.done $0x0  }
0x189: {  	s13 =	simm.s32 $0x4;
	[sflag:s19] =	ssyncadd.s32 $0xFFFFE000  }
0x18a: {  	[spmem:s2] =	stream.indirect.scatter.add.f32 [tilespmem:s22], [sflag:$0xB], $0x10, s4, s7, $0xb8;
	[tilespmem:$0x1A000] =	vst v63  }
0x18b: {  	_ =	swait.ge [sflag:s13], $0x2000  }
0x18c: {  	s4 =	sld [smem:$0x7F1]  }
0x18d: {  	[sflag:s13] =	ssyncset.done $0x0  }
0x18e: {  	s12 =	simm.s32 $0x5;
	[sflag:s13] =	ssyncadd.s32 $0xFFFFE000  }
0x18f: {  	[spmem:s2] =	stream.indirect.scatter.add.f32 [tilespmem:s16], [sflag:$0xC], $0x10, s4, s7, $0xb8;
	[tilespmem:$0x1A000] =	vst v63  }
0x190: {  	_ =	swait.ge [sflag:s12], $0x2000  }
0x191: {  	s4 =	sld [smem:$0x7F2]  }
0x192: {  	[sflag:s12] =	ssyncset.done $0x0  }
0x193: {  	[sflag:s12] =	ssyncadd.s32 $0xFFFFE000  }
0x194: {  	[spmem:s2] =	stream.indirect.scatter.add.f32 [tilespmem:s15], [sflag:$0xD], $0x10, s4, s7, $0xb8;
	[tilespmem:$0x1A000] =	vst v63  }
0x195: {  	_ =	swait.ge [sflag:s14], $0x2000  }
0x196: {  	s4 =	sld [smem:$0x7F3]  }
0x197: {  	[sflag:s14] =	ssyncset.done $0x0  }
0x198: {  	[sflag:s14] =	ssyncadd.s32 $0xFFFFE000  }
0x199: {  	[spmem:s2] =	stream.indirect.scatter.add.f32 [tilespmem:s21], [sflag:$0xE], $0x10, s4, s7, $0xb8;
	[tilespmem:$0x1A000] =	vst v63  }
0x19a: {  	_ =	swait.ge [sflag:s5], $0x2000  }
0x19b: {  	s4 =	sld [smem:$0x7F4]  }
0x19c: {  	[sflag:s5] =	ssyncset.done $0x0  }
0x19d: {  	[sflag:s5] =	ssyncadd.s32 $0xFFFFE000  }
0x19e: {  	[spmem:s2] =	stream.indirect.scatter.add.f32 [tilespmem:s30], [sflag:$0xF], $0x10, s4, s7, $0xb8;
	[tilespmem:$0x1A000] =	vst v63  }
0x19f: {  	_ =	swait.ge [sflag:s0], $0x2000  }
0x1a0: {  	s4 =	sld [smem:$0x7F5]  }
0x1a1: {  	[sflag:s0] =	ssyncset.done $0x0  }
0x1a2: {  	[sflag:s0] =	ssyncadd.s32 $0xFFFFE000  }
0x1a3: {  	[spmem:s2] =	stream.indirect.scatter.add.f32 [tilespmem:s20], [sflag:$0x10], $0x10, s4, s7, $0xb8;
	[tilespmem:$0x1A000] =	vst v63  }
0x1a4: {  	_ =	swait.ge [sflag:s31], $0x2000  }
0x1a5: {  	s0 =	sld [smem:$0x7F6]  }
0x1a6: {  	[sflag:s31] =	ssyncset.done $0x0  }
0x1a7: {  	[sflag:s31] =	ssyncadd.s32 $0xFFFFE000  }
0x1a8: {  	[spmem:s2] =	stream.indirect.scatter.add.f32 [tilespmem:s26], [sflag:$0x11], $0x10, s0, s7, $0xb8;
	[tilespmem:$0x1A000] =	vst v63  }
0x1a9: {  	_ =	swait.ge [sflag:s17], $0x2000  }
0x1aa: {  	s0 =	sld [smem:$0x7F7]  }
0x1ab: {  	[sflag:s17] =	ssyncset.done $0x0  }
0x1ac: {  	[sflag:s17] =	ssyncadd.s32 $0xFFFFE000  }
0x1ad: {  	[spmem:s2] =	stream.indirect.scatter.add.f32 [tilespmem:s11], [sflag:$0x12], $0x10, s0, s7, $0xb8;
	[tilespmem:$0x1A000] =	vst v63  }
0x1ae: {  	_ =	swait.ge [sflag:s6], $0x2000  }
0x1af: {  	s17 =	sld [smem:$0x7F8]  }
0x1b0: {  	[sflag:s6] =	ssyncset.done $0x0  }
0x1b1: {  	[sflag:s6] =	ssyncadd.s32 $0xFFFFE000  }
0x1b2: {  	[tilespmem:s22], [sflag:$0x3] =	stream.indirect.gather [spmem:s3], $0x10, s17, s7, $0xb8;
	[tilespmem:$0x1A000] =	vst v63  }
0x1b3: {  	_ =	swait.ge [sflag:s10], $0x2000  }
0x1b4: {  	s31 =	sld [smem:$0x7F9]  }
0x1b5: {  	[sflag:s10] =	ssyncset.done $0x0  }
0x1b6: {  	[sflag:s10] =	ssyncadd.s32 $0xFFFFE000  }
0x1b7: {  	[tilespmem:s16], [sflag:$0x4] =	stream.indirect.gather [spmem:s3], $0x10, s31, s7, $0xb8;
	[tilespmem:$0x1A000] =	vst v63  }
0x1b8: {  	_ =	swait.ge [sflag:s9], $0x2000  }
0x1b9: {  	s0 =	sld [smem:$0x7FA]  }
0x1ba: {  	[sflag:s9] =	ssyncset.done $0x0  }
0x1bb: {  	[sflag:s9] =	ssyncadd.s32 $0xFFFFE000  }
0x1bc: {  	[tilespmem:s15], [sflag:$0x5] =	stream.indirect.gather [spmem:s3], $0x10, s0, s7, $0xb8;
	[tilespmem:$0x1A000] =	vst v63  }
0x1bd: {  	_ =	swait.ge [sflag:s25], $0x2000  }
0x1be: {  	s4 =	simm.s32 @!p0 $0x2600;
	[sflag:s25] =	ssyncset.done $0x0  }
0x1bf: {  	s6 =	simm.s32 @!p0 $0xB000;
	s0 =	simm.s32 @!p0 $0x200;
	[sflag:s25] =	ssyncadd.s32 $0xFFFFE000  }
0x1c0: {  	[tilespmem:s6], [sflag:$0x6] =	stream.indirect.gather @!p0 [spmem:s3], $0x10, s4, s0, $0xb8;
	[tilespmem:$0x1A000] =	vst v63  }
0x1c1: {  	_ =	swait.ge [sflag:s1], $0x2000  }
0x1c2: {  	[sflag:s1] =	ssyncset.done $0x0  }
0x1c3: {  	[sflag:s1] =	ssyncadd.s32 $0xFFFFE000  }
0x1c4: {  	_ =	swait.ge [sflag:s28], $0x2000  }
0x1c5: {  	[sflag:s28] =	ssyncset.done $0x0  }
0x1c6: {  	[sflag:s28] =	ssyncadd.s32 $0xFFFFE000  }
0x1c7: {  	_ =	swait.ge [sflag:s18], $0x2000  }
0x1c8: {  	[sflag:s18] =	ssyncset.done $0x0  }
0x1c9: {  	[sflag:s18] =	ssyncadd.s32 $0xFFFFE000  }
0x1ca: {  	_ =	swait.ge [sflag:s24], $0x2000  }
0x1cb: {  	[sflag:s24] =	ssyncset.done $0x0  }
0x1cc: {  	s13 =	simm.s32 $0x3;
	[sflag:s24] =	ssyncadd.s32 $0xFFFFE000  }
0x1cd: {  	_ =	swait.ge [sflag:s13], $0x2000  }
0x1ce: {  	s1 =	sld [smem:$0x7FB]  }
0x1cf: {  	[sflag:s13] =	ssyncset.done $0x0  }
0x1d0: {  	s12 =	simm.s32 $0x4;
	[sflag:s13] =	ssyncadd.s32 $0xFFFFE000  }
0x1d1: {  	[spmem:s2] =	stream.indirect.scatter.add.f32 [tilespmem:s22], [sflag:$0xB], $0x10, s1, s7, $0xb8;
	[tilespmem:$0x1A000] =	vst v63  }
0x1d2: {  	_ =	swait.ge [sflag:s12], $0x2000  }
0x1d3: {  	s17 =	sld [smem:$0x7FC]  }
0x1d4: {  	[sflag:s12] =	ssyncset.done $0x0  }
0x1d5: {  	s10 =	simm.s32 $0x5;
	[sflag:s12] =	ssyncadd.s32 $0xFFFFE000  }
0x1d6: {  	[spmem:s2] =	stream.indirect.scatter.add.f32 [tilespmem:s16], [sflag:$0xC], $0x10, s17, s7, $0xb8;
	[tilespmem:$0x1A000] =	vst v63  }
0x1d7: {  	_ =	swait.ge [sflag:s10], $0x2000  }
0x1d8: {  	s31 =	sld [smem:$0x7FD]  }
0x1d9: {  	[sflag:s10] =	ssyncset.done $0x0  }
0x1da: {  	s4 =	simm.s32 @!p0 $0x6;
	[sflag:s10] =	ssyncadd.s32 $0xFFFFE000  }
0x1db: {  	[spmem:s2] =	stream.indirect.scatter.add.f32 [tilespmem:s15], [sflag:$0xD], $0x10, s31, s7, $0xb8;
	[tilespmem:$0x1A000] =	vst v63  }
0x1dc: {  	_ =	swait.ge @!p0 [sflag:s4], $0x2000  }
0x1dd: {  	[sflag:s4] =	ssyncset.done @!p0 $0x0  }
0x1de: {  	s1 =	simm.s32 @!p0 $0x4E00;
	[sflag:s4] =	ssyncadd.s32 @!p0 $0xFFFFE000  }
0x1df: {  	[spmem:s2] =	stream.indirect.scatter.add.f32 @!p0 [tilespmem:s6], [sflag:$0xE], $0x10, s1, s0, $0xb8;
	[tilespmem:$0x1A000] =	vst v63  }
0x1e0: {  	s0 =	simm.s32 @!p0 $0xB  }
0x1e1: {  	_ =	swait.ge @!p0 [sflag:s0], $0x2000  }
0x1e2: {  	s1 =	sld [smem:$0x7EA]  }
0x1e3: {  	[sflag:s0] =	ssyncset.done @!p0 $0x0  }
0x1e4: {  	[sflag:s0] =	ssyncadd.s32 @!p0 $0xFFFFE000  }
0x1e5: {  	_ =	swait.ge [sflag:s1], $0x2000  }
0x1e6: {  	s4 =	sld [smem:$0x7EB]  }
0x1e7: {  	[sflag:s1] =	ssyncset.done $0x0  }
0x1e8: {  	[sflag:s1] =	ssyncadd.s32 $0xFFFFE000  }
0x1e9: {  	_ =	swait.ge [sflag:s4], $0x2000  }
0x1ea: {  	s6 =	sld [smem:$0x7EC]  }
0x1eb: {  	[sflag:s4] =	ssyncset.done $0x0  }
0x1ec: {  	[sflag:s4] =	ssyncadd.s32 $0xFFFFE000  }
0x1ed: {  	_ =	swait.ge [sflag:s6], $0x2000  }
0x1ee: {  	[sflag:s6] =	ssyncset.done $0x0  }
0x1ef: {  	[sflag:s6] =	ssyncadd.s32 $0xFFFFE000  }
0x1f0: {  	s23 =	sadd.s32 $0xFFFFFFFF, s23;
	[bflag:$0x0] =	sbarrier.arrive $0xFFFF  }
0x1f1: {  	p2 =	sne.s32 s23, $0x0;
	s31 =	sld [smem:$0x7EE]  }
.Ltmp2:
0x1f2: {  	_ = 	snop;
	(pc) =	sbr.rel @p2 .LBB2_4-.Ltmp2, $4  }
0x1f3: {  	s5 =	simm.s32 $0x13;
	s17 =	rddreg [dreg:$0xa]  }
0x1f4: {  	[hbm:s17], [sflag:s29] =	dma.local [spmem:s31], $0x500  }
0x1f5: {  	_ =	swait.ge [sflag:s5], $0x500  }
0x1f6: {  	s8 =	smov.u32 s29;
	s4 =	rddreg [dreg:$0xb];
	[sflag:s5] =	ssyncset.done $0x0  }
0x1f7: {  	s10 =	sld [smem:$0x7EE];
	s14 =	simm.s32 $0x7000;
	s15 =	simm.s32 $0x5000  }
0x1f8: {  	s18 =	simm.s32 $0x11;
	s22 =	simm.s32 $0x10;
	s24 =	simm.s32 $0x13000  }
0x1f9: {  	s25 =	simm.s32 $0xF;
	s28 =	simm.s32 $0x11000;
	s21 =	simm.s32 $0xF000  }
0x1fa: {  	s30 =	simm.s32 $0xD000;
	s1 =	simm.s32 $0xE;
	s31 =	simm.s32 $0xB000  }
0x1fb: {  	s0 =	simm.s32 $0xD;
	s9 =	simm.s32 $0xC;
	s17 =	simm.s32 $0x0  }
0x1fc: {  	s11 =	simm.s32 $0x7;
	s20 =	simm.s32 $0x6;
	s19 =	simm.s32 $0x2  }
.LBB2_6:
0x1fd: {  	s6 =	rddreg [dreg:$0x5]  }
0x1fe: {  	[sflag:s5] =	ssyncadd.s32 @p1 $0xFFFFFB00;
	s26 =	rddreg [dreg:$0x6]  }
0x1ff: {  	[tilespmem:s17], [sflag:$0x1] =	stream.linear.gather [hbm4b:s6+s17], $0x2600, $0x38;
	[tilespmem:$0x1A000] =	vst v63  }
0x200: {  	s8 =	rddreg [dreg:$0x7];
	s23 =	simm.s32 $0x2800  }
0x201: {  	[tilespmem:s23], [sflag:$0x2] =	stream.linear.gather [hbm4b:s26+s17], $0x2600, $0x38;
	[tilespmem:$0x1A000] =	vst v63  }
0x202: {  	[spmem:s4], [sflag:s29] =	dma.local [hbm:s8], $0x500  }
0x203: {  	_ =	swait.ge [sflag:s5], $0x500  }
0x204: {  	[sflag:s5] =	ssyncset.done $0x0  }
0x205: {  	s16 =	rddreg [dreg:$0x4];
	[sflag:s5] =	ssyncadd.s32 $0xFFFFFB00  }
0x206: {  	[spmem:s10], [sflag:s29] =	dma.local [hbm:s16], $0x500  }
0x207: {  	_ =	swait.ge [sflag:s5], $0x500  }
0x208: {  	[sflag:s5] =	ssyncset.done $0x0  }
0x209: {  	s26 =	simm.s32 $0x1;
	[sflag:s5] =	ssyncadd.s32 $0xFFFFFB00  }
0x20a: {  	_ =	swait.ge [sflag:s26], $0x2600  }
0x20b: {  	[sflag:s26] =	ssyncset.done $0x0  }
0x20c: {  	[sflag:s26] =	ssyncadd.s32 $0xFFFFDA00  }
0x20d: {  	_ =	swait.ge [sflag:s19], $0x2600  }
0x20e: {  	s6 =	simm.s32 @!p0 $0x2600;
	[sflag:s19] =	ssyncset.done $0x0  }
0x20f: {  	s8 =	simm.s32 @!p0 $0x0;
	s4 =	rddreg [dreg:$0x8];
	[sflag:s19] =	ssyncadd.s32 $0xFFFFDA00  }
0x210: {  	[tilespmem:s6], [sflag:$0x13] =	stream.linear.gather @!p0 [hbm4b:s4+s8], $0x200, $0x38;
	[tilespmem:$0x1A000] =	vst v63  }
0x211: {  	s4 =	simm.s32 @!p0 $0x13  }
0x212: {  	_ =	swait.ge @!p0 [sflag:s4], $0x200  }
0x213: {  	[sflag:s4] =	ssyncset.done @!p0 $0x0  }
0x214: {  	s6 =	simm.s32 @!p0 $0x4E00;
	s19 =	rddreg [dreg:$0x9];
	[sflag:s4] =	ssyncadd.s32 @!p0 $0xFFFFFE00  }
0x215: {  	[tilespmem:s6], [sflag:$0x13] =	stream.linear.gather @!p0 [hbm4b:s19+s8], $0x200, $0x38;
	[tilespmem:$0x1A000] =	vst v63  }
0x216: {  	_ =	swait.ge @!p0 [sflag:s4], $0x200  }
0x217: {  	[sflag:s4] =	ssyncset.done @!p0 $0x0  }
0x218: {  	[sflag:s4] =	ssyncadd.s32 @!p0 $0xFFFFFE00  }
0x219: {  	s16 =	simm.s32 $0x0;
	[bflag:$0x0] =	sbarrier.arrive $0xFFFF  }
0x21a: {  	[tilespmem:s15], [sflag:$0x3] =	stream.indirect.gather [spmem:s3], $0x10, s16, s7, $0xb8;
	[tilespmem:$0x1A000] =	vst v63  }
0x21b: {  	_ = 	snop  }
0x21c: {  	[tilespmem:s14], [sflag:$0x4] =	stream.indirect.gather [spmem:s3], $0x10, s7, s7, $0xb8;
	[tilespmem:$0x1A000] =	vst v63  }
0x21d: {  	s17 =	smov.u32 s29;
	s29 =	rddreg [dreg:$0xc];
	s14 =	simm.s32 $0x9000  }
0x21e: {  	[tilespmem:s14], [sflag:$0x5] =	stream.indirect.gather [spmem:s3], $0x10, s29, s7, $0xb8;
	[tilespmem:$0x1A000] =	vst v63  }
0x21f: {  	s6 =	rddreg [dreg:$0xd]  }
0x220: {  	[tilespmem:s31], [sflag:$0x6] =	stream.indirect.gather [spmem:s3], $0x10, s6, s7, $0xb8;
	[tilespmem:$0x1A000] =	vst v63  }
0x221: {  	s19 =	rddreg [dreg:$0xe]  }
0x222: {  	[tilespmem:s30], [sflag:$0x7] =	stream.indirect.gather [spmem:s3], $0x10, s19, s7, $0xb8;
	[tilespmem:$0x1A000] =	vst v63  }
0x223: {  	s26 =	rddreg [dreg:$0xf]  }
0x224: {  	[tilespmem:s21], [sflag:$0x8] =	stream.indirect.gather [spmem:s3], $0x10, s26, s7, $0xb8;
	[tilespmem:$0x1A000] =	vst v63  }
0x225: {  	s29 =	rddreg [dreg:$0x10]  }
0x226: {  	[tilespmem:s28], [sflag:$0x9] =	stream.indirect.gather [spmem:s3], $0x10, s29, s7, $0xb8;
	[tilespmem:$0x1A000] =	vst v63  }
0x227: {  	s6 =	rddreg [dreg:$0x11]  }
0x228: {  	[tilespmem:s24], [sflag:$0xA] =	stream.indirect.gather [spmem:s3], $0x10, s6, s7, $0xb8;
	[tilespmem:$0x1A000] =	vst v63  }
0x229: {  	_ =	swait.ge [sflag:s13], $0x2000  }
0x22a: {  	[sflag:s13] =	ssyncset.done $0x0  }
0x22b: {  	s16 =	simm.s32 $0x5000;
	[sflag:s13] =	ssyncadd.s32 $0xFFFFE000  }
0x22c: {  	[spmem:s2] =	stream.indirect.scatter.add.f32 [tilespmem:s16], [sflag:$0xB], $0x10, s23, s7, $0xb8;
	[tilespmem:$0x1A000] =	vst v63  }
0x22d: {  	_ =	swait.ge [sflag:s12], $0x2000  }
0x22e: {  	s15 =	simm.s32 $0x7000;
	[sflag:s12] =	ssyncset.done $0x0  }
0x22f: {  	s26 =	simm.s32 $0x5;
	s8 =	rddreg [dreg:$0x12];
	[sflag:s12] =	ssyncadd.s32 $0xFFFFE000  }
0x230: {  	[spmem:s2] =	stream.indirect.scatter.add.f32 [tilespmem:s15], [sflag:$0xC], $0x10, s8, s7, $0xb8;
	[tilespmem:$0x1A000] =	vst v63  }
0x231: {  	_ =	swait.ge [sflag:s26], $0x2000  }
0x232: {  	[sflag:s26] =	ssyncset.done $0x0  }
0x233: {  	s19 =	rddreg [dreg:$0x13];
	[sflag:s26] =	ssyncadd.s32 $0xFFFFE000  }
0x234: {  	[spmem:s2] =	stream.indirect.scatter.add.f32 [tilespmem:s14], [sflag:$0xD], $0x10, s19, s7, $0xb8;
	[tilespmem:$0x1A000] =	vst v63  }
0x235: {  	_ =	swait.ge [sflag:s20], $0x2000  }
0x236: {  	[sflag:s20] =	ssyncset.done $0x0  }
0x237: {  	s23 =	rddreg [dreg:$0x14];
	[sflag:s20] =	ssyncadd.s32 $0xFFFFE000  }
0x238: {  	[spmem:s2] =	stream.indirect.scatter.add.f32 [tilespmem:s31], [sflag:$0xE], $0x10, s23, s7, $0xb8;
	[tilespmem:$0x1A000] =	vst v63  }
0x239: {  	_ =	swait.ge [sflag:s11], $0x2000  }
0x23a: {  	[sflag:s11] =	ssyncset.done $0x0  }
0x23b: {  	s29 =	rddreg [dreg:$0x15];
	[sflag:s11] =	ssyncadd.s32 $0xFFFFE000;
	s11 =	simm.s32 $0x8  }
0x23c: {  	[spmem:s2] =	stream.indirect.scatter.add.f32 [tilespmem:s30], [sflag:$0xF], $0x10, s29, s7, $0xb8;
	[tilespmem:$0x1A000] =	vst v63  }
0x23d: {  	_ =	swait.ge [sflag:s11], $0x2000  }
0x23e: {  	[sflag:s11] =	ssyncset.done $0x0  }
0x23f: {  	s6 =	rddreg [dreg:$0x16];
	[sflag:s11] =	ssyncadd.s32 $0xFFFFE000  }
0x240: {  	[spmem:s2] =	stream.indirect.scatter.add.f32 [tilespmem:s21], [sflag:$0x10], $0x10, s6, s7, $0xb8;
	[tilespmem:$0x1A000] =	vst v63  }
0x241: {  	s6 =	simm.s32 $0x9  }
0x242: {  	_ =	swait.ge [sflag:s6], $0x2000  }
0x243: {  	[sflag:s6] =	ssyncset.done $0x0  }
0x244: {  	s23 =	simm.s32 $0xA;
	s8 =	rddreg [dreg:$0x17];
	[sflag:s6] =	ssyncadd.s32 $0xFFFFE000  }
0x245: {  	[spmem:s2] =	stream.indirect.scatter.add.f32 [tilespmem:s28], [sflag:$0x11], $0x10, s8, s7, $0xb8;
	[tilespmem:$0x1A000] =	vst v63  }
0x246: {  	_ =	swait.ge [sflag:s23], $0x2000  }
0x247: {  	[sflag:s23] =	ssyncset.done $0x0  }
0x248: {  	s19 =	rddreg [dreg:$0x18];
	[sflag:s23] =	ssyncadd.s32 $0xFFFFE000  }
0x249: {  	[spmem:s2] =	stream.indirect.scatter.add.f32 [tilespmem:s24], [sflag:$0x12], $0x10, s19, s7, $0xb8;
	[tilespmem:$0x1A000] =	vst v63  }
0x24a: {  	s19 =	simm.s32 $0xB  }
0x24b: {  	_ =	swait.ge [sflag:s19], $0x2000  }
0x24c: {  	[sflag:s19] =	ssyncset.done $0x0  }
0x24d: {  	s8 =	rddreg [dreg:$0x19];
	[sflag:s19] =	ssyncadd.s32 $0xFFFFE000  }
0x24e: {  	[tilespmem:s16], [sflag:$0x3] =	stream.indirect.gather [spmem:s3], $0x10, s8, s7, $0xb8;
	[tilespmem:$0x1A000] =	vst v63  }
0x24f: {  	_ =	swait.ge [sflag:s9], $0x2000  }
0x250: {  	[sflag:s9] =	ssyncset.done $0x0  }
0x251: {  	s8 =	rddreg [dreg:$0x1a];
	[sflag:s9] =	ssyncadd.s32 $0xFFFFE000  }
0x252: {  	[tilespmem:s15], [sflag:$0x4] =	stream.indirect.gather [spmem:s3], $0x10, s8, s7, $0xb8;
	[tilespmem:$0x1A000] =	vst v63  }
0x253: {  	_ =	swait.ge [sflag:s0], $0x2000  }
0x254: {  	[sflag:s0] =	ssyncset.done $0x0  }
0x255: {  	s8 =	rddreg [dreg:$0x1b];
	[sflag:s0] =	ssyncadd.s32 $0xFFFFE000  }
0x256: {  	[tilespmem:s14], [sflag:$0x5] =	stream.indirect.gather [spmem:s3], $0x10, s8, s7, $0xb8;
	[tilespmem:$0x1A000] =	vst v63  }
0x257: {  	_ =	swait.ge [sflag:s1], $0x2000  }
0x258: {  	[sflag:s1] =	ssyncset.done $0x0  }
0x259: {  	s0 =	rddreg [dreg:$0x1c];
	[sflag:s1] =	ssyncadd.s32 $0xFFFFE000  }
0x25a: {  	[tilespmem:s31], [sflag:$0x6] =	stream.indirect.gather [spmem:s3], $0x10, s0, s7, $0xb8;
	[tilespmem:$0x1A000] =	vst v63  }
0x25b: {  	_ =	swait.ge [sflag:s25], $0x2000  }
0x25c: {  	[sflag:s25] =	ssyncset.done $0x0  }
0x25d: {  	s8 =	rddreg [dreg:$0x1d];
	[sflag:s25] =	ssyncadd.s32 $0xFFFFE000  }
0x25e: {  	[tilespmem:s30], [sflag:$0x7] =	stream.indirect.gather [spmem:s3], $0x10, s8, s7, $0xb8;
	[tilespmem:$0x1A000] =	vst v63  }
0x25f: {  	_ =	swait.ge [sflag:s22], $0x2000  }
0x260: {  	[sflag:s22] =	ssyncset.done $0x0  }
0x261: {  	s0 =	rddreg [dreg:$0x1e];
	[sflag:s22] =	ssyncadd.s32 $0xFFFFE000  }
0x262: {  	[tilespmem:s21], [sflag:$0x8] =	stream.indirect.gather [spmem:s3], $0x10, s0, s7, $0xb8;
	[tilespmem:$0x1A000] =	vst v63  }
0x263: {  	_ =	swait.ge [sflag:s18], $0x2000  }
0x264: {  	[sflag:s18] =	ssyncset.done $0x0  }
0x265: {  	s8 =	rddreg [dreg:$0x1f];
	[sflag:s18] =	ssyncadd.s32 $0xFFFFE000  }
0x266: {  	[tilespmem:s28], [sflag:$0x9] =	stream.indirect.gather [spmem:s3], $0x10, s8, s7, $0xb8;
	[tilespmem:$0x1A000] =	vst v63  }
0x267: {  	s8 =	simm.s32 $0x12  }
0x268: {  	_ =	swait.ge [sflag:s8], $0x2000  }
0x269: {  	s0 =	sld [smem:$0x7EF]  }
0x26a: {  	[sflag:s8] =	ssyncset.done $0x0  }
0x26b: {  	[sflag:s8] =	ssyncadd.s32 $0xFFFFE000  }
0x26c: {  	[tilespmem:s24], [sflag:$0xA] =	stream.indirect.gather [spmem:s3], $0x10, s0, s7, $0xb8;
	[tilespmem:$0x1A000] =	vst v63  }
0x26d: {  	_ =	swait.ge [sflag:s13], $0x2000  }
0x26e: {  	s0 =	sld [smem:$0x7F0]  }
0x26f: {  	[sflag:s13] =	ssyncset.done $0x0  }
0x270: {  	[sflag:s13] =	ssyncadd.s32 $0xFFFFE000  }
0x271: {  	[spmem:s2] =	stream.indirect.scatter.add.f32 [tilespmem:s16], [sflag:$0xB], $0x10, s0, s7, $0xb8;
	[tilespmem:$0x1A000] =	vst v63  }
0x272: {  	_ =	swait.ge [sflag:s12], $0x2000  }
0x273: {  	s0 =	sld [smem:$0x7F1]  }
0x274: {  	[sflag:s12] =	ssyncset.done $0x0  }
0x275: {  	[sflag:s12] =	ssyncadd.s32 $0xFFFFE000  }
0x276: {  	[spmem:s2] =	stream.indirect.scatter.add.f32 [tilespmem:s15], [sflag:$0xC], $0x10, s0, s7, $0xb8;
	[tilespmem:$0x1A000] =	vst v63  }
0x277: {  	_ =	swait.ge [sflag:s26], $0x2000  }
0x278: {  	s0 =	sld [smem:$0x7F2]  }
0x279: {  	[sflag:s26] =	ssyncset.done $0x0  }
0x27a: {  	s29 =	simm.s32 $0x6;
	[sflag:s26] =	ssyncadd.s32 $0xFFFFE000  }
0x27b: {  	[spmem:s2] =	stream.indirect.scatter.add.f32 [tilespmem:s14], [sflag:$0xD], $0x10, s0, s7, $0xb8;
	[tilespmem:$0x1A000] =	vst v63  }
0x27c: {  	_ =	swait.ge [sflag:s29], $0x2000  }
0x27d: {  	s0 =	sld [smem:$0x7F3]  }
0x27e: {  	[sflag:s29] =	ssyncset.done $0x0  }
0x27f: {  	s20 =	simm.s32 $0x7;
	[sflag:s29] =	ssyncadd.s32 $0xFFFFE000  }
0x280: {  	[spmem:s2] =	stream.indirect.scatter.add.f32 [tilespmem:s31], [sflag:$0xE], $0x10, s0, s7, $0xb8;
	[tilespmem:$0x1A000] =	vst v63  }
0x281: {  	_ =	swait.ge [sflag:s20], $0x2000  }
0x282: {  	s29 =	sld [smem:$0x7F4]  }
0x283: {  	[sflag:s20] =	ssyncset.done $0x0  }
0x284: {  	[sflag:s20] =	ssyncadd.s32 $0xFFFFE000  }
0x285: {  	[spmem:s2] =	stream.indirect.scatter.add.f32 [tilespmem:s30], [sflag:$0xF], $0x10, s29, s7, $0xb8;
	[tilespmem:$0x1A000] =	vst v63  }
0x286: {  	_ =	swait.ge [sflag:s11], $0x2000  }
0x287: {  	s31 =	sld [smem:$0x7F5]  }
0x288: {  	[sflag:s11] =	ssyncset.done $0x0  }
0x289: {  	[sflag:s11] =	ssyncadd.s32 $0xFFFFE000  }
0x28a: {  	[spmem:s2] =	stream.indirect.scatter.add.f32 [tilespmem:s21], [sflag:$0x10], $0x10, s31, s7, $0xb8;
	[tilespmem:$0x1A000] =	vst v63  }
0x28b: {  	_ =	swait.ge [sflag:s6], $0x2000  }
0x28c: {  	s11 =	sld [smem:$0x7F6]  }
0x28d: {  	[sflag:s6] =	ssyncset.done $0x0  }
0x28e: {  	[sflag:s6] =	ssyncadd.s32 $0xFFFFE000  }
0x28f: {  	[spmem:s2] =	stream.indirect.scatter.add.f32 [tilespmem:s28], [sflag:$0x11], $0x10, s11, s7, $0xb8;
	[tilespmem:$0x1A000] =	vst v63  }
0x290: {  	_ =	swait.ge [sflag:s23], $0x2000  }
0x291: {  	s20 =	sld [smem:$0x7F7]  }
0x292: {  	[sflag:s23] =	ssyncset.done $0x0  }
0x293: {  	[sflag:s23] =	ssyncadd.s32 $0xFFFFE000  }
0x294: {  	[spmem:s2] =	stream.indirect.scatter.add.f32 [tilespmem:s24], [sflag:$0x12], $0x10, s20, s7, $0xb8;
	[tilespmem:$0x1A000] =	vst v63  }
0x295: {  	_ =	swait.ge [sflag:s19], $0x2000  }
0x296: {  	s21 =	sld [smem:$0x7F8]  }
0x297: {  	[sflag:s19] =	ssyncset.done $0x0  }
0x298: {  	[sflag:s19] =	ssyncadd.s32 $0xFFFFE000  }
0x299: {  	[tilespmem:s16], [sflag:$0x3] =	stream.indirect.gather [spmem:s3], $0x10, s21, s7, $0xb8;
	[tilespmem:$0x1A000] =	vst v63  }
0x29a: {  	_ =	swait.ge [sflag:s9], $0x2000  }
0x29b: {  	s23 =	sld [smem:$0x7F9]  }
0x29c: {  	[sflag:s9] =	ssyncset.done $0x0  }
0x29d: {  	s4 =	simm.s32 $0xD;
	[sflag:s9] =	ssyncadd.s32 $0xFFFFE000  }
0x29e: {  	[tilespmem:s15], [sflag:$0x4] =	stream.indirect.gather [spmem:s3], $0x10, s23, s7, $0xb8;
	[tilespmem:$0x1A000] =	vst v63  }
0x29f: {  	_ =	swait.ge [sflag:s4], $0x2000  }
0x2a0: {  	s24 =	sld [smem:$0x7FA]  }
0x2a1: {  	[sflag:s4] =	ssyncset.done $0x0  }
0x2a2: {  	[sflag:s4] =	ssyncadd.s32 $0xFFFFE000  }
0x2a3: {  	[tilespmem:s14], [sflag:$0x5] =	stream.indirect.gather [spmem:s3], $0x10, s24, s7, $0xb8;
	[tilespmem:$0x1A000] =	vst v63  }
0x2a4: {  	_ =	swait.ge [sflag:s1], $0x2000  }
0x2a5: {  	s0 =	simm.s32 @!p0 $0x200;
	[sflag:s1] =	ssyncset.done $0x0  }
0x2a6: {  	s4 =	simm.s32 @!p0 $0x2600;
	[sflag:s1] =	ssyncadd.s32 $0xFFFFE000;
	s1 =	simm.s32 @!p0 $0xB000  }
0x2a7: {  	[tilespmem:s1], [sflag:$0x6] =	stream.indirect.gather @!p0 [spmem:s3], $0x10, s4, s0, $0xb8;
	[tilespmem:$0x1A000] =	vst v63  }
0x2a8: {  	_ =	swait.ge [sflag:s25], $0x2000  }
0x2a9: {  	[sflag:s25] =	ssyncset.done $0x0  }
0x2aa: {  	[sflag:s25] =	ssyncadd.s32 $0xFFFFE000  }
0x2ab: {  	_ =	swait.ge [sflag:s22], $0x2000  }
0x2ac: {  	[sflag:s22] =	ssyncset.done $0x0  }
0x2ad: {  	[sflag:s22] =	ssyncadd.s32 $0xFFFFE000  }
0x2ae: {  	_ =	swait.ge [sflag:s18], $0x2000  }
0x2af: {  	[sflag:s18] =	ssyncset.done $0x0  }
0x2b0: {  	[sflag:s18] =	ssyncadd.s32 $0xFFFFE000  }
0x2b1: {  	_ =	swait.ge [sflag:s8], $0x2000  }
0x2b2: {  	[sflag:s8] =	ssyncset.done $0x0  }
0x2b3: {  	[sflag:s8] =	ssyncadd.s32 $0xFFFFE000  }
0x2b4: {  	_ =	swait.ge [sflag:s13], $0x2000  }
0x2b5: {  	s25 =	sld [smem:$0x7FB]  }
0x2b6: {  	[sflag:s13] =	ssyncset.done $0x0  }
0x2b7: {  	[sflag:s13] =	ssyncadd.s32 $0xFFFFE000  }
0x2b8: {  	[spmem:s2] =	stream.indirect.scatter.add.f32 [tilespmem:s16], [sflag:$0xB], $0x10, s25, s7, $0xb8;
	[tilespmem:$0x1A000] =	vst v63  }
0x2b9: {  	_ =	swait.ge [sflag:s12], $0x2000  }
0x2ba: {  	s28 =	sld [smem:$0x7FC]  }
0x2bb: {  	[sflag:s12] =	ssyncset.done $0x0  }
0x2bc: {  	[sflag:s12] =	ssyncadd.s32 $0xFFFFE000  }
0x2bd: {  	[spmem:s2] =	stream.indirect.scatter.add.f32 [tilespmem:s15], [sflag:$0xC], $0x10, s28, s7, $0xb8;
	[tilespmem:$0x1A000] =	vst v63  }
0x2be: {  	_ =	swait.ge [sflag:s26], $0x2000  }
0x2bf: {  	s29 =	sld [smem:$0x7FD]  }
0x2c0: {  	[sflag:s26] =	ssyncset.done $0x0  }
0x2c1: {  	s3 =	simm.s32 @!p0 $0x6;
	[sflag:s26] =	ssyncadd.s32 $0xFFFFE000  }
0x2c2: {  	[spmem:s2] =	stream.indirect.scatter.add.f32 [tilespmem:s14], [sflag:$0xD], $0x10, s29, s7, $0xb8;
	[tilespmem:$0x1A000] =	vst v63  }
0x2c3: {  	_ =	swait.ge @!p0 [sflag:s3], $0x2000  }
0x2c4: {  	[sflag:s3] =	ssyncset.done @!p0 $0x0  }
0x2c5: {  	[sflag:s3] =	ssyncadd.s32 @!p0 $0xFFFFE000;
	s3 =	simm.s32 @!p0 $0x4E00  }
0x2c6: {  	[spmem:s2] =	stream.indirect.scatter.add.f32 @!p0 [tilespmem:s1], [sflag:$0xE], $0x10, s3, s0, $0xb8;
	[tilespmem:$0x1A000] =	vst v63  }
0x2c7: {  	s0 =	simm.s32 @!p0 $0xB  }
0x2c8: {  	_ =	swait.ge @!p0 [sflag:s0], $0x2000  }
0x2c9: {  	s1 =	simm.s32 @!p0 $0xC;
	[sflag:s0] =	ssyncset.done @!p0 $0x0  }
0x2ca: {  	s1 =	simm.s32 @p0 $0xB;
	[sflag:s0] =	ssyncadd.s32 @!p0 $0xFFFFE000  }
0x2cb: {  	_ =	swait.ge [sflag:s1], $0x2000  }
0x2cc: {  	s0 =	simm.s32 @!p0 $0xD;
	[sflag:s1] =	ssyncset.done $0x0  }
0x2cd: {  	s0 =	simm.s32 @p0 $0xC;
	[sflag:s1] =	ssyncadd.s32 $0xFFFFE000  }
0x2ce: {  	_ =	swait.ge [sflag:s0], $0x2000  }
0x2cf: {  	s1 =	simm.s32 @!p0 $0xE;
	[sflag:s0] =	ssyncset.done $0x0  }
0x2d0: {  	s1 =	simm.s32 @p0 $0xD;
	[sflag:s0] =	ssyncadd.s32 $0xFFFFE000  }
0x2d1: {  	_ =	swait.ge [sflag:s1], $0x2000  }
0x2d2: {  	[sflag:s1] =	ssyncset.done $0x0  }
0x2d3: {  	[sflag:s1] =	ssyncadd.s32 $0xFFFFE000  }
0x2d4: {  	[bflag:$0x0] =	sbarrier.arrive $0xFFFF  }
0x2d5: {  	s30 =	rddreg [dreg:$0xa]  }
0x2d6: {  	[hbm:s30], [sflag:s17] =	dma.local [spmem:s10], $0x500  }
0x2d7: {  	_ =	swait.ge [sflag:s5], $0x500  }
0x2d8: {  	[sflag:s5] =	ssyncset.done $0x0  }
0x2d9: {  	[sflag:s5] =	ssyncadd.s32 $0xFFFFFB00  }
0x2da: {  	_ =	sfence.sel $0x180000  }
0x2db: {  	[bflag:$0x0] =	sbarrier.arrive $0xFFFF  }
0x2dc: {  	_ =	strace $0x9000004A  }
0x2dd: {  	s31 =	stileid.u32;
	[bflag:$0x2] =	sbarrier.arrive $0xFFFF  }
0x2de: {  	p0 =	sne.s32 s31, $0x0;
	s0 =	rddreg [dreg:$0x3]  }
0x2df: {  	s0 =	sadd.s32 @!p0 $0x100000, s0  }
0x2e0: {  	[sflag:s0] =	ssyncadd.tile.s32 @!p0 $0x1;
	_ =	shalt  }
.LBB2_1:
.Ltmp3:
0x2e1: {  	(pc) =	sbr.rel .LBB2_6-.Ltmp3, $2  }
0x2e2: {  	_ =	sdelay $0x2  }
0x2e3: {  	s10 =	smov.u32 s29;
	s29 =	smov.u32 s8  }
.LBB2_7:
0x2e4: {  	s10 =	sld [smem:$0x7EE];
	s29 =	smov.u32 s8  }
0x2e5: {  	s14 =	simm.s32 $0x7000;
	s15 =	simm.s32 $0x5000;
	s18 =	simm.s32 $0x11  }
.Ltmp4:
0x2e6: {  	s22 =	simm.s32 $0x10;
	s24 =	simm.s32 $0x13000;
	(pc) =	sbr.rel .LBB2_6-.Ltmp4, $4  }
0x2e7: {  	s25 =	simm.s32 $0xF;
	s28 =	simm.s32 $0x11000;
	s21 =	simm.s32 $0xF000  }
0x2e8: {  	s30 =	simm.s32 $0xD000;
	s1 =	simm.s32 $0xE;
	s31 =	simm.s32 $0xB000  }
0x2e9: {  	s0 =	simm.s32 $0xD;
	s9 =	simm.s32 $0xC;
	s17 =	simm.s32 $0x0  }
0x2ea: {  	s11 =	simm.s32 $0x7;
	s20 =	simm.s32 $0x6;
	s19 =	simm.s32 $0x2  }
.Lfunc_end2:
_tile_overlayer_lowered:
.L_overlay_start_2:
0x2eb: {  	(tag) =	ssettag $0x2  }
0x2ec: {  	s0 =	rddreg [dreg:$0x0];
	s2 =	stileid.u32  }
0x2ed: {  	s1 =	rddreg [dreg:$0x1];
	p0 =	sne.s32 s2, $0x0  }
0x2ee: {  	s3 =	rddreg [dreg:$0x2];
	[bflag:$0x3] =	sbarrier.arrive $0xFFFF;
	s2 =	simm.s32 @!p0 $0x1C13  }
0x2ef: {  	[timem:s3], [sflag:s2] =	dma.local @!p0 [hbm:s0], s1  }
0x2f0: {  	s0 =	simm.s32 @!p0 $0x13  }
0x2f1: {  	_ =	swait.ge @!p0 [sflag:s0], s1  }
0x2f2: {  	s1 =	ssub.s32 @!p0 $0x0, s1;
	[sflag:s0] =	ssyncset.done @!p0 $0x0  }
0x2f3: {  	[sflag:s0] =	ssyncadd.s32 @!p0 s1  }
0x2f4: {  	[bflag:$0x3] =	sbarrier.arrive $0xFFFF  }
0x2f5: {  	_ =	shalt  }

// kernel: kernel.15.cloned.1.call-start
scs
__scs_entry_jumppad:
0x0: {  	(pc) =	sbr.rel $0x88, $3  }
0x1: {  	(tag) =	ssettag $0x0;
	lr =	simm.s32 $0x1  }
0x2: {  	[smem:$0x3F97] =	sst lr;
	_ =	strace $0xD0000000  }
0x3: {  	_ = 	snop  }
0x4: {  	_ = 	snop  }
0x5: {  	_ = 	snop  }
0x6: {  	_ = 	snop  }
0x7: {  	_ = 	snop  }
__scs_overlays_trampoline_lowered:
0x8: {  	[smem:$0x3FA6] =	sst s0  }
0x9: {  	[smem:$0x3FA7] =	sst s1  }
0xa: {  	[smem:$0x3FA8] =	sst s2  }
0xb: {  	[smem:$0x3FA9] =	sst s3  }
0xc: {  	[smem:$0x3FAA] =	sst s4  }
0xd: {  	[smem:$0x3FAB] =	sst s5  }
0xe: {  	[smem:$0x3FAC] =	sst s6  }
0xf: {  	[smem:$0x3FAD] =	sst s7  }
0x10: {  	[smem:$0x3FAE] =	sst s8  }
0x11: {  	[smem:$0x3FAF] =	sst s9;
	s0 =	simm.s32 @!p0 $0x0  }
0x12: {  	s1 =	sld [smem:$0x3F95];
	s0 =	simm.s32 @p0 $0x1  }
0x13: {  	[smem:$0x3FB0] =	sst s0;
	s0 =	simm.s32 @!p1 $0x0  }
0x14: {  	s2 =	sld [smem:$0x3F94];
	s0 =	simm.s32 @p1 $0x1  }
0x15: {  	[smem:$0x3FB1] =	sst s0;
	s0 =	simm.s32 @!p2 $0x0  }
0x16: {  	s3 =	sld [smem:$0x3FDB];
	s0 =	simm.s32 @p2 $0x1  }
0x17: {  	s4 =	simm.s32 $0x1BF5;
	[smem:$0x3FB3] =	sst s0  }
0x18: {  	s0 =	sld [smem:$0x3F96];
	_ =	swait.ge [sflag:s4], $0x0  }
0x19: {  	s7 =	sld [smem:$0x3F97]  }
0x1a: {  	s8 =	sadd.s32 $0xFFFFE003, lr  }
0x1b: {  	s9 =	sadd.s32 $0xFFFFFEF7, lr;
	s5 =	simm.s32 $0xFFFFFFFF;
	p2 =	slt.u32 s8, $0xFFFFF086  }
0x1c: {  	p1 =	slt.u32 s9, $0xF7A;
	s5 =	simm.s32 @!p2 $0x0  }
0x1d: {  	s5 =	simm.s32 @p1 $0x1;
	p0 =	seq.s32 s7, s2  }
0x1e: {  	s7 =	smul.u32 @!p0 $0xF7A, s2;
	p2 =	seq.s32 @!p0 s5, $0x0  }
0x1f: {  	s9 =	smul.u32 $0xF7A, s1;
	s8 =	simm.s32 @!p0 $0x1BF5;
	p2 =	por !p2, p0  }
0x20: {  	[sflag:s8] =	ssyncset.s32 @!p0 $0xFFFFF086;
	s6 =	sadd.s32 @!p0 s3, s7;
	s7 =	simm.s32 @!p0 $0x108  }
0x21: {  	s3 =	sadd.s32 s3, s9;
	s6 =	sadd.s32 @!p0 $0x88, s6;
	s7 =	simm.s32 @p2 $0x1082  }
0x22: {  	[simem:s7], [sflag:s8] =	dma.local @!p0 [hbm:s6], $0xF7A  }
0x23: {  	s9 =	sor.u32 $0xD0000000, s2;
	s6 =	simm.s32 $0x108;
	_ =	swait.ge @!p0 [sflag:s8], $0x0  }
0x24: {  	s3 =	sadd.s32 $0x88, s3;
	s6 =	simm.s32 @!p1 $0x1082;
	[sflag:s4] =	ssyncset.s32 $0xFFFFF086  }
0x25: {  	[simem:s6], [sflag:s4] =	dma.local [hbm:s3], $0xF7A  }
0x26: {  	[smem:$0x3F97] =	sst s1;
	(tag) =	ssettag s2;
	_ =	strace s9  }
0x27: {  	s1 =	sld [smem:$0x3FA7]  }
0x28: {  	s2 =	sld [smem:$0x3FA8]  }
0x29: {  	s4 =	sld [smem:$0x3FAA]  }
0x2a: {  	p0 =	seq.s32 s5, $0x0;
	s5 =	sld [smem:$0x3FAB]  }
0x2b: {  	s6 =	sld [smem:$0x3FAC]  }
0x2c: {  	s7 =	sld [smem:$0x3FAD]  }
0x2d: {  	s3 =	simm.s32 $0x108;
	s8 =	sld [smem:$0x3FAE]  }
0x2e: {  	s3 =	simm.s32 @!p0 $0x1082;
	s9 =	sld [smem:$0x3FAF]  }
0x2f: {  	lr =	sadd.s32 s0, s3;
	s0 =	sld [smem:$0x3FA6]  }
0x30: {  	s3 =	sld [smem:$0x3FA9]  }
0x31: {  	[smem:$0x3FB2] =	sst s10  }
0x32: {  	s10 =	sld [smem:$0x3FB0];
	_ =	sdelay $0x3  }
0x33: {  	p0 =	seq.s32 s10, $0x1;
	s10 =	sld [smem:$0x3FB2];
	_ =	sdelay $0x3  }
0x34: {  	[smem:$0x3FB2] =	sst s10  }
0x35: {  	s10 =	sld [smem:$0x3FB1];
	_ =	sdelay $0x3  }
0x36: {  	p1 =	seq.s32 s10, $0x1;
	s10 =	sld [smem:$0x3FB2];
	_ =	sdelay $0x3  }
0x37: {  	[smem:$0x3FB2] =	sst s10  }
0x38: {  	s10 =	sld [smem:$0x3FB3]  }
0x39: {  	_ = 	snop;
	(pc) =	sbr.ind lr, $3  }
0x3a: {  	_ = 	snop  }
0x3b: {  	_ = 	snop  }
0x3c: {  	p2 =	seq.s32 s10, $0x1;
	s10 =	sld [smem:$0x3FB2]  }
0x3d: {  	_ =	shalt  }
0x3e: {  	_ =	shalt  }
0x3f: {  	_ =	shalt  }
0x40: {  	_ =	shalt  }
0x41: {  	_ =	shalt  }
0x42: {  	_ =	shalt  }
0x43: {  	_ =	shalt  }
0x44: {  	_ =	shalt  }
0x45: {  	_ =	shalt  }
0x46: {  	_ =	shalt  }
0x47: {  	_ =	shalt  }
0x48: {  	_ =	shalt  }
0x49: {  	_ =	shalt  }
0x4a: {  	_ =	shalt  }
0x4b: {  	_ =	shalt  }
0x4c: {  	_ =	shalt  }
0x4d: {  	_ =	shalt  }
0x4e: {  	_ =	shalt  }
0x4f: {  	_ =	shalt  }
0x50: {  	_ =	shalt  }
0x51: {  	_ =	shalt  }
0x52: {  	_ =	shalt  }
0x53: {  	_ =	shalt  }
0x54: {  	_ =	shalt  }
0x55: {  	_ =	shalt  }
0x56: {  	_ =	shalt  }
0x57: {  	_ =	shalt  }
0x58: {  	_ =	shalt  }
0x59: {  	_ =	shalt  }
0x5a: {  	_ =	shalt  }
0x5b: {  	_ =	shalt  }
0x5c: {  	_ =	shalt  }
0x5d: {  	_ =	shalt  }
0x5e: {  	_ =	shalt  }
0x5f: {  	_ =	shalt  }
0x60: {  	_ =	shalt  }
0x61: {  	_ =	shalt  }
0x62: {  	_ =	shalt  }
0x63: {  	_ =	shalt  }
0x64: {  	_ =	shalt  }
0x65: {  	_ =	shalt  }
0x66: {  	_ =	shalt  }
0x67: {  	_ =	shalt  }
0x68: {  	_ =	shalt  }
0x69: {  	_ =	shalt  }
0x6a: {  	_ =	shalt  }
0x6b: {  	_ =	shalt  }
0x6c: {  	_ =	shalt  }
0x6d: {  	_ =	shalt  }
0x6e: {  	_ =	shalt  }
0x6f: {  	_ =	shalt  }
0x70: {  	_ =	shalt  }
0x71: {  	_ =	shalt  }
0x72: {  	_ =	shalt  }
0x73: {  	_ =	shalt  }
0x74: {  	_ =	shalt  }
0x75: {  	_ =	shalt  }
0x76: {  	_ =	shalt  }
0x77: {  	_ =	shalt  }
0x78: {  	_ =	shalt  }
0x79: {  	_ =	shalt  }
0x7a: {  	_ =	shalt  }
0x7b: {  	_ =	shalt  }
0x7c: {  	_ =	shalt  }
0x7d: {  	_ =	shalt  }
0x7e: {  	_ =	shalt  }
0x7f: {  	_ =	shalt  }
0x80: {  	_ =	shalt  }
0x81: {  	_ =	shalt  }
0x82: {  	_ =	shalt  }
0x83: {  	_ =	shalt  }
0x84: {  	_ =	shalt  }
0x85: {  	_ =	shalt  }
0x86: {  	_ =	shalt  }
0x87: {  	_ =	shalt  }
.Lfunc_end0:
.L_simem_size_0:
called_computation.2_lowered:
.L_overlay_start_0:
0x88: {  	s2 =	sld [smem:$0x3FD9]  }
0x89: {  	s3 =	sld [smem:$0x3FFE];
	_ =	sdelay $0x1  }
0x8a: {  	s1 =	srdreg.scid  }
0x8b: {  	s0 =	sand.u32 $0x1, s1  }
0x8c: {  	s16 =	sshll.u32 s0, $0xA;
	s2 =	sadd.s32 s3, s2  }
0x8d: {  	s2 =	sadd.s32 s2, s16  }
0x8e: {  	[smem:$0x3FBE] =	sst s2  }
0x8f: {  	_ = 	snop  }
0x90: {  	(tm) =	ssettm $0x1  }
0x91: {  	s17 =	sld [smem:$0x3FFB];
	_ =	sdelay $0x3  }
0x92: {  	_ =	strace s17  }
0x93: {  	s2 =	sld [smem:$0x3FFC];
	_ =	sdelay $0x3  }
0x94: {  	_ =	strace s2  }
0x95: {  	s2 =	sld [smem:$0x3FFD];
	_ =	sdelay $0x3  }
0x96: {  	_ =	strace s2  }
0x97: {  	_ =	strace $0x8FFFFFFF  }
0x98: {  	s18 =	sld [smem:$0x3FDB];
	_ =	sdelay $0x1  }
0x99: {  	s19 =	simm.s32 $_scs_section_size  }
0x9a: {  	s4 =	simm.s32 $_size__tile_overlayer_lowered;
	s5 =	simm.s32 $_tile_overlayer_lowered  }
0x9b: {  	s22 =	simm.s32 $0x1BFF;
	s21 =	sshll.u32 s5, $0x1;
	s2 =	sadd.s32 s19, s18  }
0x9c: {  	s6 =	simm.s32 $0x0;
	s20 =	sshll.u32 s4, $0x1;
	s4 =	sadd.s32 s21, s2  }
0x9d: {  	[timem:s6], [sflag:s22] =	dma.local [hbm:s4], s20  }
0x9e: {  	_ =	swait.ge [sflag:s22], s20  }
0x9f: {  	s3 =	ssub.s32 $0x0, s20;
	[sflag:s22] =	ssyncset.done $0x0  }
0xa0: {  	[sflag:s22] =	ssyncadd.s32 s3;
	_ =	sdelay $0x1  }
0xa1: {  	s23 =	simm.s32 $0x1B8B  }
0xa2: {  	_ =	swait.ge [sflag:s23], $0x1  }
0xa3: {  	[sflag:s23] =	ssyncset.done $0x0  }
0xa4: {  	s25 =	simm.s32 $0x1B8E;
	s24 =	sld [smem:$0x3FFE];
	[sflag:s23] =	ssyncadd.s32 $0xFFFFFFFF  }
0xa5: {  	s26 =	simm.s32 $execute0_lowered;
	[smem:$0x3FD2] =	sst s25  }
0xa6: {  	s4 =	sshll.u32 s26, $0x1;
	_ =	strace $0x8000004C;
	[dreg:$0x1] =	wrdreg $0xFFFFFFFF  }
0xa7: {  	s28 =	simm.s32 $_size_execute0_lowered;
	s2 =	sadd.s32 s2, s4;
	[dreg:$0x0] =	wrdreg $0x0  }
0xa8: {  	s4 =	sshll.u32 s28, $0x1;
	[dreg:$0x2] =	wrdreg s2  }
0xa9: {  	[dreg:$0x3] =	wrdreg s4  }
0xaa: {  	[dreg:$0x4] =	wrdreg $0xC0  }
0xab: {  	_ =	task [dreg:s6], $0x5FFFF  }
0xac: {  	[dreg:$0x1] =	wrdreg $0xFFFFFFFF  }
0xad: {  	[dreg:$0x0] =	wrdreg $0x60  }
0xae: {  	[dreg:$0x2] =	wrdreg s24  }
0xaf: {  	[dreg:$0x3] =	wrdreg $0x178000  }
0xb0: {  	[dreg:$0x4] =	wrdreg $0x150000  }
0xb1: {  	[dreg:$0x5] =	wrdreg $0x9  }
0xb2: {  	_ =	task.clear_ibuf [dreg:s6], $0x6FFFF;
	_ =	strace $0x9000004C  }
0xb3: {  	s29 =	simm.s32 $0x9;
	_ =	strace $0x8000004E  }
0xb4: {  	_ =	swait.ge [sflag:s29], $0x1  }
0xb5: {  	[sflag:s29] =	ssyncadd.s32 $0xFFFFFFFF  }
0xb6: {  	_ =	strace $0x9000004E  }
0xb7: {  	_ =	sfence  }
0xb8: {  	s30 =	sld [smem:$0x0];
	_ =	sdelay $0x2  }
0xb9: {  	s31 =	sshll.u32 s1, $0xD;
	s1 =	sshrl.u32 s1, $0x2  }
0xba: {  	s3 =	sand.u32 $0x4000, s31;
	s1 =	sadd.s32 s1, s30  }
0xbb: {  	s0 =	sor.u32 s3, s0;
	s1 =	sshll.u32 s1, $0x11  }
0xbc: {  	s0 =	sor.u32 s1, s0  }
0xbd: {  	s0 =	sadd.s32 $0x8F2B, s0  }
0xbe: {  	[sflag:s0] =	ssyncadd.remote.s32 $0x1  }
0xbf: {  	_ =	sfence.sel $0xFFFF  }
0xc0: {  	[dreg:$0x0] =	wrdreg $0xFFFFFFFF;
	(pc) =	sbr.abs _section_cstart, $3  }
0xc1: {  	[dreg:$0x1] =	wrdreg $0xFFFFFFFF  }
0xc2: {  	_ =	task.clear_ibuf [dreg:s6], $0x2FFFF;
	_ =	strace $0x9FFFFFFF  }
0xc3: {  	(tm) =	ssettm $0x7FFFFFFF  }
tec
execute0_lowered:
.L_overlay_start_1:
0x0: {  	(tag) =	ssettag $0x1  }
0x1: {  	s5 =	rddreg [dreg:$0x0]  }
0x2: {  	s0 =	srdreg.scid;
	s3 =	rddreg [dreg:$0x1]  }
0x3: {  	s11 =	stileid.u32;
	s2 =	rddreg [dreg:$0x2];
	s17 =	simm.s32 $0x0  }
0x4: {  	s21 =	simm.s32 $0x400;
	s22 =	simm.s32 $0x600;
	s23 =	simm.s32 $0x800  }
0x5: {  	s24 =	simm.s32 $0xA00;
	[smem:$0x7FF] =	sst s17;
	s8 =	sadd.s32 $0x16C00, s5  }
0x6: {  	s31 =	simm.s32 $0xB000;
	_ =	strace $0x8000004D;
	[dreg:$0x4] =	wrdreg s8  }
0x7: {  	s30 =	simm.s32 $0xD000;
	s28 =	simm.s32 $0x11000;
	[dreg:$0xc] =	wrdreg s21  }
0x8: {  	p1 =	por $0x0, $0x0;
	s4 =	sand.u32 $0x1, s0;
	[dreg:$0xd] =	wrdreg s22  }
0x9: {  	s1 =	smul.u32 $0x2800, s11;
	s9 =	sadd.s32 $0x3200, s5;
	[dreg:$0xe] =	wrdreg s23  }
0xa: {  	s0 =	sshll.u32 s4, $0x4;
	[dreg:$0xf] =	wrdreg s24;
	s21 =	simm.s32 $0x1800  }
0xb: {  	s10 =	smul.u32 $0x28000, s4;
	s22 =	simm.s32 $0x1A00;
	[dreg:$0x1d] =	wrdreg s21  }
0xc: {  	s4 =	ssub.s32 $0x2, s4;
	s23 =	simm.s32 $0x1C00;
	[dreg:$0x1e] =	wrdreg s22  }
0xd: {  	s24 =	simm.s32 $0x1E00;
	s0 =	ssub.s32 s11, s0;
	[dreg:$0x1f] =	wrdreg s23  }
0xe: {  	s25 =	sshrl.u32 s1, $0x3;
	s19 =	sadd.s32 s1, s3;
	[smem:$0x7EF] =	sst s24  }
0xf: {  	s21 =	simm.s32 $0xF000;
	s24 =	simm.s32 $0x13000;
	s22 =	simm.s32 $0x4800  }
0x10: {  	s23 =	simm.s32 $0x4A00;
	s6 =	sadd.s32 $0x10, s0;
	s13 =	sadd.s32 s1, s10  }
0x11: {  	s20 =	sshrl.u32 s19, $0x3;
	s10 =	simm.s32 $0x3200;
	[smem:$0x7FB] =	sst s22  }
0x12: {  	s1 =	sadd.s32 s1, s2;
	s19 =	simm.s32 $0x1400;
	[smem:$0x7FC] =	sst s23  }
0x13: {  	p0 =	sgt.s32 s0, $0x0;
	s0 =	simm.s32 $0xD;
	[dreg:$0xb] =	wrdreg s20  }
0x14: {  	s22 =	simm.s32 $0x10;
	s7 =	smul.u32 $0x13, s6;
	[dreg:$0x16] =	wrdreg s10  }
0x15: {  	s15 =	sshrl.u32 s13, $0x3;
	s13 =	simm.s32 $0x3400;
	[dreg:$0x1b] =	wrdreg s19  }
0x16: {  	s6 =	smin.u32 s6, $0x11;
	s20 =	simm.s32 $0x1600;
	[dreg:$0x17] =	wrdreg s13  }
0x17: {  	s29 =	sshrl.u32 s1, $0x3;
	s1 =	simm.s32 $0x3C00;
	[dreg:$0x1c] =	wrdreg s20  }
0x18: {  	[smem:$0x7F2] =	sst s1;
	s13 =	simm.s32 $0x4600;
	s20 =	simm.s32 $0x2400  }
0x19: {  	s6 =	sadd.s32 s6, s7;
	s7 =	sadd.s32 s25, s5;
	[smem:$0x7F7] =	sst s13  }
0x1a: {  	s5 =	sadd.s32 s15, s5;
	s25 =	simm.s32 $0xC00;
	[smem:$0x7FA] =	sst s20  }
0x1b: {  	s15 =	sshll.u32 s11, $0x6;
	s11 =	simm.s32 $0x4200;
	[dreg:$0x10] =	wrdreg s25  }
0x1c: {  	s10 =	simm.s32 $0x2800;
	s14 =	sadd.s32 $0x17200, s7;
	[smem:$0x7F5] =	sst s11  }
0x1d: {  	s19 =	simm.s32 $0x2;
	s5 =	sadd.s32 $0x1C200, s5;
	[dreg:$0x7] =	wrdreg s14  }
0x1e: {  	s1 =	simm.s32 $0xE;
	s7 =	simm.s32 $0x2C00;
	[dreg:$0xa] =	wrdreg s5  }
0x1f: {  	s6 =	sshll.u32 s6, $0x6;
	s25 =	simm.s32 $0x3800;
	[dreg:$0x13] =	wrdreg s7  }
0x20: {  	s26 =	sand.u32 $0x1FFFFFC0, s6;
	s6 =	sadd.s32 s9, s6;
	[smem:$0x7F0] =	sst s25  }
0x21: {  	s13 =	simm.s32 $0x3;
	s14 =	simm.s32 $0x3600;
	[dreg:$0x5] =	wrdreg s6  }
0x22: {  	s20 =	simm.s32 $0x6;
	s25 =	simm.s32 $0x4C00;
	[dreg:$0x18] =	wrdreg s14  }
0x23: {  	s8 =	sadd.s32 s9, s26;
	s26 =	simm.s32 $0xE00;
	[smem:$0x7FD] =	sst s25  }
0x24: {  	s11 =	simm.s32 $0x7;
	s6 =	simm.s32 $0x2A00;
	[dreg:$0x11] =	wrdreg s26  }
0x25: {  	s5 =	simm.s32 $0x13;
	s9 =	simm.s32 $0x3000;
	[dreg:$0x12] =	wrdreg s6  }
0x26: {  	s7 =	simm.s32 $0x200;
	s12 =	sadd.s32 $0x9C40, s8;
	[dreg:$0x15] =	wrdreg s9  }
0x27: {  	s14 =	simm.s32 $0x7000;
	s16 =	sadd.s32 $0x4C0, s8;
	[dreg:$0x6] =	wrdreg s12  }
0x28: {  	s25 =	simm.s32 $0xF;
	s18 =	sadd.s32 $0xA100, s8;
	[dreg:$0x8] =	wrdreg s16  }
0x29: {  	s8 =	simm.s32 $0x2E00;
	s26 =	simm.s32 $0x3A00;
	[dreg:$0x9] =	wrdreg s18  }
0x2a: {  	s6 =	simm.s32 $0x3E00;
	[dreg:$0x14] =	wrdreg s8;
	s12 =	sshrl.u32 s4, $0x1  }
0x2b: {  	s9 =	simm.s32 $0x4000;
	[smem:$0x7F1] =	sst s26;
	s4 =	ssub.s32 s4, s12  }
0x2c: {  	s16 =	simm.s32 $0x1000;
	[smem:$0x7F3] =	sst s6;
	s4 =	smax.u32 s4, $0x1  }
0x2d: {  	s8 =	sor.u32 $0x1C13, s15;
	[smem:$0x7F4] =	sst s9;
	s6 =	sadd.s32 $0xFFFFFFFF, s4  }
0x2e: {  	s18 =	simm.s32 $0x1200;
	[dreg:$0x19] =	wrdreg s16;
	p2 =	sne.s32 s6, $0x0  }
.Ltmp0:
0x2f: {  	[dreg:$0x1a] =	wrdreg s18;
	s12 =	simm.s32 $0x4400;
	(pc) =	sbr.rel @!p2 .LBB2_1-.Ltmp0, $4  }
0x30: {  	s15 =	simm.s32 $0x5000;
	s16 =	simm.s32 $0x2000;
	[smem:$0x7F6] =	sst s12  }
0x31: {  	s26 =	simm.s32 $0x5;
	s18 =	simm.s32 $0x2200;
	[smem:$0x7F8] =	sst s16  }
0x32: {  	s9 =	simm.s32 $0xC;
	[smem:$0x7F9] =	sst s18;
	s12 =	simm.s32 $0x4  }
0x33: {  	s18 =	simm.s32 $0x11;
	s16 =	simm.s32 $0x12;
	s4 =	rddreg [dreg:$0xb]  }
0x34: {  	[smem:$0x7ED] =	sst s6  }
0x35: {  	s6 =	rddreg [dreg:$0x5]  }
0x36: {  	s17 =	rddreg [dreg:$0x7];
	s23 =	simm.s32 $0x0  }
0x37: {  	[tilespmem:s23], [sflag:$0x1] =	stream.linear.gather [hbm4b:s6+s23], $0x2600, $0x38;
	[tilespmem:$0x1A000] =	vst v63  }
0x38: {  	s19 =	rddreg [dreg:$0x6]  }
0x39: {  	[tilespmem:s10], [sflag:$0x2] =	stream.linear.gather [hbm4b:s19+s23], $0x2600, $0x38;
	[tilespmem:$0x1A000] =	vst v63  }
0x3a: {  	[spmem:s4], [sflag:s8] =	dma.local [hbm:s17], $0x500  }
0x3b: {  	_ =	swait.ge [sflag:s5], $0x500  }
0x3c: {  	[sflag:s5] =	ssyncset.done $0x0  }
0x3d: {  	s10 =	rddreg [dreg:$0x4];
	[sflag:s5] =	ssyncadd.s32 $0xFFFFFB00  }
0x3e: {  	[spmem:s29], [sflag:s8] =	dma.local [hbm:s10], $0x500  }
0x3f: {  	_ =	swait.ge [sflag:s5], $0x500  }
0x40: {  	[sflag:s5] =	ssyncset.done $0x0  }
0x41: {  	s17 =	simm.s32 $0x1;
	[sflag:s5] =	ssyncadd.s32 $0xFFFFFB00  }
0x42: {  	_ =	swait.ge [sflag:s17], $0x2600  }
0x43: {  	[sflag:s17] =	ssyncset.done $0x0  }
0x44: {  	s9 =	simm.s32 $0x2;
	[sflag:s17] =	ssyncadd.s32 $0xFFFFDA00  }
0x45: {  	_ =	swait.ge [sflag:s9], $0x2600  }
0x46: {  	s6 =	simm.s32 @!p0 $0x0;
	s19 =	simm.s32 @!p0 $0x13;
	[sflag:s9] =	ssyncset.done $0x0  }
0x47: {  	s4 =	rddreg [dreg:$0x8];
	[sflag:s9] =	ssyncadd.s32 $0xFFFFDA00;
	s9 =	simm.s32 @!p0 $0x2600  }
0x48: {  	[tilespmem:s9], [sflag:$0x13] =	stream.linear.gather @!p0 [hbm4b:s4+s6], $0x200, $0x38;
	[tilespmem:$0x1A000] =	vst v63  }
0x49: {  	_ =	swait.ge @!p0 [sflag:s19], $0x200  }
0x4a: {  	[sflag:s19] =	ssyncset.done @!p0 $0x0  }
0x4b: {  	s9 =	simm.s32 @!p0 $0x4E00;
	s4 =	rddreg [dreg:$0x9];
	[sflag:s19] =	ssyncadd.s32 @!p0 $0xFFFFFE00  }
0x4c: {  	[tilespmem:s9], [sflag:$0x13] =	stream.linear.gather @!p0 [hbm4b:s4+s6], $0x200, $0x38;
	[tilespmem:$0x1A000] =	vst v63  }
0x4d: {  	_ =	swait.ge @!p0 [sflag:s19], $0x200  }
0x4e: {  	[sflag:s19] =	ssyncset.done @!p0 $0x0  }
0x4f: {  	[sflag:s19] =	ssyncadd.s32 @!p0 $0xFFFFFE00  }
0x50: {  	[bflag:$0x0] =	sbarrier.arrive $0xFFFF  }
0x51: {  	[tilespmem:s15], [sflag:$0x3] =	stream.indirect.gather [spmem:s3], $0x10, s23, s7, $0xb8;
	[tilespmem:$0x1A000] =	vst v63  }
0x52: {  	_ = 	snop  }
0x53: {  	[tilespmem:s14], [sflag:$0x4] =	stream.indirect.gather [spmem:s3], $0x10, s7, s7, $0xb8;
	[tilespmem:$0x1A000] =	vst v63  }
0x54: {  	s11 =	simm.s32 $0x9000;
	s19 =	rddreg [dreg:$0xc]  }
0x55: {  	[tilespmem:s11], [sflag:$0x5] =	stream.indirect.gather [spmem:s3], $0x10, s19, s7, $0xb8;
	[tilespmem:$0x1A000] =	vst v63  }
0x56: {  	s23 =	rddreg [dreg:$0xd]  }
0x57: {  	[tilespmem:s31], [sflag:$0x6] =	stream.indirect.gather [spmem:s3], $0x10, s23, s7, $0xb8;
	[tilespmem:$0x1A000] =	vst v63  }
0x58: {  	s19 =	rddreg [dreg:$0xe]  }
0x59: {  	[tilespmem:s30], [sflag:$0x7] =	stream.indirect.gather [spmem:s3], $0x10, s19, s7, $0xb8;
	[tilespmem:$0x1A000] =	vst v63  }
0x5a: {  	s23 =	rddreg [dreg:$0xf]  }
0x5b: {  	[tilespmem:s21], [sflag:$0x8] =	stream.indirect.gather [spmem:s3], $0x10, s23, s7, $0xb8;
	[tilespmem:$0x1A000] =	vst v63  }
0x5c: {  	s19 =	rddreg [dreg:$0x10]  }
0x5d: {  	[tilespmem:s28], [sflag:$0x9] =	stream.indirect.gather [spmem:s3], $0x10, s19, s7, $0xb8;
	[tilespmem:$0x1A000] =	vst v63  }
0x5e: {  	s23 =	rddreg [dreg:$0x11]  }
0x5f: {  	[tilespmem:s24], [sflag:$0xA] =	stream.indirect.gather [spmem:s3], $0x10, s23, s7, $0xb8;
	[tilespmem:$0x1A000] =	vst v63  }
0x60: {  	_ =	swait.ge [sflag:s13], $0x2000  }
0x61: {  	[sflag:s13] =	ssyncset.done $0x0  }
0x62: {  	s17 =	simm.s32 $0x2800;
	[sflag:s13] =	ssyncadd.s32 $0xFFFFE000  }
0x63: {  	[spmem:s2] =	stream.indirect.scatter.add.f32 [tilespmem:s15], [sflag:$0xB], $0x10, s17, s7, $0xb8;
	[tilespmem:$0x1A000] =	vst v63  }
0x64: {  	_ =	swait.ge [sflag:s12], $0x2000  }
0x65: {  	[sflag:s12] =	ssyncset.done $0x0  }
0x66: {  	s17 =	rddreg [dreg:$0x12];
	[sflag:s12] =	ssyncadd.s32 $0xFFFFE000  }
0x67: {  	[spmem:s2] =	stream.indirect.scatter.add.f32 [tilespmem:s14], [sflag:$0xC], $0x10, s17, s7, $0xb8;
	[tilespmem:$0x1A000] =	vst v63  }
0x68: {  	_ =	swait.ge [sflag:s26], $0x2000  }
0x69: {  	[sflag:s26] =	ssyncset.done $0x0  }
0x6a: {  	s19 =	rddreg [dreg:$0x13];
	[sflag:s26] =	ssyncadd.s32 $0xFFFFE000  }
0x6b: {  	[spmem:s2] =	stream.indirect.scatter.add.f32 [tilespmem:s11], [sflag:$0xD], $0x10, s19, s7, $0xb8;
	[tilespmem:$0x1A000] =	vst v63  }
0x6c: {  	_ =	swait.ge [sflag:s20], $0x2000  }
0x6d: {  	[sflag:s20] =	ssyncset.done $0x0  }
0x6e: {  	s5 =	simm.s32 $0x7;
	s23 =	rddreg [dreg:$0x14];
	[sflag:s20] =	ssyncadd.s32 $0xFFFFE000  }
0x6f: {  	[spmem:s2] =	stream.indirect.scatter.add.f32 [tilespmem:s31], [sflag:$0xE], $0x10, s23, s7, $0xb8;
	[tilespmem:$0x1A000] =	vst v63  }
0x70: {  	_ =	swait.ge [sflag:s5], $0x2000  }
0x71: {  	[sflag:s5] =	ssyncset.done $0x0  }
0x72: {  	s23 =	simm.s32 $0x8;
	s17 =	rddreg [dreg:$0x15];
	[sflag:s5] =	ssyncadd.s32 $0xFFFFE000  }
0x73: {  	[spmem:s2] =	stream.indirect.scatter.add.f32 [tilespmem:s30], [sflag:$0xF], $0x10, s17, s7, $0xb8;
	[tilespmem:$0x1A000] =	vst v63  }
0x74: {  	_ =	swait.ge [sflag:s23], $0x2000  }
0x75: {  	[sflag:s23] =	ssyncset.done $0x0  }
0x76: {  	s19 =	rddreg [dreg:$0x16];
	[sflag:s23] =	ssyncadd.s32 $0xFFFFE000  }
0x77: {  	[spmem:s2] =	stream.indirect.scatter.add.f32 [tilespmem:s21], [sflag:$0x10], $0x10, s19, s7, $0xb8;
	[tilespmem:$0x1A000] =	vst v63  }
0x78: {  	s19 =	simm.s32 $0x9  }
0x79: {  	_ =	swait.ge [sflag:s19], $0x2000  }
0x7a: {  	[sflag:s19] =	ssyncset.done $0x0  }
0x7b: {  	s17 =	rddreg [dreg:$0x17];
	[sflag:s19] =	ssyncadd.s32 $0xFFFFE000  }
0x7c: {  	[spmem:s2] =	stream.indirect.scatter.add.f32 [tilespmem:s28], [sflag:$0x11], $0x10, s17, s7, $0xb8;
	[tilespmem:$0x1A000] =	vst v63  }
0x7d: {  	s17 =	simm.s32 $0xA  }
0x7e: {  	_ =	swait.ge [sflag:s17], $0x2000  }
0x7f: {  	[sflag:s17] =	ssyncset.done $0x0  }
0x80: {  	s6 =	simm.s32 $0xB;
	s4 =	rddreg [dreg:$0x18];
	[sflag:s17] =	ssyncadd.s32 $0xFFFFE000  }
0x81: {  	[spmem:s2] =	stream.indirect.scatter.add.f32 [tilespmem:s24], [sflag:$0x12], $0x10, s4, s7, $0xb8;
	[tilespmem:$0x1A000] =	vst v63  }
0x82: {  	_ =	swait.ge [sflag:s6], $0x2000  }
0x83: {  	[sflag:s6] =	ssyncset.done $0x0  }
0x84: {  	s10 =	simm.s32 $0xC;
	s4 =	rddreg [dreg:$0x19];
	[sflag:s6] =	ssyncadd.s32 $0xFFFFE000  }
0x85: {  	[tilespmem:s15], [sflag:$0x3] =	stream.indirect.gather [spmem:s3], $0x10, s4, s7, $0xb8;
	[tilespmem:$0x1A000] =	vst v63  }
0x86: {  	_ =	swait.ge [sflag:s10], $0x2000  }
0x87: {  	[sflag:s10] =	ssyncset.done $0x0  }
0x88: {  	s4 =	rddreg [dreg:$0x1a];
	[sflag:s10] =	ssyncadd.s32 $0xFFFFE000  }
0x89: {  	[tilespmem:s14], [sflag:$0x4] =	stream.indirect.gather [spmem:s3], $0x10, s4, s7, $0xb8;
	[tilespmem:$0x1A000] =	vst v63  }
0x8a: {  	_ =	swait.ge [sflag:s0], $0x2000  }
0x8b: {  	[sflag:s0] =	ssyncset.done $0x0  }
0x8c: {  	s4 =	rddreg [dreg:$0x1b];
	[sflag:s0] =	ssyncadd.s32 $0xFFFFE000  }
0x8d: {  	[tilespmem:s11], [sflag:$0x5] =	stream.indirect.gather [spmem:s3], $0x10, s4, s7, $0xb8;
	[tilespmem:$0x1A000] =	vst v63  }
0x8e: {  	_ =	swait.ge [sflag:s1], $0x2000  }
0x8f: {  	[sflag:s1] =	ssyncset.done $0x0  }
0x90: {  	s4 =	rddreg [dreg:$0x1c];
	[sflag:s1] =	ssyncadd.s32 $0xFFFFE000  }
0x91: {  	[tilespmem:s31], [sflag:$0x6] =	stream.indirect.gather [spmem:s3], $0x10, s4, s7, $0xb8;
	[tilespmem:$0x1A000] =	vst v63  }
0x92: {  	_ =	swait.ge [sflag:s25], $0x2000  }
0x93: {  	[sflag:s25] =	ssyncset.done $0x0  }
0x94: {  	s4 =	rddreg [dreg:$0x1d];
	[sflag:s25] =	ssyncadd.s32 $0xFFFFE000  }
0x95: {  	[tilespmem:s30], [sflag:$0x7] =	stream.indirect.gather [spmem:s3], $0x10, s4, s7, $0xb8;
	[tilespmem:$0x1A000] =	vst v63  }
0x96: {  	_ =	swait.ge [sflag:s22], $0x2000  }
0x97: {  	[sflag:s22] =	ssyncset.done $0x0  }
0x98: {  	s4 =	rddreg [dreg:$0x1e];
	[sflag:s22] =	ssyncadd.s32 $0xFFFFE000  }
0x99: {  	[tilespmem:s21], [sflag:$0x8] =	stream.indirect.gather [spmem:s3], $0x10, s4, s7, $0xb8;
	[tilespmem:$0x1A000] =	vst v63  }
0x9a: {  	_ =	swait.ge [sflag:s18], $0x2000  }
0x9b: {  	[sflag:s18] =	ssyncset.done $0x0  }
0x9c: {  	s4 =	rddreg [dreg:$0x1f];
	[sflag:s18] =	ssyncadd.s32 $0xFFFFE000  }
0x9d: {  	[tilespmem:s28], [sflag:$0x9] =	stream.indirect.gather [spmem:s3], $0x10, s4, s7, $0xb8;
	[tilespmem:$0x1A000] =	vst v63  }
0x9e: {  	_ =	swait.ge [sflag:s16], $0x2000  }
0x9f: {  	s4 =	sld [smem:$0x7EF]  }
0xa0: {  	[sflag:s16] =	ssyncset.done $0x0  }
0xa1: {  	[sflag:s16] =	ssyncadd.s32 $0xFFFFE000  }
0xa2: {  	[tilespmem:s24], [sflag:$0xA] =	stream.indirect.gather [spmem:s3], $0x10, s4, s7, $0xb8;
	[tilespmem:$0x1A000] =	vst v63  }
0xa3: {  	_ =	swait.ge [sflag:s13], $0x2000  }
0xa4: {  	s4 =	sld [smem:$0x7F0]  }
0xa5: {  	[sflag:s13] =	ssyncset.done $0x0  }
0xa6: {  	[sflag:s13] =	ssyncadd.s32 $0xFFFFE000  }
0xa7: {  	[spmem:s2] =	stream.indirect.scatter.add.f32 [tilespmem:s15], [sflag:$0xB], $0x10, s4, s7, $0xb8;
	[tilespmem:$0x1A000] =	vst v63  }
0xa8: {  	_ =	swait.ge [sflag:s12], $0x2000  }
0xa9: {  	s4 =	sld [smem:$0x7F1]  }
0xaa: {  	[sflag:s12] =	ssyncset.done $0x0  }
0xab: {  	[sflag:s12] =	ssyncadd.s32 $0xFFFFE000  }
0xac: {  	[spmem:s2] =	stream.indirect.scatter.add.f32 [tilespmem:s14], [sflag:$0xC], $0x10, s4, s7, $0xb8;
	[tilespmem:$0x1A000] =	vst v63  }
0xad: {  	_ =	swait.ge [sflag:s26], $0x2000  }
0xae: {  	s4 =	sld [smem:$0x7F2]  }
0xaf: {  	[sflag:s26] =	ssyncset.done $0x0  }
0xb0: {  	[sflag:s26] =	ssyncadd.s32 $0xFFFFE000  }
0xb1: {  	[spmem:s2] =	stream.indirect.scatter.add.f32 [tilespmem:s11], [sflag:$0xD], $0x10, s4, s7, $0xb8;
	[tilespmem:$0x1A000] =	vst v63  }
0xb2: {  	_ =	swait.ge [sflag:s20], $0x2000  }
0xb3: {  	s4 =	sld [smem:$0x7F3]  }
0xb4: {  	[sflag:s20] =	ssyncset.done $0x0  }
0xb5: {  	[sflag:s20] =	ssyncadd.s32 $0xFFFFE000  }
0xb6: {  	[spmem:s2] =	stream.indirect.scatter.add.f32 [tilespmem:s31], [sflag:$0xE], $0x10, s4, s7, $0xb8;
	[tilespmem:$0x1A000] =	vst v63  }
0xb7: {  	_ =	swait.ge [sflag:s5], $0x2000  }
0xb8: {  	s20 =	sld [smem:$0x7F4]  }
0xb9: {  	[sflag:s5] =	ssyncset.done $0x0  }
0xba: {  	[sflag:s5] =	ssyncadd.s32 $0xFFFFE000  }
0xbb: {  	[spmem:s2] =	stream.indirect.scatter.add.f32 [tilespmem:s30], [sflag:$0xF], $0x10, s20, s7, $0xb8;
	[tilespmem:$0x1A000] =	vst v63  }
0xbc: {  	_ =	swait.ge [sflag:s23], $0x2000  }
0xbd: {  	s30 =	sld [smem:$0x7F5]  }
0xbe: {  	[sflag:s23] =	ssyncset.done $0x0  }
0xbf: {  	[sflag:s23] =	ssyncadd.s32 $0xFFFFE000  }
0xc0: {  	[spmem:s2] =	stream.indirect.scatter.add.f32 [tilespmem:s21], [sflag:$0x10], $0x10, s30, s7, $0xb8;
	[tilespmem:$0x1A000] =	vst v63  }
0xc1: {  	_ =	swait.ge [sflag:s19], $0x2000  }
0xc2: {  	s31 =	sld [smem:$0x7F6]  }
0xc3: {  	[sflag:s19] =	ssyncset.done $0x0  }
0xc4: {  	[sflag:s19] =	ssyncadd.s32 $0xFFFFE000  }
0xc5: {  	[spmem:s2] =	stream.indirect.scatter.add.f32 [tilespmem:s28], [sflag:$0x11], $0x10, s31, s7, $0xb8;
	[tilespmem:$0x1A000] =	vst v63  }
0xc6: {  	_ =	swait.ge [sflag:s17], $0x2000  }
0xc7: {  	s19 =	sld [smem:$0x7F7]  }
0xc8: {  	[sflag:s17] =	ssyncset.done $0x0  }
0xc9: {  	[sflag:s17] =	ssyncadd.s32 $0xFFFFE000  }
0xca: {  	[spmem:s2] =	stream.indirect.scatter.add.f32 [tilespmem:s24], [sflag:$0x12], $0x10, s19, s7, $0xb8;
	[tilespmem:$0x1A000] =	vst v63  }
0xcb: {  	_ =	swait.ge [sflag:s6], $0x2000  }
0xcc: {  	s20 =	sld [smem:$0x7F8]  }
0xcd: {  	[sflag:s6] =	ssyncset.done $0x0  }
0xce: {  	[sflag:s6] =	ssyncadd.s32 $0xFFFFE000  }
0xcf: {  	[tilespmem:s15], [sflag:$0x3] =	stream.indirect.gather [spmem:s3], $0x10, s20, s7, $0xb8;
	[tilespmem:$0x1A000] =	vst v63  }
0xd0: {  	_ =	swait.ge [sflag:s10], $0x2000  }
0xd1: {  	s21 =	sld [smem:$0x7F9]  }
0xd2: {  	[sflag:s10] =	ssyncset.done $0x0  }
0xd3: {  	[sflag:s10] =	ssyncadd.s32 $0xFFFFE000  }
0xd4: {  	[tilespmem:s14], [sflag:$0x4] =	stream.indirect.gather [spmem:s3], $0x10, s21, s7, $0xb8;
	[tilespmem:$0x1A000] =	vst v63  }
0xd5: {  	_ =	swait.ge [sflag:s0], $0x2000  }
0xd6: {  	s23 =	sld [smem:$0x7FA]  }
0xd7: {  	[sflag:s0] =	ssyncset.done $0x0  }
0xd8: {  	[sflag:s0] =	ssyncadd.s32 $0xFFFFE000  }
0xd9: {  	[tilespmem:s11], [sflag:$0x5] =	stream.indirect.gather [spmem:s3], $0x10, s23, s7, $0xb8;
	[tilespmem:$0x1A000] =	vst v63  }
0xda: {  	_ =	swait.ge [sflag:s1], $0x2000  }
0xdb: {  	s4 =	simm.s32 @!p0 $0x2600;
	[sflag:s1] =	ssyncset.done $0x0  }
0xdc: {  	s0 =	simm.s32 @!p0 $0x200;
	[sflag:s1] =	ssyncadd.s32 $0xFFFFE000;
	s1 =	simm.s32 @!p0 $0xB000  }
0xdd: {  	[tilespmem:s1], [sflag:$0x6] =	stream.indirect.gather @!p0 [spmem:s3], $0x10, s4, s0, $0xb8;
	[tilespmem:$0x1A000] =	vst v63  }
0xde: {  	_ =	swait.ge [sflag:s25], $0x2000  }
0xdf: {  	[sflag:s25] =	ssyncset.done $0x0  }
0xe0: {  	[sflag:s25] =	ssyncadd.s32 $0xFFFFE000  }
0xe1: {  	_ =	swait.ge [sflag:s22], $0x2000  }
0xe2: {  	[sflag:s22] =	ssyncset.done $0x0  }
0xe3: {  	[sflag:s22] =	ssyncadd.s32 $0xFFFFE000  }
0xe4: {  	_ =	swait.ge [sflag:s18], $0x2000  }
0xe5: {  	[sflag:s18] =	ssyncset.done $0x0  }
0xe6: {  	[sflag:s18] =	ssyncadd.s32 $0xFFFFE000  }
0xe7: {  	_ =	swait.ge [sflag:s16], $0x2000  }
0xe8: {  	[sflag:s16] =	ssyncset.done $0x0  }
0xe9: {  	[sflag:s16] =	ssyncadd.s32 $0xFFFFE000  }
0xea: {  	_ =	swait.ge [sflag:s13], $0x2000  }
0xeb: {  	s24 =	sld [smem:$0x7FB]  }
0xec: {  	[sflag:s13] =	ssyncset.done $0x0  }
0xed: {  	[sflag:s13] =	ssyncadd.s32 $0xFFFFE000  }
0xee: {  	[spmem:s2] =	stream.indirect.scatter.add.f32 [tilespmem:s15], [sflag:$0xB], $0x10, s24, s7, $0xb8;
	[tilespmem:$0x1A000] =	vst v63  }
0xef: {  	_ =	swait.ge [sflag:s12], $0x2000  }
0xf0: {  	s25 =	sld [smem:$0x7FC]  }
0xf1: {  	[sflag:s12] =	ssyncset.done $0x0  }
0xf2: {  	[sflag:s12] =	ssyncadd.s32 $0xFFFFE000  }
0xf3: {  	[spmem:s2] =	stream.indirect.scatter.add.f32 [tilespmem:s14], [sflag:$0xC], $0x10, s25, s7, $0xb8;
	[tilespmem:$0x1A000] =	vst v63  }
0xf4: {  	_ =	swait.ge [sflag:s26], $0x2000  }
0xf5: {  	s28 =	sld [smem:$0x7FD]  }
0xf6: {  	[sflag:s26] =	ssyncset.done $0x0  }
0xf7: {  	s6 =	simm.s32 @!p0 $0x6;
	[sflag:s26] =	ssyncadd.s32 $0xFFFFE000  }
0xf8: {  	[spmem:s2] =	stream.indirect.scatter.add.f32 [tilespmem:s11], [sflag:$0xD], $0x10, s28, s7, $0xb8;
	[tilespmem:$0x1A000] =	vst v63  }
0xf9: {  	_ =	swait.ge @!p0 [sflag:s6], $0x2000  }
0xfa: {  	[sflag:s6] =	ssyncset.done @!p0 $0x0  }
0xfb: {  	s9 =	simm.s32 @!p0 $0x4E00;
	s4 =	simm.s32 @!p0 $0xB;
	[sflag:s6] =	ssyncadd.s32 @!p0 $0xFFFFE000  }
0xfc: {  	[spmem:s2] =	stream.indirect.scatter.add.f32 @!p0 [tilespmem:s1], [sflag:$0xE], $0x10, s9, s0, $0xb8;
	[tilespmem:$0x1A000] =	vst v63  }
0xfd: {  	_ =	swait.ge @!p0 [sflag:s4], $0x2000  }
0xfe: {  	s0 =	simm.s32 @!p0 $0xC;
	[sflag:s4] =	ssyncset.done @!p0 $0x0  }
0xff: {  	s0 =	simm.s32 @p0 $0xB;
	[sflag:s4] =	ssyncadd.s32 @!p0 $0xFFFFE000  }
0x100: {  	_ =	swait.ge [sflag:s0], $0x2000  }
0x101: {  	s1 =	simm.s32 @!p0 $0xD;
	[sflag:s0] =	ssyncset.done $0x0  }
0x102: {  	s1 =	simm.s32 @p0 $0xC;
	[smem:$0x7EA] =	sst s0;
	[sflag:s0] =	ssyncadd.s32 $0xFFFFE000  }
0x103: {  	_ =	swait.ge [sflag:s1], $0x2000  }
0x104: {  	s0 =	simm.s32 @!p0 $0xE;
	[sflag:s1] =	ssyncset.done $0x0  }
0x105: {  	s0 =	simm.s32 @p0 $0xD;
	[smem:$0x7EB] =	sst s1;
	[sflag:s1] =	ssyncadd.s32 $0xFFFFE000  }
0x106: {  	_ =	swait.ge [sflag:s0], $0x2000  }
0x107: {  	[sflag:s0] =	ssyncset.done $0x0  }
0x108: {  	[smem:$0x7EC] =	sst s0;
	[sflag:s0] =	ssyncadd.s32 $0xFFFFE000  }
0x109: {  	[bflag:$0x0] =	sbarrier.arrive $0xFFFF  }
0x10a: {  	s31 =	sld [smem:$0x7ED];
	_ =	sdelay $0x2  }
0x10b: {  	s23 =	sadd.s32 $0xFFFFFFFF, s31  }
0x10c: {  	p2 =	sne.s32 s23, $0x0  }
.Ltmp1:
0x10d: {  	s5 =	simm.s32 $0x13;
	s30 =	rddreg [dreg:$0xa];
	(pc) =	sbr.rel @!p2 .LBB2_7-.Ltmp1, $4  }
0x10e: {  	[hbm:s30], [sflag:s8] =	dma.local [spmem:s29], $0x500  }
0x10f: {  	_ =	swait.ge [sflag:s5], $0x500  }
0x110: {  	p1 =	por $0x1, $0x1;
	s4 =	rddreg [dreg:$0xb]  }
0x111: {  	s10 =	simm.s32 $0x5;
	[sflag:s5] =	ssyncset.done $0x0;
	[smem:$0x7EE] =	sst s29  }
0x112: {  	s22 =	simm.s32 $0x5000;
	s16 =	simm.s32 $0x7000;
	s15 =	simm.s32 $0x9000  }
0x113: {  	s21 =	simm.s32 $0xB000;
	s30 =	simm.s32 $0xD000;
	s20 =	simm.s32 $0xF000  }
0x114: {  	s26 =	simm.s32 $0x11000;
	s11 =	simm.s32 $0x13000;
	s14 =	simm.s32 $0x6  }
0x115: {  	s19 =	simm.s32 $0x3;
	s9 =	simm.s32 $0xD;
	s25 =	simm.s32 $0xE  }
0x116: {  	s28 =	simm.s32 $0x10;
	s18 =	simm.s32 $0x11;
	s24 =	simm.s32 $0x12  }
.LBB2_4:
0x117: {  	s6 =	rddreg [dreg:$0x5]  }
0x118: {  	[sflag:s5] =	ssyncadd.s32 $0xFFFFFB00;
	s17 =	rddreg [dreg:$0x7];
	s0 =	simm.s32 $0x0  }
0x119: {  	[tilespmem:s0], [sflag:$0x1] =	stream.linear.gather [hbm4b:s6+s0], $0x2600, $0x38;
	[tilespmem:$0x1A000] =	vst v63  }
0x11a: {  	s29 =	smov.u32 s8;
	s1 =	rddreg [dreg:$0x6];
	s31 =	simm.s32 $0x2800  }
0x11b: {  	[tilespmem:s31], [sflag:$0x2] =	stream.linear.gather [hbm4b:s1+s0], $0x2600, $0x38;
	[tilespmem:$0x1A000] =	vst v63  }
0x11c: {  	[spmem:s4], [sflag:s29] =	dma.local [hbm:s17], $0x500  }
0x11d: {  	_ =	swait.ge [sflag:s5], $0x500  }
0x11e: {  	s1 =	sld [smem:$0x7EE]  }
0x11f: {  	[sflag:s5] =	ssyncset.done $0x0  }
0x120: {  	s17 =	rddreg [dreg:$0x4];
	[sflag:s5] =	ssyncadd.s32 $0xFFFFFB00  }
0x121: {  	[spmem:s1], [sflag:s29] =	dma.local [hbm:s17], $0x500  }
0x122: {  	_ =	swait.ge [sflag:s5], $0x500  }
0x123: {  	[sflag:s5] =	ssyncset.done $0x0  }
0x124: {  	s6 =	simm.s32 $0x1;
	[sflag:s5] =	ssyncadd.s32 $0xFFFFFB00  }
0x125: {  	_ =	swait.ge [sflag:s6], $0x2600  }
0x126: {  	[sflag:s6] =	ssyncset.done $0x0  }
0x127: {  	s17 =	simm.s32 $0x2;
	[sflag:s6] =	ssyncadd.s32 $0xFFFFDA00  }
0x128: {  	_ =	swait.ge [sflag:s17], $0x2600  }
0x129: {  	s1 =	simm.s32 @!p0 $0x2600;
	s6 =	simm.s32 @!p0 $0x0;
	[sflag:s17] =	ssyncset.done $0x0  }
0x12a: {  	s4 =	rddreg [dreg:$0x8];
	[sflag:s17] =	ssyncadd.s32 $0xFFFFDA00;
	s17 =	simm.s32 @!p0 $0x13  }
0x12b: {  	[tilespmem:s1], [sflag:$0x13] =	stream.linear.gather @!p0 [hbm4b:s4+s6], $0x200, $0x38;
	[tilespmem:$0x1A000] =	vst v63  }
0x12c: {  	_ =	swait.ge @!p0 [sflag:s17], $0x200  }
0x12d: {  	[sflag:s17] =	ssyncset.done @!p0 $0x0  }
0x12e: {  	s1 =	simm.s32 @!p0 $0x4E00;
	s4 =	rddreg [dreg:$0x9];
	[sflag:s17] =	ssyncadd.s32 @!p0 $0xFFFFFE00  }
0x12f: {  	[tilespmem:s1], [sflag:$0x13] =	stream.linear.gather @!p0 [hbm4b:s4+s6], $0x200, $0x38;
	[tilespmem:$0x1A000] =	vst v63  }
0x130: {  	_ =	swait.ge @!p0 [sflag:s17], $0x200  }
0x131: {  	[sflag:s17] =	ssyncset.done @!p0 $0x0  }
0x132: {  	[sflag:s17] =	ssyncadd.s32 @!p0 $0xFFFFFE00  }
0x133: {  	[bflag:$0x0] =	sbarrier.arrive $0xFFFF  }
0x134: {  	[tilespmem:s22], [sflag:$0x3] =	stream.indirect.gather [spmem:s3], $0x10, s0, s7, $0xb8;
	[tilespmem:$0x1A000] =	vst v63  }
0x135: {  	_ = 	snop  }
0x136: {  	[tilespmem:s16], [sflag:$0x4] =	stream.indirect.gather [spmem:s3], $0x10, s7, s7, $0xb8;
	[tilespmem:$0x1A000] =	vst v63  }
0x137: {  	s1 =	rddreg [dreg:$0xc]  }
0x138: {  	[tilespmem:s15], [sflag:$0x5] =	stream.indirect.gather [spmem:s3], $0x10, s1, s7, $0xb8;
	[tilespmem:$0x1A000] =	vst v63  }
0x139: {  	s5 =	rddreg [dreg:$0xd]  }
0x13a: {  	[tilespmem:s21], [sflag:$0x6] =	stream.indirect.gather [spmem:s3], $0x10, s5, s7, $0xb8;
	[tilespmem:$0x1A000] =	vst v63  }
0x13b: {  	s17 =	rddreg [dreg:$0xe]  }
0x13c: {  	[tilespmem:s30], [sflag:$0x7] =	stream.indirect.gather [spmem:s3], $0x10, s17, s7, $0xb8;
	[tilespmem:$0x1A000] =	vst v63  }
0x13d: {  	s0 =	rddreg [dreg:$0xf]  }
0x13e: {  	[tilespmem:s20], [sflag:$0x8] =	stream.indirect.gather [spmem:s3], $0x10, s0, s7, $0xb8;
	[tilespmem:$0x1A000] =	vst v63  }
0x13f: {  	s1 =	rddreg [dreg:$0x10]  }
0x140: {  	[tilespmem:s26], [sflag:$0x9] =	stream.indirect.gather [spmem:s3], $0x10, s1, s7, $0xb8;
	[tilespmem:$0x1A000] =	vst v63  }
0x141: {  	s5 =	rddreg [dreg:$0x11]  }
0x142: {  	[tilespmem:s11], [sflag:$0xA] =	stream.indirect.gather [spmem:s3], $0x10, s5, s7, $0xb8;
	[tilespmem:$0x1A000] =	vst v63  }
0x143: {  	_ =	swait.ge [sflag:s13], $0x2000  }
0x144: {  	[sflag:s13] =	ssyncset.done $0x0  }
0x145: {  	[sflag:s13] =	ssyncadd.s32 $0xFFFFE000  }
0x146: {  	[spmem:s2] =	stream.indirect.scatter.add.f32 [tilespmem:s22], [sflag:$0xB], $0x10, s31, s7, $0xb8;
	[tilespmem:$0x1A000] =	vst v63  }
0x147: {  	_ =	swait.ge [sflag:s12], $0x2000  }
0x148: {  	[sflag:s12] =	ssyncset.done $0x0  }
0x149: {  	s13 =	rddreg [dreg:$0x12];
	[sflag:s12] =	ssyncadd.s32 $0xFFFFE000  }
0x14a: {  	[spmem:s2] =	stream.indirect.scatter.add.f32 [tilespmem:s16], [sflag:$0xC], $0x10, s13, s7, $0xb8;
	[tilespmem:$0x1A000] =	vst v63  }
0x14b: {  	_ =	swait.ge [sflag:s10], $0x2000  }
0x14c: {  	[sflag:s10] =	ssyncset.done $0x0  }
0x14d: {  	s17 =	rddreg [dreg:$0x13];
	[sflag:s10] =	ssyncadd.s32 $0xFFFFE000  }
0x14e: {  	[spmem:s2] =	stream.indirect.scatter.add.f32 [tilespmem:s15], [sflag:$0xD], $0x10, s17, s7, $0xb8;
	[tilespmem:$0x1A000] =	vst v63  }
0x14f: {  	_ =	swait.ge [sflag:s14], $0x2000  }
0x150: {  	[sflag:s14] =	ssyncset.done $0x0  }
0x151: {  	s5 =	simm.s32 $0x7;
	s31 =	rddreg [dreg:$0x14];
	[sflag:s14] =	ssyncadd.s32 $0xFFFFE000  }
0x152: {  	[spmem:s2] =	stream.indirect.scatter.add.f32 [tilespmem:s21], [sflag:$0xE], $0x10, s31, s7, $0xb8;
	[tilespmem:$0x1A000] =	vst v63  }
0x153: {  	_ =	swait.ge [sflag:s5], $0x2000  }
0x154: {  	[sflag:s5] =	ssyncset.done $0x0  }
0x155: {  	s0 =	rddreg [dreg:$0x15];
	[sflag:s5] =	ssyncadd.s32 $0xFFFFE000  }
0x156: {  	[spmem:s2] =	stream.indirect.scatter.add.f32 [tilespmem:s30], [sflag:$0xF], $0x10, s0, s7, $0xb8;
	[tilespmem:$0x1A000] =	vst v63  }
0x157: {  	s0 =	simm.s32 $0x8  }
0x158: {  	_ =	swait.ge [sflag:s0], $0x2000  }
0x159: {  	[sflag:s0] =	ssyncset.done $0x0  }
0x15a: {  	s31 =	simm.s32 $0x9;
	s1 =	rddreg [dreg:$0x16];
	[sflag:s0] =	ssyncadd.s32 $0xFFFFE000  }
0x15b: {  	[spmem:s2] =	stream.indirect.scatter.add.f32 [tilespmem:s20], [sflag:$0x10], $0x10, s1, s7, $0xb8;
	[tilespmem:$0x1A000] =	vst v63  }
0x15c: {  	_ =	swait.ge [sflag:s31], $0x2000  }
0x15d: {  	[sflag:s31] =	ssyncset.done $0x0  }
0x15e: {  	s17 =	simm.s32 $0xA;
	s10 =	rddreg [dreg:$0x17];
	[sflag:s31] =	ssyncadd.s32 $0xFFFFE000  }
0x15f: {  	[spmem:s2] =	stream.indirect.scatter.add.f32 [tilespmem:s26], [sflag:$0x11], $0x10, s10, s7, $0xb8;
	[tilespmem:$0x1A000] =	vst v63  }
0x160: {  	_ =	swait.ge [sflag:s17], $0x2000  }
0x161: {  	[sflag:s17] =	ssyncset.done $0x0  }
0x162: {  	s6 =	simm.s32 $0xB;
	s12 =	rddreg [dreg:$0x18];
	[sflag:s17] =	ssyncadd.s32 $0xFFFFE000  }
0x163: {  	[spmem:s2] =	stream.indirect.scatter.add.f32 [tilespmem:s11], [sflag:$0x12], $0x10, s12, s7, $0xb8;
	[tilespmem:$0x1A000] =	vst v63  }
0x164: {  	_ =	swait.ge [sflag:s6], $0x2000  }
0x165: {  	[sflag:s6] =	ssyncset.done $0x0  }
0x166: {  	s10 =	simm.s32 $0xC;
	s13 =	rddreg [dreg:$0x19];
	[sflag:s6] =	ssyncadd.s32 $0xFFFFE000  }
0x167: {  	[tilespmem:s22], [sflag:$0x3] =	stream.indirect.gather [spmem:s3], $0x10, s13, s7, $0xb8;
	[tilespmem:$0x1A000] =	vst v63  }
0x168: {  	_ =	swait.ge [sflag:s10], $0x2000  }
0x169: {  	[sflag:s10] =	ssyncset.done $0x0  }
0x16a: {  	s1 =	rddreg [dreg:$0x1a];
	[sflag:s10] =	ssyncadd.s32 $0xFFFFE000  }
0x16b: {  	[tilespmem:s16], [sflag:$0x4] =	stream.indirect.gather [spmem:s3], $0x10, s1, s7, $0xb8;
	[tilespmem:$0x1A000] =	vst v63  }
0x16c: {  	_ =	swait.ge [sflag:s9], $0x2000  }
0x16d: {  	[sflag:s9] =	ssyncset.done $0x0  }
0x16e: {  	s1 =	rddreg [dreg:$0x1b];
	[sflag:s9] =	ssyncadd.s32 $0xFFFFE000  }
0x16f: {  	[tilespmem:s15], [sflag:$0x5] =	stream.indirect.gather [spmem:s3], $0x10, s1, s7, $0xb8;
	[tilespmem:$0x1A000] =	vst v63  }
0x170: {  	_ =	swait.ge [sflag:s25], $0x2000  }
0x171: {  	[sflag:s25] =	ssyncset.done $0x0  }
0x172: {  	s1 =	rddreg [dreg:$0x1c];
	[sflag:s25] =	ssyncadd.s32 $0xFFFFE000  }
0x173: {  	[tilespmem:s21], [sflag:$0x6] =	stream.indirect.gather [spmem:s3], $0x10, s1, s7, $0xb8;
	[tilespmem:$0x1A000] =	vst v63  }
0x174: {  	s1 =	simm.s32 $0xF  }
0x175: {  	_ =	swait.ge [sflag:s1], $0x2000  }
0x176: {  	[sflag:s1] =	ssyncset.done $0x0  }
0x177: {  	s4 =	rddreg [dreg:$0x1d];
	[sflag:s1] =	ssyncadd.s32 $0xFFFFE000  }
0x178: {  	[tilespmem:s30], [sflag:$0x7] =	stream.indirect.gather [spmem:s3], $0x10, s4, s7, $0xb8;
	[tilespmem:$0x1A000] =	vst v63  }
0x179: {  	_ =	swait.ge [sflag:s28], $0x2000  }
0x17a: {  	[sflag:s28] =	ssyncset.done $0x0  }
0x17b: {  	s4 =	rddreg [dreg:$0x1e];
	[sflag:s28] =	ssyncadd.s32 $0xFFFFE000  }
0x17c: {  	[tilespmem:s20], [sflag:$0x8] =	stream.indirect.gather [spmem:s3], $0x10, s4, s7, $0xb8;
	[tilespmem:$0x1A000] =	vst v63  }
0x17d: {  	_ =	swait.ge [sflag:s18], $0x2000  }
0x17e: {  	[sflag:s18] =	ssyncset.done $0x0  }
0x17f: {  	s4 =	rddreg [dreg:$0x1f];
	[sflag:s18] =	ssyncadd.s32 $0xFFFFE000  }
0x180: {  	[tilespmem:s26], [sflag:$0x9] =	stream.indirect.gather [spmem:s3], $0x10, s4, s7, $0xb8;
	[tilespmem:$0x1A000] =	vst v63  }
0x181: {  	_ =	swait.ge [sflag:s24], $0x2000  }
0x182: {  	s4 =	sld [smem:$0x7EF]  }
0x183: {  	[sflag:s24] =	ssyncset.done $0x0  }
0x184: {  	[sflag:s24] =	ssyncadd.s32 $0xFFFFE000  }
0x185: {  	[tilespmem:s11], [sflag:$0xA] =	stream.indirect.gather [spmem:s3], $0x10, s4, s7, $0xb8;
	[tilespmem:$0x1A000] =	vst v63  }
0x186: {  	_ =	swait.ge [sflag:s19], $0x2000  }
0x187: {  	s4 =	sld [smem:$0x7F0]  }
0x188: {  	[sflag:s19] =	ssyncset.done $0x0  }
0x189: {  	s13 =	simm.s32 $0x4;
	[sflag:s19] =	ssyncadd.s32 $0xFFFFE000  }
0x18a: {  	[spmem:s2] =	stream.indirect.scatter.add.f32 [tilespmem:s22], [sflag:$0xB], $0x10, s4, s7, $0xb8;
	[tilespmem:$0x1A000] =	vst v63  }
0x18b: {  	_ =	swait.ge [sflag:s13], $0x2000  }
0x18c: {  	s4 =	sld [smem:$0x7F1]  }
0x18d: {  	[sflag:s13] =	ssyncset.done $0x0  }
0x18e: {  	s12 =	simm.s32 $0x5;
	[sflag:s13] =	ssyncadd.s32 $0xFFFFE000  }
0x18f: {  	[spmem:s2] =	stream.indirect.scatter.add.f32 [tilespmem:s16], [sflag:$0xC], $0x10, s4, s7, $0xb8;
	[tilespmem:$0x1A000] =	vst v63  }
0x190: {  	_ =	swait.ge [sflag:s12], $0x2000  }
0x191: {  	s4 =	sld [smem:$0x7F2]  }
0x192: {  	[sflag:s12] =	ssyncset.done $0x0  }
0x193: {  	[sflag:s12] =	ssyncadd.s32 $0xFFFFE000  }
0x194: {  	[spmem:s2] =	stream.indirect.scatter.add.f32 [tilespmem:s15], [sflag:$0xD], $0x10, s4, s7, $0xb8;
	[tilespmem:$0x1A000] =	vst v63  }
0x195: {  	_ =	swait.ge [sflag:s14], $0x2000  }
0x196: {  	s4 =	sld [smem:$0x7F3]  }
0x197: {  	[sflag:s14] =	ssyncset.done $0x0  }
0x198: {  	[sflag:s14] =	ssyncadd.s32 $0xFFFFE000  }
0x199: {  	[spmem:s2] =	stream.indirect.scatter.add.f32 [tilespmem:s21], [sflag:$0xE], $0x10, s4, s7, $0xb8;
	[tilespmem:$0x1A000] =	vst v63  }
0x19a: {  	_ =	swait.ge [sflag:s5], $0x2000  }
0x19b: {  	s4 =	sld [smem:$0x7F4]  }
0x19c: {  	[sflag:s5] =	ssyncset.done $0x0  }
0x19d: {  	[sflag:s5] =	ssyncadd.s32 $0xFFFFE000  }
0x19e: {  	[spmem:s2] =	stream.indirect.scatter.add.f32 [tilespmem:s30], [sflag:$0xF], $0x10, s4, s7, $0xb8;
	[tilespmem:$0x1A000] =	vst v63  }
0x19f: {  	_ =	swait.ge [sflag:s0], $0x2000  }
0x1a0: {  	s4 =	sld [smem:$0x7F5]  }
0x1a1: {  	[sflag:s0] =	ssyncset.done $0x0  }
0x1a2: {  	[sflag:s0] =	ssyncadd.s32 $0xFFFFE000  }
0x1a3: {  	[spmem:s2] =	stream.indirect.scatter.add.f32 [tilespmem:s20], [sflag:$0x10], $0x10, s4, s7, $0xb8;
	[tilespmem:$0x1A000] =	vst v63  }
0x1a4: {  	_ =	swait.ge [sflag:s31], $0x2000  }
0x1a5: {  	s0 =	sld [smem:$0x7F6]  }
0x1a6: {  	[sflag:s31] =	ssyncset.done $0x0  }
0x1a7: {  	[sflag:s31] =	ssyncadd.s32 $0xFFFFE000  }
0x1a8: {  	[spmem:s2] =	stream.indirect.scatter.add.f32 [tilespmem:s26], [sflag:$0x11], $0x10, s0, s7, $0xb8;
	[tilespmem:$0x1A000] =	vst v63  }
0x1a9: {  	_ =	swait.ge [sflag:s17], $0x2000  }
0x1aa: {  	s0 =	sld [smem:$0x7F7]  }
0x1ab: {  	[sflag:s17] =	ssyncset.done $0x0  }
0x1ac: {  	[sflag:s17] =	ssyncadd.s32 $0xFFFFE000  }
0x1ad: {  	[spmem:s2] =	stream.indirect.scatter.add.f32 [tilespmem:s11], [sflag:$0x12], $0x10, s0, s7, $0xb8;
	[tilespmem:$0x1A000] =	vst v63  }
0x1ae: {  	_ =	swait.ge [sflag:s6], $0x2000  }
0x1af: {  	s17 =	sld [smem:$0x7F8]  }
0x1b0: {  	[sflag:s6] =	ssyncset.done $0x0  }
0x1b1: {  	[sflag:s6] =	ssyncadd.s32 $0xFFFFE000  }
0x1b2: {  	[tilespmem:s22], [sflag:$0x3] =	stream.indirect.gather [spmem:s3], $0x10, s17, s7, $0xb8;
	[tilespmem:$0x1A000] =	vst v63  }
0x1b3: {  	_ =	swait.ge [sflag:s10], $0x2000  }
0x1b4: {  	s31 =	sld [smem:$0x7F9]  }
0x1b5: {  	[sflag:s10] =	ssyncset.done $0x0  }
0x1b6: {  	[sflag:s10] =	ssyncadd.s32 $0xFFFFE000  }
0x1b7: {  	[tilespmem:s16], [sflag:$0x4] =	stream.indirect.gather [spmem:s3], $0x10, s31, s7, $0xb8;
	[tilespmem:$0x1A000] =	vst v63  }
0x1b8: {  	_ =	swait.ge [sflag:s9], $0x2000  }
0x1b9: {  	s0 =	sld [smem:$0x7FA]  }
0x1ba: {  	[sflag:s9] =	ssyncset.done $0x0  }
0x1bb: {  	[sflag:s9] =	ssyncadd.s32 $0xFFFFE000  }
0x1bc: {  	[tilespmem:s15], [sflag:$0x5] =	stream.indirect.gather [spmem:s3], $0x10, s0, s7, $0xb8;
	[tilespmem:$0x1A000] =	vst v63  }
0x1bd: {  	_ =	swait.ge [sflag:s25], $0x2000  }
0x1be: {  	s4 =	simm.s32 @!p0 $0x2600;
	[sflag:s25] =	ssyncset.done $0x0  }
0x1bf: {  	s6 =	simm.s32 @!p0 $0xB000;
	s0 =	simm.s32 @!p0 $0x200;
	[sflag:s25] =	ssyncadd.s32 $0xFFFFE000  }
0x1c0: {  	[tilespmem:s6], [sflag:$0x6] =	stream.indirect.gather @!p0 [spmem:s3], $0x10, s4, s0, $0xb8;
	[tilespmem:$0x1A000] =	vst v63  }
0x1c1: {  	_ =	swait.ge [sflag:s1], $0x2000  }
0x1c2: {  	[sflag:s1] =	ssyncset.done $0x0  }
0x1c3: {  	[sflag:s1] =	ssyncadd.s32 $0xFFFFE000  }
0x1c4: {  	_ =	swait.ge [sflag:s28], $0x2000  }
0x1c5: {  	[sflag:s28] =	ssyncset.done $0x0  }
0x1c6: {  	[sflag:s28] =	ssyncadd.s32 $0xFFFFE000  }
0x1c7: {  	_ =	swait.ge [sflag:s18], $0x2000  }
0x1c8: {  	[sflag:s18] =	ssyncset.done $0x0  }
0x1c9: {  	[sflag:s18] =	ssyncadd.s32 $0xFFFFE000  }
0x1ca: {  	_ =	swait.ge [sflag:s24], $0x2000  }
0x1cb: {  	[sflag:s24] =	ssyncset.done $0x0  }
0x1cc: {  	s13 =	simm.s32 $0x3;
	[sflag:s24] =	ssyncadd.s32 $0xFFFFE000  }
0x1cd: {  	_ =	swait.ge [sflag:s13], $0x2000  }
0x1ce: {  	s1 =	sld [smem:$0x7FB]  }
0x1cf: {  	[sflag:s13] =	ssyncset.done $0x0  }
0x1d0: {  	s12 =	simm.s32 $0x4;
	[sflag:s13] =	ssyncadd.s32 $0xFFFFE000  }
0x1d1: {  	[spmem:s2] =	stream.indirect.scatter.add.f32 [tilespmem:s22], [sflag:$0xB], $0x10, s1, s7, $0xb8;
	[tilespmem:$0x1A000] =	vst v63  }
0x1d2: {  	_ =	swait.ge [sflag:s12], $0x2000  }
0x1d3: {  	s17 =	sld [smem:$0x7FC]  }
0x1d4: {  	[sflag:s12] =	ssyncset.done $0x0  }
0x1d5: {  	s10 =	simm.s32 $0x5;
	[sflag:s12] =	ssyncadd.s32 $0xFFFFE000  }
0x1d6: {  	[spmem:s2] =	stream.indirect.scatter.add.f32 [tilespmem:s16], [sflag:$0xC], $0x10, s17, s7, $0xb8;
	[tilespmem:$0x1A000] =	vst v63  }
0x1d7: {  	_ =	swait.ge [sflag:s10], $0x2000  }
0x1d8: {  	s31 =	sld [smem:$0x7FD]  }
0x1d9: {  	[sflag:s10] =	ssyncset.done $0x0  }
0x1da: {  	s4 =	simm.s32 @!p0 $0x6;
	[sflag:s10] =	ssyncadd.s32 $0xFFFFE000  }
0x1db: {  	[spmem:s2] =	stream.indirect.scatter.add.f32 [tilespmem:s15], [sflag:$0xD], $0x10, s31, s7, $0xb8;
	[tilespmem:$0x1A000] =	vst v63  }
0x1dc: {  	_ =	swait.ge @!p0 [sflag:s4], $0x2000  }
0x1dd: {  	[sflag:s4] =	ssyncset.done @!p0 $0x0  }
0x1de: {  	s1 =	simm.s32 @!p0 $0x4E00;
	[sflag:s4] =	ssyncadd.s32 @!p0 $0xFFFFE000  }
0x1df: {  	[spmem:s2] =	stream.indirect.scatter.add.f32 @!p0 [tilespmem:s6], [sflag:$0xE], $0x10, s1, s0, $0xb8;
	[tilespmem:$0x1A000] =	vst v63  }
0x1e0: {  	s0 =	simm.s32 @!p0 $0xB  }
0x1e1: {  	_ =	swait.ge @!p0 [sflag:s0], $0x2000  }
0x1e2: {  	s1 =	sld [smem:$0x7EA]  }
0x1e3: {  	[sflag:s0] =	ssyncset.done @!p0 $0x0  }
0x1e4: {  	[sflag:s0] =	ssyncadd.s32 @!p0 $0xFFFFE000  }
0x1e5: {  	_ =	swait.ge [sflag:s1], $0x2000  }
0x1e6: {  	s4 =	sld [smem:$0x7EB]  }
0x1e7: {  	[sflag:s1] =	ssyncset.done $0x0  }
0x1e8: {  	[sflag:s1] =	ssyncadd.s32 $0xFFFFE000  }
0x1e9: {  	_ =	swait.ge [sflag:s4], $0x2000  }
0x1ea: {  	s6 =	sld [smem:$0x7EC]  }
0x1eb: {  	[sflag:s4] =	ssyncset.done $0x0  }
0x1ec: {  	[sflag:s4] =	ssyncadd.s32 $0xFFFFE000  }
0x1ed: {  	_ =	swait.ge [sflag:s6], $0x2000  }
0x1ee: {  	[sflag:s6] =	ssyncset.done $0x0  }
0x1ef: {  	[sflag:s6] =	ssyncadd.s32 $0xFFFFE000  }
0x1f0: {  	s23 =	sadd.s32 $0xFFFFFFFF, s23;
	[bflag:$0x0] =	sbarrier.arrive $0xFFFF  }
0x1f1: {  	p2 =	sne.s32 s23, $0x0;
	s31 =	sld [smem:$0x7EE]  }
.Ltmp2:
0x1f2: {  	_ = 	snop;
	(pc) =	sbr.rel @p2 .LBB2_4-.Ltmp2, $4  }
0x1f3: {  	s5 =	simm.s32 $0x13;
	s17 =	rddreg [dreg:$0xa]  }
0x1f4: {  	[hbm:s17], [sflag:s29] =	dma.local [spmem:s31], $0x500  }
0x1f5: {  	_ =	swait.ge [sflag:s5], $0x500  }
0x1f6: {  	s8 =	smov.u32 s29;
	s4 =	rddreg [dreg:$0xb];
	[sflag:s5] =	ssyncset.done $0x0  }
0x1f7: {  	s10 =	sld [smem:$0x7EE];
	s14 =	simm.s32 $0x7000;
	s15 =	simm.s32 $0x5000  }
0x1f8: {  	s18 =	simm.s32 $0x11;
	s22 =	simm.s32 $0x10;
	s24 =	simm.s32 $0x13000  }
0x1f9: {  	s25 =	simm.s32 $0xF;
	s28 =	simm.s32 $0x11000;
	s21 =	simm.s32 $0xF000  }
0x1fa: {  	s30 =	simm.s32 $0xD000;
	s1 =	simm.s32 $0xE;
	s31 =	simm.s32 $0xB000  }
0x1fb: {  	s0 =	simm.s32 $0xD;
	s9 =	simm.s32 $0xC;
	s17 =	simm.s32 $0x0  }
0x1fc: {  	s11 =	simm.s32 $0x7;
	s20 =	simm.s32 $0x6;
	s19 =	simm.s32 $0x2  }
.LBB2_6:
0x1fd: {  	s6 =	rddreg [dreg:$0x5]  }
0x1fe: {  	[sflag:s5] =	ssyncadd.s32 @p1 $0xFFFFFB00;
	s26 =	rddreg [dreg:$0x6]  }
0x1ff: {  	[tilespmem:s17], [sflag:$0x1] =	stream.linear.gather [hbm4b:s6+s17], $0x2600, $0x38;
	[tilespmem:$0x1A000] =	vst v63  }
0x200: {  	s8 =	rddreg [dreg:$0x7];
	s23 =	simm.s32 $0x2800  }
0x201: {  	[tilespmem:s23], [sflag:$0x2] =	stream.linear.gather [hbm4b:s26+s17], $0x2600, $0x38;
	[tilespmem:$0x1A000] =	vst v63  }
0x202: {  	[spmem:s4], [sflag:s29] =	dma.local [hbm:s8], $0x500  }
0x203: {  	_ =	swait.ge [sflag:s5], $0x500  }
0x204: {  	[sflag:s5] =	ssyncset.done $0x0  }
0x205: {  	s16 =	rddreg [dreg:$0x4];
	[sflag:s5] =	ssyncadd.s32 $0xFFFFFB00  }
0x206: {  	[spmem:s10], [sflag:s29] =	dma.local [hbm:s16], $0x500  }
0x207: {  	_ =	swait.ge [sflag:s5], $0x500  }
0x208: {  	[sflag:s5] =	ssyncset.done $0x0  }
0x209: {  	s26 =	simm.s32 $0x1;
	[sflag:s5] =	ssyncadd.s32 $0xFFFFFB00  }
0x20a: {  	_ =	swait.ge [sflag:s26], $0x2600  }
0x20b: {  	[sflag:s26] =	ssyncset.done $0x0  }
0x20c: {  	[sflag:s26] =	ssyncadd.s32 $0xFFFFDA00  }
0x20d: {  	_ =	swait.ge [sflag:s19], $0x2600  }
0x20e: {  	s6 =	simm.s32 @!p0 $0x2600;
	[sflag:s19] =	ssyncset.done $0x0  }
0x20f: {  	s8 =	simm.s32 @!p0 $0x0;
	s4 =	rddreg [dreg:$0x8];
	[sflag:s19] =	ssyncadd.s32 $0xFFFFDA00  }
0x210: {  	[tilespmem:s6], [sflag:$0x13] =	stream.linear.gather @!p0 [hbm4b:s4+s8], $0x200, $0x38;
	[tilespmem:$0x1A000] =	vst v63  }
0x211: {  	s4 =	simm.s32 @!p0 $0x13  }
0x212: {  	_ =	swait.ge @!p0 [sflag:s4], $0x200  }
0x213: {  	[sflag:s4] =	ssyncset.done @!p0 $0x0  }
0x214: {  	s6 =	simm.s32 @!p0 $0x4E00;
	s19 =	rddreg [dreg:$0x9];
	[sflag:s4] =	ssyncadd.s32 @!p0 $0xFFFFFE00  }
0x215: {  	[tilespmem:s6], [sflag:$0x13] =	stream.linear.gather @!p0 [hbm4b:s19+s8], $0x200, $0x38;
	[tilespmem:$0x1A000] =	vst v63  }
0x216: {  	_ =	swait.ge @!p0 [sflag:s4], $0x200  }
0x217: {  	[sflag:s4] =	ssyncset.done @!p0 $0x0  }
0x218: {  	[sflag:s4] =	ssyncadd.s32 @!p0 $0xFFFFFE00  }
0x219: {  	s16 =	simm.s32 $0x0;
	[bflag:$0x0] =	sbarrier.arrive $0xFFFF  }
0x21a: {  	[tilespmem:s15], [sflag:$0x3] =	stream.indirect.gather [spmem:s3], $0x10, s16, s7, $0xb8;
	[tilespmem:$0x1A000] =	vst v63  }
0x21b: {  	_ = 	snop  }
0x21c: {  	[tilespmem:s14], [sflag:$0x4] =	stream.indirect.gather [spmem:s3], $0x10, s7, s7, $0xb8;
	[tilespmem:$0x1A000] =	vst v63  }
0x21d: {  	s17 =	smov.u32 s29;
	s29 =	rddreg [dreg:$0xc];
	s14 =	simm.s32 $0x9000  }
0x21e: {  	[tilespmem:s14], [sflag:$0x5] =	stream.indirect.gather [spmem:s3], $0x10, s29, s7, $0xb8;
	[tilespmem:$0x1A000] =	vst v63  }
0x21f: {  	s6 =	rddreg [dreg:$0xd]  }
0x220: {  	[tilespmem:s31], [sflag:$0x6] =	stream.indirect.gather [spmem:s3], $0x10, s6, s7, $0xb8;
	[tilespmem:$0x1A000] =	vst v63  }
0x221: {  	s19 =	rddreg [dreg:$0xe]  }
0x222: {  	[tilespmem:s30], [sflag:$0x7] =	stream.indirect.gather [spmem:s3], $0x10, s19, s7, $0xb8;
	[tilespmem:$0x1A000] =	vst v63  }
0x223: {  	s26 =	rddreg [dreg:$0xf]  }
0x224: {  	[tilespmem:s21], [sflag:$0x8] =	stream.indirect.gather [spmem:s3], $0x10, s26, s7, $0xb8;
	[tilespmem:$0x1A000] =	vst v63  }
0x225: {  	s29 =	rddreg [dreg:$0x10]  }
0x226: {  	[tilespmem:s28], [sflag:$0x9] =	stream.indirect.gather [spmem:s3], $0x10, s29, s7, $0xb8;
	[tilespmem:$0x1A000] =	vst v63  }
0x227: {  	s6 =	rddreg [dreg:$0x11]  }
0x228: {  	[tilespmem:s24], [sflag:$0xA] =	stream.indirect.gather [spmem:s3], $0x10, s6, s7, $0xb8;
	[tilespmem:$0x1A000] =	vst v63  }
0x229: {  	_ =	swait.ge [sflag:s13], $0x2000  }
0x22a: {  	[sflag:s13] =	ssyncset.done $0x0  }
0x22b: {  	s16 =	simm.s32 $0x5000;
	[sflag:s13] =	ssyncadd.s32 $0xFFFFE000  }
0x22c: {  	[spmem:s2] =	stream.indirect.scatter.add.f32 [tilespmem:s16], [sflag:$0xB], $0x10, s23, s7, $0xb8;
	[tilespmem:$0x1A000] =	vst v63  }
0x22d: {  	_ =	swait.ge [sflag:s12], $0x2000  }
0x22e: {  	s15 =	simm.s32 $0x7000;
	[sflag:s12] =	ssyncset.done $0x0  }
0x22f: {  	s26 =	simm.s32 $0x5;
	s8 =	rddreg [dreg:$0x12];
	[sflag:s12] =	ssyncadd.s32 $0xFFFFE000  }
0x230: {  	[spmem:s2] =	stream.indirect.scatter.add.f32 [tilespmem:s15], [sflag:$0xC], $0x10, s8, s7, $0xb8;
	[tilespmem:$0x1A000] =	vst v63  }
0x231: {  	_ =	swait.ge [sflag:s26], $0x2000  }
0x232: {  	[sflag:s26] =	ssyncset.done $0x0  }
0x233: {  	s19 =	rddreg [dreg:$0x13];
	[sflag:s26] =	ssyncadd.s32 $0xFFFFE000  }
0x234: {  	[spmem:s2] =	stream.indirect.scatter.add.f32 [tilespmem:s14], [sflag:$0xD], $0x10, s19, s7, $0xb8;
	[tilespmem:$0x1A000] =	vst v63  }
0x235: {  	_ =	swait.ge [sflag:s20], $0x2000  }
0x236: {  	[sflag:s20] =	ssyncset.done $0x0  }
0x237: {  	s23 =	rddreg [dreg:$0x14];
	[sflag:s20] =	ssyncadd.s32 $0xFFFFE000  }
0x238: {  	[spmem:s2] =	stream.indirect.scatter.add.f32 [tilespmem:s31], [sflag:$0xE], $0x10, s23, s7, $0xb8;
	[tilespmem:$0x1A000] =	vst v63  }
0x239: {  	_ =	swait.ge [sflag:s11], $0x2000  }
0x23a: {  	[sflag:s11] =	ssyncset.done $0x0  }
0x23b: {  	s29 =	rddreg [dreg:$0x15];
	[sflag:s11] =	ssyncadd.s32 $0xFFFFE000;
	s11 =	simm.s32 $0x8  }
0x23c: {  	[spmem:s2] =	stream.indirect.scatter.add.f32 [tilespmem:s30], [sflag:$0xF], $0x10, s29, s7, $0xb8;
	[tilespmem:$0x1A000] =	vst v63  }
0x23d: {  	_ =	swait.ge [sflag:s11], $0x2000  }
0x23e: {  	[sflag:s11] =	ssyncset.done $0x0  }
0x23f: {  	s6 =	rddreg [dreg:$0x16];
	[sflag:s11] =	ssyncadd.s32 $0xFFFFE000  }
0x240: {  	[spmem:s2] =	stream.indirect.scatter.add.f32 [tilespmem:s21], [sflag:$0x10], $0x10, s6, s7, $0xb8;
	[tilespmem:$0x1A000] =	vst v63  }
0x241: {  	s6 =	simm.s32 $0x9  }
0x242: {  	_ =	swait.ge [sflag:s6], $0x2000  }
0x243: {  	[sflag:s6] =	ssyncset.done $0x0  }
0x244: {  	s23 =	simm.s32 $0xA;
	s8 =	rddreg [dreg:$0x17];
	[sflag:s6] =	ssyncadd.s32 $0xFFFFE000  }
0x245: {  	[spmem:s2] =	stream.indirect.scatter.add.f32 [tilespmem:s28], [sflag:$0x11], $0x10, s8, s7, $0xb8;
	[tilespmem:$0x1A000] =	vst v63  }
0x246: {  	_ =	swait.ge [sflag:s23], $0x2000  }
0x247: {  	[sflag:s23] =	ssyncset.done $0x0  }
0x248: {  	s19 =	rddreg [dreg:$0x18];
	[sflag:s23] =	ssyncadd.s32 $0xFFFFE000  }
0x249: {  	[spmem:s2] =	stream.indirect.scatter.add.f32 [tilespmem:s24], [sflag:$0x12], $0x10, s19, s7, $0xb8;
	[tilespmem:$0x1A000] =	vst v63  }
0x24a: {  	s19 =	simm.s32 $0xB  }
0x24b: {  	_ =	swait.ge [sflag:s19], $0x2000  }
0x24c: {  	[sflag:s19] =	ssyncset.done $0x0  }
0x24d: {  	s8 =	rddreg [dreg:$0x19];
	[sflag:s19] =	ssyncadd.s32 $0xFFFFE000  }
0x24e: {  	[tilespmem:s16], [sflag:$0x3] =	stream.indirect.gather [spmem:s3], $0x10, s8, s7, $0xb8;
	[tilespmem:$0x1A000] =	vst v63  }
0x24f: {  	_ =	swait.ge [sflag:s9], $0x2000  }
0x250: {  	[sflag:s9] =	ssyncset.done $0x0  }
0x251: {  	s8 =	rddreg [dreg:$0x1a];
	[sflag:s9] =	ssyncadd.s32 $0xFFFFE000  }
0x252: {  	[tilespmem:s15], [sflag:$0x4] =	stream.indirect.gather [spmem:s3], $0x10, s8, s7, $0xb8;
	[tilespmem:$0x1A000] =	vst v63  }
0x253: {  	_ =	swait.ge [sflag:s0], $0x2000  }
0x254: {  	[sflag:s0] =	ssyncset.done $0x0  }
0x255: {  	s8 =	rddreg [dreg:$0x1b];
	[sflag:s0] =	ssyncadd.s32 $0xFFFFE000  }
0x256: {  	[tilespmem:s14], [sflag:$0x5] =	stream.indirect.gather [spmem:s3], $0x10, s8, s7, $0xb8;
	[tilespmem:$0x1A000] =	vst v63  }
0x257: {  	_ =	swait.ge [sflag:s1], $0x2000  }
0x258: {  	[sflag:s1] =	ssyncset.done $0x0  }
0x259: {  	s0 =	rddreg [dreg:$0x1c];
	[sflag:s1] =	ssyncadd.s32 $0xFFFFE000  }
0x25a: {  	[tilespmem:s31], [sflag:$0x6] =	stream.indirect.gather [spmem:s3], $0x10, s0, s7, $0xb8;
	[tilespmem:$0x1A000] =	vst v63  }
0x25b: {  	_ =	swait.ge [sflag:s25], $0x2000  }
0x25c: {  	[sflag:s25] =	ssyncset.done $0x0  }
0x25d: {  	s8 =	rddreg [dreg:$0x1d];
	[sflag:s25] =	ssyncadd.s32 $0xFFFFE000  }
0x25e: {  	[tilespmem:s30], [sflag:$0x7] =	stream.indirect.gather [spmem:s3], $0x10, s8, s7, $0xb8;
	[tilespmem:$0x1A000] =	vst v63  }
0x25f: {  	_ =	swait.ge [sflag:s22], $0x2000  }
0x260: {  	[sflag:s22] =	ssyncset.done $0x0  }
0x261: {  	s0 =	rddreg [dreg:$0x1e];
	[sflag:s22] =	ssyncadd.s32 $0xFFFFE000  }
0x262: {  	[tilespmem:s21], [sflag:$0x8] =	stream.indirect.gather [spmem:s3], $0x10, s0, s7, $0xb8;
	[tilespmem:$0x1A000] =	vst v63  }
0x263: {  	_ =	swait.ge [sflag:s18], $0x2000  }
0x264: {  	[sflag:s18] =	ssyncset.done $0x0  }
0x265: {  	s8 =	rddreg [dreg:$0x1f];
	[sflag:s18] =	ssyncadd.s32 $0xFFFFE000  }
0x266: {  	[tilespmem:s28], [sflag:$0x9] =	stream.indirect.gather [spmem:s3], $0x10, s8, s7, $0xb8;
	[tilespmem:$0x1A000] =	vst v63  }
0x267: {  	s8 =	simm.s32 $0x12  }
0x268: {  	_ =	swait.ge [sflag:s8], $0x2000  }
0x269: {  	s0 =	sld [smem:$0x7EF]  }
0x26a: {  	[sflag:s8] =	ssyncset.done $0x0  }
0x26b: {  	[sflag:s8] =	ssyncadd.s32 $0xFFFFE000  }
0x26c: {  	[tilespmem:s24], [sflag:$0xA] =	stream.indirect.gather [spmem:s3], $0x10, s0, s7, $0xb8;
	[tilespmem:$0x1A000] =	vst v63  }
0x26d: {  	_ =	swait.ge [sflag:s13], $0x2000  }
0x26e: {  	s0 =	sld [smem:$0x7F0]  }
0x26f: {  	[sflag:s13] =	ssyncset.done $0x0  }
0x270: {  	[sflag:s13] =	ssyncadd.s32 $0xFFFFE000  }
0x271: {  	[spmem:s2] =	stream.indirect.scatter.add.f32 [tilespmem:s16], [sflag:$0xB], $0x10, s0, s7, $0xb8;
	[tilespmem:$0x1A000] =	vst v63  }
0x272: {  	_ =	swait.ge [sflag:s12], $0x2000  }
0x273: {  	s0 =	sld [smem:$0x7F1]  }
0x274: {  	[sflag:s12] =	ssyncset.done $0x0  }
0x275: {  	[sflag:s12] =	ssyncadd.s32 $0xFFFFE000  }
0x276: {  	[spmem:s2] =	stream.indirect.scatter.add.f32 [tilespmem:s15], [sflag:$0xC], $0x10, s0, s7, $0xb8;
	[tilespmem:$0x1A000] =	vst v63  }
0x277: {  	_ =	swait.ge [sflag:s26], $0x2000  }
0x278: {  	s0 =	sld [smem:$0x7F2]  }
0x279: {  	[sflag:s26] =	ssyncset.done $0x0  }
0x27a: {  	s29 =	simm.s32 $0x6;
	[sflag:s26] =	ssyncadd.s32 $0xFFFFE000  }
0x27b: {  	[spmem:s2] =	stream.indirect.scatter.add.f32 [tilespmem:s14], [sflag:$0xD], $0x10, s0, s7, $0xb8;
	[tilespmem:$0x1A000] =	vst v63  }
0x27c: {  	_ =	swait.ge [sflag:s29], $0x2000  }
0x27d: {  	s0 =	sld [smem:$0x7F3]  }
0x27e: {  	[sflag:s29] =	ssyncset.done $0x0  }
0x27f: {  	s20 =	simm.s32 $0x7;
	[sflag:s29] =	ssyncadd.s32 $0xFFFFE000  }
0x280: {  	[spmem:s2] =	stream.indirect.scatter.add.f32 [tilespmem:s31], [sflag:$0xE], $0x10, s0, s7, $0xb8;
	[tilespmem:$0x1A000] =	vst v63  }
0x281: {  	_ =	swait.ge [sflag:s20], $0x2000  }
0x282: {  	s29 =	sld [smem:$0x7F4]  }
0x283: {  	[sflag:s20] =	ssyncset.done $0x0  }
0x284: {  	[sflag:s20] =	ssyncadd.s32 $0xFFFFE000  }
0x285: {  	[spmem:s2] =	stream.indirect.scatter.add.f32 [tilespmem:s30], [sflag:$0xF], $0x10, s29, s7, $0xb8;
	[tilespmem:$0x1A000] =	vst v63  }
0x286: {  	_ =	swait.ge [sflag:s11], $0x2000  }
0x287: {  	s31 =	sld [smem:$0x7F5]  }
0x288: {  	[sflag:s11] =	ssyncset.done $0x0  }
0x289: {  	[sflag:s11] =	ssyncadd.s32 $0xFFFFE000  }
0x28a: {  	[spmem:s2] =	stream.indirect.scatter.add.f32 [tilespmem:s21], [sflag:$0x10], $0x10, s31, s7, $0xb8;
	[tilespmem:$0x1A000] =	vst v63  }
0x28b: {  	_ =	swait.ge [sflag:s6], $0x2000  }
0x28c: {  	s11 =	sld [smem:$0x7F6]  }
0x28d: {  	[sflag:s6] =	ssyncset.done $0x0  }
0x28e: {  	[sflag:s6] =	ssyncadd.s32 $0xFFFFE000  }
0x28f: {  	[spmem:s2] =	stream.indirect.scatter.add.f32 [tilespmem:s28], [sflag:$0x11], $0x10, s11, s7, $0xb8;
	[tilespmem:$0x1A000] =	vst v63  }
0x290: {  	_ =	swait.ge [sflag:s23], $0x2000  }
0x291: {  	s20 =	sld [smem:$0x7F7]  }
0x292: {  	[sflag:s23] =	ssyncset.done $0x0  }
0x293: {  	[sflag:s23] =	ssyncadd.s32 $0xFFFFE000  }
0x294: {  	[spmem:s2] =	stream.indirect.scatter.add.f32 [tilespmem:s24], [sflag:$0x12], $0x10, s20, s7, $0xb8;
	[tilespmem:$0x1A000] =	vst v63  }
0x295: {  	_ =	swait.ge [sflag:s19], $0x2000  }
0x296: {  	s21 =	sld [smem:$0x7F8]  }
0x297: {  	[sflag:s19] =	ssyncset.done $0x0  }
0x298: {  	[sflag:s19] =	ssyncadd.s32 $0xFFFFE000  }
0x299: {  	[tilespmem:s16], [sflag:$0x3] =	stream.indirect.gather [spmem:s3], $0x10, s21, s7, $0xb8;
	[tilespmem:$0x1A000] =	vst v63  }
0x29a: {  	_ =	swait.ge [sflag:s9], $0x2000  }
0x29b: {  	s23 =	sld [smem:$0x7F9]  }
0x29c: {  	[sflag:s9] =	ssyncset.done $0x0  }
0x29d: {  	s4 =	simm.s32 $0xD;
	[sflag:s9] =	ssyncadd.s32 $0xFFFFE000  }
0x29e: {  	[tilespmem:s15], [sflag:$0x4] =	stream.indirect.gather [spmem:s3], $0x10, s23, s7, $0xb8;
	[tilespmem:$0x1A000] =	vst v63  }
0x29f: {  	_ =	swait.ge [sflag:s4], $0x2000  }
0x2a0: {  	s24 =	sld [smem:$0x7FA]  }
0x2a1: {  	[sflag:s4] =	ssyncset.done $0x0  }
0x2a2: {  	[sflag:s4] =	ssyncadd.s32 $0xFFFFE000  }
0x2a3: {  	[tilespmem:s14], [sflag:$0x5] =	stream.indirect.gather [spmem:s3], $0x10, s24, s7, $0xb8;
	[tilespmem:$0x1A000] =	vst v63  }
0x2a4: {  	_ =	swait.ge [sflag:s1], $0x2000  }
0x2a5: {  	s0 =	simm.s32 @!p0 $0x200;
	[sflag:s1] =	ssyncset.done $0x0  }
0x2a6: {  	s4 =	simm.s32 @!p0 $0x2600;
	[sflag:s1] =	ssyncadd.s32 $0xFFFFE000;
	s1 =	simm.s32 @!p0 $0xB000  }
0x2a7: {  	[tilespmem:s1], [sflag:$0x6] =	stream.indirect.gather @!p0 [spmem:s3], $0x10, s4, s0, $0xb8;
	[tilespmem:$0x1A000] =	vst v63  }
0x2a8: {  	_ =	swait.ge [sflag:s25], $0x2000  }
0x2a9: {  	[sflag:s25] =	ssyncset.done $0x0  }
0x2aa: {  	[sflag:s25] =	ssyncadd.s32 $0xFFFFE000  }
0x2ab: {  	_ =	swait.ge [sflag:s22], $0x2000  }
0x2ac: {  	[sflag:s22] =	ssyncset.done $0x0  }
0x2ad: {  	[sflag:s22] =	ssyncadd.s32 $0xFFFFE000  }
0x2ae: {  	_ =	swait.ge [sflag:s18], $0x2000  }
0x2af: {  	[sflag:s18] =	ssyncset.done $0x0  }
0x2b0: {  	[sflag:s18] =	ssyncadd.s32 $0xFFFFE000  }
0x2b1: {  	_ =	swait.ge [sflag:s8], $0x2000  }
0x2b2: {  	[sflag:s8] =	ssyncset.done $0x0  }
0x2b3: {  	[sflag:s8] =	ssyncadd.s32 $0xFFFFE000  }
0x2b4: {  	_ =	swait.ge [sflag:s13], $0x2000  }
0x2b5: {  	s25 =	sld [smem:$0x7FB]  }
0x2b6: {  	[sflag:s13] =	ssyncset.done $0x0  }
0x2b7: {  	[sflag:s13] =	ssyncadd.s32 $0xFFFFE000  }
0x2b8: {  	[spmem:s2] =	stream.indirect.scatter.add.f32 [tilespmem:s16], [sflag:$0xB], $0x10, s25, s7, $0xb8;
	[tilespmem:$0x1A000] =	vst v63  }
0x2b9: {  	_ =	swait.ge [sflag:s12], $0x2000  }
0x2ba: {  	s28 =	sld [smem:$0x7FC]  }
0x2bb: {  	[sflag:s12] =	ssyncset.done $0x0  }
0x2bc: {  	[sflag:s12] =	ssyncadd.s32 $0xFFFFE000  }
0x2bd: {  	[spmem:s2] =	stream.indirect.scatter.add.f32 [tilespmem:s15], [sflag:$0xC], $0x10, s28, s7, $0xb8;
	[tilespmem:$0x1A000] =	vst v63  }
0x2be: {  	_ =	swait.ge [sflag:s26], $0x2000  }
0x2bf: {  	s29 =	sld [smem:$0x7FD]  }
0x2c0: {  	[sflag:s26] =	ssyncset.done $0x0  }
0x2c1: {  	s3 =	simm.s32 @!p0 $0x6;
	[sflag:s26] =	ssyncadd.s32 $0xFFFFE000  }
0x2c2: {  	[spmem:s2] =	stream.indirect.scatter.add.f32 [tilespmem:s14], [sflag:$0xD], $0x10, s29, s7, $0xb8;
	[tilespmem:$0x1A000] =	vst v63  }
0x2c3: {  	_ =	swait.ge @!p0 [sflag:s3], $0x2000  }
0x2c4: {  	[sflag:s3] =	ssyncset.done @!p0 $0x0  }
0x2c5: {  	[sflag:s3] =	ssyncadd.s32 @!p0 $0xFFFFE000;
	s3 =	simm.s32 @!p0 $0x4E00  }
0x2c6: {  	[spmem:s2] =	stream.indirect.scatter.add.f32 @!p0 [tilespmem:s1], [sflag:$0xE], $0x10, s3, s0, $0xb8;
	[tilespmem:$0x1A000] =	vst v63  }
0x2c7: {  	s0 =	simm.s32 @!p0 $0xB  }
0x2c8: {  	_ =	swait.ge @!p0 [sflag:s0], $0x2000  }
0x2c9: {  	s1 =	simm.s32 @!p0 $0xC;
	[sflag:s0] =	ssyncset.done @!p0 $0x0  }
0x2ca: {  	s1 =	simm.s32 @p0 $0xB;
	[sflag:s0] =	ssyncadd.s32 @!p0 $0xFFFFE000  }
0x2cb: {  	_ =	swait.ge [sflag:s1], $0x2000  }
0x2cc: {  	s0 =	simm.s32 @!p0 $0xD;
	[sflag:s1] =	ssyncset.done $0x0  }
0x2cd: {  	s0 =	simm.s32 @p0 $0xC;
	[sflag:s1] =	ssyncadd.s32 $0xFFFFE000  }
0x2ce: {  	_ =	swait.ge [sflag:s0], $0x2000  }
0x2cf: {  	s1 =	simm.s32 @!p0 $0xE;
	[sflag:s0] =	ssyncset.done $0x0  }
0x2d0: {  	s1 =	simm.s32 @p0 $0xD;
	[sflag:s0] =	ssyncadd.s32 $0xFFFFE000  }
0x2d1: {  	_ =	swait.ge [sflag:s1], $0x2000  }
0x2d2: {  	[sflag:s1] =	ssyncset.done $0x0  }
0x2d3: {  	[sflag:s1] =	ssyncadd.s32 $0xFFFFE000  }
0x2d4: {  	[bflag:$0x0] =	sbarrier.arrive $0xFFFF  }
0x2d5: {  	s30 =	rddreg [dreg:$0xa]  }
0x2d6: {  	[hbm:s30], [sflag:s17] =	dma.local [spmem:s10], $0x500  }
0x2d7: {  	_ =	swait.ge [sflag:s5], $0x500  }
0x2d8: {  	[sflag:s5] =	ssyncset.done $0x0  }
0x2d9: {  	[sflag:s5] =	ssyncadd.s32 $0xFFFFFB00  }
0x2da: {  	_ =	sfence.sel $0x180000  }
0x2db: {  	[bflag:$0x0] =	sbarrier.arrive $0xFFFF  }
0x2dc: {  	_ =	strace $0x9000004D  }
0x2dd: {  	s31 =	stileid.u32;
	[bflag:$0x2] =	sbarrier.arrive $0xFFFF  }
0x2de: {  	p0 =	sne.s32 s31, $0x0;
	s0 =	rddreg [dreg:$0x3]  }
0x2df: {  	s0 =	sadd.s32 @!p0 $0x100000, s0  }
0x2e0: {  	[sflag:s0] =	ssyncadd.tile.s32 @!p0 $0x1;
	_ =	shalt  }
.LBB2_1:
.Ltmp3:
0x2e1: {  	(pc) =	sbr.rel .LBB2_6-.Ltmp3, $2  }
0x2e2: {  	_ =	sdelay $0x2  }
0x2e3: {  	s10 =	smov.u32 s29;
	s29 =	smov.u32 s8  }
.LBB2_7:
0x2e4: {  	s10 =	sld [smem:$0x7EE];
	s29 =	smov.u32 s8  }
0x2e5: {  	s14 =	simm.s32 $0x7000;
	s15 =	simm.s32 $0x5000;
	s18 =	simm.s32 $0x11  }
.Ltmp4:
0x2e6: {  	s22 =	simm.s32 $0x10;
	s24 =	simm.s32 $0x13000;
	(pc) =	sbr.rel .LBB2_6-.Ltmp4, $4  }
0x2e7: {  	s25 =	simm.s32 $0xF;
	s28 =	simm.s32 $0x11000;
	s21 =	simm.s32 $0xF000  }
0x2e8: {  	s30 =	simm.s32 $0xD000;
	s1 =	simm.s32 $0xE;
	s31 =	simm.s32 $0xB000  }
0x2e9: {  	s0 =	simm.s32 $0xD;
	s9 =	simm.s32 $0xC;
	s17 =	simm.s32 $0x0  }
0x2ea: {  	s11 =	simm.s32 $0x7;
	s20 =	simm.s32 $0x6;
	s19 =	simm.s32 $0x2  }
.Lfunc_end2:
_tile_overlayer_lowered:
.L_overlay_start_2:
0x2eb: {  	(tag) =	ssettag $0x2  }
0x2ec: {  	s0 =	rddreg [dreg:$0x0];
	s2 =	stileid.u32  }
0x2ed: {  	s1 =	rddreg [dreg:$0x1];
	p0 =	sne.s32 s2, $0x0  }
0x2ee: {  	s3 =	rddreg [dreg:$0x2];
	[bflag:$0x3] =	sbarrier.arrive $0xFFFF;
	s2 =	simm.s32 @!p0 $0x1C13  }
0x2ef: {  	[timem:s3], [sflag:s2] =	dma.local @!p0 [hbm:s0], s1  }
0x2f0: {  	s0 =	simm.s32 @!p0 $0x13  }
0x2f1: {  	_ =	swait.ge @!p0 [sflag:s0], s1  }
0x2f2: {  	s1 =	ssub.s32 @!p0 $0x0, s1;
	[sflag:s0] =	ssyncset.done @!p0 $0x0  }
0x2f3: {  	[sflag:s0] =	ssyncadd.s32 @!p0 s1  }
0x2f4: {  	[bflag:$0x3] =	sbarrier.arrive $0xFFFF  }
0x2f5: {  	_ =	shalt  }

// kernel: kernel.9.cloned.1.call-start
scs
__scs_entry_jumppad:
0x0: {  	(pc) =	sbr.rel $0x88, $3  }
0x1: {  	(tag) =	ssettag $0x0;
	lr =	simm.s32 $0x1  }
0x2: {  	[smem:$0x3F97] =	sst lr;
	_ =	strace $0xD0000000  }
0x3: {  	_ = 	snop  }
0x4: {  	_ = 	snop  }
0x5: {  	_ = 	snop  }
0x6: {  	_ = 	snop  }
0x7: {  	_ = 	snop  }
__scs_overlays_trampoline_lowered:
0x8: {  	[smem:$0x3FA6] =	sst s0  }
0x9: {  	[smem:$0x3FA7] =	sst s1  }
0xa: {  	[smem:$0x3FA8] =	sst s2  }
0xb: {  	[smem:$0x3FA9] =	sst s3  }
0xc: {  	[smem:$0x3FAA] =	sst s4  }
0xd: {  	[smem:$0x3FAB] =	sst s5  }
0xe: {  	[smem:$0x3FAC] =	sst s6  }
0xf: {  	[smem:$0x3FAD] =	sst s7  }
0x10: {  	[smem:$0x3FAE] =	sst s8  }
0x11: {  	[smem:$0x3FAF] =	sst s9;
	s0 =	simm.s32 @!p0 $0x0  }
0x12: {  	s1 =	sld [smem:$0x3F95];
	s0 =	simm.s32 @p0 $0x1  }
0x13: {  	[smem:$0x3FB0] =	sst s0;
	s0 =	simm.s32 @!p1 $0x0  }
0x14: {  	s2 =	sld [smem:$0x3F94];
	s0 =	simm.s32 @p1 $0x1  }
0x15: {  	[smem:$0x3FB1] =	sst s0;
	s0 =	simm.s32 @!p2 $0x0  }
0x16: {  	s3 =	sld [smem:$0x3FDB];
	s0 =	simm.s32 @p2 $0x1  }
0x17: {  	s4 =	simm.s32 $0x1BF5;
	[smem:$0x3FB3] =	sst s0  }
0x18: {  	s0 =	sld [smem:$0x3F96];
	_ =	swait.ge [sflag:s4], $0x0  }
0x19: {  	s7 =	sld [smem:$0x3F97]  }
0x1a: {  	s8 =	sadd.s32 $0xFFFFE003, lr  }
0x1b: {  	s9 =	sadd.s32 $0xFFFFFEF7, lr;
	s5 =	simm.s32 $0xFFFFFFFF;
	p2 =	slt.u32 s8, $0xFFFFF086  }
0x1c: {  	p1 =	slt.u32 s9, $0xF7A;
	s5 =	simm.s32 @!p2 $0x0  }
0x1d: {  	s5 =	simm.s32 @p1 $0x1;
	p0 =	seq.s32 s7, s2  }
0x1e: {  	s7 =	smul.u32 @!p0 $0xF7A, s2;
	p2 =	seq.s32 @!p0 s5, $0x0  }
0x1f: {  	s9 =	smul.u32 $0xF7A, s1;
	s8 =	simm.s32 @!p0 $0x1BF5;
	p2 =	por !p2, p0  }
0x20: {  	[sflag:s8] =	ssyncset.s32 @!p0 $0xFFFFF086;
	s6 =	sadd.s32 @!p0 s3, s7;
	s7 =	simm.s32 @!p0 $0x108  }
0x21: {  	s3 =	sadd.s32 s3, s9;
	s6 =	sadd.s32 @!p0 $0x88, s6;
	s7 =	simm.s32 @p2 $0x1082  }
0x22: {  	[simem:s7], [sflag:s8] =	dma.local @!p0 [hbm:s6], $0xF7A  }
0x23: {  	s9 =	sor.u32 $0xD0000000, s2;
	s6 =	simm.s32 $0x108;
	_ =	swait.ge @!p0 [sflag:s8], $0x0  }
0x24: {  	s3 =	sadd.s32 $0x88, s3;
	s6 =	simm.s32 @!p1 $0x1082;
	[sflag:s4] =	ssyncset.s32 $0xFFFFF086  }
0x25: {  	[simem:s6], [sflag:s4] =	dma.local [hbm:s3], $0xF7A  }
0x26: {  	[smem:$0x3F97] =	sst s1;
	(tag) =	ssettag s2;
	_ =	strace s9  }
0x27: {  	s1 =	sld [smem:$0x3FA7]  }
0x28: {  	s2 =	sld [smem:$0x3FA8]  }
0x29: {  	s4 =	sld [smem:$0x3FAA]  }
0x2a: {  	p0 =	seq.s32 s5, $0x0;
	s5 =	sld [smem:$0x3FAB]  }
0x2b: {  	s6 =	sld [smem:$0x3FAC]  }
0x2c: {  	s7 =	sld [smem:$0x3FAD]  }
0x2d: {  	s3 =	simm.s32 $0x108;
	s8 =	sld [smem:$0x3FAE]  }
0x2e: {  	s3 =	simm.s32 @!p0 $0x1082;
	s9 =	sld [smem:$0x3FAF]  }
0x2f: {  	lr =	sadd.s32 s0, s3;
	s0 =	sld [smem:$0x3FA6]  }
0x30: {  	s3 =	sld [smem:$0x3FA9]  }
0x31: {  	[smem:$0x3FB2] =	sst s10  }
0x32: {  	s10 =	sld [smem:$0x3FB0];
	_ =	sdelay $0x3  }
0x33: {  	p0 =	seq.s32 s10, $0x1;
	s10 =	sld [smem:$0x3FB2];
	_ =	sdelay $0x3  }
0x34: {  	[smem:$0x3FB2] =	sst s10  }
0x35: {  	s10 =	sld [smem:$0x3FB1];
	_ =	sdelay $0x3  }
0x36: {  	p1 =	seq.s32 s10, $0x1;
	s10 =	sld [smem:$0x3FB2];
	_ =	sdelay $0x3  }
0x37: {  	[smem:$0x3FB2] =	sst s10  }
0x38: {  	s10 =	sld [smem:$0x3FB3]  }
0x39: {  	_ = 	snop;
	(pc) =	sbr.ind lr, $3  }
0x3a: {  	_ = 	snop  }
0x3b: {  	_ = 	snop  }
0x3c: {  	p2 =	seq.s32 s10, $0x1;
	s10 =	sld [smem:$0x3FB2]  }
0x3d: {  	_ =	shalt  }
0x3e: {  	_ =	shalt  }
0x3f: {  	_ =	shalt  }
0x40: {  	_ =	shalt  }
0x41: {  	_ =	shalt  }
0x42: {  	_ =	shalt  }
0x43: {  	_ =	shalt  }
0x44: {  	_ =	shalt  }
0x45: {  	_ =	shalt  }
0x46: {  	_ =	shalt  }
0x47: {  	_ =	shalt  }
0x48: {  	_ =	shalt  }
0x49: {  	_ =	shalt  }
0x4a: {  	_ =	shalt  }
0x4b: {  	_ =	shalt  }
0x4c: {  	_ =	shalt  }
0x4d: {  	_ =	shalt  }
0x4e: {  	_ =	shalt  }
0x4f: {  	_ =	shalt  }
0x50: {  	_ =	shalt  }
0x51: {  	_ =	shalt  }
0x52: {  	_ =	shalt  }
0x53: {  	_ =	shalt  }
0x54: {  	_ =	shalt  }
0x55: {  	_ =	shalt  }
0x56: {  	_ =	shalt  }
0x57: {  	_ =	shalt  }
0x58: {  	_ =	shalt  }
0x59: {  	_ =	shalt  }
0x5a: {  	_ =	shalt  }
0x5b: {  	_ =	shalt  }
0x5c: {  	_ =	shalt  }
0x5d: {  	_ =	shalt  }
0x5e: {  	_ =	shalt  }
0x5f: {  	_ =	shalt  }
0x60: {  	_ =	shalt  }
0x61: {  	_ =	shalt  }
0x62: {  	_ =	shalt  }
0x63: {  	_ =	shalt  }
0x64: {  	_ =	shalt  }
0x65: {  	_ =	shalt  }
0x66: {  	_ =	shalt  }
0x67: {  	_ =	shalt  }
0x68: {  	_ =	shalt  }
0x69: {  	_ =	shalt  }
0x6a: {  	_ =	shalt  }
0x6b: {  	_ =	shalt  }
0x6c: {  	_ =	shalt  }
0x6d: {  	_ =	shalt  }
0x6e: {  	_ =	shalt  }
0x6f: {  	_ =	shalt  }
0x70: {  	_ =	shalt  }
0x71: {  	_ =	shalt  }
0x72: {  	_ =	shalt  }
0x73: {  	_ =	shalt  }
0x74: {  	_ =	shalt  }
0x75: {  	_ =	shalt  }
0x76: {  	_ =	shalt  }
0x77: {  	_ =	shalt  }
0x78: {  	_ =	shalt  }
0x79: {  	_ =	shalt  }
0x7a: {  	_ =	shalt  }
0x7b: {  	_ =	shalt  }
0x7c: {  	_ =	shalt  }
0x7d: {  	_ =	shalt  }
0x7e: {  	_ =	shalt  }
0x7f: {  	_ =	shalt  }
0x80: {  	_ =	shalt  }
0x81: {  	_ =	shalt  }
0x82: {  	_ =	shalt  }
0x83: {  	_ =	shalt  }
0x84: {  	_ =	shalt  }
0x85: {  	_ =	shalt  }
0x86: {  	_ =	shalt  }
0x87: {  	_ =	shalt  }
.Lfunc_end0:
.L_simem_size_0:
called_computation_lowered:
.L_overlay_start_0:
0x88: {  	s2 =	sld [smem:$0x3FD9]  }
0x89: {  	s3 =	sld [smem:$0x3FFE];
	_ =	sdelay $0x1  }
0x8a: {  	s1 =	srdreg.scid  }
0x8b: {  	s0 =	sand.u32 $0x1, s1  }
0x8c: {  	s17 =	sshll.u32 s0, $0xA;
	s2 =	sadd.s32 s3, s2  }
0x8d: {  	s2 =	sadd.s32 s2, s17  }
0x8e: {  	[smem:$0x3FBE] =	sst s2  }
0x8f: {  	_ = 	snop  }
0x90: {  	s2 =	sld [smem:$0x3FD0];
	(tm) =	ssettm $0x1  }
0x91: {  	s18 =	sld [smem:$0x3FFB];
	_ =	sdelay $0x3  }
0x92: {  	_ =	strace s18  }
0x93: {  	s3 =	sld [smem:$0x3FFC];
	_ =	sdelay $0x3  }
0x94: {  	_ =	strace s3  }
0x95: {  	s3 =	sld [smem:$0x3FFD];
	_ =	sdelay $0x3  }
0x96: {  	_ =	strace s3  }
0x97: {  	_ =	strace $0x8FFFFFFF  }
0x98: {  	s19 =	sld [smem:$0x3FDB];
	_ =	sdelay $0x1  }
0x99: {  	s4 =	simm.s32 $_scs_section_size  }
0x9a: {  	s5 =	simm.s32 $_size__tile_overlayer_lowered;
	s6 =	simm.s32 $_tile_overlayer_lowered  }
0x9b: {  	s22 =	simm.s32 $0x1BFF;
	s21 =	sshll.u32 s6, $0x1;
	s3 =	sadd.s32 s4, s19  }
0x9c: {  	s7 =	simm.s32 $0x0;
	s20 =	sshll.u32 s5, $0x1;
	s5 =	sadd.s32 s21, s3  }
0x9d: {  	[timem:s7], [sflag:s22] =	dma.local [hbm:s5], s20  }
0x9e: {  	_ =	swait.ge [sflag:s22], s20  }
0x9f: {  	s4 =	ssub.s32 $0x0, s20;
	[sflag:s22] =	ssyncset.done $0x0  }
0xa0: {  	[sflag:s22] =	ssyncadd.s32 s4;
	_ =	sdelay $0x1  }
0xa1: {  	s23 =	simm.s32 $0x1B8B  }
0xa2: {  	_ =	swait.ge [sflag:s23], $0x1  }
0xa3: {  	[sflag:s23] =	ssyncset.done $0x0  }
0xa4: {  	s25 =	simm.s32 $0x1B8E;
	s24 =	sld [smem:$0x3FFE];
	[sflag:s23] =	ssyncadd.s32 $0xFFFFFFFF  }
0xa5: {  	s26 =	simm.s32 $execute0_lowered;
	[smem:$0x3FD2] =	sst s25  }
0xa6: {  	s5 =	sshll.u32 s26, $0x1;
	_ =	strace $0x80000046;
	[dreg:$0x1] =	wrdreg $0xFFFFFFFF  }
0xa7: {  	s28 =	simm.s32 $_size_execute0_lowered;
	s3 =	sadd.s32 s3, s5;
	[dreg:$0x0] =	wrdreg $0x0  }
0xa8: {  	s5 =	sshll.u32 s28, $0x1;
	[dreg:$0x2] =	wrdreg s3  }
0xa9: {  	[dreg:$0x3] =	wrdreg s5  }
0xaa: {  	[dreg:$0x4] =	wrdreg $0xC0  }
0xab: {  	_ =	task [dreg:s7], $0x5FFFF  }
0xac: {  	[dreg:$0x1] =	wrdreg $0xFFFFFFFF  }
0xad: {  	[dreg:$0x0] =	wrdreg $0x60  }
0xae: {  	[dreg:$0x2] =	wrdreg s24  }
0xaf: {  	[dreg:$0x3] =	wrdreg s2  }
0xb0: {  	[dreg:$0x4] =	wrdreg $0x48000  }
0xb1: {  	[dreg:$0x5] =	wrdreg $0x9  }
0xb2: {  	_ =	task.clear_ibuf [dreg:s7], $0x6FFFF;
	_ =	strace $0x90000046  }
0xb3: {  	s29 =	simm.s32 $0x9;
	_ =	strace $0x80000048  }
0xb4: {  	_ =	swait.ge [sflag:s29], $0x1  }
0xb5: {  	[sflag:s29] =	ssyncadd.s32 $0xFFFFFFFF  }
0xb6: {  	_ =	strace $0x90000048  }
0xb7: {  	_ =	sfence  }
0xb8: {  	s30 =	sld [smem:$0x0];
	_ =	sdelay $0x2  }
0xb9: {  	s31 =	sshll.u32 s1, $0xD;
	s1 =	sshrl.u32 s1, $0x2  }
0xba: {  	s3 =	sand.u32 $0x4000, s31;
	s1 =	sadd.s32 s1, s30  }
0xbb: {  	s0 =	sor.u32 s3, s0;
	s1 =	sshll.u32 s1, $0x11  }
0xbc: {  	s0 =	sor.u32 s1, s0  }
0xbd: {  	s0 =	sadd.s32 $0x8F2B, s0  }
0xbe: {  	[sflag:s0] =	ssyncadd.remote.s32 $0x1  }
0xbf: {  	_ =	sfence.sel $0xFFFF  }
0xc0: {  	[dreg:$0x0] =	wrdreg $0xFFFFFFFF;
	(pc) =	sbr.abs _section_cstart, $3  }
0xc1: {  	[dreg:$0x1] =	wrdreg $0xFFFFFFFF  }
0xc2: {  	_ =	task.clear_ibuf [dreg:s7], $0x2FFFF;
	_ =	strace $0x9FFFFFFF  }
0xc3: {  	(tm) =	ssettm $0x7FFFFFFF  }
tec
execute0_lowered:
.L_overlay_start_1:
0x0: {  	(tag) =	ssettag $0x1  }
0x1: {  	s1 =	rddreg [dreg:$0x0]  }
0x2: {  	s0 =	srdreg.scid;
	s3 =	rddreg [dreg:$0x1]  }
0x3: {  	s11 =	stileid.u32;
	s5 =	rddreg [dreg:$0x2]  }
0x4: {  	s26 =	rddreg [dreg:$0x3];
	s7 =	simm.s32 $0x0;
	s29 =	simm.s32 $0x400  }
0x5: {  	s9 =	simm.s32 $0x200;
	s31 =	simm.s32 $0x600;
	s12 =	simm.s32 $0x800  }
0x6: {  	s13 =	simm.s32 $0xA00;
	s14 =	simm.s32 $0xC00;
	s15 =	simm.s32 $0xE00  }
0x7: {  	s16 =	simm.s32 $0x1000;
	s17 =	simm.s32 $0x1200;
	s18 =	simm.s32 $0x1400  }
0x8: {  	s19 =	simm.s32 $0x1600;
	s28 =	simm.s32 $0x2200;
	s30 =	simm.s32 $0x2400  }
0x9: {  	p1 =	por $0x0, $0x0;
	s0 =	sand.u32 $0x1, s0;
	[dreg:$0x5] =	wrdreg s3  }
0xa: {  	s6 =	smul.u32 $0x2800, s11;
	[smem:$0x7FF] =	sst s7;
	s8 =	sadd.s32 $0x16C00, s1  }
0xb: {  	s25 =	sshll.u32 s11, $0x6;
	s2 =	sshll.u32 s0, $0x4;
	s21 =	smul.u32 $0x28000, s0  }
0xc: {  	_ =	strace $0x80000047;
	[dreg:$0x4] =	wrdreg s8;
	s0 =	ssub.s32 $0x2, s0  }
0xd: {  	s8 =	simm.s32 $0x2800;
	[dreg:$0x9] =	wrdreg s29;
	s2 =	ssub.s32 s11, s2  }
0xe: {  	[dreg:$0xa] =	wrdreg s31;
	s23 =	sshrl.u32 s0, $0x1;
	s20 =	sadd.s32 $0x10, s2  }
0xf: {  	s24 =	sadd.s32 s6, s5;
	s0 =	ssub.s32 s0, s23;
	s4 =	smul.u32 $0x13, s20  }
0x10: {  	p0 =	sgt.s32 s2, $0x0;
	s2 =	simm.s32 $0x3;
	s3 =	smin.u32 s20, $0x11  }
0x11: {  	s23 =	simm.s32 $0x1E00;
	s0 =	smax.u32 s0, $0x1;
	s3 =	sadd.s32 s3, s4  }
0x12: {  	s20 =	simm.s32 $0x1800;
	s0 =	sadd.s32 $0xFFFFFFFF, s0;
	s3 =	sshll.u32 s3, $0x6  }
0x13: {  	s4 =	sadd.s32 s6, s21;
	s21 =	simm.s32 $0x1A00;
	s3 =	sand.u32 $0x1FFFFFC0, s3  }
0x14: {  	p2 =	sne.s32 s0, $0x0;
	s6 =	simm.s32 $0x1;
	s3 =	sadd.s32 s3, s1  }
.Ltmp0:
0x15: {  	s4 =	sshrl.u32 s4, $0x3;
	s22 =	sadd.s32 $0xCE40, s3;
	(pc) =	sbr.rel @!p2 .LBB2_5-.Ltmp0, $4  }
0x16: {  	s1 =	sadd.s32 s4, s1;
	s3 =	sadd.s32 $0xD300, s3;
	[dreg:$0x6] =	wrdreg s22  }
0x17: {  	s4 =	sshrl.u32 s24, $0x3;
	s1 =	sadd.s32 $0x17200, s1;
	[dreg:$0x7] =	wrdreg s3  }
0x18: {  	s24 =	simm.s32 $0x2000;
	[dreg:$0x8] =	wrdreg s1;
	s3 =	sor.u32 $0x1C03, s25  }
0x19: {  	s25 =	simm.s32 $0x2;
	s22 =	simm.s32 $0x1C00;
	s10 =	rddreg [dreg:$0x6]  }
0x1a: {  	[tilespmem:s7], [sflag:$0x2] =	stream.linear.gather [hbm4b:s10+s7], $0x2600, $0x38;
	[tilespmem:$0x7000] =	vst v63  }
0x1b: {  	s1 =	rddreg [dreg:$0x5]  }
0x1c: {  	[tilespmem:s8], [sflag:$0x3] =	stream.linear.gather [hbm4b:s1+s7], $0x2000, $0x38;
	[tilespmem:$0x7000] =	vst v63  }
0x1d: {  	_ =	swait.ge [sflag:s2], $0x2000  }
0x1e: {  	[sflag:s2] =	ssyncset.done $0x0  }
0x1f: {  	s26 =	rddreg [dreg:$0x4];
	[sflag:s2] =	ssyncadd.s32 $0xFFFFE000  }
0x20: {  	[spmem:s4], [sflag:s3] =	dma.local [hbm:s26], $0x500  }
0x21: {  	_ =	swait.ge [sflag:s2], $0x500  }
0x22: {  	[sflag:s2] =	ssyncset.done $0x0  }
0x23: {  	[sflag:s2] =	ssyncadd.s32 $0xFFFFFB00  }
0x24: {  	_ =	swait.ge [sflag:s25], $0x2600  }
0x25: {  	s10 =	simm.s32 @!p0 $0x0;
	s29 =	simm.s32 @!p0 $0x2600;
	[sflag:s25] =	ssyncset.done $0x0  }
0x26: {  	s26 =	simm.s32 @!p0 $0x3;
	s1 =	rddreg [dreg:$0x7];
	[sflag:s25] =	ssyncadd.s32 $0xFFFFDA00  }
0x27: {  	[tilespmem:s29], [sflag:$0x3] =	stream.linear.gather @!p0 [hbm4b:s1+s10], $0x200, $0x38;
	[tilespmem:$0x7000] =	vst v63  }
0x28: {  	_ =	swait.ge @!p0 [sflag:s26], $0x200  }
0x29: {  	[sflag:s26] =	ssyncset.done @!p0 $0x0  }
0x2a: {  	[sflag:s26] =	ssyncadd.s32 @!p0 $0xFFFFFE00  }
0x2b: {  	[bflag:$0x0] =	sbarrier.arrive $0xFFFF  }
0x2c: {  	[spmem:s5] =	stream.indirect.scatter.add.f32 [tilespmem:s8], [sflag:$0x1], $0x10, s7, s9, $0xb8;
	[tilespmem:$0x7000] =	vst v63  }
0x2d: {  	_ = 	snop  }
0x2e: {  	[spmem:s5] =	stream.indirect.scatter.add.f32 [tilespmem:s8], [sflag:$0x1], $0x10, s9, s9, $0xb8;
	[tilespmem:$0x7000] =	vst v63  }
0x2f: {  	s10 =	rddreg [dreg:$0x9]  }
0x30: {  	[spmem:s5] =	stream.indirect.scatter.add.f32 [tilespmem:s8], [sflag:$0x1], $0x10, s10, s9, $0xb8;
	[tilespmem:$0x7000] =	vst v63  }
0x31: {  	s11 =	rddreg [dreg:$0xa]  }
0x32: {  	[spmem:s5] =	stream.indirect.scatter.add.f32 [tilespmem:s8], [sflag:$0x1], $0x10, s11, s9, $0xb8;
	[tilespmem:$0x7000] =	vst v63  }
0x33: {  	_ = 	snop  }
0x34: {  	[spmem:s5] =	stream.indirect.scatter.add.f32 [tilespmem:s8], [sflag:$0x1], $0x10, s12, s9, $0xb8;
	[tilespmem:$0x7000] =	vst v63  }
0x35: {  	_ = 	snop  }
0x36: {  	[spmem:s5] =	stream.indirect.scatter.add.f32 [tilespmem:s8], [sflag:$0x1], $0x10, s13, s9, $0xb8;
	[tilespmem:$0x7000] =	vst v63  }
0x37: {  	_ = 	snop  }
0x38: {  	[spmem:s5] =	stream.indirect.scatter.add.f32 [tilespmem:s8], [sflag:$0x1], $0x10, s14, s9, $0xb8;
	[tilespmem:$0x7000] =	vst v63  }
0x39: {  	_ = 	snop  }
0x3a: {  	[spmem:s5] =	stream.indirect.scatter.add.f32 [tilespmem:s8], [sflag:$0x1], $0x10, s15, s9, $0xb8;
	[tilespmem:$0x7000] =	vst v63  }
0x3b: {  	_ = 	snop  }
0x3c: {  	[spmem:s5] =	stream.indirect.scatter.add.f32 [tilespmem:s8], [sflag:$0x1], $0x10, s16, s9, $0xb8;
	[tilespmem:$0x7000] =	vst v63  }
0x3d: {  	_ = 	snop  }
0x3e: {  	[spmem:s5] =	stream.indirect.scatter.add.f32 [tilespmem:s8], [sflag:$0x1], $0x10, s17, s9, $0xb8;
	[tilespmem:$0x7000] =	vst v63  }
0x3f: {  	_ = 	snop  }
0x40: {  	[spmem:s5] =	stream.indirect.scatter.add.f32 [tilespmem:s8], [sflag:$0x1], $0x10, s18, s9, $0xb8;
	[tilespmem:$0x7000] =	vst v63  }
0x41: {  	_ = 	snop  }
0x42: {  	[spmem:s5] =	stream.indirect.scatter.add.f32 [tilespmem:s8], [sflag:$0x1], $0x10, s19, s9, $0xb8;
	[tilespmem:$0x7000] =	vst v63  }
0x43: {  	_ = 	snop  }
0x44: {  	[spmem:s5] =	stream.indirect.scatter.add.f32 [tilespmem:s8], [sflag:$0x1], $0x10, s20, s9, $0xb8;
	[tilespmem:$0x7000] =	vst v63  }
0x45: {  	_ = 	snop  }
0x46: {  	[spmem:s5] =	stream.indirect.scatter.add.f32 [tilespmem:s8], [sflag:$0x1], $0x10, s21, s9, $0xb8;
	[tilespmem:$0x7000] =	vst v63  }
0x47: {  	_ = 	snop  }
0x48: {  	[spmem:s5] =	stream.indirect.scatter.add.f32 [tilespmem:s8], [sflag:$0x1], $0x10, s22, s9, $0xb8;
	[tilespmem:$0x7000] =	vst v63  }
0x49: {  	_ = 	snop  }
0x4a: {  	[spmem:s5] =	stream.indirect.scatter.add.f32 [tilespmem:s8], [sflag:$0x1], $0x10, s23, s9, $0xb8;
	[tilespmem:$0x7000] =	vst v63  }
0x4b: {  	_ = 	snop  }
0x4c: {  	[spmem:s5] =	stream.indirect.scatter.add.f32 [tilespmem:s8], [sflag:$0x1], $0x10, s24, s9, $0xb8;
	[tilespmem:$0x7000] =	vst v63  }
0x4d: {  	_ = 	snop  }
0x4e: {  	[spmem:s5] =	stream.indirect.scatter.add.f32 [tilespmem:s8], [sflag:$0x1], $0x10, s28, s9, $0xb8;
	[tilespmem:$0x7000] =	vst v63  }
0x4f: {  	_ = 	snop  }
0x50: {  	[spmem:s5] =	stream.indirect.scatter.add.f32 [tilespmem:s8], [sflag:$0x1], $0x10, s30, s9, $0xb8;
	[tilespmem:$0x7000] =	vst v63  }
0x51: {  	s31 =	simm.s32 @!p0 $0x2800;
	s30 =	simm.s32 @!p0 $0x200  }
0x52: {  	[spmem:s5] =	stream.indirect.scatter.add.f32 @!p0 [tilespmem:s31], [sflag:$0x1], $0x10, s29, s30, $0xb8;
	[tilespmem:$0x7000] =	vst v63  }
0x53: {  	_ =	swait.ge [sflag:s6], $0x2000  }
0x54: {  	[sflag:s6] =	ssyncset.done $0x0  }
0x55: {  	[sflag:s6] =	ssyncadd.s32 $0xFFFFE000  }
0x56: {  	_ =	swait.ge [sflag:s6], $0x2000  }
0x57: {  	[sflag:s6] =	ssyncset.done $0x0  }
0x58: {  	[sflag:s6] =	ssyncadd.s32 $0xFFFFE000  }
0x59: {  	_ =	swait.ge [sflag:s6], $0x2000  }
0x5a: {  	[sflag:s6] =	ssyncset.done $0x0  }
0x5b: {  	[sflag:s6] =	ssyncadd.s32 $0xFFFFE000  }
0x5c: {  	_ =	swait.ge [sflag:s6], $0x2000  }
0x5d: {  	[sflag:s6] =	ssyncset.done $0x0  }
0x5e: {  	[sflag:s6] =	ssyncadd.s32 $0xFFFFE000  }
0x5f: {  	_ =	swait.ge [sflag:s6], $0x2000  }
0x60: {  	[sflag:s6] =	ssyncset.done $0x0  }
0x61: {  	[sflag:s6] =	ssyncadd.s32 $0xFFFFE000  }
0x62: {  	_ =	swait.ge [sflag:s6], $0x2000  }
0x63: {  	[sflag:s6] =	ssyncset.done $0x0  }
0x64: {  	[sflag:s6] =	ssyncadd.s32 $0xFFFFE000  }
0x65: {  	_ =	swait.ge [sflag:s6], $0x2000  }
0x66: {  	[sflag:s6] =	ssyncset.done $0x0  }
0x67: {  	[sflag:s6] =	ssyncadd.s32 $0xFFFFE000  }
0x68: {  	_ =	swait.ge [sflag:s6], $0x2000  }
0x69: {  	[sflag:s6] =	ssyncset.done $0x0  }
0x6a: {  	[sflag:s6] =	ssyncadd.s32 $0xFFFFE000  }
0x6b: {  	_ =	swait.ge [sflag:s6], $0x2000  }
0x6c: {  	[sflag:s6] =	ssyncset.done $0x0  }
0x6d: {  	[sflag:s6] =	ssyncadd.s32 $0xFFFFE000  }
0x6e: {  	_ =	swait.ge [sflag:s6], $0x2000  }
0x6f: {  	[sflag:s6] =	ssyncset.done $0x0  }
0x70: {  	[sflag:s6] =	ssyncadd.s32 $0xFFFFE000  }
0x71: {  	_ =	swait.ge [sflag:s6], $0x2000  }
0x72: {  	[sflag:s6] =	ssyncset.done $0x0  }
0x73: {  	[sflag:s6] =	ssyncadd.s32 $0xFFFFE000  }
0x74: {  	_ =	swait.ge [sflag:s6], $0x2000  }
0x75: {  	[sflag:s6] =	ssyncset.done $0x0  }
0x76: {  	[sflag:s6] =	ssyncadd.s32 $0xFFFFE000  }
0x77: {  	_ =	swait.ge [sflag:s6], $0x2000  }
0x78: {  	[sflag:s6] =	ssyncset.done $0x0  }
0x79: {  	[sflag:s6] =	ssyncadd.s32 $0xFFFFE000  }
0x7a: {  	_ =	swait.ge [sflag:s6], $0x2000  }
0x7b: {  	[sflag:s6] =	ssyncset.done $0x0  }
0x7c: {  	[sflag:s6] =	ssyncadd.s32 $0xFFFFE000  }
0x7d: {  	_ =	swait.ge [sflag:s6], $0x2000  }
0x7e: {  	[sflag:s6] =	ssyncset.done $0x0  }
0x7f: {  	[sflag:s6] =	ssyncadd.s32 $0xFFFFE000  }
0x80: {  	_ =	swait.ge [sflag:s6], $0x2000  }
0x81: {  	[sflag:s6] =	ssyncset.done $0x0  }
0x82: {  	[sflag:s6] =	ssyncadd.s32 $0xFFFFE000  }
0x83: {  	_ =	swait.ge [sflag:s6], $0x2000  }
0x84: {  	[sflag:s6] =	ssyncset.done $0x0  }
0x85: {  	[sflag:s6] =	ssyncadd.s32 $0xFFFFE000  }
0x86: {  	_ =	swait.ge [sflag:s6], $0x2000  }
0x87: {  	[sflag:s6] =	ssyncset.done $0x0  }
0x88: {  	[sflag:s6] =	ssyncadd.s32 $0xFFFFE000  }
0x89: {  	s0 =	sadd.s32 $0xFFFFFFFF, s0;
	p1 =	por $0x1, $0x1;
	_ =	swait.ge [sflag:s6], $0x2000  }
0x8a: {  	p2 =	sne.s32 s0, $0x0;
	s1 =	simm.s32 @!p0 $0x1;
	[sflag:s6] =	ssyncset.done $0x0  }
0x8b: {  	s12 =	simm.s32 $0x2400;
	s13 =	simm.s32 $0xA00;
	[sflag:s6] =	ssyncadd.s32 $0xFFFFE000  }
0x8c: {  	s14 =	simm.s32 $0xC00;
	s15 =	simm.s32 $0xE00;
	_ =	swait.ge @!p0 [sflag:s1], $0x2000  }
0x8d: {  	s16 =	simm.s32 $0x1000;
	s17 =	simm.s32 $0x1200;
	[sflag:s1] =	ssyncset.done @!p0 $0x0  }
0x8e: {  	s18 =	simm.s32 $0x1400;
	s19 =	simm.s32 $0x1600;
	[sflag:s1] =	ssyncadd.s32 @!p0 $0xFFFFE000  }
.Ltmp1:
0x8f: {  	s20 =	simm.s32 $0x1800;
	[bflag:$0x0] =	sbarrier.arrive $0xFFFF;
	(pc) =	sbr.rel @!p2 .LBB2_2-.Ltmp1, $4  }
0x90: {  	s21 =	simm.s32 $0x1A00;
	s22 =	simm.s32 $0x1C00;
	s11 =	rddreg [dreg:$0x8]  }
0x91: {  	[hbm:s11], [sflag:s3] =	dma.local [spmem:s4], $0x500  }
0x92: {  	s23 =	simm.s32 $0x1E00;
	s24 =	simm.s32 $0x2000;
	_ =	swait.ge [sflag:s2], $0x500  }
0x93: {  	s28 =	simm.s32 $0x2200;
	s10 =	rddreg [dreg:$0x6];
	[sflag:s2] =	ssyncset.done $0x0  }
.LBB2_3:
0x94: {  	[sflag:s2] =	ssyncadd.s32 $0xFFFFFB00  }
0x95: {  	[tilespmem:s7], [sflag:$0x2] =	stream.linear.gather [hbm4b:s10+s7], $0x2600, $0x38;
	[tilespmem:$0x7000] =	vst v63  }
0x96: {  	s11 =	rddreg [dreg:$0x5]  }
0x97: {  	[tilespmem:s8], [sflag:$0x3] =	stream.linear.gather [hbm4b:s11+s7], $0x2000, $0x38;
	[tilespmem:$0x7000] =	vst v63  }
0x98: {  	_ =	swait.ge [sflag:s2], $0x2000  }
0x99: {  	[sflag:s2] =	ssyncset.done $0x0  }
0x9a: {  	s11 =	rddreg [dreg:$0x4];
	[sflag:s2] =	ssyncadd.s32 $0xFFFFE000  }
0x9b: {  	[spmem:s4], [sflag:s3] =	dma.local [hbm:s11], $0x500  }
0x9c: {  	_ =	swait.ge [sflag:s2], $0x500  }
0x9d: {  	[sflag:s2] =	ssyncset.done $0x0  }
0x9e: {  	[sflag:s2] =	ssyncadd.s32 $0xFFFFFB00  }
0x9f: {  	_ =	swait.ge [sflag:s25], $0x2600  }
0xa0: {  	[sflag:s25] =	ssyncset.done $0x0  }
0xa1: {  	s11 =	simm.s32 @!p0 $0x0;
	s10 =	rddreg [dreg:$0x7];
	[sflag:s25] =	ssyncadd.s32 $0xFFFFDA00  }
0xa2: {  	[tilespmem:s29], [sflag:$0x3] =	stream.linear.gather @!p0 [hbm4b:s10+s11], $0x200, $0x38;
	[tilespmem:$0x7000] =	vst v63  }
0xa3: {  	_ =	swait.ge @!p0 [sflag:s26], $0x200  }
0xa4: {  	[sflag:s26] =	ssyncset.done @!p0 $0x0  }
0xa5: {  	[sflag:s26] =	ssyncadd.s32 @!p0 $0xFFFFFE00  }
0xa6: {  	[bflag:$0x0] =	sbarrier.arrive $0xFFFF  }
0xa7: {  	[spmem:s5] =	stream.indirect.scatter.add.f32 [tilespmem:s8], [sflag:$0x1], $0x10, s7, s9, $0xb8;
	[tilespmem:$0x7000] =	vst v63  }
0xa8: {  	_ = 	snop  }
0xa9: {  	[spmem:s5] =	stream.indirect.scatter.add.f32 [tilespmem:s8], [sflag:$0x1], $0x10, s9, s9, $0xb8;
	[tilespmem:$0x7000] =	vst v63  }
0xaa: {  	s10 =	rddreg [dreg:$0x9]  }
0xab: {  	[spmem:s5] =	stream.indirect.scatter.add.f32 [tilespmem:s8], [sflag:$0x1], $0x10, s10, s9, $0xb8;
	[tilespmem:$0x7000] =	vst v63  }
0xac: {  	s11 =	rddreg [dreg:$0xa]  }
0xad: {  	[spmem:s5] =	stream.indirect.scatter.add.f32 [tilespmem:s8], [sflag:$0x1], $0x10, s11, s9, $0xb8;
	[tilespmem:$0x7000] =	vst v63  }
0xae: {  	s11 =	simm.s32 $0x800  }
0xaf: {  	[spmem:s5] =	stream.indirect.scatter.add.f32 [tilespmem:s8], [sflag:$0x1], $0x10, s11, s9, $0xb8;
	[tilespmem:$0x7000] =	vst v63  }
0xb0: {  	_ = 	snop  }
0xb1: {  	[spmem:s5] =	stream.indirect.scatter.add.f32 [tilespmem:s8], [sflag:$0x1], $0x10, s13, s9, $0xb8;
	[tilespmem:$0x7000] =	vst v63  }
0xb2: {  	_ = 	snop  }
0xb3: {  	[spmem:s5] =	stream.indirect.scatter.add.f32 [tilespmem:s8], [sflag:$0x1], $0x10, s14, s9, $0xb8;
	[tilespmem:$0x7000] =	vst v63  }
0xb4: {  	_ = 	snop  }
0xb5: {  	[spmem:s5] =	stream.indirect.scatter.add.f32 [tilespmem:s8], [sflag:$0x1], $0x10, s15, s9, $0xb8;
	[tilespmem:$0x7000] =	vst v63  }
0xb6: {  	_ = 	snop  }
0xb7: {  	[spmem:s5] =	stream.indirect.scatter.add.f32 [tilespmem:s8], [sflag:$0x1], $0x10, s16, s9, $0xb8;
	[tilespmem:$0x7000] =	vst v63  }
0xb8: {  	_ = 	snop  }
0xb9: {  	[spmem:s5] =	stream.indirect.scatter.add.f32 [tilespmem:s8], [sflag:$0x1], $0x10, s17, s9, $0xb8;
	[tilespmem:$0x7000] =	vst v63  }
0xba: {  	_ = 	snop  }
0xbb: {  	[spmem:s5] =	stream.indirect.scatter.add.f32 [tilespmem:s8], [sflag:$0x1], $0x10, s18, s9, $0xb8;
	[tilespmem:$0x7000] =	vst v63  }
0xbc: {  	_ = 	snop  }
0xbd: {  	[spmem:s5] =	stream.indirect.scatter.add.f32 [tilespmem:s8], [sflag:$0x1], $0x10, s19, s9, $0xb8;
	[tilespmem:$0x7000] =	vst v63  }
0xbe: {  	_ = 	snop  }
0xbf: {  	[spmem:s5] =	stream.indirect.scatter.add.f32 [tilespmem:s8], [sflag:$0x1], $0x10, s20, s9, $0xb8;
	[tilespmem:$0x7000] =	vst v63  }
0xc0: {  	_ = 	snop  }
0xc1: {  	[spmem:s5] =	stream.indirect.scatter.add.f32 [tilespmem:s8], [sflag:$0x1], $0x10, s21, s9, $0xb8;
	[tilespmem:$0x7000] =	vst v63  }
0xc2: {  	_ = 	snop  }
0xc3: {  	[spmem:s5] =	stream.indirect.scatter.add.f32 [tilespmem:s8], [sflag:$0x1], $0x10, s22, s9, $0xb8;
	[tilespmem:$0x7000] =	vst v63  }
0xc4: {  	_ = 	snop  }
0xc5: {  	[spmem:s5] =	stream.indirect.scatter.add.f32 [tilespmem:s8], [sflag:$0x1], $0x10, s23, s9, $0xb8;
	[tilespmem:$0x7000] =	vst v63  }
0xc6: {  	_ = 	snop  }
0xc7: {  	[spmem:s5] =	stream.indirect.scatter.add.f32 [tilespmem:s8], [sflag:$0x1], $0x10, s24, s9, $0xb8;
	[tilespmem:$0x7000] =	vst v63  }
0xc8: {  	_ = 	snop  }
0xc9: {  	[spmem:s5] =	stream.indirect.scatter.add.f32 [tilespmem:s8], [sflag:$0x1], $0x10, s28, s9, $0xb8;
	[tilespmem:$0x7000] =	vst v63  }
0xca: {  	_ = 	snop  }
0xcb: {  	[spmem:s5] =	stream.indirect.scatter.add.f32 [tilespmem:s8], [sflag:$0x1], $0x10, s12, s9, $0xb8;
	[tilespmem:$0x7000] =	vst v63  }
0xcc: {  	_ = 	snop  }
0xcd: {  	[spmem:s5] =	stream.indirect.scatter.add.f32 @!p0 [tilespmem:s31], [sflag:$0x1], $0x10, s29, s30, $0xb8;
	[tilespmem:$0x7000] =	vst v63  }
0xce: {  	_ =	swait.ge [sflag:s6], $0x2000  }
0xcf: {  	[sflag:s6] =	ssyncset.done $0x0  }
0xd0: {  	[sflag:s6] =	ssyncadd.s32 $0xFFFFE000  }
0xd1: {  	_ =	swait.ge [sflag:s6], $0x2000  }
0xd2: {  	[sflag:s6] =	ssyncset.done $0x0  }
0xd3: {  	[sflag:s6] =	ssyncadd.s32 $0xFFFFE000  }
0xd4: {  	_ =	swait.ge [sflag:s6], $0x2000  }
0xd5: {  	[sflag:s6] =	ssyncset.done $0x0  }
0xd6: {  	[sflag:s6] =	ssyncadd.s32 $0xFFFFE000  }
0xd7: {  	_ =	swait.ge [sflag:s6], $0x2000  }
0xd8: {  	[sflag:s6] =	ssyncset.done $0x0  }
0xd9: {  	[sflag:s6] =	ssyncadd.s32 $0xFFFFE000  }
0xda: {  	_ =	swait.ge [sflag:s6], $0x2000  }
0xdb: {  	[sflag:s6] =	ssyncset.done $0x0  }
0xdc: {  	[sflag:s6] =	ssyncadd.s32 $0xFFFFE000  }
0xdd: {  	_ =	swait.ge [sflag:s6], $0x2000  }
0xde: {  	[sflag:s6] =	ssyncset.done $0x0  }
0xdf: {  	[sflag:s6] =	ssyncadd.s32 $0xFFFFE000  }
0xe0: {  	_ =	swait.ge [sflag:s6], $0x2000  }
0xe1: {  	[sflag:s6] =	ssyncset.done $0x0  }
0xe2: {  	[sflag:s6] =	ssyncadd.s32 $0xFFFFE000  }
0xe3: {  	_ =	swait.ge [sflag:s6], $0x2000  }
0xe4: {  	[sflag:s6] =	ssyncset.done $0x0  }
0xe5: {  	[sflag:s6] =	ssyncadd.s32 $0xFFFFE000  }
0xe6: {  	_ =	swait.ge [sflag:s6], $0x2000  }
0xe7: {  	[sflag:s6] =	ssyncset.done $0x0  }
0xe8: {  	[sflag:s6] =	ssyncadd.s32 $0xFFFFE000  }
0xe9: {  	_ =	swait.ge [sflag:s6], $0x2000  }
0xea: {  	[sflag:s6] =	ssyncset.done $0x0  }
0xeb: {  	[sflag:s6] =	ssyncadd.s32 $0xFFFFE000  }
0xec: {  	_ =	swait.ge [sflag:s6], $0x2000  }
0xed: {  	[sflag:s6] =	ssyncset.done $0x0  }
0xee: {  	[sflag:s6] =	ssyncadd.s32 $0xFFFFE000  }
0xef: {  	_ =	swait.ge [sflag:s6], $0x2000  }
0xf0: {  	[sflag:s6] =	ssyncset.done $0x0  }
0xf1: {  	[sflag:s6] =	ssyncadd.s32 $0xFFFFE000  }
0xf2: {  	_ =	swait.ge [sflag:s6], $0x2000  }
0xf3: {  	[sflag:s6] =	ssyncset.done $0x0  }
0xf4: {  	[sflag:s6] =	ssyncadd.s32 $0xFFFFE000  }
0xf5: {  	_ =	swait.ge [sflag:s6], $0x2000  }
0xf6: {  	[sflag:s6] =	ssyncset.done $0x0  }
0xf7: {  	[sflag:s6] =	ssyncadd.s32 $0xFFFFE000  }
0xf8: {  	_ =	swait.ge [sflag:s6], $0x2000  }
0xf9: {  	[sflag:s6] =	ssyncset.done $0x0  }
0xfa: {  	[sflag:s6] =	ssyncadd.s32 $0xFFFFE000  }
0xfb: {  	_ =	swait.ge [sflag:s6], $0x2000  }
0xfc: {  	[sflag:s6] =	ssyncset.done $0x0  }
0xfd: {  	[sflag:s6] =	ssyncadd.s32 $0xFFFFE000  }
0xfe: {  	_ =	swait.ge [sflag:s6], $0x2000  }
0xff: {  	[sflag:s6] =	ssyncset.done $0x0  }
0x100: {  	[sflag:s6] =	ssyncadd.s32 $0xFFFFE000  }
0x101: {  	_ =	swait.ge [sflag:s6], $0x2000  }
0x102: {  	[sflag:s6] =	ssyncset.done $0x0  }
0x103: {  	[sflag:s6] =	ssyncadd.s32 $0xFFFFE000  }
0x104: {  	_ =	swait.ge [sflag:s6], $0x2000  }
0x105: {  	[sflag:s6] =	ssyncset.done $0x0  }
0x106: {  	[sflag:s6] =	ssyncadd.s32 $0xFFFFE000  }
0x107: {  	_ =	swait.ge @!p0 [sflag:s1], $0x2000  }
0x108: {  	s0 =	sadd.s32 $0xFFFFFFFF, s0;
	[sflag:s1] =	ssyncset.done @!p0 $0x0  }
0x109: {  	p2 =	sne.s32 s0, $0x0;
	[sflag:s1] =	ssyncadd.s32 @!p0 $0xFFFFE000  }
.Ltmp2:
0x10a: {  	[bflag:$0x0] =	sbarrier.arrive $0xFFFF;
	(pc) =	sbr.rel @p2 .LBB2_3-.Ltmp2, $4  }
0x10b: {  	s11 =	rddreg [dreg:$0x8]  }
0x10c: {  	[hbm:s11], [sflag:s3] =	dma.local [spmem:s4], $0x500  }
0x10d: {  	_ =	swait.ge [sflag:s2], $0x500  }
0x10e: {  	s10 =	rddreg [dreg:$0x6];
	[sflag:s2] =	ssyncset.done $0x0  }
0x10f: {  	s11 =	stileid.u32;
	s26 =	rddreg [dreg:$0x3]  }
0x110: {  	s12 =	simm.s32 $0x800;
	s13 =	simm.s32 $0xA00;
	s14 =	simm.s32 $0xC00  }
0x111: {  	s15 =	simm.s32 $0xE00;
	s16 =	simm.s32 $0x1000;
	s17 =	simm.s32 $0x1200  }
0x112: {  	s18 =	simm.s32 $0x1400;
	s19 =	simm.s32 $0x1600;
	s20 =	simm.s32 $0x1800  }
0x113: {  	s21 =	simm.s32 $0x1A00;
	s22 =	simm.s32 $0x1C00;
	s23 =	simm.s32 $0x1E00  }
0x114: {  	s24 =	simm.s32 $0x2000;
	s28 =	simm.s32 $0x2200;
	s30 =	simm.s32 $0x2400  }
.LBB2_5:
0x115: {  	[sflag:s2] =	ssyncadd.s32 @p1 $0xFFFFFB00  }
0x116: {  	[tilespmem:s7], [sflag:$0x2] =	stream.linear.gather [hbm4b:s10+s7], $0x2600, $0x38;
	[tilespmem:$0x7000] =	vst v63  }
0x117: {  	s0 =	rddreg [dreg:$0x5]  }
0x118: {  	[tilespmem:s8], [sflag:$0x3] =	stream.linear.gather [hbm4b:s0+s7], $0x2000, $0x38;
	[tilespmem:$0x7000] =	vst v63  }
0x119: {  	_ =	swait.ge [sflag:s2], $0x2000  }
0x11a: {  	[sflag:s2] =	ssyncset.done $0x0  }
0x11b: {  	s10 =	rddreg [dreg:$0x4];
	[sflag:s2] =	ssyncadd.s32 $0xFFFFE000  }
0x11c: {  	[spmem:s4], [sflag:s3] =	dma.local [hbm:s10], $0x500  }
0x11d: {  	_ =	swait.ge [sflag:s2], $0x500  }
0x11e: {  	[sflag:s2] =	ssyncset.done $0x0  }
0x11f: {  	[sflag:s2] =	ssyncadd.s32 $0xFFFFFB00  }
0x120: {  	_ =	swait.ge [sflag:s25], $0x2600  }
0x121: {  	s1 =	simm.s32 @!p0 $0x0;
	[sflag:s25] =	ssyncset.done $0x0  }
0x122: {  	s10 =	simm.s32 @!p0 $0x2600;
	s0 =	rddreg [dreg:$0x7];
	[sflag:s25] =	ssyncadd.s32 $0xFFFFDA00  }
0x123: {  	[tilespmem:s10], [sflag:$0x3] =	stream.linear.gather @!p0 [hbm4b:s0+s1], $0x200, $0x38;
	[tilespmem:$0x7000] =	vst v63  }
0x124: {  	s0 =	simm.s32 @!p0 $0x3  }
0x125: {  	_ =	swait.ge @!p0 [sflag:s0], $0x200  }
0x126: {  	[sflag:s0] =	ssyncset.done @!p0 $0x0  }
0x127: {  	[sflag:s0] =	ssyncadd.s32 @!p0 $0xFFFFFE00  }
0x128: {  	[bflag:$0x0] =	sbarrier.arrive $0xFFFF  }
0x129: {  	[spmem:s5] =	stream.indirect.scatter.add.f32 [tilespmem:s8], [sflag:$0x1], $0x10, s7, s9, $0xb8;
	[tilespmem:$0x7000] =	vst v63  }
0x12a: {  	_ = 	snop  }
0x12b: {  	[spmem:s5] =	stream.indirect.scatter.add.f32 [tilespmem:s8], [sflag:$0x1], $0x10, s9, s9, $0xb8;
	[tilespmem:$0x7000] =	vst v63  }
0x12c: {  	s25 =	rddreg [dreg:$0x9]  }
0x12d: {  	[spmem:s5] =	stream.indirect.scatter.add.f32 [tilespmem:s8], [sflag:$0x1], $0x10, s25, s9, $0xb8;
	[tilespmem:$0x7000] =	vst v63  }
0x12e: {  	s29 =	rddreg [dreg:$0xa]  }
0x12f: {  	[spmem:s5] =	stream.indirect.scatter.add.f32 [tilespmem:s8], [sflag:$0x1], $0x10, s29, s9, $0xb8;
	[tilespmem:$0x7000] =	vst v63  }
0x130: {  	_ = 	snop  }
0x131: {  	[spmem:s5] =	stream.indirect.scatter.add.f32 [tilespmem:s8], [sflag:$0x1], $0x10, s12, s9, $0xb8;
	[tilespmem:$0x7000] =	vst v63  }
0x132: {  	_ = 	snop  }
0x133: {  	[spmem:s5] =	stream.indirect.scatter.add.f32 [tilespmem:s8], [sflag:$0x1], $0x10, s13, s9, $0xb8;
	[tilespmem:$0x7000] =	vst v63  }
0x134: {  	_ = 	snop  }
0x135: {  	[spmem:s5] =	stream.indirect.scatter.add.f32 [tilespmem:s8], [sflag:$0x1], $0x10, s14, s9, $0xb8;
	[tilespmem:$0x7000] =	vst v63  }
0x136: {  	_ = 	snop  }
0x137: {  	[spmem:s5] =	stream.indirect.scatter.add.f32 [tilespmem:s8], [sflag:$0x1], $0x10, s15, s9, $0xb8;
	[tilespmem:$0x7000] =	vst v63  }
0x138: {  	_ = 	snop  }
0x139: {  	[spmem:s5] =	stream.indirect.scatter.add.f32 [tilespmem:s8], [sflag:$0x1], $0x10, s16, s9, $0xb8;
	[tilespmem:$0x7000] =	vst v63  }
0x13a: {  	_ = 	snop  }
0x13b: {  	[spmem:s5] =	stream.indirect.scatter.add.f32 [tilespmem:s8], [sflag:$0x1], $0x10, s17, s9, $0xb8;
	[tilespmem:$0x7000] =	vst v63  }
0x13c: {  	_ = 	snop  }
0x13d: {  	[spmem:s5] =	stream.indirect.scatter.add.f32 [tilespmem:s8], [sflag:$0x1], $0x10, s18, s9, $0xb8;
	[tilespmem:$0x7000] =	vst v63  }
0x13e: {  	_ = 	snop  }
0x13f: {  	[spmem:s5] =	stream.indirect.scatter.add.f32 [tilespmem:s8], [sflag:$0x1], $0x10, s19, s9, $0xb8;
	[tilespmem:$0x7000] =	vst v63  }
0x140: {  	_ = 	snop  }
0x141: {  	[spmem:s5] =	stream.indirect.scatter.add.f32 [tilespmem:s8], [sflag:$0x1], $0x10, s20, s9, $0xb8;
	[tilespmem:$0x7000] =	vst v63  }
0x142: {  	_ = 	snop  }
0x143: {  	[spmem:s5] =	stream.indirect.scatter.add.f32 [tilespmem:s8], [sflag:$0x1], $0x10, s21, s9, $0xb8;
	[tilespmem:$0x7000] =	vst v63  }
0x144: {  	_ = 	snop  }
0x145: {  	[spmem:s5] =	stream.indirect.scatter.add.f32 [tilespmem:s8], [sflag:$0x1], $0x10, s22, s9, $0xb8;
	[tilespmem:$0x7000] =	vst v63  }
0x146: {  	_ = 	snop  }
0x147: {  	[spmem:s5] =	stream.indirect.scatter.add.f32 [tilespmem:s8], [sflag:$0x1], $0x10, s23, s9, $0xb8;
	[tilespmem:$0x7000] =	vst v63  }
0x148: {  	_ = 	snop  }
0x149: {  	[spmem:s5] =	stream.indirect.scatter.add.f32 [tilespmem:s8], [sflag:$0x1], $0x10, s24, s9, $0xb8;
	[tilespmem:$0x7000] =	vst v63  }
0x14a: {  	_ = 	snop  }
0x14b: {  	[spmem:s5] =	stream.indirect.scatter.add.f32 [tilespmem:s8], [sflag:$0x1], $0x10, s28, s9, $0xb8;
	[tilespmem:$0x7000] =	vst v63  }
0x14c: {  	_ = 	snop  }
0x14d: {  	[spmem:s5] =	stream.indirect.scatter.add.f32 [tilespmem:s8], [sflag:$0x1], $0x10, s30, s9, $0xb8;
	[tilespmem:$0x7000] =	vst v63  }
0x14e: {  	s1 =	simm.s32 @!p0 $0x2800;
	s0 =	simm.s32 @!p0 $0x200  }
0x14f: {  	[spmem:s5] =	stream.indirect.scatter.add.f32 @!p0 [tilespmem:s1], [sflag:$0x1], $0x10, s10, s0, $0xb8;
	[tilespmem:$0x7000] =	vst v63  }
0x150: {  	_ =	swait.ge [sflag:s6], $0x2000  }
0x151: {  	[sflag:s6] =	ssyncset.done $0x0  }
0x152: {  	[sflag:s6] =	ssyncadd.s32 $0xFFFFE000  }
0x153: {  	_ =	swait.ge [sflag:s6], $0x2000  }
0x154: {  	[sflag:s6] =	ssyncset.done $0x0  }
0x155: {  	[sflag:s6] =	ssyncadd.s32 $0xFFFFE000  }
0x156: {  	_ =	swait.ge [sflag:s6], $0x2000  }
0x157: {  	[sflag:s6] =	ssyncset.done $0x0  }
0x158: {  	[sflag:s6] =	ssyncadd.s32 $0xFFFFE000  }
0x159: {  	_ =	swait.ge [sflag:s6], $0x2000  }
0x15a: {  	[sflag:s6] =	ssyncset.done $0x0  }
0x15b: {  	[sflag:s6] =	ssyncadd.s32 $0xFFFFE000  }
0x15c: {  	_ =	swait.ge [sflag:s6], $0x2000  }
0x15d: {  	[sflag:s6] =	ssyncset.done $0x0  }
0x15e: {  	[sflag:s6] =	ssyncadd.s32 $0xFFFFE000  }
0x15f: {  	_ =	swait.ge [sflag:s6], $0x2000  }
0x160: {  	[sflag:s6] =	ssyncset.done $0x0  }
0x161: {  	[sflag:s6] =	ssyncadd.s32 $0xFFFFE000  }
0x162: {  	_ =	swait.ge [sflag:s6], $0x2000  }
0x163: {  	[sflag:s6] =	ssyncset.done $0x0  }
0x164: {  	[sflag:s6] =	ssyncadd.s32 $0xFFFFE000  }
0x165: {  	_ =	swait.ge [sflag:s6], $0x2000  }
0x166: {  	[sflag:s6] =	ssyncset.done $0x0  }
0x167: {  	[sflag:s6] =	ssyncadd.s32 $0xFFFFE000  }
0x168: {  	_ =	swait.ge [sflag:s6], $0x2000  }
0x169: {  	[sflag:s6] =	ssyncset.done $0x0  }
0x16a: {  	[sflag:s6] =	ssyncadd.s32 $0xFFFFE000  }
0x16b: {  	_ =	swait.ge [sflag:s6], $0x2000  }
0x16c: {  	[sflag:s6] =	ssyncset.done $0x0  }
0x16d: {  	[sflag:s6] =	ssyncadd.s32 $0xFFFFE000  }
0x16e: {  	_ =	swait.ge [sflag:s6], $0x2000  }
0x16f: {  	[sflag:s6] =	ssyncset.done $0x0  }
0x170: {  	[sflag:s6] =	ssyncadd.s32 $0xFFFFE000  }
0x171: {  	_ =	swait.ge [sflag:s6], $0x2000  }
0x172: {  	[sflag:s6] =	ssyncset.done $0x0  }
0x173: {  	[sflag:s6] =	ssyncadd.s32 $0xFFFFE000  }
0x174: {  	_ =	swait.ge [sflag:s6], $0x2000  }
0x175: {  	[sflag:s6] =	ssyncset.done $0x0  }
0x176: {  	[sflag:s6] =	ssyncadd.s32 $0xFFFFE000  }
0x177: {  	_ =	swait.ge [sflag:s6], $0x2000  }
0x178: {  	[sflag:s6] =	ssyncset.done $0x0  }
0x179: {  	[sflag:s6] =	ssyncadd.s32 $0xFFFFE000  }
0x17a: {  	_ =	swait.ge [sflag:s6], $0x2000  }
0x17b: {  	[sflag:s6] =	ssyncset.done $0x0  }
0x17c: {  	[sflag:s6] =	ssyncadd.s32 $0xFFFFE000  }
0x17d: {  	_ =	swait.ge [sflag:s6], $0x2000  }
0x17e: {  	[sflag:s6] =	ssyncset.done $0x0  }
0x17f: {  	[sflag:s6] =	ssyncadd.s32 $0xFFFFE000  }
0x180: {  	_ =	swait.ge [sflag:s6], $0x2000  }
0x181: {  	[sflag:s6] =	ssyncset.done $0x0  }
0x182: {  	[sflag:s6] =	ssyncadd.s32 $0xFFFFE000  }
0x183: {  	_ =	swait.ge [sflag:s6], $0x2000  }
0x184: {  	[sflag:s6] =	ssyncset.done $0x0  }
0x185: {  	[sflag:s6] =	ssyncadd.s32 $0xFFFFE000  }
0x186: {  	_ =	swait.ge [sflag:s6], $0x2000  }
0x187: {  	[sflag:s6] =	ssyncset.done $0x0  }
0x188: {  	s0 =	simm.s32 @!p0 $0x1;
	[sflag:s6] =	ssyncadd.s32 $0xFFFFE000  }
0x189: {  	_ =	swait.ge @!p0 [sflag:s0], $0x2000  }
0x18a: {  	[sflag:s0] =	ssyncset.done @!p0 $0x0  }
0x18b: {  	[sflag:s0] =	ssyncadd.s32 @!p0 $0xFFFFE000  }
0x18c: {  	[bflag:$0x0] =	sbarrier.arrive $0xFFFF  }
0x18d: {  	s31 =	rddreg [dreg:$0x8]  }
0x18e: {  	[hbm:s31], [sflag:s3] =	dma.local [spmem:s4], $0x500  }
0x18f: {  	_ =	swait.ge [sflag:s2], $0x500  }
0x190: {  	[sflag:s2] =	ssyncset.done $0x0  }
0x191: {  	[sflag:s2] =	ssyncadd.s32 $0xFFFFFB00  }
0x192: {  	_ =	sfence.sel $0x180000  }
0x193: {  	[bflag:$0x0] =	sbarrier.arrive $0xFFFF  }
0x194: {  	p0 =	sne.s32 s11, $0x0;
	_ =	strace $0x90000047  }
0x195: {  	s0 =	sadd.s32 @!p0 $0x100000, s26;
	[bflag:$0x2] =	sbarrier.arrive $0xFFFF  }
0x196: {  	[sflag:s0] =	ssyncadd.tile.s32 @!p0 $0x1;
	_ =	shalt  }
.LBB2_2:
0x197: {  	s11 =	stileid.u32;
	s26 =	rddreg [dreg:$0x3];
	s12 =	simm.s32 $0x800  }
.Ltmp3:
0x198: {  	s13 =	simm.s32 $0xA00;
	s14 =	simm.s32 $0xC00;
	(pc) =	sbr.rel .LBB2_5-.Ltmp3, $4  }
0x199: {  	s15 =	simm.s32 $0xE00;
	s16 =	simm.s32 $0x1000;
	s17 =	simm.s32 $0x1200  }
0x19a: {  	s18 =	simm.s32 $0x1400;
	s19 =	simm.s32 $0x1600;
	s20 =	simm.s32 $0x1800  }
0x19b: {  	s21 =	simm.s32 $0x1A00;
	s22 =	simm.s32 $0x1C00;
	s23 =	simm.s32 $0x1E00  }
0x19c: {  	s24 =	simm.s32 $0x2000;
	s28 =	simm.s32 $0x2200;
	s30 =	simm.s32 $0x2400  }
.Lfunc_end2:
_tile_overlayer_lowered:
.L_overlay_start_2:
0x19d: {  	(tag) =	ssettag $0x2  }
0x19e: {  	s0 =	rddreg [dreg:$0x0];
	s2 =	stileid.u32  }
0x19f: {  	s1 =	rddreg [dreg:$0x1];
	p0 =	sne.s32 s2, $0x0  }
0x1a0: {  	s3 =	rddreg [dreg:$0x2];
	[bflag:$0x3] =	sbarrier.arrive $0xFFFF;
	s2 =	simm.s32 @!p0 $0x1C03  }
0x1a1: {  	[timem:s3], [sflag:s2] =	dma.local @!p0 [hbm:s0], s1  }
0x1a2: {  	s0 =	simm.s32 @!p0 $0x3  }
0x1a3: {  	_ =	swait.ge @!p0 [sflag:s0], s1  }
0x1a4: {  	s1 =	ssub.s32 @!p0 $0x0, s1;
	[sflag:s0] =	ssyncset.done @!p0 $0x0  }
0x1a5: {  	[sflag:s0] =	ssyncadd.s32 @!p0 s1  }
0x1a6: {  	[bflag:$0x3] =	sbarrier.arrive $0xFFFF  }
0x1a7: {  	_ =	shalt  }

</sc_bundles>
